<compile_context>
chip_gen: v7x
topology: tpu7x:2x2x1
jax: 0.10.2.dev20260603
libtpu: 0.0.44.dev20260713+nightly
codegen_flags: <defaults>
</compile_context>

<pallas_src>
import functools

import jax
import jax.numpy as jnp
from jax import lax
from jax.experimental import pallas as pl
from jax.experimental.pallas import tpu as pltpu
from jax.experimental.pallas import tpu_sc as plsc

B, T = 16, 512
ACTION_DIM, STATE_DIM, EMBED_DIM, H_DIM = 64, 1024, 128, 512
CT = 128
NT = T // CT

_SC_NC, _SC_NS = 2, 16
_NW = _SC_NC * _SC_NS
_BPW = (T * B) // _NW

_PREC = jax.lax.Precision.DEFAULT


def _mm(a, b):
    return jax.lax.dot_general(a, b, (((1,), (0,)), ((), ())),
                               preferred_element_type=jnp.float32,
                               precision=_PREC)


def _mmt(a, b):
    return jax.lax.dot_general(a, b, (((1,), (1,)), ((), ())),
                               preferred_element_type=jnp.float32,
                               precision=_PREC)


@functools.partial(
    pl.kernel,
    mesh=plsc.VectorSubcoreMesh(core_axis_name="c", subcore_axis_name="s"),
    out_type=jax.ShapeDtypeStruct((T * B, EMBED_DIM), jnp.float32),
    scratch_types=[
        pltpu.VMEM((_BPW,), jnp.int32),
        pltpu.VMEM((_BPW, EMBED_DIM), jnp.float32),
        pltpu.SemaphoreType.DMA,
    ],
)
def _sc_gather(table_hbm, idx_hbm, out_hbm, idx_v, rows_v, sem):
    wid = lax.axis_index("s") * _SC_NC + lax.axis_index("c")
    base = wid * _BPW
    pltpu.sync_copy(idx_hbm.at[pl.ds(base, _BPW)], idx_v)
    pltpu.async_copy(table_hbm.at[idx_v], rows_v, sem).wait()
    pltpu.sync_copy(rows_v, out_hbm.at[pl.ds(base, _BPW)])


def _rnn_kernel(a_ref, s_ref, w_ih_ref, w_hh_ref, b_ih_ref,
                b_hh_ref, out_ref, h_ref, z_ref):
    i = pl.program_id(0)

    @pl.when(i == 0)
    def _init():
        h_ref[...] = jnp.zeros_like(h_ref)

    @pl.when(i < NT)
    def _project():
        z_ref[i % 2] = (_mmt(a_ref[...], w_ih_ref[:, :ACTION_DIM])
                        + _mmt(s_ref[...], w_ih_ref[:, ACTION_DIM:])
                        + b_ih_ref[...] + b_hh_ref[...])

    @pl.when(i > 0)
    def _recur():
        HH = H_DIM // 2
        w00 = w_hh_ref[:HH, :HH]
        w01 = w_hh_ref[HH:, :HH]
        w10 = w_hh_ref[:HH, HH:]
        w11 = w_hh_ref[HH:, HH:]
        zb = (i - 1) % 2
        ha = h_ref[:, :HH]
        hb = h_ref[:, HH:]
        for k in range(CT):
            zk = z_ref[zb, k * B:(k + 1) * B, :]
            pre0 = zk[:, :HH] + _mm(ha, w00) + _mm(hb, w01)
            pre1 = zk[:, HH:] + _mm(ha, w10) + _mm(hb, w11)
            ha = jnp.tanh(pre0)
            hb = jnp.tanh(pre1)
            out_ref[:, k, :HH] = ha
            out_ref[:, k, HH:] = hb
        h_ref[:, :HH] = ha
        h_ref[:, HH:] = hb


@jax.jit
def kernel(actions, state_indices, emb, W_ih, W_hh, b_ih, b_hh):
    a_tm = jnp.swapaxes(actions, 0, 1).reshape(T * B, ACTION_DIM)
    idx_tm = jnp.swapaxes(state_indices, 0, 1).reshape(T * B).astype(jnp.int32)

    s_emb = _sc_gather(emb, idx_tm)

    last = NT - 1
    out = pl.pallas_call(
        _rnn_kernel,
        grid=(NT + 1,),
        in_specs=[
            pl.BlockSpec((CT * B, ACTION_DIM), lambda i: (jnp.minimum(i, last), 0)),
            pl.BlockSpec((CT * B, EMBED_DIM), lambda i: (jnp.minimum(i, last), 0)),
            pl.BlockSpec((H_DIM, ACTION_DIM + EMBED_DIM), lambda i: (0, 0)),
            pl.BlockSpec((H_DIM, H_DIM), lambda i: (0, 0)),
            pl.BlockSpec((1, H_DIM), lambda i: (0, 0)),
            pl.BlockSpec((1, H_DIM), lambda i: (0, 0)),
        ],
        out_specs=pl.BlockSpec((B, CT, H_DIM),
                               lambda i: (0, jnp.maximum(i - 1, 0), 0)),
        out_shape=jax.ShapeDtypeStruct((B, T, H_DIM), jnp.float32),
        scratch_shapes=[pltpu.VMEM((B, H_DIM), jnp.float32),
                        pltpu.VMEM((2, CT * B, H_DIM), jnp.float32)],
    )(a_tm, s_emb, W_ih, W_hh.T,
      b_ih.reshape(1, H_DIM), b_hh.reshape(1, H_DIM))

    return out

# --- scband reference (transcript-rebuilt; emitter-appended) ---
"""Pipeline reference for scband-pretrain-15814069584205 (READ-ONLY COPY).

The authoritative reference and input builder live on the scoring server;
editing this copy changes nothing except your own understanding.
"""

import jax, jax.numpy as jnp
import numpy as np

B, T = 16, 512
ACTION_DIM, STATE_DIM, EMBED_DIM, H_DIM = 64, 1024, 128, 512


def setup_inputs(seed: int = 0) -> dict:
    key = jax.random.key(seed)
    ks = jax.random.split(key, 8)
    actions = jax.random.normal(ks[0], (B, T, ACTION_DIM), dtype=jnp.float32)
    state_indices = jax.random.randint(ks[1], (B, T), 0, STATE_DIM)
    # learned params
    emb = jax.random.normal(ks[2], (STATE_DIM, EMBED_DIM), dtype=jnp.float32)
    in_dim = ACTION_DIM + EMBED_DIM
    s = 1.0 / np.sqrt(H_DIM)
    W_ih = jax.random.uniform(ks[3], (H_DIM, in_dim), minval=-s, maxval=s, dtype=jnp.float32)
    W_hh = jax.random.uniform(ks[4], (H_DIM, H_DIM), minval=-s, maxval=s, dtype=jnp.float32)
    b_ih = jax.random.uniform(ks[5], (H_DIM,), minval=-s, maxval=s, dtype=jnp.float32)
    b_hh = jax.random.uniform(ks[6], (H_DIM,), minval=-s, maxval=s, dtype=jnp.float32)
    return {"actions": actions, "state_indices": state_indices, "emb": emb,
            "W_ih": W_ih, "W_hh": W_hh, "b_ih": b_ih, "b_hh": b_hh}


def reference(actions, state_indices, emb, W_ih, W_hh, b_ih, b_hh):
    # forward_sequence: embed states, concat with actions, single-layer tanh RNN (batch_first)
    s_emb = jnp.take(emb, state_indices, axis=0)          # [B, T, embed_dim]
    x = jnp.concatenate([actions, s_emb], axis=-1)        # [B, T, action_dim+embed_dim]
    h0 = jnp.zeros((x.shape[0], W_hh.shape[0]), dtype=x.dtype)

    def step(h, x_t):
        h_new = jnp.tanh(x_t @ W_ih.T + b_ih + h @ W_hh.T + b_hh)
        return h_new, h_new

    xs = jnp.swapaxes(x, 0, 1)                            # [T, B, in_dim]
    _, outs = jax.lax.scan(step, h0, xs)                  # [T, B, h_dim]
    out = jnp.swapaxes(outs, 0, 1)                        # [B, T, h_dim]
    return out

if __name__ == "__main__":
    import jax
    _d = setup_inputs()
    print(jax.jit(kernel)(*tuple(_d.values())))

</pallas_src>

<mosaic_0001>
#map = affine_map<(d0, d1) -> (0, 0)>
#map1 = affine_map<(d0, d1) -> (0)>
module attributes {stable_mosaic.version = 14 : i64} {
  func.func @_sc_gather(%arg0: i32, %arg1: i32, %arg2: memref<1024x128xf32, #tpu.memory_space<hbm>>, %arg3: memref<8192xi32, #tpu.memory_space<hbm>>, %arg4: memref<8192x128xf32, #tpu.memory_space<hbm>>, %arg5: memref<256xi32, #tpu.memory_space<vmem>>, %arg6: memref<256x128xf32, #tpu.memory_space<vmem>>, %arg7: memref<!tpu.dma_semaphore, #tpu.memory_space<semaphore_mem>>) attributes {dimension_semantics = [#tpu.dimension_semantics<core_parallel>, #tpu.dimension_semantics<subcore_parallel>], iteration_bounds = array<i64: 2, 16>, scalar_prefetch = 0 : i64, scratch_operands = 3 : i64, tpu.core_type = #tpu.core_type<sc_vector_subcore>, window_params = [{transform_indices = #map}, {transform_indices = #map1}, {transform_indices = #map}]} {
    %mul3A = arith.constant 2 : i32
    %mul3A_0 = arith.muli %arg1, %mul3A : i32
    %add3A = arith.addi %mul3A_0, %arg0 : i32
    %mul3A_1 = arith.constant 256 : i32
    %mul3A_2 = arith.muli %add3A, %mul3A_1 : i32
    "tpu.region"() ({
      %run_scoped3A = tpu.sem_alloc : memref<!tpu.dma_semaphore, #tpu.memory_space<semaphore_mem>>
      %dma_start3A_7 = tpu.memref_slice %arg3[%mul3A_2] : memref<8192xi32, #tpu.memory_space<hbm>> -> memref<256xi32, #tpu.memory_space<hbm>>
      %dma_start3A_8 = tpu.memref_slice %arg3[%mul3A_2] : memref<8192xi32, #tpu.memory_space<hbm>> -> memref<256xi32, #tpu.memory_space<hbm>>
      tpu.enqueue_dma source(%dma_start3A_8 : memref<256xi32, #tpu.memory_space<hbm>>) target(%arg5 : memref<256xi32, #tpu.memory_space<vmem>>) target_semaphore(%run_scoped3A : memref<!tpu.dma_semaphore, #tpu.memory_space<semaphore_mem>>)
      %dma_wait3A_9 = tpu.memref_slice %arg3[%mul3A_2] : memref<8192xi32, #tpu.memory_space<hbm>> -> memref<256xi32, #tpu.memory_space<hbm>>
      %dma_wait3A_10 = tpu.memref_slice %arg3[%mul3A_2] : memref<8192xi32, #tpu.memory_space<hbm>> -> memref<256xi32, #tpu.memory_space<hbm>>
      tpu.wait_dma2 semaphore(%run_scoped3A : memref<!tpu.dma_semaphore, #tpu.memory_space<semaphore_mem>>) src(%dma_wait3A_10 : memref<256xi32, #tpu.memory_space<hbm>>) dst(%arg5 : memref<256xi32, #tpu.memory_space<vmem>>)
      tpu.yield
    }) : () -> ()
    %dma_start3A = arith.constant 0 : i32
    %dma_start3A_3 = arith.constant 0 : i32
    %dma_start3A_4 = tpu.memref_slice %arg2[%dma_start3A, %dma_start3A_3] : memref<1024x128xf32, #tpu.memory_space<hbm>> -> memref<1024x128xf32, #tpu.memory_space<hbm>>
    tpu.enqueue_indirect_dma source(%dma_start3A_4 : memref<1024x128xf32, #tpu.memory_space<hbm>>) target(%arg6 : memref<256x128xf32, #tpu.memory_space<vmem>>) offsets(%arg5 : memref<256xi32, #tpu.memory_space<vmem>>) semaphore(%arg7 : memref<!tpu.dma_semaphore, #tpu.memory_space<semaphore_mem>>)
    %dma_wait3A = arith.constant 0 : i32
    %dma_wait3A_5 = arith.constant 0 : i32
    %dma_wait3A_6 = tpu.memref_slice %arg2[%dma_wait3A, %dma_wait3A_5] : memref<1024x128xf32, #tpu.memory_space<hbm>> -> memref<1024x128xf32, #tpu.memory_space<hbm>>
    tpu.wait_indirect_dma semaphore(%arg7 : memref<!tpu.dma_semaphore, #tpu.memory_space<semaphore_mem>>) src(%dma_wait3A_6 : memref<1024x128xf32, #tpu.memory_space<hbm>>) dst(%arg6 : memref<256x128xf32, #tpu.memory_space<vmem>>)
    "tpu.region"() ({
      %run_scoped3A = tpu.sem_alloc : memref<!tpu.dma_semaphore, #tpu.memory_space<semaphore_mem>>
      %dma_start3A_7 = arith.constant 0 : i32
      %dma_start3A_8 = tpu.memref_slice %arg4[%mul3A_2, %dma_start3A_7] : memref<8192x128xf32, #tpu.memory_space<hbm>> -> memref<256x128xf32, #tpu.memory_space<hbm>>
      %dma_start3A_9 = arith.constant 0 : i32
      %dma_start3A_10 = tpu.memref_slice %arg4[%mul3A_2, %dma_start3A_9] : memref<8192x128xf32, #tpu.memory_space<hbm>> -> memref<256x128xf32, #tpu.memory_space<hbm>>
      tpu.enqueue_dma source(%arg6 : memref<256x128xf32, #tpu.memory_space<vmem>>) target(%dma_start3A_10 : memref<256x128xf32, #tpu.memory_space<hbm>>) target_semaphore(%run_scoped3A : memref<!tpu.dma_semaphore, #tpu.memory_space<semaphore_mem>>)
      %dma_wait3A_11 = arith.constant 0 : i32
      %dma_wait3A_12 = tpu.memref_slice %arg4[%mul3A_2, %dma_wait3A_11] : memref<8192x128xf32, #tpu.memory_space<hbm>> -> memref<256x128xf32, #tpu.memory_space<hbm>>
      %dma_wait3A_13 = arith.constant 0 : i32
      %dma_wait3A_14 = tpu.memref_slice %arg4[%mul3A_2, %dma_wait3A_13] : memref<8192x128xf32, #tpu.memory_space<hbm>> -> memref<256x128xf32, #tpu.memory_space<hbm>>
      tpu.wait_dma2 semaphore(%run_scoped3A : memref<!tpu.dma_semaphore, #tpu.memory_space<semaphore_mem>>) src(%arg6 : memref<256x128xf32, #tpu.memory_space<vmem>>) dst(%dma_wait3A_14 : memref<256x128xf32, #tpu.memory_space<hbm>>)
      tpu.yield
    }) : () -> ()
    return
  }
}

module attributes {stable_mosaic.version = 14 : i64} {
  func.func @_rnn_kernel(%arg0: i32, %arg1: memref<2048x64xf32, #tpu.memory_space<vmem>>, %arg2: memref<2048x128xf32, #tpu.memory_space<vmem>>, %arg3: memref<512x192xf32, #tpu.memory_space<vmem>>, %arg4: memref<512x512xf32, #tpu.memory_space<vmem>>, %arg5: memref<1x512xf32, #tpu.memory_space<vmem>>, %arg6: memref<1x512xf32, #tpu.memory_space<vmem>>, %arg7: memref<16x128x512xf32, #tpu.memory_space<vmem>>, %arg8: memref<16x512xf32, #tpu.memory_space<vmem>>, %arg9: memref<2x2048x512xf32, #tpu.memory_space<vmem>>) attributes {dimension_semantics = [#tpu.dimension_semantics<arbitrary>], iteration_bounds = array<i64: 5>, scalar_prefetch = 0 : i64, scratch_operands = 2 : i64, tpu.core_type = #tpu.core_type<tc>, window_params = [{transform_indices = @transform_0, window_bounds = array<i64: 2048, 64>}, {transform_indices = @transform_1, window_bounds = array<i64: 2048, 128>}, {pipeline_mode = #tpu.pipeline_mode<synchronous>, transform_indices = @transform_2, window_bounds = array<i64: 512, 192>}, {pipeline_mode = #tpu.pipeline_mode<synchronous>, transform_indices = @transform_3, window_bounds = array<i64: 512, 512>}, {pipeline_mode = #tpu.pipeline_mode<synchronous>, transform_indices = @transform_4, window_bounds = array<i64: 1, 512>}, {pipeline_mode = #tpu.pipeline_mode<synchronous>, transform_indices = @transform_5, window_bounds = array<i64: 1, 512>}, {transform_indices = @transform_6, window_bounds = array<i64: 16, 128, 512>}]} {
    %eq3A = arith.constant 0 : i32
    %eq3A_0 = arith.cmpi eq, %arg0, %eq3A : i32
    %convert_element_type3A = arith.extui %eq3A_0 : i1 to i32
    %cond3A = arith.constant 0 : i32
    %cond3A_1 = arith.cmpi ne, %convert_element_type3A, %cond3A : i32
    scf.if %cond3A_1 {
      %broadcast_in_dim3A = arith.constant 0.000000e+00 : f32
      %broadcast_in_dim3A_10 = vector.broadcast %broadcast_in_dim3A : f32 to vector<16x512xf32>
      %swap3A = arith.constant 0 : index
      %swap3A_11 = arith.constant 0 : index
      %swap3A_12 = vector.load %arg8[%swap3A, %swap3A_11] : memref<16x512xf32, #tpu.memory_space<vmem>>, vector<16x512xf32>
      tpu.vector_store %arg8[%swap3A, %swap3A_11], %broadcast_in_dim3A_10 {strides = array<i32>} : memref<16x512xf32, #tpu.memory_space<vmem>>, vector<16x512xf32>,
    } else {
    }
    %lt3A = arith.constant 4 : i32
    %lt3A_2 = arith.cmpi slt, %arg0, %lt3A : i32
    %convert_element_type3A_3 = arith.extui %lt3A_2 : i1 to i32
    %cond3A_4 = arith.constant 0 : i32
    %cond3A_5 = arith.cmpi ne, %convert_element_type3A_3, %cond3A_4 : i32
    scf.if %cond3A_5 {
      %get3A = arith.constant 0 : index
      %get3A_10 = arith.constant 0 : index
      %get3A_11 = vector.load %arg1[%get3A, %get3A_10] : memref<2048x64xf32, #tpu.memory_space<vmem>>, vector<2048x64xf32>
      %get3A_12 = arith.constant 0 : index
      %get3A_13 = arith.constant 0 : index
      %get3A_14 = vector.load %arg3[%get3A_12, %get3A_13] : memref<512x192xf32, #tpu.memory_space<vmem>>, vector<512x64xf32>
      %dot_general3A = arith.constant dense<0.000000e+00> : vector<2048x512xf32>
      %dot_general3A_15 = tpu.matmul %get3A_11, %get3A_14, %dot_general3A {dimension_numbers = #tpu.dot_dimension_numbers<[1], [1], [0], [0], [0, 0, 1, 0], [], []>, transpose_lhs_hint = false} : vector<2048x64xf32>, vector<512x64xf32>, vector<2048x512xf32> -> vector<2048x512xf32>
      %get3A_16 = arith.constant 0 : index
      %get3A_17 = arith.constant 0 : index
      %get3A_18 = vector.load %arg2[%get3A_16, %get3A_17] : memref<2048x128xf32, #tpu.memory_space<vmem>>, vector<2048x128xf32>
      %get3A_19 = arith.constant 0 : index
      %get3A_20 = arith.constant 64 : index
      %get3A_21 = vector.load %arg3[%get3A_19, %get3A_20] : memref<512x192xf32, #tpu.memory_space<vmem>>, vector<512x128xf32>
      %dot_general3A_22 = arith.constant dense<0.000000e+00> : vector<2048x512xf32>
      %dot_general3A_23 = tpu.matmul %get3A_18, %get3A_21, %dot_general3A_22 {dimension_numbers = #tpu.dot_dimension_numbers<[1], [1], [0], [0], [0, 0, 1, 0], [], []>, transpose_lhs_hint = false} : vector<2048x128xf32>, vector<512x128xf32>, vector<2048x512xf32> -> vector<2048x512xf32>
      %add3A = arith.addf %dot_general3A_15, %dot_general3A_23 : vector<2048x512xf32>
      %get3A_24 = arith.constant 0 : index
      %get3A_25 = arith.constant 0 : index
      %get3A_26 = vector.load %arg5[%get3A_24, %get3A_25] : memref<1x512xf32, #tpu.memory_space<vmem>>, vector<1x512xf32>
      %add3A_27 = vector.broadcast %get3A_26 : vector<1x512xf32> to vector<2048x512xf32>
      %add3A_28 = arith.addf %add3A, %add3A_27 : vector<2048x512xf32>
      %get3A_29 = arith.constant 0 : index
      %get3A_30 = arith.constant 0 : index
      %get3A_31 = vector.load %arg6[%get3A_29, %get3A_30] : memref<1x512xf32, #tpu.memory_space<vmem>>, vector<1x512xf32>
      %add3A_32 = vector.broadcast %get3A_31 : vector<1x512xf32> to vector<2048x512xf32>
      %add3A_33 = arith.addf %add3A_28, %add3A_32 : vector<2048x512xf32>
      %jit3A = arith.constant 2 : i32
      %eq3A_34 = arith.constant 0 : i32
      %eq3A_35 = arith.cmpi eq, %jit3A, %eq3A_34 : i32
      %jit3A_36 = arith.constant 1 : i32
      %select_n3A = arith.select %eq3A_35, %jit3A_36, %jit3A : i32
      %rem3A = arith.remsi %arg0, %select_n3A : i32
      %ne3A = arith.constant 0 : i32
      %ne3A_37 = arith.cmpi ne, %rem3A, %ne3A : i32
      %lt3A_38 = arith.constant 0 : i32
      %lt3A_39 = arith.cmpi slt, %rem3A, %lt3A_38 : i32
      %lt3A_40 = arith.constant 0 : i32
      %lt3A_41 = arith.cmpi slt, %select_n3A, %lt3A_40 : i32
      %ne3A_42 = arith.xori %lt3A_39, %lt3A_41 : i1
      %and3A = arith.andi %ne3A_42, %ne3A_37 : i1
      %add3A_43 = arith.addi %rem3A, %select_n3A : i32
      %select_n3A_44 = arith.select %and3A, %add3A_43, %rem3A : i32
      %swap3A = arith.index_cast %select_n3A_44 : i32 to index
      %swap3A_45 = arith.constant 0 : index
      %swap3A_46 = arith.constant 0 : index
      %swap3A_47 = vector.load %arg9[%swap3A, %swap3A_45, %swap3A_46] : memref<2x2048x512xf32, #tpu.memory_space<vmem>>, vector<1x2048x512xf32>
      %swap3A_48 = vector.shape_cast %swap3A_47 : vector<1x2048x512xf32> to vector<2048x512xf32>
      %swap3A_49 = vector.shape_cast %add3A_33 : vector<2048x512xf32> to vector<1x2048x512xf32>
      tpu.vector_store %arg9[%swap3A, %swap3A_45, %swap3A_46], %swap3A_49 {strides = array<i32>} : memref<2x2048x512xf32, #tpu.memory_space<vmem>>, vector<1x2048x512xf32>,
    } else {
    }
    %gt3A = arith.constant 0 : i32
    %gt3A_6 = arith.cmpi sgt, %arg0, %gt3A : i32
    %convert_element_type3A_7 = arith.extui %gt3A_6 : i1 to i32
    %cond3A_8 = arith.constant 0 : i32
    %cond3A_9 = arith.cmpi ne, %convert_element_type3A_7, %cond3A_8 : i32
    scf.if %cond3A_9 {
      %get3A = arith.constant 0 : index
      %get3A_10 = arith.constant 0 : index
      %get3A_11 = vector.load %arg4[%get3A, %get3A_10] : memref<512x512xf32, #tpu.memory_space<vmem>>, vector<256x256xf32>
      %get3A_12 = arith.constant 256 : index
      %get3A_13 = arith.constant 0 : index
      %get3A_14 = vector.load %arg4[%get3A_12, %get3A_13] : memref<512x512xf32, #tpu.memory_space<vmem>>, vector<256x256xf32>
      %get3A_15 = arith.constant 0 : index
      %get3A_16 = arith.constant 256 : index
      %get3A_17 = vector.load %arg4[%get3A_15, %get3A_16] : memref<512x512xf32, #tpu.memory_space<vmem>>, vector<256x256xf32>
      %get3A_18 = arith.constant 256 : index
      %get3A_19 = arith.constant 256 : index
      %get3A_20 = vector.load %arg4[%get3A_18, %get3A_19] : memref<512x512xf32, #tpu.memory_space<vmem>>, vector<256x256xf32>
      %sub3A = arith.constant 1 : i32
      %sub3A_21 = arith.subi %arg0, %sub3A : i32
      %jit3A = arith.constant 2 : i32
      %eq3A_22 = arith.constant 0 : i32
      %eq3A_23 = arith.cmpi eq, %jit3A, %eq3A_22 : i32
      %jit3A_24 = arith.constant 1 : i32
      %select_n3A = arith.select %eq3A_23, %jit3A_24, %jit3A : i32
      %rem3A = arith.remsi %sub3A_21, %select_n3A : i32
      %ne3A = arith.constant 0 : i32
      %ne3A_25 = arith.cmpi ne, %rem3A, %ne3A : i32
      %lt3A_26 = arith.constant 0 : i32
      %lt3A_27 = arith.cmpi slt, %rem3A, %lt3A_26 : i32
      %lt3A_28 = arith.constant 0 : i32
      %lt3A_29 = arith.cmpi slt, %select_n3A, %lt3A_28 : i32
      %ne3A_30 = arith.xori %lt3A_27, %lt3A_29 : i1
      %and3A = arith.andi %ne3A_30, %ne3A_25 : i1
      %add3A = arith.addi %rem3A, %select_n3A : i32
      %select_n3A_31 = arith.select %and3A, %add3A, %rem3A : i32
      %get3A_32 = arith.constant 0 : index
      %get3A_33 = arith.constant 0 : index
      %get3A_34 = vector.load %arg8[%get3A_32, %get3A_33] : memref<16x512xf32, #tpu.memory_space<vmem>>, vector<16x256xf32>
      %get3A_35 = arith.constant 0 : index
      %get3A_36 = arith.constant 256 : index
      %get3A_37 = vector.load %arg8[%get3A_35, %get3A_36] : memref<16x512xf32, #tpu.memory_space<vmem>>, vector<16x256xf32>
      %get3A_38 = arith.index_cast %select_n3A_31 : i32 to index
      %get3A_39 = arith.constant 0 : index
      %get3A_40 = arith.constant 0 : index
      %get3A_41 = vector.load %arg9[%get3A_38, %get3A_39, %get3A_40] : memref<2x2048x512xf32, #tpu.memory_space<vmem>>, vector<1x16x512xf32>
      %get3A_42 = vector.shape_cast %get3A_41 : vector<1x16x512xf32> to vector<16x512xf32>
      %slice3A = vector.extract_strided_slice %get3A_42 {offsets = [0, 0], sizes = [16, 256], strides = [1, 1]} : vector<16x512xf32> to vector<16x256xf32>
      %dot_general3A = arith.constant dense<0.000000e+00> : vector<16x256xf32>
      %dot_general3A_43 = tpu.matmul %get3A_34, %get3A_11, %dot_general3A {dimension_numbers = #tpu.dot_dimension_numbers<[1], [0], [0], [1], [0, 0, 1, 1], [], []>, transpose_lhs_hint = false} : vector<16x256xf32>, vector<256x256xf32>, vector<16x256xf32> -> vector<16x256xf32>
      %add3A_44 = arith.addf %slice3A, %dot_general3A_43 : vector<16x256xf32>
      %dot_general3A_45 = arith.constant dense<0.000000e+00> : vector<16x256xf32>
      %dot_general3A_46 = tpu.matmul %get3A_37, %get3A_14, %dot_general3A_45 {dimension_numbers = #tpu.dot_dimension_numbers<[1], [0], [0], [1], [0, 0, 1, 1], [], []>, transpose_lhs_hint = false} : vector<16x256xf32>, vector<256x256xf32>, vector<16x256xf32> -> vector<16x256xf32>
      %add3A_47 = arith.addf %add3A_44, %dot_general3A_46 : vector<16x256xf32>
      %slice3A_48 = vector.extract_strided_slice %get3A_42 {offsets = [0, 256], sizes = [16, 256], strides = [1, 1]} : vector<16x512xf32> to vector<16x256xf32>
      %dot_general3A_49 = arith.constant dense<0.000000e+00> : vector<16x256xf32>
      %dot_general3A_50 = tpu.matmul %get3A_34, %get3A_17, %dot_general3A_49 {dimension_numbers = #tpu.dot_dimension_numbers<[1], [0], [0], [1], [0, 0, 1, 1], [], []>, transpose_lhs_hint = false} : vector<16x256xf32>, vector<256x256xf32>, vector<16x256xf32> -> vector<16x256xf32>
      %add3A_51 = arith.addf %slice3A_48, %dot_general3A_50 : vector<16x256xf32>
      %dot_general3A_52 = arith.constant dense<0.000000e+00> : vector<16x256xf32>
      %dot_general3A_53 = tpu.matmul %get3A_37, %get3A_20, %dot_general3A_52 {dimension_numbers = #tpu.dot_dimension_numbers<[1], [0], [0], [1], [0, 0, 1, 1], [], []>, transpose_lhs_hint = false} : vector<16x256xf32>, vector<256x256xf32>, vector<16x256xf32> -> vector<16x256xf32>
      %add3A_54 = arith.addf %add3A_51, %dot_general3A_53 : vector<16x256xf32>
      %tanh3A = math.tanh %add3A_47 : vector<16x256xf32>
      %tanh3A_55 = math.tanh %add3A_54 : vector<16x256xf32>
      %swap3A = arith.constant 0 : index
      %swap3A_56 = arith.constant 0 : index
      %swap3A_57 = arith.constant 0 : index
      %swap3A_58 = vector.load %arg7[%swap3A, %swap3A_56, %swap3A_57] : memref<16x128x512xf32, #tpu.memory_space<vmem>>, vector<16x1x256xf32>
      %swap3A_59 = vector.shape_cast %swap3A_58 : vector<16x1x256xf32> to vector<16x256xf32>
      %swap3A_60 = vector.shape_cast %tanh3A : vector<16x256xf32> to vector<16x1x256xf32>
      tpu.vector_store %arg7[%swap3A, %swap3A_56, %swap3A_57], %swap3A_60 {strides = array<i32>} : memref<16x128x512xf32, #tpu.memory_space<vmem>>, vector<16x1x256xf32>,
      %swap3A_61 = arith.constant 0 : index
      %swap3A_62 = arith.constant 0 : index
      %swap3A_63 = arith.constant 256 : index
      %swap3A_64 = vector.load %arg7[%swap3A_61, %swap3A_62, %swap3A_63] : memref<16x128x512xf32, #tpu.memory_space<vmem>>, vector<16x1x256xf32>
      %swap3A_65 = vector.shape_cast %swap3A_64 : vector<16x1x256xf32> to vector<16x256xf32>
      %swap3A_66 = vector.shape_cast %tanh3A_55 : vector<16x256xf32> to vector<16x1x256xf32>
      tpu.vector_store %arg7[%swap3A_61, %swap3A_62, %swap3A_63], %swap3A_66 {strides = array<i32>} : memref<16x128x512xf32, #tpu.memory_space<vmem>>, vector<16x1x256xf32>,
      %get3A_67 = arith.index_cast %select_n3A_31 : i32 to index
      %get3A_68 = arith.constant 16 : index
      %get3A_69 = arith.constant 0 : index
      %get3A_70 = vector.load %arg9[%get3A_67, %get3A_68, %get3A_69] : memref<2x2048x512xf32, #tpu.memory_space<vmem>>, vector<1x16x512xf32>
      %get3A_71 = vector.shape_cast %get3A_70 : vector<1x16x512xf32> to vector<16x512xf32>
      %slice3A_72 = vector.extract_strided_slice %get3A_71 {offsets = [0, 0], sizes = [16, 256], strides = [1, 1]} : vector<16x512xf32> to vector<16x256xf32>
      %dot_general3A_73 = arith.constant dense<0.000000e+00> : vector<16x256xf32>
      %dot_general3A_74 = tpu.matmul %tanh3A, %get3A_11, %dot_general3A_73 {dimension_numbers = #tpu.dot_dimension_numbers<[1], [0], [0], [1], [0, 0, 1, 1], [], []>, transpose_lhs_hint = false} : vector<16x256xf32>, vector<256x256xf32>, vector<16x256xf32> -> vector<16x256xf32>
      %add3A_75 = arith.addf %slice3A_72, %dot_general3A_74 : vector<16x256xf32>
      %dot_general3A_76 = arith.constant dense<0.000000e+00> : vector<16x256xf32>
      %dot_general3A_77 = tpu.matmul %tanh3A_55, %get3A_14, %dot_general3A_76 {dimension_numbers = #tpu.dot_dimension_numbers<[1], [0], [0], [1], [0, 0, 1, 1], [], []>, transpose_lhs_hint = false} : vector<16x256xf32>, vector<256x256xf32>, vector<16x256xf32> -> vector<16x256xf32>
      %add3A_78 = arith.addf %add3A_75, %dot_general3A_77 : vector<16x256xf32>
      %slice3A_79 = vector.extract_strided_slice %get3A_71 {offsets = [0, 256], sizes = [16, 256], strides = [1, 1]} : vector<16x512xf32> to vector<16x256xf32>
      %dot_general3A_80 = arith.constant dense<0.000000e+00> : vector<16x256xf32>
      %dot_general3A_81 = tpu.matmul %tanh3A, %get3A_17, %dot_general3A_80 {dimension_numbers = #tpu.dot_dimension_numbers<[1], [0], [0], [1], [0, 0, 1, 1], [], []>, transpose_lhs_hint = false} : vector<16x256xf32>, vector<256x256xf32>, vector<16x256xf32> -> vector<16x256xf32>
      %add3A_82 = arith.addf %slice3A_79, %dot_general3A_81 : vector<16x256xf32>
      %dot_general3A_83 = arith.constant dense<0.000000e+00> : vector<16x256xf32>
      %dot_general3A_84 = tpu.matmul %tanh3A_55, %get3A_20, %dot_general3A_83 {dimension_numbers = #tpu.dot_dimension_numbers<[1], [0], [0], [1], [0, 0, 1, 1], [], []>, transpose_lhs_hint = false} : vector<16x256xf32>, vector<256x256xf32>, vector<16x256xf32> -> vector<16x256xf32>
      %add3A_85 = arith.addf %add3A_82, %dot_general3A_84 : vector<16x256xf32>
      %tanh3A_86 = math.tanh %add3A_78 : vector<16x256xf32>
      %tanh3A_87 = math.tanh %add3A_85 : vector<16x256xf32>
      %swap3A_88 = arith.constant 0 : index
      %swap3A_89 = arith.constant 1 : index
      %swap3A_90 = arith.constant 0 : index
      %swap3A_91 = vector.load %arg7[%swap3A_88, %swap3A_89, %swap3A_90] : memref<16x128x512xf32, #tpu.memory_space<vmem>>, vector<16x1x256xf32>
      %swap3A_92 = vector.shape_cast %swap3A_91 : vector<16x1x256xf32> to vector<16x256xf32>
      %swap3A_93 = vector.shape_cast %tanh3A_86 : vector<16x256xf32> to vector<16x1x256xf32>
      tpu.vector_store %arg7[%swap3A_88, %swap3A_89, %swap3A_90], %swap3A_93 {strides = array<i32>} : memref<16x128x512xf32, #tpu.memory_space<vmem>>, vector<16x1x256xf32>,
      %swap3A_94 = arith.constant 0 : index
      %swap3A_95 = arith.constant 1 : index
      %swap3A_96 = arith.constant 256 : index
      %swap3A_97 = vector.load %arg7[%swap3A_94, %swap3A_95, %swap3A_96] : memref<16x128x512xf32, #tpu.memory_space<vmem>>, vector<16x1x256xf32>
      %swap3A_98 = vector.shape_cast %swap3A_97 : vector<16x1x256xf32> to vector<16x256xf32>
      %swap3A_99 = vector.shape_cast %tanh3A_87 : vector<16x256xf32> to vector<16x1x256xf32>
      tpu.vector_store %arg7[%swap3A_94, %swap3A_95, %swap3A_96], %swap3A_99 {strides = array<i32>} : memref<16x128x512xf32, #tpu.memory_space<vmem>>, vector<16x1x256xf32>,
      %get3A_100 = arith.index_cast %select_n3A_31 : i32 to index
      %get3A_101 = arith.constant 32 : index
      %get3A_102 = arith.constant 0 : index
      %get3A_103 = vector.load %arg9[%get3A_100, %get3A_101, %get3A_102] : memref<2x2048x512xf32, #tpu.memory_space<vmem>>, vector<1x16x512xf32>
      %get3A_104 = vector.shape_cast %get3A_103 : vector<1x16x512xf32> to vector<16x512xf32>
      %slice3A_105 = vector.extract_strided_slice %get3A_104 {offsets = [0, 0], sizes = [16, 256], strides = [1, 1]} : vector<16x512xf32> to vector<16x256xf32>
      %dot_general3A_106 = arith.constant dense<0.000000e+00> : vector<16x256xf32>
      %dot_general3A_107 = tpu.matmul %tanh3A_86, %get3A_11, %dot_general3A_106 {dimension_numbers = #tpu.dot_dimension_numbers<[1], [0], [0], [1], [0, 0, 1, 1], [], []>, transpose_lhs_hint = false} : vector<16x256xf32>, vector<256x256xf32>, vector<16x256xf32> -> vector<16x256xf32>
      %add3A_108 = arith.addf %slice3A_105, %dot_general3A_107 : vector<16x256xf32>
      %dot_general3A_109 = arith.constant dense<0.000000e+00> : vector<16x256xf32>
      %dot_general3A_110 = tpu.matmul %tanh3A_87, %get3A_14, %dot_general3A_109 {dimension_numbers = #tpu.dot_dimension_numbers<[1], [0], [0], [1], [0, 0, 1, 1], [], []>, transpose_lhs_hint = false} : vector<16x256xf32>, vector<256x256xf32>, vector<16x256xf32> -> vector<16x256xf32>
      %add3A_111 = arith.addf %add3A_108, %dot_general3A_110 : vector<16x256xf32>
      %slice3A_112 = vector.extract_strided_slice %get3A_104 {offsets = [0, 256], sizes = [16, 256], strides = [1, 1]} : vector<16x512xf32> to vector<16x256xf32>
      %dot_general3A_113 = arith.constant dense<0.000000e+00> : vector<16x256xf32>
      %dot_general3A_114 = tpu.matmul %tanh3A_86, %get3A_17, %dot_general3A_113 {dimension_numbers = #tpu.dot_dimension_numbers<[1], [0], [0], [1], [0, 0, 1, 1], [], []>, transpose_lhs_hint = false} : vector<16x256xf32>, vector<256x256xf32>, vector<16x256xf32> -> vector<16x256xf32>
      %add3A_115 = arith.addf %slice3A_112, %dot_general3A_114 : vector<16x256xf32>
      %dot_general3A_116 = arith.constant dense<0.000000e+00> : vector<16x256xf32>
      %dot_general3A_117 = tpu.matmul %tanh3A_87, %get3A_20, %dot_general3A_116 {dimension_numbers = #tpu.dot_dimension_numbers<[1], [0], [0], [1], [0, 0, 1, 1], [], []>, transpose_lhs_hint = false} : vector<16x256xf32>, vector<256x256xf32>, vector<16x256xf32> -> vector<16x256xf32>
      %add3A_118 = arith.addf %add3A_115, %dot_general3A_117 : vector<16x256xf32>
      %tanh3A_119 = math.tanh %add3A_111 : vector<16x256xf32>
      %tanh3A_120 = math.tanh %add3A_118 : vector<16x256xf32>
      %swap3A_121 = arith.constant 0 : index
      %swap3A_122 = arith.constant 2 : index
      %swap3A_123 = arith.constant 0 : index
      %swap3A_124 = vector.load %arg7[%swap3A_121, %swap3A_122, %swap3A_123] : memref<16x128x512xf32, #tpu.memory_space<vmem>>, vector<16x1x256xf32>
      %swap3A_125 = vector.shape_cast %swap3A_124 : vector<16x1x256xf32> to vector<16x256xf32>
      %swap3A_126 = vector.shape_cast %tanh3A_119 : vector<16x256xf32> to vector<16x1x256xf32>
      tpu.vector_store %arg7[%swap3A_121, %swap3A_122, %swap3A_123], %swap3A_126 {strides = array<i32>} : memref<16x128x512xf32, #tpu.memory_space<vmem>>, vector<16x1x256xf32>,
      %swap3A_127 = arith.constant 0 : index
      %swap3A_128 = arith.constant 2 : index
      %swap3A_129 = arith.constant 256 : index
      %swap3A_130 = vector.load %arg7[%swap3A_127, %swap3A_128, %swap3A_129] : memref<16x128x512xf32, #tpu.memory_space<vmem>>, vector<16x1x256xf32>
      %swap3A_131 = vector.shape_cast %swap3A_130 : vector<16x1x256xf32> to vector<16x256xf32>
      %swap3A_132 = vector.shape_cast %tanh3A_120 : vector<16x256xf32> to vector<16x1x256xf32>
      tpu.vector_store %arg7[%swap3A_127, %swap3A_128, %swap3A_129], %swap3A_132 {strides = array<i32>} : memref<16x128x512xf32, #tpu.memory_space<vmem>>, vector<16x1x256xf32>,
      %get3A_133 = arith.index_cast %select_n3A_31 : i32 to index
      %get3A_134 = arith.constant 48 : index
      %get3A_135 = arith.constant 0 : index
      %get3A_136 = vector.load %arg9[%get3A_133, %get3A_134, %get3A_135] : memref<2x2048x512xf32, #tpu.memory_space<vmem>>, vector<1x16x512xf32>
      %get3A_137 = vector.shape_cast %get3A_136 : vector<1x16x512xf32> to vector<16x512xf32>
      %slice3A_138 = vector.extract_strided_slice %get3A_137 {offsets = [0, 0], sizes = [16, 256], strides = [1, 1]} : vector<16x512xf32> to vector<16x256xf32>
      %dot_general3A_139 = arith.constant dense<0.000000e+00> : vector<16x256xf32>
      %dot_general3A_140 = tpu.matmul %tanh3A_119, %get3A_11, %dot_general3A_139 {dimension_numbers = #tpu.dot_dimension_numbers<[1], [0], [0], [1], [0, 0, 1, 1], [], []>, transpose_lhs_hint = false} : vector<16x256xf32>, vector<256x256xf32>, vector<16x256xf32> -> vector<16x256xf32>
      %add3A_141 = arith.addf %slice3A_138, %dot_general3A_140 : vector<16x256xf32>
      %dot_general3A_142 = arith.constant dense<0.000000e+00> : vector<16x256xf32>
      %dot_general3A_143 = tpu.matmul %tanh3A_120, %get3A_14, %dot_general3A_142 {dimension_numbers = #tpu.dot_dimension_numbers<[1], [0], [0], [1], [0, 0, 1, 1], [], []>, transpose_lhs_hint = false} : vector<16x256xf32>, vector<256x256xf32>, vector<16x256xf32> -> vector<16x256xf32>
      %add3A_144 = arith.addf %add3A_141, %dot_general3A_143 : vector<16x256xf32>
      %slice3A_145 = vector.extract_strided_slice %get3A_137 {offsets = [0, 256], sizes = [16, 256], strides = [1, 1]} : vector<16x512xf32> to vector<16x256xf32>
      %dot_general3A_146 = arith.constant dense<0.000000e+00> : vector<16x256xf32>
      %dot_general3A_147 = tpu.matmul %tanh3A_119, %get3A_17, %dot_general3A_146 {dimension_numbers = #tpu.dot_dimension_numbers<[1], [0], [0], [1], [0, 0, 1, 1], [], []>, transpose_lhs_hint = false} : vector<16x256xf32>, vector<256x256xf32>, vector<16x256xf32> -> vector<16x256xf32>
      %add3A_148 = arith.addf %slice3A_145, %dot_general3A_147 : vector<16x256xf32>
      %dot_general3A_149 = arith.constant dense<0.000000e+00> : vector<16x256xf32>
      %dot_general3A_150 = tpu.matmul %tanh3A_120, %get3A_20, %dot_general3A_149 {dimension_numbers = #tpu.dot_dimension_numbers<[1], [0], [0], [1], [0, 0, 1, 1], [], []>, transpose_lhs_hint = false} : vector<16x256xf32>, vector<256x256xf32>, vector<16x256xf32> -> vector<16x256xf32>
      %add3A_151 = arith.addf %add3A_148, %dot_general3A_150 : vector<16x256xf32>
      %tanh3A_152 = math.tanh %add3A_144 : vector<16x256xf32>
      %tanh3A_153 = math.tanh %add3A_151 : vector<16x256xf32>
      %swap3A_154 = arith.constant 0 : index
      %swap3A_155 = arith.constant 3 : index
      %swap3A_156 = arith.constant 0 : index
      %swap3A_157 = vector.load %arg7[%swap3A_154, %swap3A_155, %swap3A_156] : memref<16x128x512xf32, #tpu.memory_space<vmem>>, vector<16x1x256xf32>
      %swap3A_158 = vector.shape_cast %swap3A_157 : vector<16x1x256xf32> to vector<16x256xf32>
      %swap3A_159 = vector.shape_cast %tanh3A_152 : vector<16x256xf32> to vector<16x1x256xf32>
      tpu.vector_store %arg7[%swap3A_154, %swap3A_155, %swap3A_156], %swap3A_159 {strides = array<i32>} : memref<16x128x512xf32, #tpu.memory_space<vmem>>, vector<16x1x256xf32>,
      %swap3A_160 = arith.constant 0 : index
      %swap3A_161 = arith.constant 3 : index
      %swap3A_162 = arith.constant 256 : index
      %swap3A_163 = vector.load %arg7[%swap3A_160, %swap3A_161, %swap3A_162] : memref<16x128x512xf32, #tpu.memory_space<vmem>>, vector<16x1x256xf32>
      %swap3A_164 = vector.shape_cast %swap3A_163 : vector<16x1x256xf32> to vector<16x256xf32>
      %swap3A_165 = vector.shape_cast %tanh3A_153 : vector<16x256xf32> to vector<16x1x256xf32>
      tpu.vector_store %arg7[%swap3A_160, %swap3A_161, %swap3A_162], %swap3A_165 {strides = array<i32>} : memref<16x128x512xf32, #tpu.memory_space<vmem>>, vector<16x1x256xf32>,
      %get3A_166 = arith.index_cast %select_n3A_31 : i32 to index
      %get3A_167 = arith.constant 64 : index
      %get3A_168 = arith.constant 0 : index
      %get3A_169 = vector.load %arg9[%get3A_166, %get3A_167, %get3A_168] : memref<2x2048x512xf32, #tpu.memory_space<vmem>>, vector<1x16x512xf32>
      %get3A_170 = vector.shape_cast %get3A_169 : vector<1x16x512xf32> to vector<16x512xf32>
      %slice3A_171 = vector.extract_strided_slice %get3A_170 {offsets = [0, 0], sizes = [16, 256], strides = [1, 1]} : vector<16x512xf32> to vector<16x256xf32>
      %dot_general3A_172 = arith.constant dense<0.000000e+00> : vector<16x256xf32>
      %dot_general3A_173 = tpu.matmul %tanh3A_152, %get3A_11, %dot_general3A_172 {dimension_numbers = #tpu.dot_dimension_numbers<[1], [0], [0], [1], [0, 0, 1, 1], [], []>, transpose_lhs_hint = false} : vector<16x256xf32>, vector<256x256xf32>, vector<16x256xf32> -> vector<16x256xf32>
      %add3A_174 = arith.addf %slice3A_171, %dot_general3A_173 : vector<16x256xf32>
      %dot_general3A_175 = arith.constant dense<0.000000e+00> : vector<16x256xf32>
      %dot_general3A_176 = tpu.matmul %tanh3A_153, %get3A_14, %dot_general3A_175 {dimension_numbers = #tpu.dot_dimension_numbers<[1], [0], [0], [1], [0, 0, 1, 1], [], []>, transpose_lhs_hint = false} : vector<16x256xf32>, vector<256x256xf32>, vector<16x256xf32> -> vector<16x256xf32>
      %add3A_177 = arith.addf %add3A_174, %dot_general3A_176 : vector<16x256xf32>
      %slice3A_178 = vector.extract_strided_slice %get3A_170 {offsets = [0, 256], sizes = [16, 256], strides = [1, 1]} : vector<16x512xf32> to vector<16x256xf32>
      %dot_general3A_179 = arith.constant dense<0.000000e+00> : vector<16x256xf32>
      %dot_general3A_180 = tpu.matmul %tanh3A_152, %get3A_17, %dot_general3A_179 {dimension_numbers = #tpu.dot_dimension_numbers<[1], [0], [0], [1], [0, 0, 1, 1], [], []>, transpose_lhs_hint = false} : vector<16x256xf32>, vector<256x256xf32>, vector<16x256xf32> -> vector<16x256xf32>
      %add3A_181 = arith.addf %slice3A_178, %dot_general3A_180 : vector<16x256xf32>
      %dot_general3A_182 = arith.constant dense<0.000000e+00> : vector<16x256xf32>
      %dot_general3A_183 = tpu.matmul %tanh3A_153, %get3A_20, %dot_general3A_182 {dimension_numbers = #tpu.dot_dimension_numbers<[1], [0], [0], [1], [0, 0, 1, 1], [], []>, transpose_lhs_hint = false} : vector<16x256xf32>, vector<256x256xf32>, vector<16x256xf32> -> vector<16x256xf32>
      %add3A_184 = arith.addf %add3A_181, %dot_general3A_183 : vector<16x256xf32>
      %tanh3A_185 = math.tanh %add3A_177 : vector<16x256xf32>
      %tanh3A_186 = math.tanh %add3A_184 : vector<16x256xf32>
      %swap3A_187 = arith.constant 0 : index
      %swap3A_188 = arith.constant 4 : index
      %swap3A_189 = arith.constant 0 : index
      %swap3A_190 = vector.load %arg7[%swap3A_187, %swap3A_188, %swap3A_189] : memref<16x128x512xf32, #tpu.memory_space<vmem>>, vector<16x1x256xf32>
      %swap3A_191 = vector.shape_cast %swap3A_190 : vector<16x1x256xf32> to vector<16x256xf32>
      %swap3A_192 = vector.shape_cast %tanh3A_185 : vector<16x256xf32> to vector<16x1x256xf32>
      tpu.vector_store %arg7[%swap3A_187, %swap3A_188, %swap3A_189], %swap3A_192 {strides = array<i32>} : memref<16x128x512xf32, #tpu.memory_space<vmem>>, vector<16x1x256xf32>,
      %swap3A_193 = arith.constant 0 : index
      %swap3A_194 = arith.constant 4 : index
      %swap3A_195 = arith.constant 256 : index
      %swap3A_196 = vector.load %arg7[%swap3A_193, %swap3A_194, %swap3A_195] : memref<16x128x512xf32, #tpu.memory_space<vmem>>, vector<16x1x256xf32>
      %swap3A_197 = vector.shape_cast %swap3A_196 : vector<16x1x256xf32> to vector<16x256xf32>
      %swap3A_198 = vector.shape_cast %tanh3A_186 : vector<16x256xf32> to vector<16x1x256xf32>
      tpu.vector_store %arg7[%swap3A_193, %swap3A_194, %swap3A_195], %swap3A_198 {strides = array<i32>} : memref<16x128x512xf32, #tpu.memory_space<vmem>>, vector<16x1x256xf32>,
      %get3A_199 = arith.index_cast %select_n3A_31 : i32 to index
      %get3A_200 = arith.constant 80 : index
      %get3A_201 = arith.constant 0 : index
      %get3A_202 = vector.load %arg9[%get3A_199, %get3A_200, %get3A_201] : memref<2x2048x512xf32, #tpu.memory_space<vmem>>, vector<1x16x512xf32>
      %get3A_203 = vector.shape_cast %get3A_202 : vector<1x16x512xf32> to vector<16x512xf32>
      %slice3A_204 = vector.extract_strided_slice %get3A_203 {offsets = [0, 0], sizes = [16, 256], strides = [1, 1]} : vector<16x512xf32> to vector<16x256xf32>
      %dot_general3A_205 = arith.constant dense<0.000000e+00> : vector<16x256xf32>
      %dot_general3A_206 = tpu.matmul %tanh3A_185, %get3A_11, %dot_general3A_205 {dimension_numbers = #tpu.dot_dimension_numbers<[1], [0], [0], [1], [0, 0, 1, 1], [], []>, transpose_lhs_hint = false} : vector<16x256xf32>, vector<256x256xf32>, vector<16x256xf32> -> vector<16x256xf32>
      %add3A_207 = arith.addf %slice3A_204, %dot_general3A_206 : vector<16x256xf32>
      %dot_general3A_208 = arith.constant dense<0.000000e+00> : vector<16x256xf32>
      %dot_general3A_209 = tpu.matmul %tanh3A_186, %get3A_14, %dot_general3A_208 {dimension_numbers = #tpu.dot_dimension_numbers<[1], [0], [0], [1], [0, 0, 1, 1], [], []>, transpose_lhs_hint = false} : vector<16x256xf32>, vector<256x256xf32>, vector<16x256xf32> -> vector<16x256xf32>
      %add3A_210 = arith.addf %add3A_207, %dot_general3A_209 : vector<16x256xf32>
      %slice3A_211 = vector.extract_strided_slice %get3A_203 {offsets = [0, 256], sizes = [16, 256], strides = [1, 1]} : vector<16x512xf32> to vector<16x256xf32>
      %dot_general3A_212 = arith.constant dense<0.000000e+00> : vector<16x256xf32>
      %dot_general3A_213 = tpu.matmul %tanh3A_185, %get3A_17, %dot_general3A_212 {dimension_numbers = #tpu.dot_dimension_numbers<[1], [0], [0], [1], [0, 0, 1, 1], [], []>, transpose_lhs_hint = false} : vector<16x256xf32>, vector<256x256xf32>, vector<16x256xf32> -> vector<16x256xf32>
      %add3A_214 = arith.addf %slice3A_211, %dot_general3A_213 : vector<16x256xf32>
      %dot_general3A_215 = arith.constant dense<0.000000e+00> : vector<16x256xf32>
      %dot_general3A_216 = tpu.matmul %tanh3A_186, %get3A_20, %dot_general3A_215 {dimension_numbers = #tpu.dot_dimension_numbers<[1], [0], [0], [1], [0, 0, 1, 1], [], []>, transpose_lhs_hint = false} : vector<16x256xf32>, vector<256x256xf32>, vector<16x256xf32> -> vector<16x256xf32>
      %add3A_217 = arith.addf %add3A_214, %dot_general3A_216 : vector<16x256xf32>
      %tanh3A_218 = math.tanh %add3A_210 : vector<16x256xf32>
      %tanh3A_219 = math.tanh %add3A_217 : vector<16x256xf32>
      %swap3A_220 = arith.constant 0 : index
      %swap3A_221 = arith.constant 5 : index
      %swap3A_222 = arith.constant 0 : index
      %swap3A_223 = vector.load %arg7[%swap3A_220, %swap3A_221, %swap3A_222] : memref<16x128x512xf32, #tpu.memory_space<vmem>>, vector<16x1x256xf32>
      %swap3A_224 = vector.shape_cast %swap3A_223 : vector<16x1x256xf32> to vector<16x256xf32>
      %swap3A_225 = vector.shape_cast %tanh3A_218 : vector<16x256xf32> to vector<16x1x256xf32>
      tpu.vector_store %arg7[%swap3A_220, %swap3A_221, %swap3A_222], %swap3A_225 {strides = array<i32>} : memref<16x128x512xf32, #tpu.memory_space<vmem>>, vector<16x1x256xf32>,
      %swap3A_226 = arith.constant 0 : index
      %swap3A_227 = arith.constant 5 : index
      %swap3A_228 = arith.constant 256 : index
      %swap3A_229 = vector.load %arg7[%swap3A_226, %swap3A_227, %swap3A_228] : memref<16x128x512xf32, #tpu.memory_space<vmem>>, vector<16x1x256xf32>
      %swap3A_230 = vector.shape_cast %swap3A_229 : vector<16x1x256xf32> to vector<16x256xf32>
      %swap3A_231 = vector.shape_cast %tanh3A_219 : vector<16x256xf32> to vector<16x1x256xf32>
      tpu.vector_store %arg7[%swap3A_226, %swap3A_227, %swap3A_228], %swap3A_231 {strides = array<i32>} : memref<16x128x512xf32, #tpu.memory_space<vmem>>, vector<16x1x256xf32>,
      %get3A_232 = arith.index_cast %select_n3A_31 : i32 to index
      %get3A_233 = arith.constant 96 : index
      %get3A_234 = arith.constant 0 : index
      %get3A_235 = vector.load %arg9[%get3A_232, %get3A_233, %get3A_234] : memref<2x2048x512xf32, #tpu.memory_space<vmem>>, vector<1x16x512xf32>
      %get3A_236 = vector.shape_cast %get3A_235 : vector<1x16x512xf32> to vector<16x512xf32>
      %slice3A_237 = vector.extract_strided_slice %get3A_236 {offsets = [0, 0], sizes = [16, 256], strides = [1, 1]} : vector<16x512xf32> to vector<16x256xf32>
      %dot_general3A_238 = arith.constant dense<0.000000e+00> : vector<16x256xf32>
      %dot_general3A_239 = tpu.matmul %tanh3A_218, %get3A_11, %dot_general3A_238 {dimension_numbers = #tpu.dot_dimension_numbers<[1], [0], [0], [1], [0, 0, 1, 1], [], []>, transpose_lhs_hint = false} : vector<16x256xf32>, vector<256x256xf32>, vector<16x256xf32> -> vector<16x256xf32>
      %add3A_240 = arith.addf %slice3A_237, %dot_general3A_239 : vector<16x256xf32>
      %dot_general3A_241 = arith.constant dense<0.000000e+00> : vector<16x256xf32>
      %dot_general3A_242 = tpu.matmul %tanh3A_219, %get3A_14, %dot_general3A_241 {dimension_numbers = #tpu.dot_dimension_numbers<[1], [0], [0], [1], [0, 0, 1, 1], [], []>, transpose_lhs_hint = false} : vector<16x256xf32>, vector<256x256xf32>, vector<16x256xf32> -> vector<16x256xf32>
      %add3A_243 = arith.addf %add3A_240, %dot_general3A_242 : vector<16x256xf32>
      %slice3A_244 = vector.extract_strided_slice %get3A_236 {offsets = [0, 256], sizes = [16, 256], strides = [1, 1]} : vector<16x512xf32> to vector<16x256xf32>
      %dot_general3A_245 = arith.constant dense<0.000000e+00> : vector<16x256xf32>
      %dot_general3A_246 = tpu.matmul %tanh3A_218, %get3A_17, %dot_general3A_245 {dimension_numbers = #tpu.dot_dimension_numbers<[1], [0], [0], [1], [0, 0, 1, 1], [], []>, transpose_lhs_hint = false} : vector<16x256xf32>, vector<256x256xf32>, vector<16x256xf32> -> vector<16x256xf32>
      %add3A_247 = arith.addf %slice3A_244, %dot_general3A_246 : vector<16x256xf32>
      %dot_general3A_248 = arith.constant dense<0.000000e+00> : vector<16x256xf32>
      %dot_general3A_249 = tpu.matmul %tanh3A_219, %get3A_20, %dot_general3A_248 {dimension_numbers = #tpu.dot_dimension_numbers<[1], [0], [0], [1], [0, 0, 1, 1], [], []>, transpose_lhs_hint = false} : vector<16x256xf32>, vector<256x256xf32>, vector<16x256xf32> -> vector<16x256xf32>
      %add3A_250 = arith.addf %add3A_247, %dot_general3A_249 : vector<16x256xf32>
      %tanh3A_251 = math.tanh %add3A_243 : vector<16x256xf32>
      %tanh3A_252 = math.tanh %add3A_250 : vector<16x256xf32>
      %swap3A_253 = arith.constant 0 : index
      %swap3A_254 = arith.constant 6 : index
      %swap3A_255 = arith.constant 0 : index
      %swap3A_256 = vector.load %arg7[%swap3A_253, %swap3A_254, %swap3A_255] : memref<16x128x512xf32, #tpu.memory_space<vmem>>, vector<16x1x256xf32>
      %swap3A_257 = vector.shape_cast %swap3A_256 : vector<16x1x256xf32> to vector<16x256xf32>
      %swap3A_258 = vector.shape_cast %tanh3A_251 : vector<16x256xf32> to vector<16x1x256xf32>
      tpu.vector_store %arg7[%swap3A_253, %swap3A_254, %swap3A_255], %swap3A_258 {strides = array<i32>} : memref<16x128x512xf32, #tpu.memory_space<vmem>>, vector<16x1x256xf32>,
      %swap3A_259 = arith.constant 0 : index
      %swap3A_260 = arith.constant 6 : index
      %swap3A_261 = arith.constant 256 : index
      %swap3A_262 = vector.load %arg7[%swap3A_259, %swap3A_260, %swap3A_261] : memref<16x128x512xf32, #tpu.memory_space<vmem>>, vector<16x1x256xf32>
      %swap3A_263 = vector.shape_cast %swap3A_262 : vector<16x1x256xf32> to vector<16x256xf32>
      %swap3A_264 = vector.shape_cast %tanh3A_252 : vector<16x256xf32> to vector<16x1x256xf32>
      tpu.vector_store %arg7[%swap3A_259, %swap3A_260, %swap3A_261], %swap3A_264 {strides = array<i32>} : memref<16x128x512xf32, #tpu.memory_space<vmem>>, vector<16x1x256xf32>,
      %get3A_265 = arith.index_cast %select_n3A_31 : i32 to index
      %get3A_266 = arith.constant 112 : index
      %get3A_267 = arith.constant 0 : index
      %get3A_268 = vector.load %arg9[%get3A_265, %get3A_266, %get3A_267] : memref<2x2048x512xf32, #tpu.memory_space<vmem>>, vector<1x16x512xf32>
      %get3A_269 = vector.shape_cast %get3A_268 : vector<1x16x512xf32> to vector<16x512xf32>
      %slice3A_270 = vector.extract_strided_slice %get3A_269 {offsets = [0, 0], sizes = [16, 256], strides = [1, 1]} : vector<16x512xf32> to vector<16x256xf32>
      %dot_general3A_271 = arith.constant dense<0.000000e+00> : vector<16x256xf32>
      %dot_general3A_272 = tpu.matmul %tanh3A_251, %get3A_11, %dot_general3A_271 {dimension_numbers = #tpu.dot_dimension_numbers<[1], [0], [0], [1], [0, 0, 1, 1], [], []>, transpose_lhs_hint = false} : vector<16x256xf32>, vector<256x256xf32>, vector<16x256xf32> -> vector<16x256xf32>
      %add3A_273 = arith.addf %slice3A_270, %dot_general3A_272 : vector<16x256xf32>
      %dot_general3A_274 = arith.constant dense<0.000000e+00> : vector<16x256xf32>
      %dot_general3A_275 = tpu.matmul %tanh3A_252, %get3A_14, %dot_general3A_274 {dimension_numbers = #tpu.dot_dimension_numbers<[1], [0], [0], [1], [0, 0, 1, 1], [], []>, transpose_lhs_hint = false} : vector<16x256xf32>, vector<256x256xf32>, vector<16x256xf32> -> vector<16x256xf32>
      %add3A_276 = arith.addf %add3A_273, %dot_general3A_275 : vector<16x256xf32>
      %slice3A_277 = vector.extract_strided_slice %get3A_269 {offsets = [0, 256], sizes = [16, 256], strides = [1, 1]} : vector<16x512xf32> to vector<16x256xf32>
      %dot_general3A_278 = arith.constant dense<0.000000e+00> : vector<16x256xf32>
      %dot_general3A_279 = tpu.matmul %tanh3A_251, %get3A_17, %dot_general3A_278 {dimension_numbers = #tpu.dot_dimension_numbers<[1], [0], [0], [1], [0, 0, 1, 1], [], []>, transpose_lhs_hint = false} : vector<16x256xf32>, vector<256x256xf32>, vector<16x256xf32> -> vector<16x256xf32>
      %add3A_280 = arith.addf %slice3A_277, %dot_general3A_279 : vector<16x256xf32>
      %dot_general3A_281 = arith.constant dense<0.000000e+00> : vector<16x256xf32>
      %dot_general3A_282 = tpu.matmul %tanh3A_252, %get3A_20, %dot_general3A_281 {dimension_numbers = #tpu.dot_dimension_numbers<[1], [0], [0], [1], [0, 0, 1, 1], [], []>, transpose_lhs_hint = false} : vector<16x256xf32>, vector<256x256xf32>, vector<16x256xf32> -> vector<16x256xf32>
      %add3A_283 = arith.addf %add3A_280, %dot_general3A_282 : vector<16x256xf32>
      %tanh3A_284 = math.tanh %add3A_276 : vector<16x256xf32>
      %tanh3A_285 = math.tanh %add3A_283 : vector<16x256xf32>
      %swap3A_286 = arith.constant 0 : index
      %swap3A_287 = arith.constant 7 : index
      %swap3A_288 = arith.constant 0 : index
      %swap3A_289 = vector.load %arg7[%swap3A_286, %swap3A_287, %swap3A_288] : memref<16x128x512xf32, #tpu.memory_space<vmem>>, vector<16x1x256xf32>
      %swap3A_290 = vector.shape_cast %swap3A_289 : vector<16x1x256xf32> to vector<16x256xf32>
      %swap3A_291 = vector.shape_cast %tanh3A_284 : vector<16x256xf32> to vector<16x1x256xf32>
      tpu.vector_store %arg7[%swap3A_286, %swap3A_287, %swap3A_288], %swap3A_291 {strides = array<i32>} : memref<16x128x512xf32, #tpu.memory_space<vmem>>, vector<16x1x256xf32>,
      %swap3A_292 = arith.constant 0 : index
      %swap3A_293 = arith.constant 7 : index
      %swap3A_294 = arith.constant 256 : index
      %swap3A_295 = vector.load %arg7[%swap3A_292, %swap3A_293, %swap3A_294] : memref<16x128x512xf32, #tpu.memory_space<vmem>>, vector<16x1x256xf32>
      %swap3A_296 = vector.shape_cast %swap3A_295 : vector<16x1x256xf32> to vector<16x256xf32>
      %swap3A_297 = vector.shape_cast %tanh3A_285 : vector<16x256xf32> to vector<16x1x256xf32>
      tpu.vector_store %arg7[%swap3A_292, %swap3A_293, %swap3A_294], %swap3A_297 {strides = array<i32>} : memref<16x128x512xf32, #tpu.memory_space<vmem>>, vector<16x1x256xf32>,
      %get3A_298 = arith.index_cast %select_n3A_31 : i32 to index
      %get3A_299 = arith.constant 128 : index
      %get3A_300 = arith.constant 0 : index
      %get3A_301 = vector.load %arg9[%get3A_298, %get3A_299, %get3A_300] : memref<2x2048x512xf32, #tpu.memory_space<vmem>>, vector<1x16x512xf32>
      %get3A_302 = vector.shape_cast %get3A_301 : vector<1x16x512xf32> to vector<16x512xf32>
      %slice3A_303 = vector.extract_strided_slice %get3A_302 {offsets = [0, 0], sizes = [16, 256], strides = [1, 1]} : vector<16x512xf32> to vector<16x256xf32>
      %dot_general3A_304 = arith.constant dense<0.000000e+00> : vector<16x256xf32>
      %dot_general3A_305 = tpu.matmul %tanh3A_284, %get3A_11, %dot_general3A_304 {dimension_numbers = #tpu.dot_dimension_numbers<[1], [0], [0], [1], [0, 0, 1, 1], [], []>, transpose_lhs_hint = false} : vector<16x256xf32>, vector<256x256xf32>, vector<16x256xf32> -> vector<16x256xf32>
      %add3A_306 = arith.addf %slice3A_303, %dot_general3A_305 : vector<16x256xf32>
      %dot_general3A_307 = arith.constant dense<0.000000e+00> : vector<16x256xf32>
      %dot_general3A_308 = tpu.matmul %tanh3A_285, %get3A_14, %dot_general3A_307 {dimension_numbers = #tpu.dot_dimension_numbers<[1], [0], [0], [1], [0, 0, 1, 1], [], []>, transpose_lhs_hint = false} : vector<16x256xf32>, vector<256x256xf32>, vector<16x256xf32> -> vector<16x256xf32>
      %add3A_309 = arith.addf %add3A_306, %dot_general3A_308 : vector<16x256xf32>
      %slice3A_310 = vector.extract_strided_slice %get3A_302 {offsets = [0, 256], sizes = [16, 256], strides = [1, 1]} : vector<16x512xf32> to vector<16x256xf32>
      %dot_general3A_311 = arith.constant dense<0.000000e+00> : vector<16x256xf32>
      %dot_general3A_312 = tpu.matmul %tanh3A_284, %get3A_17, %dot_general3A_311 {dimension_numbers = #tpu.dot_dimension_numbers<[1], [0], [0], [1], [0, 0, 1, 1], [], []>, transpose_lhs_hint = false} : vector<16x256xf32>, vector<256x256xf32>, vector<16x256xf32> -> vector<16x256xf32>
      %add3A_313 = arith.addf %slice3A_310, %dot_general3A_312 : vector<16x256xf32>
      %dot_general3A_314 = arith.constant dense<0.000000e+00> : vector<16x256xf32>
      %dot_general3A_315 = tpu.matmul %tanh3A_285, %get3A_20, %dot_general3A_314 {dimension_numbers = #tpu.dot_dimension_numbers<[1], [0], [0], [1], [0, 0, 1, 1], [], []>, transpose_lhs_hint = false} : vector<16x256xf32>, vector<256x256xf32>, vector<16x256xf32> -> vector<16x256xf32>
      %add3A_316 = arith.addf %add3A_313, %dot_general3A_315 : vector<16x256xf32>
      %tanh3A_317 = math.tanh %add3A_309 : vector<16x256xf32>
      %tanh3A_318 = math.tanh %add3A_316 : vector<16x256xf32>
      %swap3A_319 = arith.constant 0 : index
      %swap3A_320 = arith.constant 8 : index
      %swap3A_321 = arith.constant 0 : index
      %swap3A_322 = vector.load %arg7[%swap3A_319, %swap3A_320, %swap3A_321] : memref<16x128x512xf32, #tpu.memory_space<vmem>>, vector<16x1x256xf32>
      %swap3A_323 = vector.shape_cast %swap3A_322 : vector<16x1x256xf32> to vector<16x256xf32>
      %swap3A_324 = vector.shape_cast %tanh3A_317 : vector<16x256xf32> to vector<16x1x256xf32>
      tpu.vector_store %arg7[%swap3A_319, %swap3A_320, %swap3A_321], %swap3A_324 {strides = array<i32>} : memref<16x128x512xf32, #tpu.memory_space<vmem>>, vector<16x1x256xf32>,
      %swap3A_325 = arith.constant 0 : index
      %swap3A_326 = arith.constant 8 : index
      %swap3A_327 = arith.constant 256 : index
      %swap3A_328 = vector.load %arg7[%swap3A_325, %swap3A_326, %swap3A_327] : memref<16x128x512xf32, #tpu.memory_space<vmem>>, vector<16x1x256xf32>
      %swap3A_329 = vector.shape_cast %swap3A_328 : vector<16x1x256xf32> to vector<16x256xf32>
      %swap3A_330 = vector.shape_cast %tanh3A_318 : vector<16x256xf32> to vector<16x1x256xf32>
      tpu.vector_store %arg7[%swap3A_325, %swap3A_326, %swap3A_327], %swap3A_330 {strides = array<i32>} : memref<16x128x512xf32, #tpu.memory_space<vmem>>, vector<16x1x256xf32>,
      %get3A_331 = arith.index_cast %select_n3A_31 : i32 to index
      %get3A_332 = arith.constant 144 : index
      %get3A_333 = arith.constant 0 : index
      %get3A_334 = vector.load %arg9[%get3A_331, %get3A_332, %get3A_333] : memref<2x2048x512xf32, #tpu.memory_space<vmem>>, vector<1x16x512xf32>
      %get3A_335 = vector.shape_cast %get3A_334 : vector<1x16x512xf32> to vector<16x512xf32>
      %slice3A_336 = vector.extract_strided_slice %get3A_335 {offsets = [0, 0], sizes = [16, 256], strides = [1, 1]} : vector<16x512xf32> to vector<16x256xf32>
      %dot_general3A_337 = arith.constant dense<0.000000e+00> : vector<16x256xf32>
      %dot_general3A_338 = tpu.matmul %tanh3A_317, %get3A_11, %dot_general3A_337 {dimension_numbers = #tpu.dot_dimension_numbers<[1], [0], [0], [1], [0, 0, 1, 1], [], []>, transpose_lhs_hint = false} : vector<16x256xf32>, vector<256x256xf32>, vector<16x256xf32> -> vector<16x256xf32>
      %add3A_339 = arith.addf %slice3A_336, %dot_general3A_338 : vector<16x256xf32>
      %dot_general3A_340 = arith.constant dense<0.000000e+00> : vector<16x256xf32>
      %dot_general3A_341 = tpu.matmul %tanh3A_318, %get3A_14, %dot_general3A_340 {dimension_numbers = #tpu.dot_dimension_numbers<[1], [0], [0], [1], [0, 0, 1, 1], [], []>, transpose_lhs_hint = false} : vector<16x256xf32>, vector<256x256xf32>, vector<16x256xf32> -> vector<16x256xf32>
      %add3A_342 = arith.addf %add3A_339, %dot_general3A_341 : vector<16x256xf32>
      %slice3A_343 = vector.extract_strided_slice %get3A_335 {offsets = [0, 256], sizes = [16, 256], strides = [1, 1]} : vector<16x512xf32> to vector<16x256xf32>
      %dot_general3A_344 = arith.constant dense<0.000000e+00> : vector<16x256xf32>
      %dot_general3A_345 = tpu.matmul %tanh3A_317, %get3A_17, %dot_general3A_344 {dimension_numbers = #tpu.dot_dimension_numbers<[1], [0], [0], [1], [0, 0, 1, 1], [], []>, transpose_lhs_hint = false} : vector<16x256xf32>, vector<256x256xf32>, vector<16x256xf32> -> vector<16x256xf32>
      %add3A_346 = arith.addf %slice3A_343, %dot_general3A_345 : vector<16x256xf32>
      %dot_general3A_347 = arith.constant dense<0.000000e+00> : vector<16x256xf32>
      %dot_general3A_348 = tpu.matmul %tanh3A_318, %get3A_20, %dot_general3A_347 {dimension_numbers = #tpu.dot_dimension_numbers<[1], [0], [0], [1], [0, 0, 1, 1], [], []>, transpose_lhs_hint = false} : vector<16x256xf32>, vector<256x256xf32>, vector<16x256xf32> -> vector<16x256xf32>
      %add3A_349 = arith.addf %add3A_346, %dot_general3A_348 : vector<16x256xf32>
      %tanh3A_350 = math.tanh %add3A_342 : vector<16x256xf32>
      %tanh3A_351 = math.tanh %add3A_349 : vector<16x256xf32>
      %swap3A_352 = arith.constant 0 : index
      %swap3A_353 = arith.constant 9 : index
      %swap3A_354 = arith.constant 0 : index
      %swap3A_355 = vector.load %arg7[%swap3A_352, %swap3A_353, %swap3A_354] : memref<16x128x512xf32, #tpu.memory_space<vmem>>, vector<16x1x256xf32>
      %swap3A_356 = vector.shape_cast %swap3A_355 : vector<16x1x256xf32> to vector<16x256xf32>
      %swap3A_357 = vector.shape_cast %tanh3A_350 : vector<16x256xf32> to vector<16x1x256xf32>
      tpu.vector_store %arg7[%swap3A_352, %swap3A_353, %swap3A_354], %swap3A_357 {strides = array<i32>} : memref<16x128x512xf32, #tpu.memory_space<vmem>>, vector<16x1x256xf32>,
      %swap3A_358 = arith.constant 0 : index
      %swap3A_359 = arith.constant 9 : index
      %swap3A_360 = arith.constant 256 : index
      %swap3A_361 = vector.load %arg7[%swap3A_358, %swap3A_359, %swap3A_360] : memref<16x128x512xf32, #tpu.memory_space<vmem>>, vector<16x1x256xf32>
      %swap3A_362 = vector.shape_cast %swap3A_361 : vector<16x1x256xf32> to vector<16x256xf32>
      %swap3A_363 = vector.shape_cast %tanh3A_351 : vector<16x256xf32> to vector<16x1x256xf32>
      tpu.vector_store %arg7[%swap3A_358, %swap3A_359, %swap3A_360], %swap3A_363 {strides = array<i32>} : memref<16x128x512xf32, #tpu.memory_space<vmem>>, vector<16x1x256xf32>,
      %get3A_364 = arith.index_cast %select_n3A_31 : i32 to index
      %get3A_365 = arith.constant 160 : index
      %get3A_366 = arith.constant 0 : index
      %get3A_367 = vector.load %arg9[%get3A_364, %get3A_365, %get3A_366] : memref<2x2048x512xf32, #tpu.memory_space<vmem>>, vector<1x16x512xf32>
      %get3A_368 = vector.shape_cast %get3A_367 : vector<1x16x512xf32> to vector<16x512xf32>
      %slice3A_369 = vector.extract_strided_slice %get3A_368 {offsets = [0, 0], sizes = [16, 256], strides = [1, 1]} : vector<16x512xf32> to vector<16x256xf32>
      %dot_general3A_370 = arith.constant dense<0.000000e+00> : vector<16x256xf32>
      %dot_general3A_371 = tpu.matmul %tanh3A_350, %get3A_11, %dot_general3A_370 {dimension_numbers = #tpu.dot_dimension_numbers<[1], [0], [0], [1], [0, 0, 1, 1], [], []>, transpose_lhs_hint = false} : vector<16x256xf32>, vector<256x256xf32>, vector<16x256xf32> -> vector<16x256xf32>
      %add3A_372 = arith.addf %slice3A_369, %dot_general3A_371 : vector<16x256xf32>
      %dot_general3A_373 = arith.constant dense<0.000000e+00> : vector<16x256xf32>
      %dot_general3A_374 = tpu.matmul %tanh3A_351, %get3A_14, %dot_general3A_373 {dimension_numbers = #tpu.dot_dimension_numbers<[1], [0], [0], [1], [0, 0, 1, 1], [], []>, transpose_lhs_hint = false} : vector<16x256xf32>, vector<256x256xf32>, vector<16x256xf32> -> vector<16x256xf32>
      %add3A_375 = arith.addf %add3A_372, %dot_general3A_374 : vector<16x256xf32>
      %slice3A_376 = vector.extract_strided_slice %get3A_368 {offsets = [0, 256], sizes = [16, 256], strides = [1, 1]} : vector<16x512xf32> to vector<16x256xf32>
      %dot_general3A_377 = arith.constant dense<0.000000e+00> : vector<16x256xf32>
      %dot_general3A_378 = tpu.matmul %tanh3A_350, %get3A_17, %dot_general3A_377 {dimension_numbers = #tpu.dot_dimension_numbers<[1], [0], [0], [1], [0, 0, 1, 1], [], []>, transpose_lhs_hint = false} : vector<16x256xf32>, vector<256x256xf32>, vector<16x256xf32> -> vector<16x256xf32>
      %add3A_379 = arith.addf %slice3A_376, %dot_general3A_378 : vector<16x256xf32>
      %dot_general3A_380 = arith.constant dense<0.000000e+00> : vector<16x256xf32>
      %dot_general3A_381 = tpu.matmul %tanh3A_351, %get3A_20, %dot_general3A_380 {dimension_numbers = #tpu.dot_dimension_numbers<[1], [0], [0], [1], [0, 0, 1, 1], [], []>, transpose_lhs_hint = false} : vector<16x256xf32>, vector<256x256xf32>, vector<16x256xf32> -> vector<16x256xf32>
      %add3A_382 = arith.addf %add3A_379, %dot_general3A_381 : vector<16x256xf32>
      %tanh3A_383 = math.tanh %add3A_375 : vector<16x256xf32>
      %tanh3A_384 = math.tanh %add3A_382 : vector<16x256xf32>
      %swap3A_385 = arith.constant 0 : index
      %swap3A_386 = arith.constant 10 : index
      %swap3A_387 = arith.constant 0 : index
      %swap3A_388 = vector.load %arg7[%swap3A_385, %swap3A_386, %swap3A_387] : memref<16x128x512xf32, #tpu.memory_space<vmem>>, vector<16x1x256xf32>
      %swap3A_389 = vector.shape_cast %swap3A_388 : vector<16x1x256xf32> to vector<16x256xf32>
      %swap3A_390 = vector.shape_cast %tanh3A_383 : vector<16x256xf32> to vector<16x1x256xf32>
      tpu.vector_store %arg7[%swap3A_385, %swap3A_386, %swap3A_387], %swap3A_390 {strides = array<i32>} : memref<16x128x512xf32, #tpu.memory_space<vmem>>, vector<16x1x256xf32>,
      %swap3A_391 = arith.constant 0 : index
      %swap3A_392 = arith.constant 10 : index
      %swap3A_393 = arith.constant 256 : index
      %swap3A_394 = vector.load %arg7[%swap3A_391, %swap3A_392, %swap3A_393] : memref<16x128x512xf32, #tpu.memory_space<vmem>>, vector<16x1x256xf32>
      %swap3A_395 = vector.shape_cast %swap3A_394 : vector<16x1x256xf32> to vector<16x256xf32>
      %swap3A_396 = vector.shape_cast %tanh3A_384 : vector<16x256xf32> to vector<16x1x256xf32>
      tpu.vector_store %arg7[%swap3A_391, %swap3A_392, %swap3A_393], %swap3A_396 {strides = array<i32>} : memref<16x128x512xf32, #tpu.memory_space<vmem>>, vector<16x1x256xf32>,
      %get3A_397 = arith.index_cast %select_n3A_31 : i32 to index
      %get3A_398 = arith.constant 176 : index
      %get3A_399 = arith.constant 0 : index
      %get3A_400 = vector.load %arg9[%get3A_397, %get3A_398, %get3A_399] : memref<2x2048x512xf32, #tpu.memory_space<vmem>>, vector<1x16x512xf32>
      %get3A_401 = vector.shape_cast %get3A_400 : vector<1x16x512xf32> to vector<16x512xf32>
      %slice3A_402 = vector.extract_strided_slice %get3A_401 {offsets = [0, 0], sizes = [16, 256], strides = [1, 1]} : vector<16x512xf32> to vector<16x256xf32>
      %dot_general3A_403 = arith.constant dense<0.000000e+00> : vector<16x256xf32>
      %dot_general3A_404 = tpu.matmul %tanh3A_383, %get3A_11, %dot_general3A_403 {dimension_numbers = #tpu.dot_dimension_numbers<[1], [0], [0], [1], [0, 0, 1, 1], [], []>, transpose_lhs_hint = false} : vector<16x256xf32>, vector<256x256xf32>, vector<16x256xf32> -> vector<16x256xf32>
      %add3A_405 = arith.addf %slice3A_402, %dot_general3A_404 : vector<16x256xf32>
      %dot_general3A_406 = arith.constant dense<0.000000e+00> : vector<16x256xf32>
      %dot_general3A_407 = tpu.matmul %tanh3A_384, %get3A_14, %dot_general3A_406 {dimension_numbers = #tpu.dot_dimension_numbers<[1], [0], [0], [1], [0, 0, 1, 1], [], []>, transpose_lhs_hint = false} : vector<16x256xf32>, vector<256x256xf32>, vector<16x256xf32> -> vector<16x256xf32>
      %add3A_408 = arith.addf %add3A_405, %dot_general3A_407 : vector<16x256xf32>
      %slice3A_409 = vector.extract_strided_slice %get3A_401 {offsets = [0, 256], sizes = [16, 256], strides = [1, 1]} : vector<16x512xf32> to vector<16x256xf32>
      %dot_general3A_410 = arith.constant dense<0.000000e+00> : vector<16x256xf32>
      %dot_general3A_411 = tpu.matmul %tanh3A_383, %get3A_17, %dot_general3A_410 {dimension_numbers = #tpu.dot_dimension_numbers<[1], [0], [0], [1], [0, 0, 1, 1], [], []>, transpose_lhs_hint = false} : vector<16x256xf32>, vector<256x256xf32>, vector<16x256xf32> -> vector<16x256xf32>
      %add3A_412 = arith.addf %slice3A_409, %dot_general3A_411 : vector<16x256xf32>
      %dot_general3A_413 = arith.constant dense<0.000000e+00> : vector<16x256xf32>
      %dot_general3A_414 = tpu.matmul %tanh3A_384, %get3A_20, %dot_general3A_413 {dimension_numbers = #tpu.dot_dimension_numbers<[1], [0], [0], [1], [0, 0, 1, 1], [], []>, transpose_lhs_hint = false} : vector<16x256xf32>, vector<256x256xf32>, vector<16x256xf32> -> vector<16x256xf32>
      %add3A_415 = arith.addf %add3A_412, %dot_general3A_414 : vector<16x256xf32>
      %tanh3A_416 = math.tanh %add3A_408 : vector<16x256xf32>
      %tanh3A_417 = math.tanh %add3A_415 : vector<16x256xf32>
      %swap3A_418 = arith.constant 0 : index
      %swap3A_419 = arith.constant 11 : index
      %swap3A_420 = arith.constant 0 : index
      %swap3A_421 = vector.load %arg7[%swap3A_418, %swap3A_419, %swap3A_420] : memref<16x128x512xf32, #tpu.memory_space<vmem>>, vector<16x1x256xf32>
      %swap3A_422 = vector.shape_cast %swap3A_421 : vector<16x1x256xf32> to vector<16x256xf32>
      %swap3A_423 = vector.shape_cast %tanh3A_416 : vector<16x256xf32> to vector<16x1x256xf32>
      tpu.vector_store %arg7[%swap3A_418, %swap3A_419, %swap3A_420], %swap3A_423 {strides = array<i32>} : memref<16x128x512xf32, #tpu.memory_space<vmem>>, vector<16x1x256xf32>,
      %swap3A_424 = arith.constant 0 : index
      %swap3A_425 = arith.constant 11 : index
      %swap3A_426 = arith.constant 256 : index
      %swap3A_427 = vector.load %arg7[%swap3A_424, %swap3A_425, %swap3A_426] : memref<16x128x512xf32, #tpu.memory_space<vmem>>, vector<16x1x256xf32>
      %swap3A_428 = vector.shape_cast %swap3A_427 : vector<16x1x256xf32> to vector<16x256xf32>
      %swap3A_429 = vector.shape_cast %tanh3A_417 : vector<16x256xf32> to vector<16x1x256xf32>
      tpu.vector_store %arg7[%swap3A_424, %swap3A_425, %swap3A_426], %swap3A_429 {strides = array<i32>} : memref<16x128x512xf32, #tpu.memory_space<vmem>>, vector<16x1x256xf32>,
      %get3A_430 = arith.index_cast %select_n3A_31 : i32 to index
      %get3A_431 = arith.constant 192 : index
      %get3A_432 = arith.constant 0 : index
      %get3A_433 = vector.load %arg9[%get3A_430, %get3A_431, %get3A_432] : memref<2x2048x512xf32, #tpu.memory_space<vmem>>, vector<1x16x512xf32>
      %get3A_434 = vector.shape_cast %get3A_433 : vector<1x16x512xf32> to vector<16x512xf32>
      %slice3A_435 = vector.extract_strided_slice %get3A_434 {offsets = [0, 0], sizes = [16, 256], strides = [1, 1]} : vector<16x512xf32> to vector<16x256xf32>
      %dot_general3A_436 = arith.constant dense<0.000000e+00> : vector<16x256xf32>
      %dot_general3A_437 = tpu.matmul %tanh3A_416, %get3A_11, %dot_general3A_436 {dimension_numbers = #tpu.dot_dimension_numbers<[1], [0], [0], [1], [0, 0, 1, 1], [], []>, transpose_lhs_hint = false} : vector<16x256xf32>, vector<256x256xf32>, vector<16x256xf32> -> vector<16x256xf32>
      %add3A_438 = arith.addf %slice3A_435, %dot_general3A_437 : vector<16x256xf32>
      %dot_general3A_439 = arith.constant dense<0.000000e+00> : vector<16x256xf32>
      %dot_general3A_440 = tpu.matmul %tanh3A_417, %get3A_14, %dot_general3A_439 {dimension_numbers = #tpu.dot_dimension_numbers<[1], [0], [0], [1], [0, 0, 1, 1], [], []>, transpose_lhs_hint = false} : vector<16x256xf32>, vector<256x256xf32>, vector<16x256xf32> -> vector<16x256xf32>
      %add3A_441 = arith.addf %add3A_438, %dot_general3A_440 : vector<16x256xf32>
      %slice3A_442 = vector.extract_strided_slice %get3A_434 {offsets = [0, 256], sizes = [16, 256], strides = [1, 1]} : vector<16x512xf32> to vector<16x256xf32>
      %dot_general3A_443 = arith.constant dense<0.000000e+00> : vector<16x256xf32>
      %dot_general3A_444 = tpu.matmul %tanh3A_416, %get3A_17, %dot_general3A_443 {dimension_numbers = #tpu.dot_dimension_numbers<[1], [0], [0], [1], [0, 0, 1, 1], [], []>, transpose_lhs_hint = false} : vector<16x256xf32>, vector<256x256xf32>, vector<16x256xf32> -> vector<16x256xf32>
      %add3A_445 = arith.addf %slice3A_442, %dot_general3A_444 : vector<16x256xf32>
      %dot_general3A_446 = arith.constant dense<0.000000e+00> : vector<16x256xf32>
      %dot_general3A_447 = tpu.matmul %tanh3A_417, %get3A_20, %dot_general3A_446 {dimension_numbers = #tpu.dot_dimension_numbers<[1], [0], [0], [1], [0, 0, 1, 1], [], []>, transpose_lhs_hint = false} : vector<16x256xf32>, vector<256x256xf32>, vector<16x256xf32> -> vector<16x256xf32>
      %add3A_448 = arith.addf %add3A_445, %dot_general3A_447 : vector<16x256xf32>
      %tanh3A_449 = math.tanh %add3A_441 : vector<16x256xf32>
      %tanh3A_450 = math.tanh %add3A_448 : vector<16x256xf32>
      %swap3A_451 = arith.constant 0 : index
      %swap3A_452 = arith.constant 12 : index
      %swap3A_453 = arith.constant 0 : index
      %swap3A_454 = vector.load %arg7[%swap3A_451, %swap3A_452, %swap3A_453] : memref<16x128x512xf32, #tpu.memory_space<vmem>>, vector<16x1x256xf32>
      %swap3A_455 = vector.shape_cast %swap3A_454 : vector<16x1x256xf32> to vector<16x256xf32>
      %swap3A_456 = vector.shape_cast %tanh3A_449 : vector<16x256xf32> to vector<16x1x256xf32>
      tpu.vector_store %arg7[%swap3A_451, %swap3A_452, %swap3A_453], %swap3A_456 {strides = array<i32>} : memref<16x128x512xf32, #tpu.memory_space<vmem>>, vector<16x1x256xf32>,
      %swap3A_457 = arith.constant 0 : index
      %swap3A_458 = arith.constant 12 : index
      %swap3A_459 = arith.constant 256 : index
      %swap3A_460 = vector.load %arg7[%swap3A_457, %swap3A_458, %swap3A_459] : memref<16x128x512xf32, #tpu.memory_space<vmem>>, vector<16x1x256xf32>
      %swap3A_461 = vector.shape_cast %swap3A_460 : vector<16x1x256xf32> to vector<16x256xf32>
      %swap3A_462 = vector.shape_cast %tanh3A_450 : vector<16x256xf32> to vector<16x1x256xf32>
      tpu.vector_store %arg7[%swap3A_457, %swap3A_458, %swap3A_459], %swap3A_462 {strides = array<i32>} : memref<16x128x512xf32, #tpu.memory_space<vmem>>, vector<16x1x256xf32>,
      %get3A_463 = arith.index_cast %select_n3A_31 : i32 to index
      %get3A_464 = arith.constant 208 : index
      %get3A_465 = arith.constant 0 : index
      %get3A_466 = vector.load %arg9[%get3A_463, %get3A_464, %get3A_465] : memref<2x2048x512xf32, #tpu.memory_space<vmem>>, vector<1x16x512xf32>
      %get3A_467 = vector.shape_cast %get3A_466 : vector<1x16x512xf32> to vector<16x512xf32>
      %slice3A_468 = vector.extract_strided_slice %get3A_467 {offsets = [0, 0], sizes = [16, 256], strides = [1, 1]} : vector<16x512xf32> to vector<16x256xf32>
      %dot_general3A_469 = arith.constant dense<0.000000e+00> : vector<16x256xf32>
      %dot_general3A_470 = tpu.matmul %tanh3A_449, %get3A_11, %dot_general3A_469 {dimension_numbers = #tpu.dot_dimension_numbers<[1], [0], [0], [1], [0, 0, 1, 1], [], []>, transpose_lhs_hint = false} : vector<16x256xf32>, vector<256x256xf32>, vector<16x256xf32> -> vector<16x256xf32>
      %add3A_471 = arith.addf %slice3A_468, %dot_general3A_470 : vector<16x256xf32>
      %dot_general3A_472 = arith.constant dense<0.000000e+00> : vector<16x256xf32>
      %dot_general3A_473 = tpu.matmul %tanh3A_450, %get3A_14, %dot_general3A_472 {dimension_numbers = #tpu.dot_dimension_numbers<[1], [0], [0], [1], [0, 0, 1, 1], [], []>, transpose_lhs_hint = false} : vector<16x256xf32>, vector<256x256xf32>, vector<16x256xf32> -> vector<16x256xf32>
      %add3A_474 = arith.addf %add3A_471, %dot_general3A_473 : vector<16x256xf32>
      %slice3A_475 = vector.extract_strided_slice %get3A_467 {offsets = [0, 256], sizes = [16, 256], strides = [1, 1]} : vector<16x512xf32> to vector<16x256xf32>
      %dot_general3A_476 = arith.constant dense<0.000000e+00> : vector<16x256xf32>
      %dot_general3A_477 = tpu.matmul %tanh3A_449, %get3A_17, %dot_general3A_476 {dimension_numbers = #tpu.dot_dimension_numbers<[1], [0], [0], [1], [0, 0, 1, 1], [], []>, transpose_lhs_hint = false} : vector<16x256xf32>, vector<256x256xf32>, vector<16x256xf32> -> vector<16x256xf32>
      %add3A_478 = arith.addf %slice3A_475, %dot_general3A_477 : vector<16x256xf32>
      %dot_general3A_479 = arith.constant dense<0.000000e+00> : vector<16x256xf32>
      %dot_general3A_480 = tpu.matmul %tanh3A_450, %get3A_20, %dot_general3A_479 {dimension_numbers = #tpu.dot_dimension_numbers<[1], [0], [0], [1], [0, 0, 1, 1], [], []>, transpose_lhs_hint = false} : vector<16x256xf32>, vector<256x256xf32>, vector<16x256xf32> -> vector<16x256xf32>
      %add3A_481 = arith.addf %add3A_478, %dot_general3A_480 : vector<16x256xf32>
      %tanh3A_482 = math.tanh %add3A_474 : vector<16x256xf32>
      %tanh3A_483 = math.tanh %add3A_481 : vector<16x256xf32>
      %swap3A_484 = arith.constant 0 : index
      %swap3A_485 = arith.constant 13 : index
      %swap3A_486 = arith.constant 0 : index
      %swap3A_487 = vector.load %arg7[%swap3A_484, %swap3A_485, %swap3A_486] : memref<16x128x512xf32, #tpu.memory_space<vmem>>, vector<16x1x256xf32>
      %swap3A_488 = vector.shape_cast %swap3A_487 : vector<16x1x256xf32> to vector<16x256xf32>
      %swap3A_489 = vector.shape_cast %tanh3A_482 : vector<16x256xf32> to vector<16x1x256xf32>
      tpu.vector_store %arg7[%swap3A_484, %swap3A_485, %swap3A_486], %swap3A_489 {strides = array<i32>} : memref<16x128x512xf32, #tpu.memory_space<vmem>>, vector<16x1x256xf32>,
      %swap3A_490 = arith.constant 0 : index
      %swap3A_491 = arith.constant 13 : index
      %swap3A_492 = arith.constant 256 : index
      %swap3A_493 = vector.load %arg7[%swap3A_490, %swap3A_491, %swap3A_492] : memref<16x128x512xf32, #tpu.memory_space<vmem>>, vector<16x1x256xf32>
      %swap3A_494 = vector.shape_cast %swap3A_493 : vector<16x1x256xf32> to vector<16x256xf32>
      %swap3A_495 = vector.shape_cast %tanh3A_483 : vector<16x256xf32> to vector<16x1x256xf32>
      tpu.vector_store %arg7[%swap3A_490, %swap3A_491, %swap3A_492], %swap3A_495 {strides = array<i32>} : memref<16x128x512xf32, #tpu.memory_space<vmem>>, vector<16x1x256xf32>,
      %get3A_496 = arith.index_cast %select_n3A_31 : i32 to index
      %get3A_497 = arith.constant 224 : index
      %get3A_498 = arith.constant 0 : index
      %get3A_499 = vector.load %arg9[%get3A_496, %get3A_497, %get3A_498] : memref<2x2048x512xf32, #tpu.memory_space<vmem>>, vector<1x16x512xf32>
      %get3A_500 = vector.shape_cast %get3A_499 : vector<1x16x512xf32> to vector<16x512xf32>
      %slice3A_501 = vector.extract_strided_slice %get3A_500 {offsets = [0, 0], sizes = [16, 256], strides = [1, 1]} : vector<16x512xf32> to vector<16x256xf32>
      %dot_general3A_502 = arith.constant dense<0.000000e+00> : vector<16x256xf32>
      %dot_general3A_503 = tpu.matmul %tanh3A_482, %get3A_11, %dot_general3A_502 {dimension_numbers = #tpu.dot_dimension_numbers<[1], [0], [0], [1], [0, 0, 1, 1], [], []>, transpose_lhs_hint = false} : vector<16x256xf32>, vector<256x256xf32>, vector<16x256xf32> -> vector<16x256xf32>
      %add3A_504 = arith.addf %slice3A_501, %dot_general3A_503 : vector<16x256xf32>
      %dot_general3A_505 = arith.constant dense<0.000000e+00> : vector<16x256xf32>
      %dot_general3A_506 = tpu.matmul %tanh3A_483, %get3A_14, %dot_general3A_505 {dimension_numbers = #tpu.dot_dimension_numbers<[1], [0], [0], [1], [0, 0, 1, 1], [], []>, transpose_lhs_hint = false} : vector<16x256xf32>, vector<256x256xf32>, vector<16x256xf32> -> vector<16x256xf32>
      %add3A_507 = arith.addf %add3A_504, %dot_general3A_506 : vector<16x256xf32>
      %slice3A_508 = vector.extract_strided_slice %get3A_500 {offsets = [0, 256], sizes = [16, 256], strides = [1, 1]} : vector<16x512xf32> to vector<16x256xf32>
      %dot_general3A_509 = arith.constant dense<0.000000e+00> : vector<16x256xf32>
      %dot_general3A_510 = tpu.matmul %tanh3A_482, %get3A_17, %dot_general3A_509 {dimension_numbers = #tpu.dot_dimension_numbers<[1], [0], [0], [1], [0, 0, 1, 1], [], []>, transpose_lhs_hint = false} : vector<16x256xf32>, vector<256x256xf32>, vector<16x256xf32> -> vector<16x256xf32>
      %add3A_511 = arith.addf %slice3A_508, %dot_general3A_510 : vector<16x256xf32>
      %dot_general3A_512 = arith.constant dense<0.000000e+00> : vector<16x256xf32>
      %dot_general3A_513 = tpu.matmul %tanh3A_483, %get3A_20, %dot_general3A_512 {dimension_numbers = #tpu.dot_dimension_numbers<[1], [0], [0], [1], [0, 0, 1, 1], [], []>, transpose_lhs_hint = false} : vector<16x256xf32>, vector<256x256xf32>, vector<16x256xf32> -> vector<16x256xf32>
      %add3A_514 = arith.addf %add3A_511, %dot_general3A_513 : vector<16x256xf32>
      %tanh3A_515 = math.tanh %add3A_507 : vector<16x256xf32>
      %tanh3A_516 = math.tanh %add3A_514 : vector<16x256xf32>
      %swap3A_517 = arith.constant 0 : index
      %swap3A_518 = arith.constant 14 : index
      %swap3A_519 = arith.constant 0 : index
      %swap3A_520 = vector.load %arg7[%swap3A_517, %swap3A_518, %swap3A_519] : memref<16x128x512xf32, #tpu.memory_space<vmem>>, vector<16x1x256xf32>
      %swap3A_521 = vector.shape_cast %swap3A_520 : vector<16x1x256xf32> to vector<16x256xf32>
      %swap3A_522 = vector.shape_cast %tanh3A_515 : vector<16x256xf32> to vector<16x1x256xf32>
      tpu.vector_store %arg7[%swap3A_517, %swap3A_518, %swap3A_519], %swap3A_522 {strides = array<i32>} : memref<16x128x512xf32, #tpu.memory_space<vmem>>, vector<16x1x256xf32>,
      %swap3A_523 = arith.constant 0 : index
      %swap3A_524 = arith.constant 14 : index
      %swap3A_525 = arith.constant 256 : index
      %swap3A_526 = vector.load %arg7[%swap3A_523, %swap3A_524, %swap3A_525] : memref<16x128x512xf32, #tpu.memory_space<vmem>>, vector<16x1x256xf32>
      %swap3A_527 = vector.shape_cast %swap3A_526 : vector<16x1x256xf32> to vector<16x256xf32>
      %swap3A_528 = vector.shape_cast %tanh3A_516 : vector<16x256xf32> to vector<16x1x256xf32>
      tpu.vector_store %arg7[%swap3A_523, %swap3A_524, %swap3A_525], %swap3A_528 {strides = array<i32>} : memref<16x128x512xf32, #tpu.memory_space<vmem>>, vector<16x1x256xf32>,
      %get3A_529 = arith.index_cast %select_n3A_31 : i32 to index
      %get3A_530 = arith.constant 240 : index
      %get3A_531 = arith.constant 0 : index
      %get3A_532 = vector.load %arg9[%get3A_529, %get3A_530, %get3A_531] : memref<2x2048x512xf32, #tpu.memory_space<vmem>>, vector<1x16x512xf32>
      %get3A_533 = vector.shape_cast %get3A_532 : vector<1x16x512xf32> to vector<16x512xf32>
      %slice3A_534 = vector.extract_strided_slice %get3A_533 {offsets = [0, 0], sizes = [16, 256], strides = [1, 1]} : vector<16x512xf32> to vector<16x256xf32>
      %dot_general3A_535 = arith.constant dense<0.000000e+00> : vector<16x256xf32>
      %dot_general3A_536 = tpu.matmul %tanh3A_515, %get3A_11, %dot_general3A_535 {dimension_numbers = #tpu.dot_dimension_numbers<[1], [0], [0], [1], [0, 0, 1, 1], [], []>, transpose_lhs_hint = false} : vector<16x256xf32>, vector<256x256xf32>, vector<16x256xf32> -> vector<16x256xf32>
      %add3A_537 = arith.addf %slice3A_534, %dot_general3A_536 : vector<16x256xf32>
      %dot_general3A_538 = arith.constant dense<0.000000e+00> : vector<16x256xf32>
      %dot_general3A_539 = tpu.matmul %tanh3A_516, %get3A_14, %dot_general3A_538 {dimension_numbers = #tpu.dot_dimension_numbers<[1], [0], [0], [1], [0, 0, 1, 1], [], []>, transpose_lhs_hint = false} : vector<16x256xf32>, vector<256x256xf32>, vector<16x256xf32> -> vector<16x256xf32>
      %add3A_540 = arith.addf %add3A_537, %dot_general3A_539 : vector<16x256xf32>
      %slice3A_541 = vector.extract_strided_slice %get3A_533 {offsets = [0, 256], sizes = [16, 256], strides = [1, 1]} : vector<16x512xf32> to vector<16x256xf32>
      %dot_general3A_542 = arith.constant dense<0.000000e+00> : vector<16x256xf32>
      %dot_general3A_543 = tpu.matmul %tanh3A_515, %get3A_17, %dot_general3A_542 {dimension_numbers = #tpu.dot_dimension_numbers<[1], [0], [0], [1], [0, 0, 1, 1], [], []>, transpose_lhs_hint = false} : vector<16x256xf32>, vector<256x256xf32>, vector<16x256xf32> -> vector<16x256xf32>
      %add3A_544 = arith.addf %slice3A_541, %dot_general3A_543 : vector<16x256xf32>
      %dot_general3A_545 = arith.constant dense<0.000000e+00> : vector<16x256xf32>
      %dot_general3A_546 = tpu.matmul %tanh3A_516, %get3A_20, %dot_general3A_545 {dimension_numbers = #tpu.dot_dimension_numbers<[1], [0], [0], [1], [0, 0, 1, 1], [], []>, transpose_lhs_hint = false} : vector<16x256xf32>, vector<256x256xf32>, vector<16x256xf32> -> vector<16x256xf32>
      %add3A_547 = arith.addf %add3A_544, %dot_general3A_546 : vector<16x256xf32>
      %tanh3A_548 = math.tanh %add3A_540 : vector<16x256xf32>
      %tanh3A_549 = math.tanh %add3A_547 : vector<16x256xf32>
      %swap3A_550 = arith.constant 0 : index
      %swap3A_551 = arith.constant 15 : index
      %swap3A_552 = arith.constant 0 : index
      %swap3A_553 = vector.load %arg7[%swap3A_550, %swap3A_551, %swap3A_552] : memref<16x128x512xf32, #tpu.memory_space<vmem>>, vector<16x1x256xf32>
      %swap3A_554 = vector.shape_cast %swap3A_553 : vector<16x1x256xf32> to vector<16x256xf32>
      %swap3A_555 = vector.shape_cast %tanh3A_548 : vector<16x256xf32> to vector<16x1x256xf32>
      tpu.vector_store %arg7[%swap3A_550, %swap3A_551, %swap3A_552], %swap3A_555 {strides = array<i32>} : memref<16x128x512xf32, #tpu.memory_space<vmem>>, vector<16x1x256xf32>,
      %swap3A_556 = arith.constant 0 : index
      %swap3A_557 = arith.constant 15 : index
      %swap3A_558 = arith.constant 256 : index
      %swap3A_559 = vector.load %arg7[%swap3A_556, %swap3A_557, %swap3A_558] : memref<16x128x512xf32, #tpu.memory_space<vmem>>, vector<16x1x256xf32>
      %swap3A_560 = vector.shape_cast %swap3A_559 : vector<16x1x256xf32> to vector<16x256xf32>
      %swap3A_561 = vector.shape_cast %tanh3A_549 : vector<16x256xf32> to vector<16x1x256xf32>
      tpu.vector_store %arg7[%swap3A_556, %swap3A_557, %swap3A_558], %swap3A_561 {strides = array<i32>} : memref<16x128x512xf32, #tpu.memory_space<vmem>>, vector<16x1x256xf32>,
      %get3A_562 = arith.index_cast %select_n3A_31 : i32 to index
      %get3A_563 = arith.constant 256 : index
      %get3A_564 = arith.constant 0 : index
      %get3A_565 = vector.load %arg9[%get3A_562, %get3A_563, %get3A_564] : memref<2x2048x512xf32, #tpu.memory_space<vmem>>, vector<1x16x512xf32>
      %get3A_566 = vector.shape_cast %get3A_565 : vector<1x16x512xf32> to vector<16x512xf32>
      %slice3A_567 = vector.extract_strided_slice %get3A_566 {offsets = [0, 0], sizes = [16, 256], strides = [1, 1]} : vector<16x512xf32> to vector<16x256xf32>
      %dot_general3A_568 = arith.constant dense<0.000000e+00> : vector<16x256xf32>
      %dot_general3A_569 = tpu.matmul %tanh3A_548, %get3A_11, %dot_general3A_568 {dimension_numbers = #tpu.dot_dimension_numbers<[1], [0], [0], [1], [0, 0, 1, 1], [], []>, transpose_lhs_hint = false} : vector<16x256xf32>, vector<256x256xf32>, vector<16x256xf32> -> vector<16x256xf32>
      %add3A_570 = arith.addf %slice3A_567, %dot_general3A_569 : vector<16x256xf32>
      %dot_general3A_571 = arith.constant dense<0.000000e+00> : vector<16x256xf32>
      %dot_general3A_572 = tpu.matmul %tanh3A_549, %get3A_14, %dot_general3A_571 {dimension_numbers = #tpu.dot_dimension_numbers<[1], [0], [0], [1], [0, 0, 1, 1], [], []>, transpose_lhs_hint = false} : vector<16x256xf32>, vector<256x256xf32>, vector<16x256xf32> -> vector<16x256xf32>
      %add3A_573 = arith.addf %add3A_570, %dot_general3A_572 : vector<16x256xf32>
      %slice3A_574 = vector.extract_strided_slice %get3A_566 {offsets = [0, 256], sizes = [16, 256], strides = [1, 1]} : vector<16x512xf32> to vector<16x256xf32>
      %dot_general3A_575 = arith.constant dense<0.000000e+00> : vector<16x256xf32>
      %dot_general3A_576 = tpu.matmul %tanh3A_548, %get3A_17, %dot_general3A_575 {dimension_numbers = #tpu.dot_dimension_numbers<[1], [0], [0], [1], [0, 0, 1, 1], [], []>, transpose_lhs_hint = false} : vector<16x256xf32>, vector<256x256xf32>, vector<16x256xf32> -> vector<16x256xf32>
      %add3A_577 = arith.addf %slice3A_574, %dot_general3A_576 : vector<16x256xf32>
      %dot_general3A_578 = arith.constant dense<0.000000e+00> : vector<16x256xf32>
      %dot_general3A_579 = tpu.matmul %tanh3A_549, %get3A_20, %dot_general3A_578 {dimension_numbers = #tpu.dot_dimension_numbers<[1], [0], [0], [1], [0, 0, 1, 1], [], []>, transpose_lhs_hint = false} : vector<16x256xf32>, vector<256x256xf32>, vector<16x256xf32> -> vector<16x256xf32>
      %add3A_580 = arith.addf %add3A_577, %dot_general3A_579 : vector<16x256xf32>
      %tanh3A_581 = math.tanh %add3A_573 : vector<16x256xf32>
      %tanh3A_582 = math.tanh %add3A_580 : vector<16x256xf32>
      %swap3A_583 = arith.constant 0 : index
      %swap3A_584 = arith.constant 16 : index
      %swap3A_585 = arith.constant 0 : index
      %swap3A_586 = vector.load %arg7[%swap3A_583, %swap3A_584, %swap3A_585] : memref<16x128x512xf32, #tpu.memory_space<vmem>>, vector<16x1x256xf32>
      %swap3A_587 = vector.shape_cast %swap3A_586 : vector<16x1x256xf32> to vector<16x256xf32>
      %swap3A_588 = vector.shape_cast %tanh3A_581 : vector<16x256xf32> to vector<16x1x256xf32>
      tpu.vector_store %arg7[%swap3A_583, %swap3A_584, %swap3A_585], %swap3A_588 {strides = array<i32>} : memref<16x128x512xf32, #tpu.memory_space<vmem>>, vector<16x1x256xf32>,
      %swap3A_589 = arith.constant 0 : index
      %swap3A_590 = arith.constant 16 : index
      %swap3A_591 = arith.constant 256 : index
      %swap3A_592 = vector.load %arg7[%swap3A_589, %swap3A_590, %swap3A_591] : memref<16x128x512xf32, #tpu.memory_space<vmem>>, vector<16x1x256xf32>
      %swap3A_593 = vector.shape_cast %swap3A_592 : vector<16x1x256xf32> to vector<16x256xf32>
      %swap3A_594 = vector.shape_cast %tanh3A_582 : vector<16x256xf32> to vector<16x1x256xf32>
      tpu.vector_store %arg7[%swap3A_589, %swap3A_590, %swap3A_591], %swap3A_594 {strides = array<i32>} : memref<16x128x512xf32, #tpu.memory_space<vmem>>, vector<16x1x256xf32>,
      %get3A_595 = arith.index_cast %select_n3A_31 : i32 to index
      %get3A_596 = arith.constant 272 : index
      %get3A_597 = arith.constant 0 : index
      %get3A_598 = vector.load %arg9[%get3A_595, %get3A_596, %get3A_597] : memref<2x2048x512xf32, #tpu.memory_space<vmem>>, vector<1x16x512xf32>
      %get3A_599 = vector.shape_cast %get3A_598 : vector<1x16x512xf32> to vector<16x512xf32>
      %slice3A_600 = vector.extract_strided_slice %get3A_599 {offsets = [0, 0], sizes = [16, 256], strides = [1, 1]} : vector<16x512xf32> to vector<16x256xf32>
      %dot_general3A_601 = arith.constant dense<0.000000e+00> : vector<16x256xf32>
      %dot_general3A_602 = tpu.matmul %tanh3A_581, %get3A_11, %dot_general3A_601 {dimension_numbers = #tpu.dot_dimension_numbers<[1], [0], [0], [1], [0, 0, 1, 1], [], []>, transpose_lhs_hint = false} : vector<16x256xf32>, vector<256x256xf32>, vector<16x256xf32> -> vector<16x256xf32>
      %add3A_603 = arith.addf %slice3A_600, %dot_general3A_602 : vector<16x256xf32>
      %dot_general3A_604 = arith.constant dense<0.000000e+00> : vector<16x256xf32>
      %dot_general3A_605 = tpu.matmul %tanh3A_582, %get3A_14, %dot_general3A_604 {dimension_numbers = #tpu.dot_dimension_numbers<[1], [0], [0], [1], [0, 0, 1, 1], [], []>, transpose_lhs_hint = false} : vector<16x256xf32>, vector<256x256xf32>, vector<16x256xf32> -> vector<16x256xf32>
      %add3A_606 = arith.addf %add3A_603, %dot_general3A_605 : vector<16x256xf32>
      %slice3A_607 = vector.extract_strided_slice %get3A_599 {offsets = [0, 256], sizes = [16, 256], strides = [1, 1]} : vector<16x512xf32> to vector<16x256xf32>
      %dot_general3A_608 = arith.constant dense<0.000000e+00> : vector<16x256xf32>
      %dot_general3A_609 = tpu.matmul %tanh3A_581, %get3A_17, %dot_general3A_608 {dimension_numbers = #tpu.dot_dimension_numbers<[1], [0], [0], [1], [0, 0, 1, 1], [], []>, transpose_lhs_hint = false} : vector<16x256xf32>, vector<256x256xf32>, vector<16x256xf32> -> vector<16x256xf32>
      %add3A_610 = arith.addf %slice3A_607, %dot_general3A_609 : vector<16x256xf32>
      %dot_general3A_611 = arith.constant dense<0.000000e+00> : vector<16x256xf32>
      %dot_general3A_612 = tpu.matmul %tanh3A_582, %get3A_20, %dot_general3A_611 {dimension_numbers = #tpu.dot_dimension_numbers<[1], [0], [0], [1], [0, 0, 1, 1], [], []>, transpose_lhs_hint = false} : vector<16x256xf32>, vector<256x256xf32>, vector<16x256xf32> -> vector<16x256xf32>
      %add3A_613 = arith.addf %add3A_610, %dot_general3A_612 : vector<16x256xf32>
      %tanh3A_614 = math.tanh %add3A_606 : vector<16x256xf32>
      %tanh3A_615 = math.tanh %add3A_613 : vector<16x256xf32>
      %swap3A_616 = arith.constant 0 : index
      %swap3A_617 = arith.constant 17 : index
      %swap3A_618 = arith.constant 0 : index
      %swap3A_619 = vector.load %arg7[%swap3A_616, %swap3A_617, %swap3A_618] : memref<16x128x512xf32, #tpu.memory_space<vmem>>, vector<16x1x256xf32>
      %swap3A_620 = vector.shape_cast %swap3A_619 : vector<16x1x256xf32> to vector<16x256xf32>
      %swap3A_621 = vector.shape_cast %tanh3A_614 : vector<16x256xf32> to vector<16x1x256xf32>
      tpu.vector_store %arg7[%swap3A_616, %swap3A_617, %swap3A_618], %swap3A_621 {strides = array<i32>} : memref<16x128x512xf32, #tpu.memory_space<vmem>>, vector<16x1x256xf32>,
      %swap3A_622 = arith.constant 0 : index
      %swap3A_623 = arith.constant 17 : index
      %swap3A_624 = arith.constant 256 : index
      %swap3A_625 = vector.load %arg7[%swap3A_622, %swap3A_623, %swap3A_624] : memref<16x128x512xf32, #tpu.memory_space<vmem>>, vector<16x1x256xf32>
      %swap3A_626 = vector.shape_cast %swap3A_625 : vector<16x1x256xf32> to vector<16x256xf32>
      %swap3A_627 = vector.shape_cast %tanh3A_615 : vector<16x256xf32> to vector<16x1x256xf32>
      tpu.vector_store %arg7[%swap3A_622, %swap3A_623, %swap3A_624], %swap3A_627 {strides = array<i32>} : memref<16x128x512xf32, #tpu.memory_space<vmem>>, vector<16x1x256xf32>,
      %get3A_628 = arith.index_cast %select_n3A_31 : i32 to index
      %get3A_629 = arith.constant 288 : index
      %get3A_630 = arith.constant 0 : index
      %get3A_631 = vector.load %arg9[%get3A_628, %get3A_629, %get3A_630] : memref<2x2048x512xf32, #tpu.memory_space<vmem>>, vector<1x16x512xf32>
      %get3A_632 = vector.shape_cast %get3A_631 : vector<1x16x512xf32> to vector<16x512xf32>
      %slice3A_633 = vector.extract_strided_slice %get3A_632 {offsets = [0, 0], sizes = [16, 256], strides = [1, 1]} : vector<16x512xf32> to vector<16x256xf32>
      %dot_general3A_634 = arith.constant dense<0.000000e+00> : vector<16x256xf32>
      %dot_general3A_635 = tpu.matmul %tanh3A_614, %get3A_11, %dot_general3A_634 {dimension_numbers = #tpu.dot_dimension_numbers<[1], [0], [0], [1], [0, 0, 1, 1], [], []>, transpose_lhs_hint = false} : vector<16x256xf32>, vector<256x256xf32>, vector<16x256xf32> -> vector<16x256xf32>
      %add3A_636 = arith.addf %slice3A_633, %dot_general3A_635 : vector<16x256xf32>
      %dot_general3A_637 = arith.constant dense<0.000000e+00> : vector<16x256xf32>
      %dot_general3A_638 = tpu.matmul %tanh3A_615, %get3A_14, %dot_general3A_637 {dimension_numbers = #tpu.dot_dimension_numbers<[1], [0], [0], [1], [0, 0, 1, 1], [], []>, transpose_lhs_hint = false} : vector<16x256xf32>, vector<256x256xf32>, vector<16x256xf32> -> vector<16x256xf32>
      %add3A_639 = arith.addf %add3A_636, %dot_general3A_638 : vector<16x256xf32>
      %slice3A_640 = vector.extract_strided_slice %get3A_632 {offsets = [0, 256], sizes = [16, 256], strides = [1, 1]} : vector<16x512xf32> to vector<16x256xf32>
      %dot_general3A_641 = arith.constant dense<0.000000e+00> : vector<16x256xf32>
      %dot_general3A_642 = tpu.matmul %tanh3A_614, %get3A_17, %dot_general3A_641 {dimension_numbers = #tpu.dot_dimension_numbers<[1], [0], [0], [1], [0, 0, 1, 1], [], []>, transpose_lhs_hint = false} : vector<16x256xf32>, vector<256x256xf32>, vector<16x256xf32> -> vector<16x256xf32>
      %add3A_643 = arith.addf %slice3A_640, %dot_general3A_642 : vector<16x256xf32>
      %dot_general3A_644 = arith.constant dense<0.000000e+00> : vector<16x256xf32>
      %dot_general3A_645 = tpu.matmul %tanh3A_615, %get3A_20, %dot_general3A_644 {dimension_numbers = #tpu.dot_dimension_numbers<[1], [0], [0], [1], [0, 0, 1, 1], [], []>, transpose_lhs_hint = false} : vector<16x256xf32>, vector<256x256xf32>, vector<16x256xf32> -> vector<16x256xf32>
      %add3A_646 = arith.addf %add3A_643, %dot_general3A_645 : vector<16x256xf32>
      %tanh3A_647 = math.tanh %add3A_639 : vector<16x256xf32>
      %tanh3A_648 = math.tanh %add3A_646 : vector<16x256xf32>
      %swap3A_649 = arith.constant 0 : index
      %swap3A_650 = arith.constant 18 : index
      %swap3A_651 = arith.constant 0 : index
      %swap3A_652 = vector.load %arg7[%swap3A_649, %swap3A_650, %swap3A_651] : memref<16x128x512xf32, #tpu.memory_space<vmem>>, vector<16x1x256xf32>
      %swap3A_653 = vector.shape_cast %swap3A_652 : vector<16x1x256xf32> to vector<16x256xf32>
      %swap3A_654 = vector.shape_cast %tanh3A_647 : vector<16x256xf32> to vector<16x1x256xf32>
      tpu.vector_store %arg7[%swap3A_649, %swap3A_650, %swap3A_651], %swap3A_654 {strides = array<i32>} : memref<16x128x512xf32, #tpu.memory_space<vmem>>, vector<16x1x256xf32>,
      %swap3A_655 = arith.constant 0 : index
      %swap3A_656 = arith.constant 18 : index
      %swap3A_657 = arith.constant 256 : index
      %swap3A_658 = vector.load %arg7[%swap3A_655, %swap3A_656, %swap3A_657] : memref<16x128x512xf32, #tpu.memory_space<vmem>>, vector<16x1x256xf32>
      %swap3A_659 = vector.shape_cast %swap3A_658 : vector<16x1x256xf32> to vector<16x256xf32>
      %swap3A_660 = vector.shape_cast %tanh3A_648 : vector<16x256xf32> to vector<16x1x256xf32>
      tpu.vector_store %arg7[%swap3A_655, %swap3A_656, %swap3A_657], %swap3A_660 {strides = array<i32>} : memref<16x128x512xf32, #tpu.memory_space<vmem>>, vector<16x1x256xf32>,
      %get3A_661 = arith.index_cast %select_n3A_31 : i32 to index
      %get3A_662 = arith.constant 304 : index
      %get3A_663 = arith.constant 0 : index
      %get3A_664 = vector.load %arg9[%get3A_661, %get3A_662, %get3A_663] : memref<2x2048x512xf32, #tpu.memory_space<vmem>>, vector<1x16x512xf32>
      %get3A_665 = vector.shape_cast %get3A_664 : vector<1x16x512xf32> to vector<16x512xf32>
      %slice3A_666 = vector.extract_strided_slice %get3A_665 {offsets = [0, 0], sizes = [16, 256], strides = [1, 1]} : vector<16x512xf32> to vector<16x256xf32>
      %dot_general3A_667 = arith.constant dense<0.000000e+00> : vector<16x256xf32>
      %dot_general3A_668 = tpu.matmul %tanh3A_647, %get3A_11, %dot_general3A_667 {dimension_numbers = #tpu.dot_dimension_numbers<[1], [0], [0], [1], [0, 0, 1, 1], [], []>, transpose_lhs_hint = false} : vector<16x256xf32>, vector<256x256xf32>, vector<16x256xf32> -> vector<16x256xf32>
      %add3A_669 = arith.addf %slice3A_666, %dot_general3A_668 : vector<16x256xf32>
      %dot_general3A_670 = arith.constant dense<0.000000e+00> : vector<16x256xf32>
      %dot_general3A_671 = tpu.matmul %tanh3A_648, %get3A_14, %dot_general3A_670 {dimension_numbers = #tpu.dot_dimension_numbers<[1], [0], [0], [1], [0, 0, 1, 1], [], []>, transpose_lhs_hint = false} : vector<16x256xf32>, vector<256x256xf32>, vector<16x256xf32> -> vector<16x256xf32>
      %add3A_672 = arith.addf %add3A_669, %dot_general3A_671 : vector<16x256xf32>
      %slice3A_673 = vector.extract_strided_slice %get3A_665 {offsets = [0, 256], sizes = [16, 256], strides = [1, 1]} : vector<16x512xf32> to vector<16x256xf32>
      %dot_general3A_674 = arith.constant dense<0.000000e+00> : vector<16x256xf32>
      %dot_general3A_675 = tpu.matmul %tanh3A_647, %get3A_17, %dot_general3A_674 {dimension_numbers = #tpu.dot_dimension_numbers<[1], [0], [0], [1], [0, 0, 1, 1], [], []>, transpose_lhs_hint = false} : vector<16x256xf32>, vector<256x256xf32>, vector<16x256xf32> -> vector<16x256xf32>
      %add3A_676 = arith.addf %slice3A_673, %dot_general3A_675 : vector<16x256xf32>
      %dot_general3A_677 = arith.constant dense<0.000000e+00> : vector<16x256xf32>
      %dot_general3A_678 = tpu.matmul %tanh3A_648, %get3A_20, %dot_general3A_677 {dimension_numbers = #tpu.dot_dimension_numbers<[1], [0], [0], [1], [0, 0, 1, 1], [], []>, transpose_lhs_hint = false} : vector<16x256xf32>, vector<256x256xf32>, vector<16x256xf32> -> vector<16x256xf32>
      %add3A_679 = arith.addf %add3A_676, %dot_general3A_678 : vector<16x256xf32>
      %tanh3A_680 = math.tanh %add3A_672 : vector<16x256xf32>
      %tanh3A_681 = math.tanh %add3A_679 : vector<16x256xf32>
      %swap3A_682 = arith.constant 0 : index
      %swap3A_683 = arith.constant 19 : index
      %swap3A_684 = arith.constant 0 : index
      %swap3A_685 = vector.load %arg7[%swap3A_682, %swap3A_683, %swap3A_684] : memref<16x128x512xf32, #tpu.memory_space<vmem>>, vector<16x1x256xf32>
      %swap3A_686 = vector.shape_cast %swap3A_685 : vector<16x1x256xf32> to vector<16x256xf32>
      %swap3A_687 = vector.shape_cast %tanh3A_680 : vector<16x256xf32> to vector<16x1x256xf32>
      tpu.vector_store %arg7[%swap3A_682, %swap3A_683, %swap3A_684], %swap3A_687 {strides = array<i32>} : memref<16x128x512xf32, #tpu.memory_space<vmem>>, vector<16x1x256xf32>,
      %swap3A_688 = arith.constant 0 : index
      %swap3A_689 = arith.constant 19 : index
      %swap3A_690 = arith.constant 256 : index
      %swap3A_691 = vector.load %arg7[%swap3A_688, %swap3A_689, %swap3A_690] : memref<16x128x512xf32, #tpu.memory_space<vmem>>, vector<16x1x256xf32>
      %swap3A_692 = vector.shape_cast %swap3A_691 : vector<16x1x256xf32> to vector<16x256xf32>
      %swap3A_693 = vector.shape_cast %tanh3A_681 : vector<16x256xf32> to vector<16x1x256xf32>
      tpu.vector_store %arg7[%swap3A_688, %swap3A_689, %swap3A_690], %swap3A_693 {strides = array<i32>} : memref<16x128x512xf32, #tpu.memory_space<vmem>>, vector<16x1x256xf32>,
      %get3A_694 = arith.index_cast %select_n3A_31 : i32 to index
      %get3A_695 = arith.constant 320 : index
      %get3A_696 = arith.constant 0 : index
      %get3A_697 = vector.load %arg9[%get3A_694, %get3A_695, %get3A_696] : memref<2x2048x512xf32, #tpu.memory_space<vmem>>, vector<1x16x512xf32>
      %get3A_698 = vector.shape_cast %get3A_697 : vector<1x16x512xf32> to vector<16x512xf32>
      %slice3A_699 = vector.extract_strided_slice %get3A_698 {offsets = [0, 0], sizes = [16, 256], strides = [1, 1]} : vector<16x512xf32> to vector<16x256xf32>
      %dot_general3A_700 = arith.constant dense<0.000000e+00> : vector<16x256xf32>
      %dot_general3A_701 = tpu.matmul %tanh3A_680, %get3A_11, %dot_general3A_700 {dimension_numbers = #tpu.dot_dimension_numbers<[1], [0], [0], [1], [0, 0, 1, 1], [], []>, transpose_lhs_hint = false} : vector<16x256xf32>, vector<256x256xf32>, vector<16x256xf32> -> vector<16x256xf32>
      %add3A_702 = arith.addf %slice3A_699, %dot_general3A_701 : vector<16x256xf32>
      %dot_general3A_703 = arith.constant dense<0.000000e+00> : vector<16x256xf32>
      %dot_general3A_704 = tpu.matmul %tanh3A_681, %get3A_14, %dot_general3A_703 {dimension_numbers = #tpu.dot_dimension_numbers<[1], [0], [0], [1], [0, 0, 1, 1], [], []>, transpose_lhs_hint = false} : vector<16x256xf32>, vector<256x256xf32>, vector<16x256xf32> -> vector<16x256xf32>
      %add3A_705 = arith.addf %add3A_702, %dot_general3A_704 : vector<16x256xf32>
      %slice3A_706 = vector.extract_strided_slice %get3A_698 {offsets = [0, 256], sizes = [16, 256], strides = [1, 1]} : vector<16x512xf32> to vector<16x256xf32>
      %dot_general3A_707 = arith.constant dense<0.000000e+00> : vector<16x256xf32>
      %dot_general3A_708 = tpu.matmul %tanh3A_680, %get3A_17, %dot_general3A_707 {dimension_numbers = #tpu.dot_dimension_numbers<[1], [0], [0], [1], [0, 0, 1, 1], [], []>, transpose_lhs_hint = false} : vector<16x256xf32>, vector<256x256xf32>, vector<16x256xf32> -> vector<16x256xf32>
      %add3A_709 = arith.addf %slice3A_706, %dot_general3A_708 : vector<16x256xf32>
      %dot_general3A_710 = arith.constant dense<0.000000e+00> : vector<16x256xf32>
      %dot_general3A_711 = tpu.matmul %tanh3A_681, %get3A_20, %dot_general3A_710 {dimension_numbers = #tpu.dot_dimension_numbers<[1], [0], [0], [1], [0, 0, 1, 1], [], []>, transpose_lhs_hint = false} : vector<16x256xf32>, vector<256x256xf32>, vector<16x256xf32> -> vector<16x256xf32>
      %add3A_712 = arith.addf %add3A_709, %dot_general3A_711 : vector<16x256xf32>
      %tanh3A_713 = math.tanh %add3A_705 : vector<16x256xf32>
      %tanh3A_714 = math.tanh %add3A_712 : vector<16x256xf32>
      %swap3A_715 = arith.constant 0 : index
      %swap3A_716 = arith.constant 20 : index
      %swap3A_717 = arith.constant 0 : index
      %swap3A_718 = vector.load %arg7[%swap3A_715, %swap3A_716, %swap3A_717] : memref<16x128x512xf32, #tpu.memory_space<vmem>>, vector<16x1x256xf32>
      %swap3A_719 = vector.shape_cast %swap3A_718 : vector<16x1x256xf32> to vector<16x256xf32>
      %swap3A_720 = vector.shape_cast %tanh3A_713 : vector<16x256xf32> to vector<16x1x256xf32>
      tpu.vector_store %arg7[%swap3A_715, %swap3A_716, %swap3A_717], %swap3A_720 {strides = array<i32>} : memref<16x128x512xf32, #tpu.memory_space<vmem>>, vector<16x1x256xf32>,
      %swap3A_721 = arith.constant 0 : index
      %swap3A_722 = arith.constant 20 : index
      %swap3A_723 = arith.constant 256 : index
      %swap3A_724 = vector.load %arg7[%swap3A_721, %swap3A_722, %swap3A_723] : memref<16x128x512xf32, #tpu.memory_space<vmem>>, vector<16x1x256xf32>
      %swap3A_725 = vector.shape_cast %swap3A_724 : vector<16x1x256xf32> to vector<16x256xf32>
      %swap3A_726 = vector.shape_cast %tanh3A_714 : vector<16x256xf32> to vector<16x1x256xf32>
      tpu.vector_store %arg7[%swap3A_721, %swap3A_722, %swap3A_723], %swap3A_726 {strides = array<i32>} : memref<16x128x512xf32, #tpu.memory_space<vmem>>, vector<16x1x256xf32>,
      %get3A_727 = arith.index_cast %select_n3A_31 : i32 to index
      %get3A_728 = arith.constant 336 : index
      %get3A_729 = arith.constant 0 : index
      %get3A_730 = vector.load %arg9[%get3A_727, %get3A_728, %get3A_729] : memref<2x2048x512xf32, #tpu.memory_space<vmem>>, vector<1x16x512xf32>
      %get3A_731 = vector.shape_cast %get3A_730 : vector<1x16x512xf32> to vector<16x512xf32>
      %slice3A_732 = vector.extract_strided_slice %get3A_731 {offsets = [0, 0], sizes = [16, 256], strides = [1, 1]} : vector<16x512xf32> to vector<16x256xf32>
      %dot_general3A_733 = arith.constant dense<0.000000e+00> : vector<16x256xf32>
      %dot_general3A_734 = tpu.matmul %tanh3A_713, %get3A_11, %dot_general3A_733 {dimension_numbers = #tpu.dot_dimension_numbers<[1], [0], [0], [1], [0, 0, 1, 1], [], []>, transpose_lhs_hint = false} : vector<16x256xf32>, vector<256x256xf32>, vector<16x256xf32> -> vector<16x256xf32>
      %add3A_735 = arith.addf %slice3A_732, %dot_general3A_734 : vector<16x256xf32>
      %dot_general3A_736 = arith.constant dense<0.000000e+00> : vector<16x256xf32>
      %dot_general3A_737 = tpu.matmul %tanh3A_714, %get3A_14, %dot_general3A_736 {dimension_numbers = #tpu.dot_dimension_numbers<[1], [0], [0], [1], [0, 0, 1, 1], [], []>, transpose_lhs_hint = false} : vector<16x256xf32>, vector<256x256xf32>, vector<16x256xf32> -> vector<16x256xf32>
      %add3A_738 = arith.addf %add3A_735, %dot_general3A_737 : vector<16x256xf32>
      %slice3A_739 = vector.extract_strided_slice %get3A_731 {offsets = [0, 256], sizes = [16, 256], strides = [1, 1]} : vector<16x512xf32> to vector<16x256xf32>
      %dot_general3A_740 = arith.constant dense<0.000000e+00> : vector<16x256xf32>
      %dot_general3A_741 = tpu.matmul %tanh3A_713, %get3A_17, %dot_general3A_740 {dimension_numbers = #tpu.dot_dimension_numbers<[1], [0], [0], [1], [0, 0, 1, 1], [], []>, transpose_lhs_hint = false} : vector<16x256xf32>, vector<256x256xf32>, vector<16x256xf32> -> vector<16x256xf32>
      %add3A_742 = arith.addf %slice3A_739, %dot_general3A_741 : vector<16x256xf32>
      %dot_general3A_743 = arith.constant dense<0.000000e+00> : vector<16x256xf32>
      %dot_general3A_744 = tpu.matmul %tanh3A_714, %get3A_20, %dot_general3A_743 {dimension_numbers = #tpu.dot_dimension_numbers<[1], [0], [0], [1], [0, 0, 1, 1], [], []>, transpose_lhs_hint = false} : vector<16x256xf32>, vector<256x256xf32>, vector<16x256xf32> -> vector<16x256xf32>
      %add3A_745 = arith.addf %add3A_742, %dot_general3A_744 : vector<16x256xf32>
      %tanh3A_746 = math.tanh %add3A_738 : vector<16x256xf32>
      %tanh3A_747 = math.tanh %add3A_745 : vector<16x256xf32>
      %swap3A_748 = arith.constant 0 : index
      %swap3A_749 = arith.constant 21 : index
      %swap3A_750 = arith.constant 0 : index
      %swap3A_751 = vector.load %arg7[%swap3A_748, %swap3A_749, %swap3A_750] : memref<16x128x512xf32, #tpu.memory_space<vmem>>, vector<16x1x256xf32>
      %swap3A_752 = vector.shape_cast %swap3A_751 : vector<16x1x256xf32> to vector<16x256xf32>
      %swap3A_753 = vector.shape_cast %tanh3A_746 : vector<16x256xf32> to vector<16x1x256xf32>
      tpu.vector_store %arg7[%swap3A_748, %swap3A_749, %swap3A_750], %swap3A_753 {strides = array<i32>} : memref<16x128x512xf32, #tpu.memory_space<vmem>>, vector<16x1x256xf32>,
      %swap3A_754 = arith.constant 0 : index
      %swap3A_755 = arith.constant 21 : index
      %swap3A_756 = arith.constant 256 : index
      %swap3A_757 = vector.load %arg7[%swap3A_754, %swap3A_755, %swap3A_756] : memref<16x128x512xf32, #tpu.memory_space<vmem>>, vector<16x1x256xf32>
      %swap3A_758 = vector.shape_cast %swap3A_757 : vector<16x1x256xf32> to vector<16x256xf32>
      %swap3A_759 = vector.shape_cast %tanh3A_747 : vector<16x256xf32> to vector<16x1x256xf32>
      tpu.vector_store %arg7[%swap3A_754, %swap3A_755, %swap3A_756], %swap3A_759 {strides = array<i32>} : memref<16x128x512xf32, #tpu.memory_space<vmem>>, vector<16x1x256xf32>,
      %get3A_760 = arith.index_cast %select_n3A_31 : i32 to index
      %get3A_761 = arith.constant 352 : index
      %get3A_762 = arith.constant 0 : index
      %get3A_763 = vector.load %arg9[%get3A_760, %get3A_761, %get3A_762] : memref<2x2048x512xf32, #tpu.memory_space<vmem>>, vector<1x16x512xf32>
      %get3A_764 = vector.shape_cast %get3A_763 : vector<1x16x512xf32> to vector<16x512xf32>
      %slice3A_765 = vector.extract_strided_slice %get3A_764 {offsets = [0, 0], sizes = [16, 256], strides = [1, 1]} : vector<16x512xf32> to vector<16x256xf32>
      %dot_general3A_766 = arith.constant dense<0.000000e+00> : vector<16x256xf32>
      %dot_general3A_767 = tpu.matmul %tanh3A_746, %get3A_11, %dot_general3A_766 {dimension_numbers = #tpu.dot_dimension_numbers<[1], [0], [0], [1], [0, 0, 1, 1], [], []>, transpose_lhs_hint = false} : vector<16x256xf32>, vector<256x256xf32>, vector<16x256xf32> -> vector<16x256xf32>
      %add3A_768 = arith.addf %slice3A_765, %dot_general3A_767 : vector<16x256xf32>
      %dot_general3A_769 = arith.constant dense<0.000000e+00> : vector<16x256xf32>
      %dot_general3A_770 = tpu.matmul %tanh3A_747, %get3A_14, %dot_general3A_769 {dimension_numbers = #tpu.dot_dimension_numbers<[1], [0], [0], [1], [0, 0, 1, 1], [], []>, transpose_lhs_hint = false} : vector<16x256xf32>, vector<256x256xf32>, vector<16x256xf32> -> vector<16x256xf32>
      %add3A_771 = arith.addf %add3A_768, %dot_general3A_770 : vector<16x256xf32>
      %slice3A_772 = vector.extract_strided_slice %get3A_764 {offsets = [0, 256], sizes = [16, 256], strides = [1, 1]} : vector<16x512xf32> to vector<16x256xf32>
      %dot_general3A_773 = arith.constant dense<0.000000e+00> : vector<16x256xf32>
      %dot_general3A_774 = tpu.matmul %tanh3A_746, %get3A_17, %dot_general3A_773 {dimension_numbers = #tpu.dot_dimension_numbers<[1], [0], [0], [1], [0, 0, 1, 1], [], []>, transpose_lhs_hint = false} : vector<16x256xf32>, vector<256x256xf32>, vector<16x256xf32> -> vector<16x256xf32>
      %add3A_775 = arith.addf %slice3A_772, %dot_general3A_774 : vector<16x256xf32>
      %dot_general3A_776 = arith.constant dense<0.000000e+00> : vector<16x256xf32>
      %dot_general3A_777 = tpu.matmul %tanh3A_747, %get3A_20, %dot_general3A_776 {dimension_numbers = #tpu.dot_dimension_numbers<[1], [0], [0], [1], [0, 0, 1, 1], [], []>, transpose_lhs_hint = false} : vector<16x256xf32>, vector<256x256xf32>, vector<16x256xf32> -> vector<16x256xf32>
      %add3A_778 = arith.addf %add3A_775, %dot_general3A_777 : vector<16x256xf32>
      %tanh3A_779 = math.tanh %add3A_771 : vector<16x256xf32>
      %tanh3A_780 = math.tanh %add3A_778 : vector<16x256xf32>
      %swap3A_781 = arith.constant 0 : index
      %swap3A_782 = arith.constant 22 : index
      %swap3A_783 = arith.constant 0 : index
      %swap3A_784 = vector.load %arg7[%swap3A_781, %swap3A_782, %swap3A_783] : memref<16x128x512xf32, #tpu.memory_space<vmem>>, vector<16x1x256xf32>
      %swap3A_785 = vector.shape_cast %swap3A_784 : vector<16x1x256xf32> to vector<16x256xf32>
      %swap3A_786 = vector.shape_cast %tanh3A_779 : vector<16x256xf32> to vector<16x1x256xf32>
      tpu.vector_store %arg7[%swap3A_781, %swap3A_782, %swap3A_783], %swap3A_786 {strides = array<i32>} : memref<16x128x512xf32, #tpu.memory_space<vmem>>, vector<16x1x256xf32>,
      %swap3A_787 = arith.constant 0 : index
      %swap3A_788 = arith.constant 22 : index
      %swap3A_789 = arith.constant 256 : index
      %swap3A_790 = vector.load %arg7[%swap3A_787, %swap3A_788, %swap3A_789] : memref<16x128x512xf32, #tpu.memory_space<vmem>>, vector<16x1x256xf32>
      %swap3A_791 = vector.shape_cast %swap3A_790 : vector<16x1x256xf32> to vector<16x256xf32>
      %swap3A_792 = vector.shape_cast %tanh3A_780 : vector<16x256xf32> to vector<16x1x256xf32>
      tpu.vector_store %arg7[%swap3A_787, %swap3A_788, %swap3A_789], %swap3A_792 {strides = array<i32>} : memref<16x128x512xf32, #tpu.memory_space<vmem>>, vector<16x1x256xf32>,
      %get3A_793 = arith.index_cast %select_n3A_31 : i32 to index
      %get3A_794 = arith.constant 368 : index
      %get3A_795 = arith.constant 0 : index
      %get3A_796 = vector.load %arg9[%get3A_793, %get3A_794, %get3A_795] : memref<2x2048x512xf32, #tpu.memory_space<vmem>>, vector<1x16x512xf32>
      %get3A_797 = vector.shape_cast %get3A_796 : vector<1x16x512xf32> to vector<16x512xf32>
      %slice3A_798 = vector.extract_strided_slice %get3A_797 {offsets = [0, 0], sizes = [16, 256], strides = [1, 1]} : vector<16x512xf32> to vector<16x256xf32>
      %dot_general3A_799 = arith.constant dense<0.000000e+00> : vector<16x256xf32>
      %dot_general3A_800 = tpu.matmul %tanh3A_779, %get3A_11, %dot_general3A_799 {dimension_numbers = #tpu.dot_dimension_numbers<[1], [0], [0], [1], [0, 0, 1, 1], [], []>, transpose_lhs_hint = false} : vector<16x256xf32>, vector<256x256xf32>, vector<16x256xf32> -> vector<16x256xf32>
      %add3A_801 = arith.addf %slice3A_798, %dot_general3A_800 : vector<16x256xf32>
      %dot_general3A_802 = arith.constant dense<0.000000e+00> : vector<16x256xf32>
      %dot_general3A_803 = tpu.matmul %tanh3A_780, %get3A_14, %dot_general3A_802 {dimension_numbers = #tpu.dot_dimension_numbers<[1], [0], [0], [1], [0, 0, 1, 1], [], []>, transpose_lhs_hint = false} : vector<16x256xf32>, vector<256x256xf32>, vector<16x256xf32> -> vector<16x256xf32>
      %add3A_804 = arith.addf %add3A_801, %dot_general3A_803 : vector<16x256xf32>
      %slice3A_805 = vector.extract_strided_slice %get3A_797 {offsets = [0, 256], sizes = [16, 256], strides = [1, 1]} : vector<16x512xf32> to vector<16x256xf32>
      %dot_general3A_806 = arith.constant dense<0.000000e+00> : vector<16x256xf32>
      %dot_general3A_807 = tpu.matmul %tanh3A_779, %get3A_17, %dot_general3A_806 {dimension_numbers = #tpu.dot_dimension_numbers<[1], [0], [0], [1], [0, 0, 1, 1], [], []>, transpose_lhs_hint = false} : vector<16x256xf32>, vector<256x256xf32>, vector<16x256xf32> -> vector<16x256xf32>
      %add3A_808 = arith.addf %slice3A_805, %dot_general3A_807 : vector<16x256xf32>
      %dot_general3A_809 = arith.constant dense<0.000000e+00> : vector<16x256xf32>
      %dot_general3A_810 = tpu.matmul %tanh3A_780, %get3A_20, %dot_general3A_809 {dimension_numbers = #tpu.dot_dimension_numbers<[1], [0], [0], [1], [0, 0, 1, 1], [], []>, transpose_lhs_hint = false} : vector<16x256xf32>, vector<256x256xf32>, vector<16x256xf32> -> vector<16x256xf32>
      %add3A_811 = arith.addf %add3A_808, %dot_general3A_810 : vector<16x256xf32>
      %tanh3A_812 = math.tanh %add3A_804 : vector<16x256xf32>
      %tanh3A_813 = math.tanh %add3A_811 : vector<16x256xf32>
      %swap3A_814 = arith.constant 0 : index
      %swap3A_815 = arith.constant 23 : index
      %swap3A_816 = arith.constant 0 : index
      %swap3A_817 = vector.load %arg7[%swap3A_814, %swap3A_815, %swap3A_816] : memref<16x128x512xf32, #tpu.memory_space<vmem>>, vector<16x1x256xf32>
      %swap3A_818 = vector.shape_cast %swap3A_817 : vector<16x1x256xf32> to vector<16x256xf32>
      %swap3A_819 = vector.shape_cast %tanh3A_812 : vector<16x256xf32> to vector<16x1x256xf32>
      tpu.vector_store %arg7[%swap3A_814, %swap3A_815, %swap3A_816], %swap3A_819 {strides = array<i32>} : memref<16x128x512xf32, #tpu.memory_space<vmem>>, vector<16x1x256xf32>,
      %swap3A_820 = arith.constant 0 : index
      %swap3A_821 = arith.constant 23 : index
      %swap3A_822 = arith.constant 256 : index
      %swap3A_823 = vector.load %arg7[%swap3A_820, %swap3A_821, %swap3A_822] : memref<16x128x512xf32, #tpu.memory_space<vmem>>, vector<16x1x256xf32>
      %swap3A_824 = vector.shape_cast %swap3A_823 : vector<16x1x256xf32> to vector<16x256xf32>
      %swap3A_825 = vector.shape_cast %tanh3A_813 : vector<16x256xf32> to vector<16x1x256xf32>
      tpu.vector_store %arg7[%swap3A_820, %swap3A_821, %swap3A_822], %swap3A_825 {strides = array<i32>} : memref<16x128x512xf32, #tpu.memory_space<vmem>>, vector<16x1x256xf32>,
      %get3A_826 = arith.index_cast %select_n3A_31 : i32 to index
      %get3A_827 = arith.constant 384 : index
      %get3A_828 = arith.constant 0 : index
      %get3A_829 = vector.load %arg9[%get3A_826, %get3A_827, %get3A_828] : memref<2x2048x512xf32, #tpu.memory_space<vmem>>, vector<1x16x512xf32>
      %get3A_830 = vector.shape_cast %get3A_829 : vector<1x16x512xf32> to vector<16x512xf32>
      %slice3A_831 = vector.extract_strided_slice %get3A_830 {offsets = [0, 0], sizes = [16, 256], strides = [1, 1]} : vector<16x512xf32> to vector<16x256xf32>
      %dot_general3A_832 = arith.constant dense<0.000000e+00> : vector<16x256xf32>
      %dot_general3A_833 = tpu.matmul %tanh3A_812, %get3A_11, %dot_general3A_832 {dimension_numbers = #tpu.dot_dimension_numbers<[1], [0], [0], [1], [0, 0, 1, 1], [], []>, transpose_lhs_hint = false} : vector<16x256xf32>, vector<256x256xf32>, vector<16x256xf32> -> vector<16x256xf32>
      %add3A_834 = arith.addf %slice3A_831, %dot_general3A_833 : vector<16x256xf32>
      %dot_general3A_835 = arith.constant dense<0.000000e+00> : vector<16x256xf32>
      %dot_general3A_836 = tpu.matmul %tanh3A_813, %get3A_14, %dot_general3A_835 {dimension_numbers = #tpu.dot_dimension_numbers<[1], [0], [0], [1], [0, 0, 1, 1], [], []>, transpose_lhs_hint = false} : vector<16x256xf32>, vector<256x256xf32>, vector<16x256xf32> -> vector<16x256xf32>
      %add3A_837 = arith.addf %add3A_834, %dot_general3A_836 : vector<16x256xf32>
      %slice3A_838 = vector.extract_strided_slice %get3A_830 {offsets = [0, 256], sizes = [16, 256], strides = [1, 1]} : vector<16x512xf32> to vector<16x256xf32>
      %dot_general3A_839 = arith.constant dense<0.000000e+00> : vector<16x256xf32>
      %dot_general3A_840 = tpu.matmul %tanh3A_812, %get3A_17, %dot_general3A_839 {dimension_numbers = #tpu.dot_dimension_numbers<[1], [0], [0], [1], [0, 0, 1, 1], [], []>, transpose_lhs_hint = false} : vector<16x256xf32>, vector<256x256xf32>, vector<16x256xf32> -> vector<16x256xf32>
      %add3A_841 = arith.addf %slice3A_838, %dot_general3A_840 : vector<16x256xf32>
      %dot_general3A_842 = arith.constant dense<0.000000e+00> : vector<16x256xf32>
      %dot_general3A_843 = tpu.matmul %tanh3A_813, %get3A_20, %dot_general3A_842 {dimension_numbers = #tpu.dot_dimension_numbers<[1], [0], [0], [1], [0, 0, 1, 1], [], []>, transpose_lhs_hint = false} : vector<16x256xf32>, vector<256x256xf32>, vector<16x256xf32> -> vector<16x256xf32>
      %add3A_844 = arith.addf %add3A_841, %dot_general3A_843 : vector<16x256xf32>
      %tanh3A_845 = math.tanh %add3A_837 : vector<16x256xf32>
      %tanh3A_846 = math.tanh %add3A_844 : vector<16x256xf32>
      %swap3A_847 = arith.constant 0 : index
      %swap3A_848 = arith.constant 24 : index
      %swap3A_849 = arith.constant 0 : index
      %swap3A_850 = vector.load %arg7[%swap3A_847, %swap3A_848, %swap3A_849] : memref<16x128x512xf32, #tpu.memory_space<vmem>>, vector<16x1x256xf32>
      %swap3A_851 = vector.shape_cast %swap3A_850 : vector<16x1x256xf32> to vector<16x256xf32>
      %swap3A_852 = vector.shape_cast %tanh3A_845 : vector<16x256xf32> to vector<16x1x256xf32>
      tpu.vector_store %arg7[%swap3A_847, %swap3A_848, %swap3A_849], %swap3A_852 {strides = array<i32>} : memref<16x128x512xf32, #tpu.memory_space<vmem>>, vector<16x1x256xf32>,
      %swap3A_853 = arith.constant 0 : index
      %swap3A_854 = arith.constant 24 : index
      %swap3A_855 = arith.constant 256 : index
      %swap3A_856 = vector.load %arg7[%swap3A_853, %swap3A_854, %swap3A_855] : memref<16x128x512xf32, #tpu.memory_space<vmem>>, vector<16x1x256xf32>
      %swap3A_857 = vector.shape_cast %swap3A_856 : vector<16x1x256xf32> to vector<16x256xf32>
      %swap3A_858 = vector.shape_cast %tanh3A_846 : vector<16x256xf32> to vector<16x1x256xf32>
      tpu.vector_store %arg7[%swap3A_853, %swap3A_854, %swap3A_855], %swap3A_858 {strides = array<i32>} : memref<16x128x512xf32, #tpu.memory_space<vmem>>, vector<16x1x256xf32>,
      %get3A_859 = arith.index_cast %select_n3A_31 : i32 to index
      %get3A_860 = arith.constant 400 : index
      %get3A_861 = arith.constant 0 : index
      %get3A_862 = vector.load %arg9[%get3A_859, %get3A_860, %get3A_861] : memref<2x2048x512xf32, #tpu.memory_space<vmem>>, vector<1x16x512xf32>
      %get3A_863 = vector.shape_cast %get3A_862 : vector<1x16x512xf32> to vector<16x512xf32>
      %slice3A_864 = vector.extract_strided_slice %get3A_863 {offsets = [0, 0], sizes = [16, 256], strides = [1, 1]} : vector<16x512xf32> to vector<16x256xf32>
      %dot_general3A_865 = arith.constant dense<0.000000e+00> : vector<16x256xf32>
      %dot_general3A_866 = tpu.matmul %tanh3A_845, %get3A_11, %dot_general3A_865 {dimension_numbers = #tpu.dot_dimension_numbers<[1], [0], [0], [1], [0, 0, 1, 1], [], []>, transpose_lhs_hint = false} : vector<16x256xf32>, vector<256x256xf32>, vector<16x256xf32> -> vector<16x256xf32>
      %add3A_867 = arith.addf %slice3A_864, %dot_general3A_866 : vector<16x256xf32>
      %dot_general3A_868 = arith.constant dense<0.000000e+00> : vector<16x256xf32>
      %dot_general3A_869 = tpu.matmul %tanh3A_846, %get3A_14, %dot_general3A_868 {dimension_numbers = #tpu.dot_dimension_numbers<[1], [0], [0], [1], [0, 0, 1, 1], [], []>, transpose_lhs_hint = false} : vector<16x256xf32>, vector<256x256xf32>, vector<16x256xf32> -> vector<16x256xf32>
      %add3A_870 = arith.addf %add3A_867, %dot_general3A_869 : vector<16x256xf32>
      %slice3A_871 = vector.extract_strided_slice %get3A_863 {offsets = [0, 256], sizes = [16, 256], strides = [1, 1]} : vector<16x512xf32> to vector<16x256xf32>
      %dot_general3A_872 = arith.constant dense<0.000000e+00> : vector<16x256xf32>
      %dot_general3A_873 = tpu.matmul %tanh3A_845, %get3A_17, %dot_general3A_872 {dimension_numbers = #tpu.dot_dimension_numbers<[1], [0], [0], [1], [0, 0, 1, 1], [], []>, transpose_lhs_hint = false} : vector<16x256xf32>, vector<256x256xf32>, vector<16x256xf32> -> vector<16x256xf32>
      %add3A_874 = arith.addf %slice3A_871, %dot_general3A_873 : vector<16x256xf32>
      %dot_general3A_875 = arith.constant dense<0.000000e+00> : vector<16x256xf32>
      %dot_general3A_876 = tpu.matmul %tanh3A_846, %get3A_20, %dot_general3A_875 {dimension_numbers = #tpu.dot_dimension_numbers<[1], [0], [0], [1], [0, 0, 1, 1], [], []>, transpose_lhs_hint = false} : vector<16x256xf32>, vector<256x256xf32>, vector<16x256xf32> -> vector<16x256xf32>
      %add3A_877 = arith.addf %add3A_874, %dot_general3A_876 : vector<16x256xf32>
      %tanh3A_878 = math.tanh %add3A_870 : vector<16x256xf32>
      %tanh3A_879 = math.tanh %add3A_877 : vector<16x256xf32>
      %swap3A_880 = arith.constant 0 : index
      %swap3A_881 = arith.constant 25 : index
      %swap3A_882 = arith.constant 0 : index
      %swap3A_883 = vector.load %arg7[%swap3A_880, %swap3A_881, %swap3A_882] : memref<16x128x512xf32, #tpu.memory_space<vmem>>, vector<16x1x256xf32>
      %swap3A_884 = vector.shape_cast %swap3A_883 : vector<16x1x256xf32> to vector<16x256xf32>
      %swap3A_885 = vector.shape_cast %tanh3A_878 : vector<16x256xf32> to vector<16x1x256xf32>
      tpu.vector_store %arg7[%swap3A_880, %swap3A_881, %swap3A_882], %swap3A_885 {strides = array<i32>} : memref<16x128x512xf32, #tpu.memory_space<vmem>>, vector<16x1x256xf32>,
      %swap3A_886 = arith.constant 0 : index
      %swap3A_887 = arith.constant 25 : index
      %swap3A_888 = arith.constant 256 : index
      %swap3A_889 = vector.load %arg7[%swap3A_886, %swap3A_887, %swap3A_888] : memref<16x128x512xf32, #tpu.memory_space<vmem>>, vector<16x1x256xf32>
      %swap3A_890 = vector.shape_cast %swap3A_889 : vector<16x1x256xf32> to vector<16x256xf32>
      %swap3A_891 = vector.shape_cast %tanh3A_879 : vector<16x256xf32> to vector<16x1x256xf32>
      tpu.vector_store %arg7[%swap3A_886, %swap3A_887, %swap3A_888], %swap3A_891 {strides = array<i32>} : memref<16x128x512xf32, #tpu.memory_space<vmem>>, vector<16x1x256xf32>,
      %get3A_892 = arith.index_cast %select_n3A_31 : i32 to index
      %get3A_893 = arith.constant 416 : index
      %get3A_894 = arith.constant 0 : index
      %get3A_895 = vector.load %arg9[%get3A_892, %get3A_893, %get3A_894] : memref<2x2048x512xf32, #tpu.memory_space<vmem>>, vector<1x16x512xf32>
      %get3A_896 = vector.shape_cast %get3A_895 : vector<1x16x512xf32> to vector<16x512xf32>
      %slice3A_897 = vector.extract_strided_slice %get3A_896 {offsets = [0, 0], sizes = [16, 256], strides = [1, 1]} : vector<16x512xf32> to vector<16x256xf32>
      %dot_general3A_898 = arith.constant dense<0.000000e+00> : vector<16x256xf32>
      %dot_general3A_899 = tpu.matmul %tanh3A_878, %get3A_11, %dot_general3A_898 {dimension_numbers = #tpu.dot_dimension_numbers<[1], [0], [0], [1], [0, 0, 1, 1], [], []>, transpose_lhs_hint = false} : vector<16x256xf32>, vector<256x256xf32>, vector<16x256xf32> -> vector<16x256xf32>
      %add3A_900 = arith.addf %slice3A_897, %dot_general3A_899 : vector<16x256xf32>
      %dot_general3A_901 = arith.constant dense<0.000000e+00> : vector<16x256xf32>
      %dot_general3A_902 = tpu.matmul %tanh3A_879, %get3A_14, %dot_general3A_901 {dimension_numbers = #tpu.dot_dimension_numbers<[1], [0], [0], [1], [0, 0, 1, 1], [], []>, transpose_lhs_hint = false} : vector<16x256xf32>, vector<256x256xf32>, vector<16x256xf32> -> vector<16x256xf32>
      %add3A_903 = arith.addf %add3A_900, %dot_general3A_902 : vector<16x256xf32>
      %slice3A_904 = vector.extract_strided_slice %get3A_896 {offsets = [0, 256], sizes = [16, 256], strides = [1, 1]} : vector<16x512xf32> to vector<16x256xf32>
      %dot_general3A_905 = arith.constant dense<0.000000e+00> : vector<16x256xf32>
      %dot_general3A_906 = tpu.matmul %tanh3A_878, %get3A_17, %dot_general3A_905 {dimension_numbers = #tpu.dot_dimension_numbers<[1], [0], [0], [1], [0, 0, 1, 1], [], []>, transpose_lhs_hint = false} : vector<16x256xf32>, vector<256x256xf32>, vector<16x256xf32> -> vector<16x256xf32>
      %add3A_907 = arith.addf %slice3A_904, %dot_general3A_906 : vector<16x256xf32>
      %dot_general3A_908 = arith.constant dense<0.000000e+00> : vector<16x256xf32>
      %dot_general3A_909 = tpu.matmul %tanh3A_879, %get3A_20, %dot_general3A_908 {dimension_numbers = #tpu.dot_dimension_numbers<[1], [0], [0], [1], [0, 0, 1, 1], [], []>, transpose_lhs_hint = false} : vector<16x256xf32>, vector<256x256xf32>, vector<16x256xf32> -> vector<16x256xf32>
      %add3A_910 = arith.addf %add3A_907, %dot_general3A_909 : vector<16x256xf32>
      %tanh3A_911 = math.tanh %add3A_903 : vector<16x256xf32>
      %tanh3A_912 = math.tanh %add3A_910 : vector<16x256xf32>
      %swap3A_913 = arith.constant 0 : index
      %swap3A_914 = arith.constant 26 : index
      %swap3A_915 = arith.constant 0 : index
      %swap3A_916 = vector.load %arg7[%swap3A_913, %swap3A_914, %swap3A_915] : memref<16x128x512xf32, #tpu.memory_space<vmem>>, vector<16x1x256xf32>
      %swap3A_917 = vector.shape_cast %swap3A_916 : vector<16x1x256xf32> to vector<16x256xf32>
      %swap3A_918 = vector.shape_cast %tanh3A_911 : vector<16x256xf32> to vector<16x1x256xf32>
      tpu.vector_store %arg7[%swap3A_913, %swap3A_914, %swap3A_915], %swap3A_918 {strides = array<i32>} : memref<16x128x512xf32, #tpu.memory_space<vmem>>, vector<16x1x256xf32>,
      %swap3A_919 = arith.constant 0 : index
      %swap3A_920 = arith.constant 26 : index
      %swap3A_921 = arith.constant 256 : index
      %swap3A_922 = vector.load %arg7[%swap3A_919, %swap3A_920, %swap3A_921] : memref<16x128x512xf32, #tpu.memory_space<vmem>>, vector<16x1x256xf32>
      %swap3A_923 = vector.shape_cast %swap3A_922 : vector<16x1x256xf32> to vector<16x256xf32>
      %swap3A_924 = vector.shape_cast %tanh3A_912 : vector<16x256xf32> to vector<16x1x256xf32>
      tpu.vector_store %arg7[%swap3A_919, %swap3A_920, %swap3A_921], %swap3A_924 {strides = array<i32>} : memref<16x128x512xf32, #tpu.memory_space<vmem>>, vector<16x1x256xf32>,
      %get3A_925 = arith.index_cast %select_n3A_31 : i32 to index
      %get3A_926 = arith.constant 432 : index
      %get3A_927 = arith.constant 0 : index
      %get3A_928 = vector.load %arg9[%get3A_925, %get3A_926, %get3A_927] : memref<2x2048x512xf32, #tpu.memory_space<vmem>>, vector<1x16x512xf32>
      %get3A_929 = vector.shape_cast %get3A_928 : vector<1x16x512xf32> to vector<16x512xf32>
      %slice3A_930 = vector.extract_strided_slice %get3A_929 {offsets = [0, 0], sizes = [16, 256], strides = [1, 1]} : vector<16x512xf32> to vector<16x256xf32>
      %dot_general3A_931 = arith.constant dense<0.000000e+00> : vector<16x256xf32>
      %dot_general3A_932 = tpu.matmul %tanh3A_911, %get3A_11, %dot_general3A_931 {dimension_numbers = #tpu.dot_dimension_numbers<[1], [0], [0], [1], [0, 0, 1, 1], [], []>, transpose_lhs_hint = false} : vector<16x256xf32>, vector<256x256xf32>, vector<16x256xf32> -> vector<16x256xf32>
      %add3A_933 = arith.addf %slice3A_930, %dot_general3A_932 : vector<16x256xf32>
      %dot_general3A_934 = arith.constant dense<0.000000e+00> : vector<16x256xf32>
      %dot_general3A_935 = tpu.matmul %tanh3A_912, %get3A_14, %dot_general3A_934 {dimension_numbers = #tpu.dot_dimension_numbers<[1], [0], [0], [1], [0, 0, 1, 1], [], []>, transpose_lhs_hint = false} : vector<16x256xf32>, vector<256x256xf32>, vector<16x256xf32> -> vector<16x256xf32>
      %add3A_936 = arith.addf %add3A_933, %dot_general3A_935 : vector<16x256xf32>
      %slice3A_937 = vector.extract_strided_slice %get3A_929 {offsets = [0, 256], sizes = [16, 256], strides = [1, 1]} : vector<16x512xf32> to vector<16x256xf32>
      %dot_general3A_938 = arith.constant dense<0.000000e+00> : vector<16x256xf32>
      %dot_general3A_939 = tpu.matmul %tanh3A_911, %get3A_17, %dot_general3A_938 {dimension_numbers = #tpu.dot_dimension_numbers<[1], [0], [0], [1], [0, 0, 1, 1], [], []>, transpose_lhs_hint = false} : vector<16x256xf32>, vector<256x256xf32>, vector<16x256xf32> -> vector<16x256xf32>
      %add3A_940 = arith.addf %slice3A_937, %dot_general3A_939 : vector<16x256xf32>
      %dot_general3A_941 = arith.constant dense<0.000000e+00> : vector<16x256xf32>
      %dot_general3A_942 = tpu.matmul %tanh3A_912, %get3A_20, %dot_general3A_941 {dimension_numbers = #tpu.dot_dimension_numbers<[1], [0], [0], [1], [0, 0, 1, 1], [], []>, transpose_lhs_hint = false} : vector<16x256xf32>, vector<256x256xf32>, vector<16x256xf32> -> vector<16x256xf32>
      %add3A_943 = arith.addf %add3A_940, %dot_general3A_942 : vector<16x256xf32>
      %tanh3A_944 = math.tanh %add3A_936 : vector<16x256xf32>
      %tanh3A_945 = math.tanh %add3A_943 : vector<16x256xf32>
      %swap3A_946 = arith.constant 0 : index
      %swap3A_947 = arith.constant 27 : index
      %swap3A_948 = arith.constant 0 : index
      %swap3A_949 = vector.load %arg7[%swap3A_946, %swap3A_947, %swap3A_948] : memref<16x128x512xf32, #tpu.memory_space<vmem>>, vector<16x1x256xf32>
      %swap3A_950 = vector.shape_cast %swap3A_949 : vector<16x1x256xf32> to vector<16x256xf32>
      %swap3A_951 = vector.shape_cast %tanh3A_944 : vector<16x256xf32> to vector<16x1x256xf32>
      tpu.vector_store %arg7[%swap3A_946, %swap3A_947, %swap3A_948], %swap3A_951 {strides = array<i32>} : memref<16x128x512xf32, #tpu.memory_space<vmem>>, vector<16x1x256xf32>,
      %swap3A_952 = arith.constant 0 : index
      %swap3A_953 = arith.constant 27 : index
      %swap3A_954 = arith.constant 256 : index
      %swap3A_955 = vector.load %arg7[%swap3A_952, %swap3A_953, %swap3A_954] : memref<16x128x512xf32, #tpu.memory_space<vmem>>, vector<16x1x256xf32>
      %swap3A_956 = vector.shape_cast %swap3A_955 : vector<16x1x256xf32> to vector<16x256xf32>
      %swap3A_957 = vector.shape_cast %tanh3A_945 : vector<16x256xf32> to vector<16x1x256xf32>
      tpu.vector_store %arg7[%swap3A_952, %swap3A_953, %swap3A_954], %swap3A_957 {strides = array<i32>} : memref<16x128x512xf32, #tpu.memory_space<vmem>>, vector<16x1x256xf32>,
      %get3A_958 = arith.index_cast %select_n3A_31 : i32 to index
      %get3A_959 = arith.constant 448 : index
      %get3A_960 = arith.constant 0 : index
      %get3A_961 = vector.load %arg9[%get3A_958, %get3A_959, %get3A_960] : memref<2x2048x512xf32, #tpu.memory_space<vmem>>, vector<1x16x512xf32>
      %get3A_962 = vector.shape_cast %get3A_961 : vector<1x16x512xf32> to vector<16x512xf32>
      %slice3A_963 = vector.extract_strided_slice %get3A_962 {offsets = [0, 0], sizes = [16, 256], strides = [1, 1]} : vector<16x512xf32> to vector<16x256xf32>
      %dot_general3A_964 = arith.constant dense<0.000000e+00> : vector<16x256xf32>
      %dot_general3A_965 = tpu.matmul %tanh3A_944, %get3A_11, %dot_general3A_964 {dimension_numbers = #tpu.dot_dimension_numbers<[1], [0], [0], [1], [0, 0, 1, 1], [], []>, transpose_lhs_hint = false} : vector<16x256xf32>, vector<256x256xf32>, vector<16x256xf32> -> vector<16x256xf32>
      %add3A_966 = arith.addf %slice3A_963, %dot_general3A_965 : vector<16x256xf32>
      %dot_general3A_967 = arith.constant dense<0.000000e+00> : vector<16x256xf32>
      %dot_general3A_968 = tpu.matmul %tanh3A_945, %get3A_14, %dot_general3A_967 {dimension_numbers = #tpu.dot_dimension_numbers<[1], [0], [0], [1], [0, 0, 1, 1], [], []>, transpose_lhs_hint = false} : vector<16x256xf32>, vector<256x256xf32>, vector<16x256xf32> -> vector<16x256xf32>
      %add3A_969 = arith.addf %add3A_966, %dot_general3A_968 : vector<16x256xf32>
      %slice3A_970 = vector.extract_strided_slice %get3A_962 {offsets = [0, 256], sizes = [16, 256], strides = [1, 1]} : vector<16x512xf32> to vector<16x256xf32>
      %dot_general3A_971 = arith.constant dense<0.000000e+00> : vector<16x256xf32>
      %dot_general3A_972 = tpu.matmul %tanh3A_944, %get3A_17, %dot_general3A_971 {dimension_numbers = #tpu.dot_dimension_numbers<[1], [0], [0], [1], [0, 0, 1, 1], [], []>, transpose_lhs_hint = false} : vector<16x256xf32>, vector<256x256xf32>, vector<16x256xf32> -> vector<16x256xf32>
      %add3A_973 = arith.addf %slice3A_970, %dot_general3A_972 : vector<16x256xf32>
      %dot_general3A_974 = arith.constant dense<0.000000e+00> : vector<16x256xf32>
      %dot_general3A_975 = tpu.matmul %tanh3A_945, %get3A_20, %dot_general3A_974 {dimension_numbers = #tpu.dot_dimension_numbers<[1], [0], [0], [1], [0, 0, 1, 1], [], []>, transpose_lhs_hint = false} : vector<16x256xf32>, vector<256x256xf32>, vector<16x256xf32> -> vector<16x256xf32>
      %add3A_976 = arith.addf %add3A_973, %dot_general3A_975 : vector<16x256xf32>
      %tanh3A_977 = math.tanh %add3A_969 : vector<16x256xf32>
      %tanh3A_978 = math.tanh %add3A_976 : vector<16x256xf32>
      %swap3A_979 = arith.constant 0 : index
      %swap3A_980 = arith.constant 28 : index
      %swap3A_981 = arith.constant 0 : index
      %swap3A_982 = vector.load %arg7[%swap3A_979, %swap3A_980, %swap3A_981] : memref<16x128x512xf32, #tpu.memory_space<vmem>>, vector<16x1x256xf32>
      %swap3A_983 = vector.shape_cast %swap3A_982 : vector<16x1x256xf32> to vector<16x256xf32>
      %swap3A_984 = vector.shape_cast %tanh3A_977 : vector<16x256xf32> to vector<16x1x256xf32>
      tpu.vector_store %arg7[%swap3A_979, %swap3A_980, %swap3A_981], %swap3A_984 {strides = array<i32>} : memref<16x128x512xf32, #tpu.memory_space<vmem>>, vector<16x1x256xf32>,
      %swap3A_985 = arith.constant 0 : index
      %swap3A_986 = arith.constant 28 : index
      %swap3A_987 = arith.constant 256 : index
      %swap3A_988 = vector.load %arg7[%swap3A_985, %swap3A_986, %swap3A_987] : memref<16x128x512xf32, #tpu.memory_space<vmem>>, vector<16x1x256xf32>
      %swap3A_989 = vector.shape_cast %swap3A_988 : vector<16x1x256xf32> to vector<16x256xf32>
      %swap3A_990 = vector.shape_cast %tanh3A_978 : vector<16x256xf32> to vector<16x1x256xf32>
      tpu.vector_store %arg7[%swap3A_985, %swap3A_986, %swap3A_987], %swap3A_990 {strides = array<i32>} : memref<16x128x512xf32, #tpu.memory_space<vmem>>, vector<16x1x256xf32>,
      %get3A_991 = arith.index_cast %select_n3A_31 : i32 to index
      %get3A_992 = arith.constant 464 : index
      %get3A_993 = arith.constant 0 : index
      %get3A_994 = vector.load %arg9[%get3A_991, %get3A_992, %get3A_993] : memref<2x2048x512xf32, #tpu.memory_space<vmem>>, vector<1x16x512xf32>
      %get3A_995 = vector.shape_cast %get3A_994 : vector<1x16x512xf32> to vector<16x512xf32>
      %slice3A_996 = vector.extract_strided_slice %get3A_995 {offsets = [0, 0], sizes = [16, 256], strides = [1, 1]} : vector<16x512xf32> to vector<16x256xf32>
      %dot_general3A_997 = arith.constant dense<0.000000e+00> : vector<16x256xf32>
      %dot_general3A_998 = tpu.matmul %tanh3A_977, %get3A_11, %dot_general3A_997 {dimension_numbers = #tpu.dot_dimension_numbers<[1], [0], [0], [1], [0, 0, 1, 1], [], []>, transpose_lhs_hint = false} : vector<16x256xf32>, vector<256x256xf32>, vector<16x256xf32> -> vector<16x256xf32>
      %add3A_999 = arith.addf %slice3A_996, %dot_general3A_998 : vector<16x256xf32>
      %dot_general3A_1000 = arith.constant dense<0.000000e+00> : vector<16x256xf32>
      %dot_general3A_1001 = tpu.matmul %tanh3A_978, %get3A_14, %dot_general3A_1000 {dimension_numbers = #tpu.dot_dimension_numbers<[1], [0], [0], [1], [0, 0, 1, 1], [], []>, transpose_lhs_hint = false} : vector<16x256xf32>, vector<256x256xf32>, vector<16x256xf32> -> vector<16x256xf32>
      %add3A_1002 = arith.addf %add3A_999, %dot_general3A_1001 : vector<16x256xf32>
      %slice3A_1003 = vector.extract_strided_slice %get3A_995 {offsets = [0, 256], sizes = [16, 256], strides = [1, 1]} : vector<16x512xf32> to vector<16x256xf32>
      %dot_general3A_1004 = arith.constant dense<0.000000e+00> : vector<16x256xf32>
      %dot_general3A_1005 = tpu.matmul %tanh3A_977, %get3A_17, %dot_general3A_1004 {dimension_numbers = #tpu.dot_dimension_numbers<[1], [0], [0], [1], [0, 0, 1, 1], [], []>, transpose_lhs_hint = false} : vector<16x256xf32>, vector<256x256xf32>, vector<16x256xf32> -> vector<16x256xf32>
      %add3A_1006 = arith.addf %slice3A_1003, %dot_general3A_1005 : vector<16x256xf32>
      %dot_general3A_1007 = arith.constant dense<0.000000e+00> : vector<16x256xf32>
      %dot_general3A_1008 = tpu.matmul %tanh3A_978, %get3A_20, %dot_general3A_1007 {dimension_numbers = #tpu.dot_dimension_numbers<[1], [0], [0], [1], [0, 0, 1, 1], [], []>, transpose_lhs_hint = false} : vector<16x256xf32>, vector<256x256xf32>, vector<16x256xf32> -> vector<16x256xf32>
      %add3A_1009 = arith.addf %add3A_1006, %dot_general3A_1008 : vector<16x256xf32>
      %tanh3A_1010 = math.tanh %add3A_1002 : vector<16x256xf32>
      %tanh3A_1011 = math.tanh %add3A_1009 : vector<16x256xf32>
      %swap3A_1012 = arith.constant 0 : index
      %swap3A_1013 = arith.constant 29 : index
      %swap3A_1014 = arith.constant 0 : index
      %swap3A_1015 = vector.load %arg7[%swap3A_1012, %swap3A_1013, %swap3A_1014] : memref<16x128x512xf32, #tpu.memory_space<vmem>>, vector<16x1x256xf32>
      %swap3A_1016 = vector.shape_cast %swap3A_1015 : vector<16x1x256xf32> to vector<16x256xf32>
      %swap3A_1017 = vector.shape_cast %tanh3A_1010 : vector<16x256xf32> to vector<16x1x256xf32>
      tpu.vector_store %arg7[%swap3A_1012, %swap3A_1013, %swap3A_1014], %swap3A_1017 {strides = array<i32>} : memref<16x128x512xf32, #tpu.memory_space<vmem>>, vector<16x1x256xf32>,
      %swap3A_1018 = arith.constant 0 : index
      %swap3A_1019 = arith.constant 29 : index
      %swap3A_1020 = arith.constant 256 : index
      %swap3A_1021 = vector.load %arg7[%swap3A_1018, %swap3A_1019, %swap3A_1020] : memref<16x128x512xf32, #tpu.memory_space<vmem>>, vector<16x1x256xf32>
      %swap3A_1022 = vector.shape_cast %swap3A_1021 : vector<16x1x256xf32> to vector<16x256xf32>
      %swap3A_1023 = vector.shape_cast %tanh3A_1011 : vector<16x256xf32> to vector<16x1x256xf32>
      tpu.vector_store %arg7[%swap3A_1018, %swap3A_1019, %swap3A_1020], %swap3A_1023 {strides = array<i32>} : memref<16x128x512xf32, #tpu.memory_space<vmem>>, vector<16x1x256xf32>,
      %get3A_1024 = arith.index_cast %select_n3A_31 : i32 to index
      %get3A_1025 = arith.constant 480 : index
      %get3A_1026 = arith.constant 0 : index
      %get3A_1027 = vector.load %arg9[%get3A_1024, %get3A_1025, %get3A_1026] : memref<2x2048x512xf32, #tpu.memory_space<vmem>>, vector<1x16x512xf32>
      %get3A_1028 = vector.shape_cast %get3A_1027 : vector<1x16x512xf32> to vector<16x512xf32>
      %slice3A_1029 = vector.extract_strided_slice %get3A_1028 {offsets = [0, 0], sizes = [16, 256], strides = [1, 1]} : vector<16x512xf32> to vector<16x256xf32>
      %dot_general3A_1030 = arith.constant dense<0.000000e+00> : vector<16x256xf32>
      %dot_general3A_1031 = tpu.matmul %tanh3A_1010, %get3A_11, %dot_general3A_1030 {dimension_numbers = #tpu.dot_dimension_numbers<[1], [0], [0], [1], [0, 0, 1, 1], [], []>, transpose_lhs_hint = false} : vector<16x256xf32>, vector<256x256xf32>, vector<16x256xf32> -> vector<16x256xf32>
      %add3A_1032 = arith.addf %slice3A_1029, %dot_general3A_1031 : vector<16x256xf32>
      %dot_general3A_1033 = arith.constant dense<0.000000e+00> : vector<16x256xf32>
      %dot_general3A_1034 = tpu.matmul %tanh3A_1011, %get3A_14, %dot_general3A_1033 {dimension_numbers = #tpu.dot_dimension_numbers<[1], [0], [0], [1], [0, 0, 1, 1], [], []>, transpose_lhs_hint = false} : vector<16x256xf32>, vector<256x256xf32>, vector<16x256xf32> -> vector<16x256xf32>
      %add3A_1035 = arith.addf %add3A_1032, %dot_general3A_1034 : vector<16x256xf32>
      %slice3A_1036 = vector.extract_strided_slice %get3A_1028 {offsets = [0, 256], sizes = [16, 256], strides = [1, 1]} : vector<16x512xf32> to vector<16x256xf32>
      %dot_general3A_1037 = arith.constant dense<0.000000e+00> : vector<16x256xf32>
      %dot_general3A_1038 = tpu.matmul %tanh3A_1010, %get3A_17, %dot_general3A_1037 {dimension_numbers = #tpu.dot_dimension_numbers<[1], [0], [0], [1], [0, 0, 1, 1], [], []>, transpose_lhs_hint = false} : vector<16x256xf32>, vector<256x256xf32>, vector<16x256xf32> -> vector<16x256xf32>
      %add3A_1039 = arith.addf %slice3A_1036, %dot_general3A_1038 : vector<16x256xf32>
      %dot_general3A_1040 = arith.constant dense<0.000000e+00> : vector<16x256xf32>
      %dot_general3A_1041 = tpu.matmul %tanh3A_1011, %get3A_20, %dot_general3A_1040 {dimension_numbers = #tpu.dot_dimension_numbers<[1], [0], [0], [1], [0, 0, 1, 1], [], []>, transpose_lhs_hint = false} : vector<16x256xf32>, vector<256x256xf32>, vector<16x256xf32> -> vector<16x256xf32>
      %add3A_1042 = arith.addf %add3A_1039, %dot_general3A_1041 : vector<16x256xf32>
      %tanh3A_1043 = math.tanh %add3A_1035 : vector<16x256xf32>
      %tanh3A_1044 = math.tanh %add3A_1042 : vector<16x256xf32>
      %swap3A_1045 = arith.constant 0 : index
      %swap3A_1046 = arith.constant 30 : index
      %swap3A_1047 = arith.constant 0 : index
      %swap3A_1048 = vector.load %arg7[%swap3A_1045, %swap3A_1046, %swap3A_1047] : memref<16x128x512xf32, #tpu.memory_space<vmem>>, vector<16x1x256xf32>
      %swap3A_1049 = vector.shape_cast %swap3A_1048 : vector<16x1x256xf32> to vector<16x256xf32>
      %swap3A_1050 = vector.shape_cast %tanh3A_1043 : vector<16x256xf32> to vector<16x1x256xf32>
      tpu.vector_store %arg7[%swap3A_1045, %swap3A_1046, %swap3A_1047], %swap3A_1050 {strides = array<i32>} : memref<16x128x512xf32, #tpu.memory_space<vmem>>, vector<16x1x256xf32>,
      %swap3A_1051 = arith.constant 0 : index
      %swap3A_1052 = arith.constant 30 : index
      %swap3A_1053 = arith.constant 256 : index
      %swap3A_1054 = vector.load %arg7[%swap3A_1051, %swap3A_1052, %swap3A_1053] : memref<16x128x512xf32, #tpu.memory_space<vmem>>, vector<16x1x256xf32>
      %swap3A_1055 = vector.shape_cast %swap3A_1054 : vector<16x1x256xf32> to vector<16x256xf32>
      %swap3A_1056 = vector.shape_cast %tanh3A_1044 : vector<16x256xf32> to vector<16x1x256xf32>
      tpu.vector_store %arg7[%swap3A_1051, %swap3A_1052, %swap3A_1053], %swap3A_1056 {strides = array<i32>} : memref<16x128x512xf32, #tpu.memory_space<vmem>>, vector<16x1x256xf32>,
      %get3A_1057 = arith.index_cast %select_n3A_31 : i32 to index
      %get3A_1058 = arith.constant 496 : index
      %get3A_1059 = arith.constant 0 : index
      %get3A_1060 = vector.load %arg9[%get3A_1057, %get3A_1058, %get3A_1059] : memref<2x2048x512xf32, #tpu.memory_space<vmem>>, vector<1x16x512xf32>
      %get3A_1061 = vector.shape_cast %get3A_1060 : vector<1x16x512xf32> to vector<16x512xf32>
      %slice3A_1062 = vector.extract_strided_slice %get3A_1061 {offsets = [0, 0], sizes = [16, 256], strides = [1, 1]} : vector<16x512xf32> to vector<16x256xf32>
      %dot_general3A_1063 = arith.constant dense<0.000000e+00> : vector<16x256xf32>
      %dot_general3A_1064 = tpu.matmul %tanh3A_1043, %get3A_11, %dot_general3A_1063 {dimension_numbers = #tpu.dot_dimension_numbers<[1], [0], [0], [1], [0, 0, 1, 1], [], []>, transpose_lhs_hint = false} : vector<16x256xf32>, vector<256x256xf32>, vector<16x256xf32> -> vector<16x256xf32>
      %add3A_1065 = arith.addf %slice3A_1062, %dot_general3A_1064 : vector<16x256xf32>
      %dot_general3A_1066 = arith.constant dense<0.000000e+00> : vector<16x256xf32>
      %dot_general3A_1067 = tpu.matmul %tanh3A_1044, %get3A_14, %dot_general3A_1066 {dimension_numbers = #tpu.dot_dimension_numbers<[1], [0], [0], [1], [0, 0, 1, 1], [], []>, transpose_lhs_hint = false} : vector<16x256xf32>, vector<256x256xf32>, vector<16x256xf32> -> vector<16x256xf32>
      %add3A_1068 = arith.addf %add3A_1065, %dot_general3A_1067 : vector<16x256xf32>
      %slice3A_1069 = vector.extract_strided_slice %get3A_1061 {offsets = [0, 256], sizes = [16, 256], strides = [1, 1]} : vector<16x512xf32> to vector<16x256xf32>
      %dot_general3A_1070 = arith.constant dense<0.000000e+00> : vector<16x256xf32>
      %dot_general3A_1071 = tpu.matmul %tanh3A_1043, %get3A_17, %dot_general3A_1070 {dimension_numbers = #tpu.dot_dimension_numbers<[1], [0], [0], [1], [0, 0, 1, 1], [], []>, transpose_lhs_hint = false} : vector<16x256xf32>, vector<256x256xf32>, vector<16x256xf32> -> vector<16x256xf32>
      %add3A_1072 = arith.addf %slice3A_1069, %dot_general3A_1071 : vector<16x256xf32>
      %dot_general3A_1073 = arith.constant dense<0.000000e+00> : vector<16x256xf32>
      %dot_general3A_1074 = tpu.matmul %tanh3A_1044, %get3A_20, %dot_general3A_1073 {dimension_numbers = #tpu.dot_dimension_numbers<[1], [0], [0], [1], [0, 0, 1, 1], [], []>, transpose_lhs_hint = false} : vector<16x256xf32>, vector<256x256xf32>, vector<16x256xf32> -> vector<16x256xf32>
      %add3A_1075 = arith.addf %add3A_1072, %dot_general3A_1074 : vector<16x256xf32>
      %tanh3A_1076 = math.tanh %add3A_1068 : vector<16x256xf32>
      %tanh3A_1077 = math.tanh %add3A_1075 : vector<16x256xf32>
      %swap3A_1078 = arith.constant 0 : index
      %swap3A_1079 = arith.constant 31 : index
      %swap3A_1080 = arith.constant 0 : index
      %swap3A_1081 = vector.load %arg7[%swap3A_1078, %swap3A_1079, %swap3A_1080] : memref<16x128x512xf32, #tpu.memory_space<vmem>>, vector<16x1x256xf32>
      %swap3A_1082 = vector.shape_cast %swap3A_1081 : vector<16x1x256xf32> to vector<16x256xf32>
      %swap3A_1083 = vector.shape_cast %tanh3A_1076 : vector<16x256xf32> to vector<16x1x256xf32>
      tpu.vector_store %arg7[%swap3A_1078, %swap3A_1079, %swap3A_1080], %swap3A_1083 {strides = array<i32>} : memref<16x128x512xf32, #tpu.memory_space<vmem>>, vector<16x1x256xf32>,
      %swap3A_1084 = arith.constant 0 : index
      %swap3A_1085 = arith.constant 31 : index
      %swap3A_1086 = arith.constant 256 : index
      %swap3A_1087 = vector.load %arg7[%swap3A_1084, %swap3A_1085, %swap3A_1086] : memref<16x128x512xf32, #tpu.memory_space<vmem>>, vector<16x1x256xf32>
      %swap3A_1088 = vector.shape_cast %swap3A_1087 : vector<16x1x256xf32> to vector<16x256xf32>
      %swap3A_1089 = vector.shape_cast %tanh3A_1077 : vector<16x256xf32> to vector<16x1x256xf32>
      tpu.vector_store %arg7[%swap3A_1084, %swap3A_1085, %swap3A_1086], %swap3A_1089 {strides = array<i32>} : memref<16x128x512xf32, #tpu.memory_space<vmem>>, vector<16x1x256xf32>,
      %get3A_1090 = arith.index_cast %select_n3A_31 : i32 to index
      %get3A_1091 = arith.constant 512 : index
      %get3A_1092 = arith.constant 0 : index
      %get3A_1093 = vector.load %arg9[%get3A_1090, %get3A_1091, %get3A_1092] : memref<2x2048x512xf32, #tpu.memory_space<vmem>>, vector<1x16x512xf32>
      %get3A_1094 = vector.shape_cast %get3A_1093 : vector<1x16x512xf32> to vector<16x512xf32>
      %slice3A_1095 = vector.extract_strided_slice %get3A_1094 {offsets = [0, 0], sizes = [16, 256], strides = [1, 1]} : vector<16x512xf32> to vector<16x256xf32>
      %dot_general3A_1096 = arith.constant dense<0.000000e+00> : vector<16x256xf32>
      %dot_general3A_1097 = tpu.matmul %tanh3A_1076, %get3A_11, %dot_general3A_1096 {dimension_numbers = #tpu.dot_dimension_numbers<[1], [0], [0], [1], [0, 0, 1, 1], [], []>, transpose_lhs_hint = false} : vector<16x256xf32>, vector<256x256xf32>, vector<16x256xf32> -> vector<16x256xf32>
      %add3A_1098 = arith.addf %slice3A_1095, %dot_general3A_1097 : vector<16x256xf32>
      %dot_general3A_1099 = arith.constant dense<0.000000e+00> : vector<16x256xf32>
      %dot_general3A_1100 = tpu.matmul %tanh3A_1077, %get3A_14, %dot_general3A_1099 {dimension_numbers = #tpu.dot_dimension_numbers<[1], [0], [0], [1], [0, 0, 1, 1], [], []>, transpose_lhs_hint = false} : vector<16x256xf32>, vector<256x256xf32>, vector<16x256xf32> -> vector<16x256xf32>
      %add3A_1101 = arith.addf %add3A_1098, %dot_general3A_1100 : vector<16x256xf32>
      %slice3A_1102 = vector.extract_strided_slice %get3A_1094 {offsets = [0, 256], sizes = [16, 256], strides = [1, 1]} : vector<16x512xf32> to vector<16x256xf32>
      %dot_general3A_1103 = arith.constant dense<0.000000e+00> : vector<16x256xf32>
      %dot_general3A_1104 = tpu.matmul %tanh3A_1076, %get3A_17, %dot_general3A_1103 {dimension_numbers = #tpu.dot_dimension_numbers<[1], [0], [0], [1], [0, 0, 1, 1], [], []>, transpose_lhs_hint = false} : vector<16x256xf32>, vector<256x256xf32>, vector<16x256xf32> -> vector<16x256xf32>
      %add3A_1105 = arith.addf %slice3A_1102, %dot_general3A_1104 : vector<16x256xf32>
      %dot_general3A_1106 = arith.constant dense<0.000000e+00> : vector<16x256xf32>
      %dot_general3A_1107 = tpu.matmul %tanh3A_1077, %get3A_20, %dot_general3A_1106 {dimension_numbers = #tpu.dot_dimension_numbers<[1], [0], [0], [1], [0, 0, 1, 1], [], []>, transpose_lhs_hint = false} : vector<16x256xf32>, vector<256x256xf32>, vector<16x256xf32> -> vector<16x256xf32>
      %add3A_1108 = arith.addf %add3A_1105, %dot_general3A_1107 : vector<16x256xf32>
      %tanh3A_1109 = math.tanh %add3A_1101 : vector<16x256xf32>
      %tanh3A_1110 = math.tanh %add3A_1108 : vector<16x256xf32>
      %swap3A_1111 = arith.constant 0 : index
      %swap3A_1112 = arith.constant 32 : index
      %swap3A_1113 = arith.constant 0 : index
      %swap3A_1114 = vector.load %arg7[%swap3A_1111, %swap3A_1112, %swap3A_1113] : memref<16x128x512xf32, #tpu.memory_space<vmem>>, vector<16x1x256xf32>
      %swap3A_1115 = vector.shape_cast %swap3A_1114 : vector<16x1x256xf32> to vector<16x256xf32>
      %swap3A_1116 = vector.shape_cast %tanh3A_1109 : vector<16x256xf32> to vector<16x1x256xf32>
      tpu.vector_store %arg7[%swap3A_1111, %swap3A_1112, %swap3A_1113], %swap3A_1116 {strides = array<i32>} : memref<16x128x512xf32, #tpu.memory_space<vmem>>, vector<16x1x256xf32>,
      %swap3A_1117 = arith.constant 0 : index
      %swap3A_1118 = arith.constant 32 : index
      %swap3A_1119 = arith.constant 256 : index
      %swap3A_1120 = vector.load %arg7[%swap3A_1117, %swap3A_1118, %swap3A_1119] : memref<16x128x512xf32, #tpu.memory_space<vmem>>, vector<16x1x256xf32>
      %swap3A_1121 = vector.shape_cast %swap3A_1120 : vector<16x1x256xf32> to vector<16x256xf32>
      %swap3A_1122 = vector.shape_cast %tanh3A_1110 : vector<16x256xf32> to vector<16x1x256xf32>
      tpu.vector_store %arg7[%swap3A_1117, %swap3A_1118, %swap3A_1119], %swap3A_1122 {strides = array<i32>} : memref<16x128x512xf32, #tpu.memory_space<vmem>>, vector<16x1x256xf32>,
      %get3A_1123 = arith.index_cast %select_n3A_31 : i32 to index
      %get3A_1124 = arith.constant 528 : index
      %get3A_1125 = arith.constant 0 : index
      %get3A_1126 = vector.load %arg9[%get3A_1123, %get3A_1124, %get3A_1125] : memref<2x2048x512xf32, #tpu.memory_space<vmem>>, vector<1x16x512xf32>
      %get3A_1127 = vector.shape_cast %get3A_1126 : vector<1x16x512xf32> to vector<16x512xf32>
      %slice3A_1128 = vector.extract_strided_slice %get3A_1127 {offsets = [0, 0], sizes = [16, 256], strides = [1, 1]} : vector<16x512xf32> to vector<16x256xf32>
      %dot_general3A_1129 = arith.constant dense<0.000000e+00> : vector<16x256xf32>
      %dot_general3A_1130 = tpu.matmul %tanh3A_1109, %get3A_11, %dot_general3A_1129 {dimension_numbers = #tpu.dot_dimension_numbers<[1], [0], [0], [1], [0, 0, 1, 1], [], []>, transpose_lhs_hint = false} : vector<16x256xf32>, vector<256x256xf32>, vector<16x256xf32> -> vector<16x256xf32>
      %add3A_1131 = arith.addf %slice3A_1128, %dot_general3A_1130 : vector<16x256xf32>
      %dot_general3A_1132 = arith.constant dense<0.000000e+00> : vector<16x256xf32>
      %dot_general3A_1133 = tpu.matmul %tanh3A_1110, %get3A_14, %dot_general3A_1132 {dimension_numbers = #tpu.dot_dimension_numbers<[1], [0], [0], [1], [0, 0, 1, 1], [], []>, transpose_lhs_hint = false} : vector<16x256xf32>, vector<256x256xf32>, vector<16x256xf32> -> vector<16x256xf32>
      %add3A_1134 = arith.addf %add3A_1131, %dot_general3A_1133 : vector<16x256xf32>
      %slice3A_1135 = vector.extract_strided_slice %get3A_1127 {offsets = [0, 256], sizes = [16, 256], strides = [1, 1]} : vector<16x512xf32> to vector<16x256xf32>
      %dot_general3A_1136 = arith.constant dense<0.000000e+00> : vector<16x256xf32>
      %dot_general3A_1137 = tpu.matmul %tanh3A_1109, %get3A_17, %dot_general3A_1136 {dimension_numbers = #tpu.dot_dimension_numbers<[1], [0], [0], [1], [0, 0, 1, 1], [], []>, transpose_lhs_hint = false} : vector<16x256xf32>, vector<256x256xf32>, vector<16x256xf32> -> vector<16x256xf32>
      %add3A_1138 = arith.addf %slice3A_1135, %dot_general3A_1137 : vector<16x256xf32>
      %dot_general3A_1139 = arith.constant dense<0.000000e+00> : vector<16x256xf32>
      %dot_general3A_1140 = tpu.matmul %tanh3A_1110, %get3A_20, %dot_general3A_1139 {dimension_numbers = #tpu.dot_dimension_numbers<[1], [0], [0], [1], [0, 0, 1, 1], [], []>, transpose_lhs_hint = false} : vector<16x256xf32>, vector<256x256xf32>, vector<16x256xf32> -> vector<16x256xf32>
      %add3A_1141 = arith.addf %add3A_1138, %dot_general3A_1140 : vector<16x256xf32>
      %tanh3A_1142 = math.tanh %add3A_1134 : vector<16x256xf32>
      %tanh3A_1143 = math.tanh %add3A_1141 : vector<16x256xf32>
      %swap3A_1144 = arith.constant 0 : index
      %swap3A_1145 = arith.constant 33 : index
      %swap3A_1146 = arith.constant 0 : index
      %swap3A_1147 = vector.load %arg7[%swap3A_1144, %swap3A_1145, %swap3A_1146] : memref<16x128x512xf32, #tpu.memory_space<vmem>>, vector<16x1x256xf32>
      %swap3A_1148 = vector.shape_cast %swap3A_1147 : vector<16x1x256xf32> to vector<16x256xf32>
      %swap3A_1149 = vector.shape_cast %tanh3A_1142 : vector<16x256xf32> to vector<16x1x256xf32>
      tpu.vector_store %arg7[%swap3A_1144, %swap3A_1145, %swap3A_1146], %swap3A_1149 {strides = array<i32>} : memref<16x128x512xf32, #tpu.memory_space<vmem>>, vector<16x1x256xf32>,
      %swap3A_1150 = arith.constant 0 : index
      %swap3A_1151 = arith.constant 33 : index
      %swap3A_1152 = arith.constant 256 : index
      %swap3A_1153 = vector.load %arg7[%swap3A_1150, %swap3A_1151, %swap3A_1152] : memref<16x128x512xf32, #tpu.memory_space<vmem>>, vector<16x1x256xf32>
      %swap3A_1154 = vector.shape_cast %swap3A_1153 : vector<16x1x256xf32> to vector<16x256xf32>
      %swap3A_1155 = vector.shape_cast %tanh3A_1143 : vector<16x256xf32> to vector<16x1x256xf32>
      tpu.vector_store %arg7[%swap3A_1150, %swap3A_1151, %swap3A_1152], %swap3A_1155 {strides = array<i32>} : memref<16x128x512xf32, #tpu.memory_space<vmem>>, vector<16x1x256xf32>,
      %get3A_1156 = arith.index_cast %select_n3A_31 : i32 to index
      %get3A_1157 = arith.constant 544 : index
      %get3A_1158 = arith.constant 0 : index
      %get3A_1159 = vector.load %arg9[%get3A_1156, %get3A_1157, %get3A_1158] : memref<2x2048x512xf32, #tpu.memory_space<vmem>>, vector<1x16x512xf32>
      %get3A_1160 = vector.shape_cast %get3A_1159 : vector<1x16x512xf32> to vector<16x512xf32>
      %slice3A_1161 = vector.extract_strided_slice %get3A_1160 {offsets = [0, 0], sizes = [16, 256], strides = [1, 1]} : vector<16x512xf32> to vector<16x256xf32>
      %dot_general3A_1162 = arith.constant dense<0.000000e+00> : vector<16x256xf32>
      %dot_general3A_1163 = tpu.matmul %tanh3A_1142, %get3A_11, %dot_general3A_1162 {dimension_numbers = #tpu.dot_dimension_numbers<[1], [0], [0], [1], [0, 0, 1, 1], [], []>, transpose_lhs_hint = false} : vector<16x256xf32>, vector<256x256xf32>, vector<16x256xf32> -> vector<16x256xf32>
      %add3A_1164 = arith.addf %slice3A_1161, %dot_general3A_1163 : vector<16x256xf32>
      %dot_general3A_1165 = arith.constant dense<0.000000e+00> : vector<16x256xf32>
      %dot_general3A_1166 = tpu.matmul %tanh3A_1143, %get3A_14, %dot_general3A_1165 {dimension_numbers = #tpu.dot_dimension_numbers<[1], [0], [0], [1], [0, 0, 1, 1], [], []>, transpose_lhs_hint = false} : vector<16x256xf32>, vector<256x256xf32>, vector<16x256xf32> -> vector<16x256xf32>
      %add3A_1167 = arith.addf %add3A_1164, %dot_general3A_1166 : vector<16x256xf32>
      %slice3A_1168 = vector.extract_strided_slice %get3A_1160 {offsets = [0, 256], sizes = [16, 256], strides = [1, 1]} : vector<16x512xf32> to vector<16x256xf32>
      %dot_general3A_1169 = arith.constant dense<0.000000e+00> : vector<16x256xf32>
      %dot_general3A_1170 = tpu.matmul %tanh3A_1142, %get3A_17, %dot_general3A_1169 {dimension_numbers = #tpu.dot_dimension_numbers<[1], [0], [0], [1], [0, 0, 1, 1], [], []>, transpose_lhs_hint = false} : vector<16x256xf32>, vector<256x256xf32>, vector<16x256xf32> -> vector<16x256xf32>
      %add3A_1171 = arith.addf %slice3A_1168, %dot_general3A_1170 : vector<16x256xf32>
      %dot_general3A_1172 = arith.constant dense<0.000000e+00> : vector<16x256xf32>
      %dot_general3A_1173 = tpu.matmul %tanh3A_1143, %get3A_20, %dot_general3A_1172 {dimension_numbers = #tpu.dot_dimension_numbers<[1], [0], [0], [1], [0, 0, 1, 1], [], []>, transpose_lhs_hint = false} : vector<16x256xf32>, vector<256x256xf32>, vector<16x256xf32> -> vector<16x256xf32>
      %add3A_1174 = arith.addf %add3A_1171, %dot_general3A_1173 : vector<16x256xf32>
      %tanh3A_1175 = math.tanh %add3A_1167 : vector<16x256xf32>
      %tanh3A_1176 = math.tanh %add3A_1174 : vector<16x256xf32>
      %swap3A_1177 = arith.constant 0 : index
      %swap3A_1178 = arith.constant 34 : index
      %swap3A_1179 = arith.constant 0 : index
      %swap3A_1180 = vector.load %arg7[%swap3A_1177, %swap3A_1178, %swap3A_1179] : memref<16x128x512xf32, #tpu.memory_space<vmem>>, vector<16x1x256xf32>
      %swap3A_1181 = vector.shape_cast %swap3A_1180 : vector<16x1x256xf32> to vector<16x256xf32>
      %swap3A_1182 = vector.shape_cast %tanh3A_1175 : vector<16x256xf32> to vector<16x1x256xf32>
      tpu.vector_store %arg7[%swap3A_1177, %swap3A_1178, %swap3A_1179], %swap3A_1182 {strides = array<i32>} : memref<16x128x512xf32, #tpu.memory_space<vmem>>, vector<16x1x256xf32>,
      %swap3A_1183 = arith.constant 0 : index
      %swap3A_1184 = arith.constant 34 : index
      %swap3A_1185 = arith.constant 256 : index
      %swap3A_1186 = vector.load %arg7[%swap3A_1183, %swap3A_1184, %swap3A_1185] : memref<16x128x512xf32, #tpu.memory_space<vmem>>, vector<16x1x256xf32>
      %swap3A_1187 = vector.shape_cast %swap3A_1186 : vector<16x1x256xf32> to vector<16x256xf32>
      %swap3A_1188 = vector.shape_cast %tanh3A_1176 : vector<16x256xf32> to vector<16x1x256xf32>
      tpu.vector_store %arg7[%swap3A_1183, %swap3A_1184, %swap3A_1185], %swap3A_1188 {strides = array<i32>} : memref<16x128x512xf32, #tpu.memory_space<vmem>>, vector<16x1x256xf32>,
      %get3A_1189 = arith.index_cast %select_n3A_31 : i32 to index
      %get3A_1190 = arith.constant 560 : index
      %get3A_1191 = arith.constant 0 : index
      %get3A_1192 = vector.load %arg9[%get3A_1189, %get3A_1190, %get3A_1191] : memref<2x2048x512xf32, #tpu.memory_space<vmem>>, vector<1x16x512xf32>
      %get3A_1193 = vector.shape_cast %get3A_1192 : vector<1x16x512xf32> to vector<16x512xf32>
      %slice3A_1194 = vector.extract_strided_slice %get3A_1193 {offsets = [0, 0], sizes = [16, 256], strides = [1, 1]} : vector<16x512xf32> to vector<16x256xf32>
      %dot_general3A_1195 = arith.constant dense<0.000000e+00> : vector<16x256xf32>
      %dot_general3A_1196 = tpu.matmul %tanh3A_1175, %get3A_11, %dot_general3A_1195 {dimension_numbers = #tpu.dot_dimension_numbers<[1], [0], [0], [1], [0, 0, 1, 1], [], []>, transpose_lhs_hint = false} : vector<16x256xf32>, vector<256x256xf32>, vector<16x256xf32> -> vector<16x256xf32>
      %add3A_1197 = arith.addf %slice3A_1194, %dot_general3A_1196 : vector<16x256xf32>
      %dot_general3A_1198 = arith.constant dense<0.000000e+00> : vector<16x256xf32>
      %dot_general3A_1199 = tpu.matmul %tanh3A_1176, %get3A_14, %dot_general3A_1198 {dimension_numbers = #tpu.dot_dimension_numbers<[1], [0], [0], [1], [0, 0, 1, 1], [], []>, transpose_lhs_hint = false} : vector<16x256xf32>, vector<256x256xf32>, vector<16x256xf32> -> vector<16x256xf32>
      %add3A_1200 = arith.addf %add3A_1197, %dot_general3A_1199 : vector<16x256xf32>
      %slice3A_1201 = vector.extract_strided_slice %get3A_1193 {offsets = [0, 256], sizes = [16, 256], strides = [1, 1]} : vector<16x512xf32> to vector<16x256xf32>
      %dot_general3A_1202 = arith.constant dense<0.000000e+00> : vector<16x256xf32>
      %dot_general3A_1203 = tpu.matmul %tanh3A_1175, %get3A_17, %dot_general3A_1202 {dimension_numbers = #tpu.dot_dimension_numbers<[1], [0], [0], [1], [0, 0, 1, 1], [], []>, transpose_lhs_hint = false} : vector<16x256xf32>, vector<256x256xf32>, vector<16x256xf32> -> vector<16x256xf32>
      %add3A_1204 = arith.addf %slice3A_1201, %dot_general3A_1203 : vector<16x256xf32>
      %dot_general3A_1205 = arith.constant dense<0.000000e+00> : vector<16x256xf32>
      %dot_general3A_1206 = tpu.matmul %tanh3A_1176, %get3A_20, %dot_general3A_1205 {dimension_numbers = #tpu.dot_dimension_numbers<[1], [0], [0], [1], [0, 0, 1, 1], [], []>, transpose_lhs_hint = false} : vector<16x256xf32>, vector<256x256xf32>, vector<16x256xf32> -> vector<16x256xf32>
      %add3A_1207 = arith.addf %add3A_1204, %dot_general3A_1206 : vector<16x256xf32>
      %tanh3A_1208 = math.tanh %add3A_1200 : vector<16x256xf32>
      %tanh3A_1209 = math.tanh %add3A_1207 : vector<16x256xf32>
      %swap3A_1210 = arith.constant 0 : index
      %swap3A_1211 = arith.constant 35 : index
      %swap3A_1212 = arith.constant 0 : index
      %swap3A_1213 = vector.load %arg7[%swap3A_1210, %swap3A_1211, %swap3A_1212] : memref<16x128x512xf32, #tpu.memory_space<vmem>>, vector<16x1x256xf32>
      %swap3A_1214 = vector.shape_cast %swap3A_1213 : vector<16x1x256xf32> to vector<16x256xf32>
      %swap3A_1215 = vector.shape_cast %tanh3A_1208 : vector<16x256xf32> to vector<16x1x256xf32>
      tpu.vector_store %arg7[%swap3A_1210, %swap3A_1211, %swap3A_1212], %swap3A_1215 {strides = array<i32>} : memref<16x128x512xf32, #tpu.memory_space<vmem>>, vector<16x1x256xf32>,
      %swap3A_1216 = arith.constant 0 : index
      %swap3A_1217 = arith.constant 35 : index
      %swap3A_1218 = arith.constant 256 : index
      %swap3A_1219 = vector.load %arg7[%swap3A_1216, %swap3A_1217, %swap3A_1218] : memref<16x128x512xf32, #tpu.memory_space<vmem>>, vector<16x1x256xf32>
      %swap3A_1220 = vector.shape_cast %swap3A_1219 : vector<16x1x256xf32> to vector<16x256xf32>
      %swap3A_1221 = vector.shape_cast %tanh3A_1209 : vector<16x256xf32> to vector<16x1x256xf32>
      tpu.vector_store %arg7[%swap3A_1216, %swap3A_1217, %swap3A_1218], %swap3A_1221 {strides = array<i32>} : memref<16x128x512xf32, #tpu.memory_space<vmem>>, vector<16x1x256xf32>,
      %get3A_1222 = arith.index_cast %select_n3A_31 : i32 to index
      %get3A_1223 = arith.constant 576 : index
      %get3A_1224 = arith.constant 0 : index
      %get3A_1225 = vector.load %arg9[%get3A_1222, %get3A_1223, %get3A_1224] : memref<2x2048x512xf32, #tpu.memory_space<vmem>>, vector<1x16x512xf32>
      %get3A_1226 = vector.shape_cast %get3A_1225 : vector<1x16x512xf32> to vector<16x512xf32>
      %slice3A_1227 = vector.extract_strided_slice %get3A_1226 {offsets = [0, 0], sizes = [16, 256], strides = [1, 1]} : vector<16x512xf32> to vector<16x256xf32>
      %dot_general3A_1228 = arith.constant dense<0.000000e+00> : vector<16x256xf32>
      %dot_general3A_1229 = tpu.matmul %tanh3A_1208, %get3A_11, %dot_general3A_1228 {dimension_numbers = #tpu.dot_dimension_numbers<[1], [0], [0], [1], [0, 0, 1, 1], [], []>, transpose_lhs_hint = false} : vector<16x256xf32>, vector<256x256xf32>, vector<16x256xf32> -> vector<16x256xf32>
      %add3A_1230 = arith.addf %slice3A_1227, %dot_general3A_1229 : vector<16x256xf32>
      %dot_general3A_1231 = arith.constant dense<0.000000e+00> : vector<16x256xf32>
      %dot_general3A_1232 = tpu.matmul %tanh3A_1209, %get3A_14, %dot_general3A_1231 {dimension_numbers = #tpu.dot_dimension_numbers<[1], [0], [0], [1], [0, 0, 1, 1], [], []>, transpose_lhs_hint = false} : vector<16x256xf32>, vector<256x256xf32>, vector<16x256xf32> -> vector<16x256xf32>
      %add3A_1233 = arith.addf %add3A_1230, %dot_general3A_1232 : vector<16x256xf32>
      %slice3A_1234 = vector.extract_strided_slice %get3A_1226 {offsets = [0, 256], sizes = [16, 256], strides = [1, 1]} : vector<16x512xf32> to vector<16x256xf32>
      %dot_general3A_1235 = arith.constant dense<0.000000e+00> : vector<16x256xf32>
      %dot_general3A_1236 = tpu.matmul %tanh3A_1208, %get3A_17, %dot_general3A_1235 {dimension_numbers = #tpu.dot_dimension_numbers<[1], [0], [0], [1], [0, 0, 1, 1], [], []>, transpose_lhs_hint = false} : vector<16x256xf32>, vector<256x256xf32>, vector<16x256xf32> -> vector<16x256xf32>
      %add3A_1237 = arith.addf %slice3A_1234, %dot_general3A_1236 : vector<16x256xf32>
      %dot_general3A_1238 = arith.constant dense<0.000000e+00> : vector<16x256xf32>
      %dot_general3A_1239 = tpu.matmul %tanh3A_1209, %get3A_20, %dot_general3A_1238 {dimension_numbers = #tpu.dot_dimension_numbers<[1], [0], [0], [1], [0, 0, 1, 1], [], []>, transpose_lhs_hint = false} : vector<16x256xf32>, vector<256x256xf32>, vector<16x256xf32> -> vector<16x256xf32>
      %add3A_1240 = arith.addf %add3A_1237, %dot_general3A_1239 : vector<16x256xf32>
      %tanh3A_1241 = math.tanh %add3A_1233 : vector<16x256xf32>
      %tanh3A_1242 = math.tanh %add3A_1240 : vector<16x256xf32>
      %swap3A_1243 = arith.constant 0 : index
      %swap3A_1244 = arith.constant 36 : index
      %swap3A_1245 = arith.constant 0 : index
      %swap3A_1246 = vector.load %arg7[%swap3A_1243, %swap3A_1244, %swap3A_1245] : memref<16x128x512xf32, #tpu.memory_space<vmem>>, vector<16x1x256xf32>
      %swap3A_1247 = vector.shape_cast %swap3A_1246 : vector<16x1x256xf32> to vector<16x256xf32>
      %swap3A_1248 = vector.shape_cast %tanh3A_1241 : vector<16x256xf32> to vector<16x1x256xf32>
      tpu.vector_store %arg7[%swap3A_1243, %swap3A_1244, %swap3A_1245], %swap3A_1248 {strides = array<i32>} : memref<16x128x512xf32, #tpu.memory_space<vmem>>, vector<16x1x256xf32>,
      %swap3A_1249 = arith.constant 0 : index
      %swap3A_1250 = arith.constant 36 : index
      %swap3A_1251 = arith.constant 256 : index
      %swap3A_1252 = vector.load %arg7[%swap3A_1249, %swap3A_1250, %swap3A_1251] : memref<16x128x512xf32, #tpu.memory_space<vmem>>, vector<16x1x256xf32>
      %swap3A_1253 = vector.shape_cast %swap3A_1252 : vector<16x1x256xf32> to vector<16x256xf32>
      %swap3A_1254 = vector.shape_cast %tanh3A_1242 : vector<16x256xf32> to vector<16x1x256xf32>
      tpu.vector_store %arg7[%swap3A_1249, %swap3A_1250, %swap3A_1251], %swap3A_1254 {strides = array<i32>} : memref<16x128x512xf32, #tpu.memory_space<vmem>>, vector<16x1x256xf32>,
      %get3A_1255 = arith.index_cast %select_n3A_31 : i32 to index
      %get3A_1256 = arith.constant 592 : index
      %get3A_1257 = arith.constant 0 : index
      %get3A_1258 = vector.load %arg9[%get3A_1255, %get3A_1256, %get3A_1257] : memref<2x2048x512xf32, #tpu.memory_space<vmem>>, vector<1x16x512xf32>
      %get3A_1259 = vector.shape_cast %get3A_1258 : vector<1x16x512xf32> to vector<16x512xf32>
      %slice3A_1260 = vector.extract_strided_slice %get3A_1259 {offsets = [0, 0], sizes = [16, 256], strides = [1, 1]} : vector<16x512xf32> to vector<16x256xf32>
      %dot_general3A_1261 = arith.constant dense<0.000000e+00> : vector<16x256xf32>
      %dot_general3A_1262 = tpu.matmul %tanh3A_1241, %get3A_11, %dot_general3A_1261 {dimension_numbers = #tpu.dot_dimension_numbers<[1], [0], [0], [1], [0, 0, 1, 1], [], []>, transpose_lhs_hint = false} : vector<16x256xf32>, vector<256x256xf32>, vector<16x256xf32> -> vector<16x256xf32>
      %add3A_1263 = arith.addf %slice3A_1260, %dot_general3A_1262 : vector<16x256xf32>
      %dot_general3A_1264 = arith.constant dense<0.000000e+00> : vector<16x256xf32>
      %dot_general3A_1265 = tpu.matmul %tanh3A_1242, %get3A_14, %dot_general3A_1264 {dimension_numbers = #tpu.dot_dimension_numbers<[1], [0], [0], [1], [0, 0, 1, 1], [], []>, transpose_lhs_hint = false} : vector<16x256xf32>, vector<256x256xf32>, vector<16x256xf32> -> vector<16x256xf32>
      %add3A_1266 = arith.addf %add3A_1263, %dot_general3A_1265 : vector<16x256xf32>
      %slice3A_1267 = vector.extract_strided_slice %get3A_1259 {offsets = [0, 256], sizes = [16, 256], strides = [1, 1]} : vector<16x512xf32> to vector<16x256xf32>
      %dot_general3A_1268 = arith.constant dense<0.000000e+00> : vector<16x256xf32>
      %dot_general3A_1269 = tpu.matmul %tanh3A_1241, %get3A_17, %dot_general3A_1268 {dimension_numbers = #tpu.dot_dimension_numbers<[1], [0], [0], [1], [0, 0, 1, 1], [], []>, transpose_lhs_hint = false} : vector<16x256xf32>, vector<256x256xf32>, vector<16x256xf32> -> vector<16x256xf32>
      %add3A_1270 = arith.addf %slice3A_1267, %dot_general3A_1269 : vector<16x256xf32>
      %dot_general3A_1271 = arith.constant dense<0.000000e+00> : vector<16x256xf32>
      %dot_general3A_1272 = tpu.matmul %tanh3A_1242, %get3A_20, %dot_general3A_1271 {dimension_numbers = #tpu.dot_dimension_numbers<[1], [0], [0], [1], [0, 0, 1, 1], [], []>, transpose_lhs_hint = false} : vector<16x256xf32>, vector<256x256xf32>, vector<16x256xf32> -> vector<16x256xf32>
      %add3A_1273 = arith.addf %add3A_1270, %dot_general3A_1272 : vector<16x256xf32>
      %tanh3A_1274 = math.tanh %add3A_1266 : vector<16x256xf32>
      %tanh3A_1275 = math.tanh %add3A_1273 : vector<16x256xf32>
      %swap3A_1276 = arith.constant 0 : index
      %swap3A_1277 = arith.constant 37 : index
      %swap3A_1278 = arith.constant 0 : index
      %swap3A_1279 = vector.load %arg7[%swap3A_1276, %swap3A_1277, %swap3A_1278] : memref<16x128x512xf32, #tpu.memory_space<vmem>>, vector<16x1x256xf32>
      %swap3A_1280 = vector.shape_cast %swap3A_1279 : vector<16x1x256xf32> to vector<16x256xf32>
      %swap3A_1281 = vector.shape_cast %tanh3A_1274 : vector<16x256xf32> to vector<16x1x256xf32>
      tpu.vector_store %arg7[%swap3A_1276, %swap3A_1277, %swap3A_1278], %swap3A_1281 {strides = array<i32>} : memref<16x128x512xf32, #tpu.memory_space<vmem>>, vector<16x1x256xf32>,
      %swap3A_1282 = arith.constant 0 : index
      %swap3A_1283 = arith.constant 37 : index
      %swap3A_1284 = arith.constant 256 : index
      %swap3A_1285 = vector.load %arg7[%swap3A_1282, %swap3A_1283, %swap3A_1284] : memref<16x128x512xf32, #tpu.memory_space<vmem>>, vector<16x1x256xf32>
      %swap3A_1286 = vector.shape_cast %swap3A_1285 : vector<16x1x256xf32> to vector<16x256xf32>
      %swap3A_1287 = vector.shape_cast %tanh3A_1275 : vector<16x256xf32> to vector<16x1x256xf32>
      tpu.vector_store %arg7[%swap3A_1282, %swap3A_1283, %swap3A_1284], %swap3A_1287 {strides = array<i32>} : memref<16x128x512xf32, #tpu.memory_space<vmem>>, vector<16x1x256xf32>,
      %get3A_1288 = arith.index_cast %select_n3A_31 : i32 to index
      %get3A_1289 = arith.constant 608 : index
      %get3A_1290 = arith.constant 0 : index
      %get3A_1291 = vector.load %arg9[%get3A_1288, %get3A_1289, %get3A_1290] : memref<2x2048x512xf32, #tpu.memory_space<vmem>>, vector<1x16x512xf32>
      %get3A_1292 = vector.shape_cast %get3A_1291 : vector<1x16x512xf32> to vector<16x512xf32>
      %slice3A_1293 = vector.extract_strided_slice %get3A_1292 {offsets = [0, 0], sizes = [16, 256], strides = [1, 1]} : vector<16x512xf32> to vector<16x256xf32>
      %dot_general3A_1294 = arith.constant dense<0.000000e+00> : vector<16x256xf32>
      %dot_general3A_1295 = tpu.matmul %tanh3A_1274, %get3A_11, %dot_general3A_1294 {dimension_numbers = #tpu.dot_dimension_numbers<[1], [0], [0], [1], [0, 0, 1, 1], [], []>, transpose_lhs_hint = false} : vector<16x256xf32>, vector<256x256xf32>, vector<16x256xf32> -> vector<16x256xf32>
      %add3A_1296 = arith.addf %slice3A_1293, %dot_general3A_1295 : vector<16x256xf32>
      %dot_general3A_1297 = arith.constant dense<0.000000e+00> : vector<16x256xf32>
      %dot_general3A_1298 = tpu.matmul %tanh3A_1275, %get3A_14, %dot_general3A_1297 {dimension_numbers = #tpu.dot_dimension_numbers<[1], [0], [0], [1], [0, 0, 1, 1], [], []>, transpose_lhs_hint = false} : vector<16x256xf32>, vector<256x256xf32>, vector<16x256xf32> -> vector<16x256xf32>
      %add3A_1299 = arith.addf %add3A_1296, %dot_general3A_1298 : vector<16x256xf32>
      %slice3A_1300 = vector.extract_strided_slice %get3A_1292 {offsets = [0, 256], sizes = [16, 256], strides = [1, 1]} : vector<16x512xf32> to vector<16x256xf32>
      %dot_general3A_1301 = arith.constant dense<0.000000e+00> : vector<16x256xf32>
      %dot_general3A_1302 = tpu.matmul %tanh3A_1274, %get3A_17, %dot_general3A_1301 {dimension_numbers = #tpu.dot_dimension_numbers<[1], [0], [0], [1], [0, 0, 1, 1], [], []>, transpose_lhs_hint = false} : vector<16x256xf32>, vector<256x256xf32>, vector<16x256xf32> -> vector<16x256xf32>
      %add3A_1303 = arith.addf %slice3A_1300, %dot_general3A_1302 : vector<16x256xf32>
      %dot_general3A_1304 = arith.constant dense<0.000000e+00> : vector<16x256xf32>
      %dot_general3A_1305 = tpu.matmul %tanh3A_1275, %get3A_20, %dot_general3A_1304 {dimension_numbers = #tpu.dot_dimension_numbers<[1], [0], [0], [1], [0, 0, 1, 1], [], []>, transpose_lhs_hint = false} : vector<16x256xf32>, vector<256x256xf32>, vector<16x256xf32> -> vector<16x256xf32>
      %add3A_1306 = arith.addf %add3A_1303, %dot_general3A_1305 : vector<16x256xf32>
      %tanh3A_1307 = math.tanh %add3A_1299 : vector<16x256xf32>
      %tanh3A_1308 = math.tanh %add3A_1306 : vector<16x256xf32>
      %swap3A_1309 = arith.constant 0 : index
      %swap3A_1310 = arith.constant 38 : index
      %swap3A_1311 = arith.constant 0 : index
      %swap3A_1312 = vector.load %arg7[%swap3A_1309, %swap3A_1310, %swap3A_1311] : memref<16x128x512xf32, #tpu.memory_space<vmem>>, vector<16x1x256xf32>
      %swap3A_1313 = vector.shape_cast %swap3A_1312 : vector<16x1x256xf32> to vector<16x256xf32>
      %swap3A_1314 = vector.shape_cast %tanh3A_1307 : vector<16x256xf32> to vector<16x1x256xf32>
      tpu.vector_store %arg7[%swap3A_1309, %swap3A_1310, %swap3A_1311], %swap3A_1314 {strides = array<i32>} : memref<16x128x512xf32, #tpu.memory_space<vmem>>, vector<16x1x256xf32>,
      %swap3A_1315 = arith.constant 0 : index
      %swap3A_1316 = arith.constant 38 : index
      %swap3A_1317 = arith.constant 256 : index
      %swap3A_1318 = vector.load %arg7[%swap3A_1315, %swap3A_1316, %swap3A_1317] : memref<16x128x512xf32, #tpu.memory_space<vmem>>, vector<16x1x256xf32>
      %swap3A_1319 = vector.shape_cast %swap3A_1318 : vector<16x1x256xf32> to vector<16x256xf32>
      %swap3A_1320 = vector.shape_cast %tanh3A_1308 : vector<16x256xf32> to vector<16x1x256xf32>
      tpu.vector_store %arg7[%swap3A_1315, %swap3A_1316, %swap3A_1317], %swap3A_1320 {strides = array<i32>} : memref<16x128x512xf32, #tpu.memory_space<vmem>>, vector<16x1x256xf32>,
      %get3A_1321 = arith.index_cast %select_n3A_31 : i32 to index
      %get3A_1322 = arith.constant 624 : index
      %get3A_1323 = arith.constant 0 : index
      %get3A_1324 = vector.load %arg9[%get3A_1321, %get3A_1322, %get3A_1323] : memref<2x2048x512xf32, #tpu.memory_space<vmem>>, vector<1x16x512xf32>
      %get3A_1325 = vector.shape_cast %get3A_1324 : vector<1x16x512xf32> to vector<16x512xf32>
      %slice3A_1326 = vector.extract_strided_slice %get3A_1325 {offsets = [0, 0], sizes = [16, 256], strides = [1, 1]} : vector<16x512xf32> to vector<16x256xf32>
      %dot_general3A_1327 = arith.constant dense<0.000000e+00> : vector<16x256xf32>
      %dot_general3A_1328 = tpu.matmul %tanh3A_1307, %get3A_11, %dot_general3A_1327 {dimension_numbers = #tpu.dot_dimension_numbers<[1], [0], [0], [1], [0, 0, 1, 1], [], []>, transpose_lhs_hint = false} : vector<16x256xf32>, vector<256x256xf32>, vector<16x256xf32> -> vector<16x256xf32>
      %add3A_1329 = arith.addf %slice3A_1326, %dot_general3A_1328 : vector<16x256xf32>
      %dot_general3A_1330 = arith.constant dense<0.000000e+00> : vector<16x256xf32>
      %dot_general3A_1331 = tpu.matmul %tanh3A_1308, %get3A_14, %dot_general3A_1330 {dimension_numbers = #tpu.dot_dimension_numbers<[1], [0], [0], [1], [0, 0, 1, 1], [], []>, transpose_lhs_hint = false} : vector<16x256xf32>, vector<256x256xf32>, vector<16x256xf32> -> vector<16x256xf32>
      %add3A_1332 = arith.addf %add3A_1329, %dot_general3A_1331 : vector<16x256xf32>
      %slice3A_1333 = vector.extract_strided_slice %get3A_1325 {offsets = [0, 256], sizes = [16, 256], strides = [1, 1]} : vector<16x512xf32> to vector<16x256xf32>
      %dot_general3A_1334 = arith.constant dense<0.000000e+00> : vector<16x256xf32>
      %dot_general3A_1335 = tpu.matmul %tanh3A_1307, %get3A_17, %dot_general3A_1334 {dimension_numbers = #tpu.dot_dimension_numbers<[1], [0], [0], [1], [0, 0, 1, 1], [], []>, transpose_lhs_hint = false} : vector<16x256xf32>, vector<256x256xf32>, vector<16x256xf32> -> vector<16x256xf32>
      %add3A_1336 = arith.addf %slice3A_1333, %dot_general3A_1335 : vector<16x256xf32>
      %dot_general3A_1337 = arith.constant dense<0.000000e+00> : vector<16x256xf32>
      %dot_general3A_1338 = tpu.matmul %tanh3A_1308, %get3A_20, %dot_general3A_1337 {dimension_numbers = #tpu.dot_dimension_numbers<[1], [0], [0], [1], [0, 0, 1, 1], [], []>, transpose_lhs_hint = false} : vector<16x256xf32>, vector<256x256xf32>, vector<16x256xf32> -> vector<16x256xf32>
      %add3A_1339 = arith.addf %add3A_1336, %dot_general3A_1338 : vector<16x256xf32>
      %tanh3A_1340 = math.tanh %add3A_1332 : vector<16x256xf32>
      %tanh3A_1341 = math.tanh %add3A_1339 : vector<16x256xf32>
      %swap3A_1342 = arith.constant 0 : index
      %swap3A_1343 = arith.constant 39 : index
      %swap3A_1344 = arith.constant 0 : index
      %swap3A_1345 = vector.load %arg7[%swap3A_1342, %swap3A_1343, %swap3A_1344] : memref<16x128x512xf32, #tpu.memory_space<vmem>>, vector<16x1x256xf32>
      %swap3A_1346 = vector.shape_cast %swap3A_1345 : vector<16x1x256xf32> to vector<16x256xf32>
      %swap3A_1347 = vector.shape_cast %tanh3A_1340 : vector<16x256xf32> to vector<16x1x256xf32>
      tpu.vector_store %arg7[%swap3A_1342, %swap3A_1343, %swap3A_1344], %swap3A_1347 {strides = array<i32>} : memref<16x128x512xf32, #tpu.memory_space<vmem>>, vector<16x1x256xf32>,
      %swap3A_1348 = arith.constant 0 : index
      %swap3A_1349 = arith.constant 39 : index
      %swap3A_1350 = arith.constant 256 : index
      %swap3A_1351 = vector.load %arg7[%swap3A_1348, %swap3A_1349, %swap3A_1350] : memref<16x128x512xf32, #tpu.memory_space<vmem>>, vector<16x1x256xf32>
      %swap3A_1352 = vector.shape_cast %swap3A_1351 : vector<16x1x256xf32> to vector<16x256xf32>
      %swap3A_1353 = vector.shape_cast %tanh3A_1341 : vector<16x256xf32> to vector<16x1x256xf32>
      tpu.vector_store %arg7[%swap3A_1348, %swap3A_1349, %swap3A_1350], %swap3A_1353 {strides = array<i32>} : memref<16x128x512xf32, #tpu.memory_space<vmem>>, vector<16x1x256xf32>,
      %get3A_1354 = arith.index_cast %select_n3A_31 : i32 to index
      %get3A_1355 = arith.constant 640 : index
      %get3A_1356 = arith.constant 0 : index
      %get3A_1357 = vector.load %arg9[%get3A_1354, %get3A_1355, %get3A_1356] : memref<2x2048x512xf32, #tpu.memory_space<vmem>>, vector<1x16x512xf32>
      %get3A_1358 = vector.shape_cast %get3A_1357 : vector<1x16x512xf32> to vector<16x512xf32>
      %slice3A_1359 = vector.extract_strided_slice %get3A_1358 {offsets = [0, 0], sizes = [16, 256], strides = [1, 1]} : vector<16x512xf32> to vector<16x256xf32>
      %dot_general3A_1360 = arith.constant dense<0.000000e+00> : vector<16x256xf32>
      %dot_general3A_1361 = tpu.matmul %tanh3A_1340, %get3A_11, %dot_general3A_1360 {dimension_numbers = #tpu.dot_dimension_numbers<[1], [0], [0], [1], [0, 0, 1, 1], [], []>, transpose_lhs_hint = false} : vector<16x256xf32>, vector<256x256xf32>, vector<16x256xf32> -> vector<16x256xf32>
      %add3A_1362 = arith.addf %slice3A_1359, %dot_general3A_1361 : vector<16x256xf32>
      %dot_general3A_1363 = arith.constant dense<0.000000e+00> : vector<16x256xf32>
      %dot_general3A_1364 = tpu.matmul %tanh3A_1341, %get3A_14, %dot_general3A_1363 {dimension_numbers = #tpu.dot_dimension_numbers<[1], [0], [0], [1], [0, 0, 1, 1], [], []>, transpose_lhs_hint = false} : vector<16x256xf32>, vector<256x256xf32>, vector<16x256xf32> -> vector<16x256xf32>
      %add3A_1365 = arith.addf %add3A_1362, %dot_general3A_1364 : vector<16x256xf32>
      %slice3A_1366 = vector.extract_strided_slice %get3A_1358 {offsets = [0, 256], sizes = [16, 256], strides = [1, 1]} : vector<16x512xf32> to vector<16x256xf32>
      %dot_general3A_1367 = arith.constant dense<0.000000e+00> : vector<16x256xf32>
      %dot_general3A_1368 = tpu.matmul %tanh3A_1340, %get3A_17, %dot_general3A_1367 {dimension_numbers = #tpu.dot_dimension_numbers<[1], [0], [0], [1], [0, 0, 1, 1], [], []>, transpose_lhs_hint = false} : vector<16x256xf32>, vector<256x256xf32>, vector<16x256xf32> -> vector<16x256xf32>
      %add3A_1369 = arith.addf %slice3A_1366, %dot_general3A_1368 : vector<16x256xf32>
      %dot_general3A_1370 = arith.constant dense<0.000000e+00> : vector<16x256xf32>
      %dot_general3A_1371 = tpu.matmul %tanh3A_1341, %get3A_20, %dot_general3A_1370 {dimension_numbers = #tpu.dot_dimension_numbers<[1], [0], [0], [1], [0, 0, 1, 1], [], []>, transpose_lhs_hint = false} : vector<16x256xf32>, vector<256x256xf32>, vector<16x256xf32> -> vector<16x256xf32>
      %add3A_1372 = arith.addf %add3A_1369, %dot_general3A_1371 : vector<16x256xf32>
      %tanh3A_1373 = math.tanh %add3A_1365 : vector<16x256xf32>
      %tanh3A_1374 = math.tanh %add3A_1372 : vector<16x256xf32>
      %swap3A_1375 = arith.constant 0 : index
      %swap3A_1376 = arith.constant 40 : index
      %swap3A_1377 = arith.constant 0 : index
      %swap3A_1378 = vector.load %arg7[%swap3A_1375, %swap3A_1376, %swap3A_1377] : memref<16x128x512xf32, #tpu.memory_space<vmem>>, vector<16x1x256xf32>
      %swap3A_1379 = vector.shape_cast %swap3A_1378 : vector<16x1x256xf32> to vector<16x256xf32>
      %swap3A_1380 = vector.shape_cast %tanh3A_1373 : vector<16x256xf32> to vector<16x1x256xf32>
      tpu.vector_store %arg7[%swap3A_1375, %swap3A_1376, %swap3A_1377], %swap3A_1380 {strides = array<i32>} : memref<16x128x512xf32, #tpu.memory_space<vmem>>, vector<16x1x256xf32>,
      %swap3A_1381 = arith.constant 0 : index
      %swap3A_1382 = arith.constant 40 : index
      %swap3A_1383 = arith.constant 256 : index
      %swap3A_1384 = vector.load %arg7[%swap3A_1381, %swap3A_1382, %swap3A_1383] : memref<16x128x512xf32, #tpu.memory_space<vmem>>, vector<16x1x256xf32>
      %swap3A_1385 = vector.shape_cast %swap3A_1384 : vector<16x1x256xf32> to vector<16x256xf32>
      %swap3A_1386 = vector.shape_cast %tanh3A_1374 : vector<16x256xf32> to vector<16x1x256xf32>
      tpu.vector_store %arg7[%swap3A_1381, %swap3A_1382, %swap3A_1383], %swap3A_1386 {strides = array<i32>} : memref<16x128x512xf32, #tpu.memory_space<vmem>>, vector<16x1x256xf32>,
      %get3A_1387 = arith.index_cast %select_n3A_31 : i32 to index
      %get3A_1388 = arith.constant 656 : index
      %get3A_1389 = arith.constant 0 : index
      %get3A_1390 = vector.load %arg9[%get3A_1387, %get3A_1388, %get3A_1389] : memref<2x2048x512xf32, #tpu.memory_space<vmem>>, vector<1x16x512xf32>
      %get3A_1391 = vector.shape_cast %get3A_1390 : vector<1x16x512xf32> to vector<16x512xf32>
      %slice3A_1392 = vector.extract_strided_slice %get3A_1391 {offsets = [0, 0], sizes = [16, 256], strides = [1, 1]} : vector<16x512xf32> to vector<16x256xf32>
      %dot_general3A_1393 = arith.constant dense<0.000000e+00> : vector<16x256xf32>
      %dot_general3A_1394 = tpu.matmul %tanh3A_1373, %get3A_11, %dot_general3A_1393 {dimension_numbers = #tpu.dot_dimension_numbers<[1], [0], [0], [1], [0, 0, 1, 1], [], []>, transpose_lhs_hint = false} : vector<16x256xf32>, vector<256x256xf32>, vector<16x256xf32> -> vector<16x256xf32>
      %add3A_1395 = arith.addf %slice3A_1392, %dot_general3A_1394 : vector<16x256xf32>
      %dot_general3A_1396 = arith.constant dense<0.000000e+00> : vector<16x256xf32>
      %dot_general3A_1397 = tpu.matmul %tanh3A_1374, %get3A_14, %dot_general3A_1396 {dimension_numbers = #tpu.dot_dimension_numbers<[1], [0], [0], [1], [0, 0, 1, 1], [], []>, transpose_lhs_hint = false} : vector<16x256xf32>, vector<256x256xf32>, vector<16x256xf32> -> vector<16x256xf32>
      %add3A_1398 = arith.addf %add3A_1395, %dot_general3A_1397 : vector<16x256xf32>
      %slice3A_1399 = vector.extract_strided_slice %get3A_1391 {offsets = [0, 256], sizes = [16, 256], strides = [1, 1]} : vector<16x512xf32> to vector<16x256xf32>
      %dot_general3A_1400 = arith.constant dense<0.000000e+00> : vector<16x256xf32>
      %dot_general3A_1401 = tpu.matmul %tanh3A_1373, %get3A_17, %dot_general3A_1400 {dimension_numbers = #tpu.dot_dimension_numbers<[1], [0], [0], [1], [0, 0, 1, 1], [], []>, transpose_lhs_hint = false} : vector<16x256xf32>, vector<256x256xf32>, vector<16x256xf32> -> vector<16x256xf32>
      %add3A_1402 = arith.addf %slice3A_1399, %dot_general3A_1401 : vector<16x256xf32>
      %dot_general3A_1403 = arith.constant dense<0.000000e+00> : vector<16x256xf32>
      %dot_general3A_1404 = tpu.matmul %tanh3A_1374, %get3A_20, %dot_general3A_1403 {dimension_numbers = #tpu.dot_dimension_numbers<[1], [0], [0], [1], [0, 0, 1, 1], [], []>, transpose_lhs_hint = false} : vector<16x256xf32>, vector<256x256xf32>, vector<16x256xf32> -> vector<16x256xf32>
      %add3A_1405 = arith.addf %add3A_1402, %dot_general3A_1404 : vector<16x256xf32>
      %tanh3A_1406 = math.tanh %add3A_1398 : vector<16x256xf32>
      %tanh3A_1407 = math.tanh %add3A_1405 : vector<16x256xf32>
      %swap3A_1408 = arith.constant 0 : index
      %swap3A_1409 = arith.constant 41 : index
      %swap3A_1410 = arith.constant 0 : index
      %swap3A_1411 = vector.load %arg7[%swap3A_1408, %swap3A_1409, %swap3A_1410] : memref<16x128x512xf32, #tpu.memory_space<vmem>>, vector<16x1x256xf32>
      %swap3A_1412 = vector.shape_cast %swap3A_1411 : vector<16x1x256xf32> to vector<16x256xf32>
      %swap3A_1413 = vector.shape_cast %tanh3A_1406 : vector<16x256xf32> to vector<16x1x256xf32>
      tpu.vector_store %arg7[%swap3A_1408, %swap3A_1409, %swap3A_1410], %swap3A_1413 {strides = array<i32>} : memref<16x128x512xf32, #tpu.memory_space<vmem>>, vector<16x1x256xf32>,
      %swap3A_1414 = arith.constant 0 : index
      %swap3A_1415 = arith.constant 41 : index
      %swap3A_1416 = arith.constant 256 : index
      %swap3A_1417 = vector.load %arg7[%swap3A_1414, %swap3A_1415, %swap3A_1416] : memref<16x128x512xf32, #tpu.memory_space<vmem>>, vector<16x1x256xf32>
      %swap3A_1418 = vector.shape_cast %swap3A_1417 : vector<16x1x256xf32> to vector<16x256xf32>
      %swap3A_1419 = vector.shape_cast %tanh3A_1407 : vector<16x256xf32> to vector<16x1x256xf32>
      tpu.vector_store %arg7[%swap3A_1414, %swap3A_1415, %swap3A_1416], %swap3A_1419 {strides = array<i32>} : memref<16x128x512xf32, #tpu.memory_space<vmem>>, vector<16x1x256xf32>,
      %get3A_1420 = arith.index_cast %select_n3A_31 : i32 to index
      %get3A_1421 = arith.constant 672 : index
      %get3A_1422 = arith.constant 0 : index
      %get3A_1423 = vector.load %arg9[%get3A_1420, %get3A_1421, %get3A_1422] : memref<2x2048x512xf32, #tpu.memory_space<vmem>>, vector<1x16x512xf32>
      %get3A_1424 = vector.shape_cast %get3A_1423 : vector<1x16x512xf32> to vector<16x512xf32>
      %slice3A_1425 = vector.extract_strided_slice %get3A_1424 {offsets = [0, 0], sizes = [16, 256], strides = [1, 1]} : vector<16x512xf32> to vector<16x256xf32>
      %dot_general3A_1426 = arith.constant dense<0.000000e+00> : vector<16x256xf32>
      %dot_general3A_1427 = tpu.matmul %tanh3A_1406, %get3A_11, %dot_general3A_1426 {dimension_numbers = #tpu.dot_dimension_numbers<[1], [0], [0], [1], [0, 0, 1, 1], [], []>, transpose_lhs_hint = false} : vector<16x256xf32>, vector<256x256xf32>, vector<16x256xf32> -> vector<16x256xf32>
      %add3A_1428 = arith.addf %slice3A_1425, %dot_general3A_1427 : vector<16x256xf32>
      %dot_general3A_1429 = arith.constant dense<0.000000e+00> : vector<16x256xf32>
      %dot_general3A_1430 = tpu.matmul %tanh3A_1407, %get3A_14, %dot_general3A_1429 {dimension_numbers = #tpu.dot_dimension_numbers<[1], [0], [0], [1], [0, 0, 1, 1], [], []>, transpose_lhs_hint = false} : vector<16x256xf32>, vector<256x256xf32>, vector<16x256xf32> -> vector<16x256xf32>
      %add3A_1431 = arith.addf %add3A_1428, %dot_general3A_1430 : vector<16x256xf32>
      %slice3A_1432 = vector.extract_strided_slice %get3A_1424 {offsets = [0, 256], sizes = [16, 256], strides = [1, 1]} : vector<16x512xf32> to vector<16x256xf32>
      %dot_general3A_1433 = arith.constant dense<0.000000e+00> : vector<16x256xf32>
      %dot_general3A_1434 = tpu.matmul %tanh3A_1406, %get3A_17, %dot_general3A_1433 {dimension_numbers = #tpu.dot_dimension_numbers<[1], [0], [0], [1], [0, 0, 1, 1], [], []>, transpose_lhs_hint = false} : vector<16x256xf32>, vector<256x256xf32>, vector<16x256xf32> -> vector<16x256xf32>
      %add3A_1435 = arith.addf %slice3A_1432, %dot_general3A_1434 : vector<16x256xf32>
      %dot_general3A_1436 = arith.constant dense<0.000000e+00> : vector<16x256xf32>
      %dot_general3A_1437 = tpu.matmul %tanh3A_1407, %get3A_20, %dot_general3A_1436 {dimension_numbers = #tpu.dot_dimension_numbers<[1], [0], [0], [1], [0, 0, 1, 1], [], []>, transpose_lhs_hint = false} : vector<16x256xf32>, vector<256x256xf32>, vector<16x256xf32> -> vector<16x256xf32>
      %add3A_1438 = arith.addf %add3A_1435, %dot_general3A_1437 : vector<16x256xf32>
      %tanh3A_1439 = math.tanh %add3A_1431 : vector<16x256xf32>
      %tanh3A_1440 = math.tanh %add3A_1438 : vector<16x256xf32>
      %swap3A_1441 = arith.constant 0 : index
      %swap3A_1442 = arith.constant 42 : index
      %swap3A_1443 = arith.constant 0 : index
      %swap3A_1444 = vector.load %arg7[%swap3A_1441, %swap3A_1442, %swap3A_1443] : memref<16x128x512xf32, #tpu.memory_space<vmem>>, vector<16x1x256xf32>
      %swap3A_1445 = vector.shape_cast %swap3A_1444 : vector<16x1x256xf32> to vector<16x256xf32>
      %swap3A_1446 = vector.shape_cast %tanh3A_1439 : vector<16x256xf32> to vector<16x1x256xf32>
      tpu.vector_store %arg7[%swap3A_1441, %swap3A_1442, %swap3A_1443], %swap3A_1446 {strides = array<i32>} : memref<16x128x512xf32, #tpu.memory_space<vmem>>, vector<16x1x256xf32>,
      %swap3A_1447 = arith.constant 0 : index
      %swap3A_1448 = arith.constant 42 : index
      %swap3A_1449 = arith.constant 256 : index
      %swap3A_1450 = vector.load %arg7[%swap3A_1447, %swap3A_1448, %swap3A_1449] : memref<16x128x512xf32, #tpu.memory_space<vmem>>, vector<16x1x256xf32>
      %swap3A_1451 = vector.shape_cast %swap3A_1450 : vector<16x1x256xf32> to vector<16x256xf32>
      %swap3A_1452 = vector.shape_cast %tanh3A_1440 : vector<16x256xf32> to vector<16x1x256xf32>
      tpu.vector_store %arg7[%swap3A_1447, %swap3A_1448, %swap3A_1449], %swap3A_1452 {strides = array<i32>} : memref<16x128x512xf32, #tpu.memory_space<vmem>>, vector<16x1x256xf32>,
      %get3A_1453 = arith.index_cast %select_n3A_31 : i32 to index
      %get3A_1454 = arith.constant 688 : index
      %get3A_1455 = arith.constant 0 : index
      %get3A_1456 = vector.load %arg9[%get3A_1453, %get3A_1454, %get3A_1455] : memref<2x2048x512xf32, #tpu.memory_space<vmem>>, vector<1x16x512xf32>
      %get3A_1457 = vector.shape_cast %get3A_1456 : vector<1x16x512xf32> to vector<16x512xf32>
      %slice3A_1458 = vector.extract_strided_slice %get3A_1457 {offsets = [0, 0], sizes = [16, 256], strides = [1, 1]} : vector<16x512xf32> to vector<16x256xf32>
      %dot_general3A_1459 = arith.constant dense<0.000000e+00> : vector<16x256xf32>
      %dot_general3A_1460 = tpu.matmul %tanh3A_1439, %get3A_11, %dot_general3A_1459 {dimension_numbers = #tpu.dot_dimension_numbers<[1], [0], [0], [1], [0, 0, 1, 1], [], []>, transpose_lhs_hint = false} : vector<16x256xf32>, vector<256x256xf32>, vector<16x256xf32> -> vector<16x256xf32>
      %add3A_1461 = arith.addf %slice3A_1458, %dot_general3A_1460 : vector<16x256xf32>
      %dot_general3A_1462 = arith.constant dense<0.000000e+00> : vector<16x256xf32>
      %dot_general3A_1463 = tpu.matmul %tanh3A_1440, %get3A_14, %dot_general3A_1462 {dimension_numbers = #tpu.dot_dimension_numbers<[1], [0], [0], [1], [0, 0, 1, 1], [], []>, transpose_lhs_hint = false} : vector<16x256xf32>, vector<256x256xf32>, vector<16x256xf32> -> vector<16x256xf32>
      %add3A_1464 = arith.addf %add3A_1461, %dot_general3A_1463 : vector<16x256xf32>
      %slice3A_1465 = vector.extract_strided_slice %get3A_1457 {offsets = [0, 256], sizes = [16, 256], strides = [1, 1]} : vector<16x512xf32> to vector<16x256xf32>
      %dot_general3A_1466 = arith.constant dense<0.000000e+00> : vector<16x256xf32>
      %dot_general3A_1467 = tpu.matmul %tanh3A_1439, %get3A_17, %dot_general3A_1466 {dimension_numbers = #tpu.dot_dimension_numbers<[1], [0], [0], [1], [0, 0, 1, 1], [], []>, transpose_lhs_hint = false} : vector<16x256xf32>, vector<256x256xf32>, vector<16x256xf32> -> vector<16x256xf32>
      %add3A_1468 = arith.addf %slice3A_1465, %dot_general3A_1467 : vector<16x256xf32>
      %dot_general3A_1469 = arith.constant dense<0.000000e+00> : vector<16x256xf32>
      %dot_general3A_1470 = tpu.matmul %tanh3A_1440, %get3A_20, %dot_general3A_1469 {dimension_numbers = #tpu.dot_dimension_numbers<[1], [0], [0], [1], [0, 0, 1, 1], [], []>, transpose_lhs_hint = false} : vector<16x256xf32>, vector<256x256xf32>, vector<16x256xf32> -> vector<16x256xf32>
      %add3A_1471 = arith.addf %add3A_1468, %dot_general3A_1470 : vector<16x256xf32>
      %tanh3A_1472 = math.tanh %add3A_1464 : vector<16x256xf32>
      %tanh3A_1473 = math.tanh %add3A_1471 : vector<16x256xf32>
      %swap3A_1474 = arith.constant 0 : index
      %swap3A_1475 = arith.constant 43 : index
      %swap3A_1476 = arith.constant 0 : index
      %swap3A_1477 = vector.load %arg7[%swap3A_1474, %swap3A_1475, %swap3A_1476] : memref<16x128x512xf32, #tpu.memory_space<vmem>>, vector<16x1x256xf32>
      %swap3A_1478 = vector.shape_cast %swap3A_1477 : vector<16x1x256xf32> to vector<16x256xf32>
      %swap3A_1479 = vector.shape_cast %tanh3A_1472 : vector<16x256xf32> to vector<16x1x256xf32>
      tpu.vector_store %arg7[%swap3A_1474, %swap3A_1475, %swap3A_1476], %swap3A_1479 {strides = array<i32>} : memref<16x128x512xf32, #tpu.memory_space<vmem>>, vector<16x1x256xf32>,
      %swap3A_1480 = arith.constant 0 : index
      %swap3A_1481 = arith.constant 43 : index
      %swap3A_1482 = arith.constant 256 : index
      %swap3A_1483 = vector.load %arg7[%swap3A_1480, %swap3A_1481, %swap3A_1482] : memref<16x128x512xf32, #tpu.memory_space<vmem>>, vector<16x1x256xf32>
      %swap3A_1484 = vector.shape_cast %swap3A_1483 : vector<16x1x256xf32> to vector<16x256xf32>
      %swap3A_1485 = vector.shape_cast %tanh3A_1473 : vector<16x256xf32> to vector<16x1x256xf32>
      tpu.vector_store %arg7[%swap3A_1480, %swap3A_1481, %swap3A_1482], %swap3A_1485 {strides = array<i32>} : memref<16x128x512xf32, #tpu.memory_space<vmem>>, vector<16x1x256xf32>,
      %get3A_1486 = arith.index_cast %select_n3A_31 : i32 to index
      %get3A_1487 = arith.constant 704 : index
      %get3A_1488 = arith.constant 0 : index
      %get3A_1489 = vector.load %arg9[%get3A_1486, %get3A_1487, %get3A_1488] : memref<2x2048x512xf32, #tpu.memory_space<vmem>>, vector<1x16x512xf32>
      %get3A_1490 = vector.shape_cast %get3A_1489 : vector<1x16x512xf32> to vector<16x512xf32>
      %slice3A_1491 = vector.extract_strided_slice %get3A_1490 {offsets = [0, 0], sizes = [16, 256], strides = [1, 1]} : vector<16x512xf32> to vector<16x256xf32>
      %dot_general3A_1492 = arith.constant dense<0.000000e+00> : vector<16x256xf32>
      %dot_general3A_1493 = tpu.matmul %tanh3A_1472, %get3A_11, %dot_general3A_1492 {dimension_numbers = #tpu.dot_dimension_numbers<[1], [0], [0], [1], [0, 0, 1, 1], [], []>, transpose_lhs_hint = false} : vector<16x256xf32>, vector<256x256xf32>, vector<16x256xf32> -> vector<16x256xf32>
      %add3A_1494 = arith.addf %slice3A_1491, %dot_general3A_1493 : vector<16x256xf32>
      %dot_general3A_1495 = arith.constant dense<0.000000e+00> : vector<16x256xf32>
      %dot_general3A_1496 = tpu.matmul %tanh3A_1473, %get3A_14, %dot_general3A_1495 {dimension_numbers = #tpu.dot_dimension_numbers<[1], [0], [0], [1], [0, 0, 1, 1], [], []>, transpose_lhs_hint = false} : vector<16x256xf32>, vector<256x256xf32>, vector<16x256xf32> -> vector<16x256xf32>
      %add3A_1497 = arith.addf %add3A_1494, %dot_general3A_1496 : vector<16x256xf32>
      %slice3A_1498 = vector.extract_strided_slice %get3A_1490 {offsets = [0, 256], sizes = [16, 256], strides = [1, 1]} : vector<16x512xf32> to vector<16x256xf32>
      %dot_general3A_1499 = arith.constant dense<0.000000e+00> : vector<16x256xf32>
      %dot_general3A_1500 = tpu.matmul %tanh3A_1472, %get3A_17, %dot_general3A_1499 {dimension_numbers = #tpu.dot_dimension_numbers<[1], [0], [0], [1], [0, 0, 1, 1], [], []>, transpose_lhs_hint = false} : vector<16x256xf32>, vector<256x256xf32>, vector<16x256xf32> -> vector<16x256xf32>
      %add3A_1501 = arith.addf %slice3A_1498, %dot_general3A_1500 : vector<16x256xf32>
      %dot_general3A_1502 = arith.constant dense<0.000000e+00> : vector<16x256xf32>
      %dot_general3A_1503 = tpu.matmul %tanh3A_1473, %get3A_20, %dot_general3A_1502 {dimension_numbers = #tpu.dot_dimension_numbers<[1], [0], [0], [1], [0, 0, 1, 1], [], []>, transpose_lhs_hint = false} : vector<16x256xf32>, vector<256x256xf32>, vector<16x256xf32> -> vector<16x256xf32>
      %add3A_1504 = arith.addf %add3A_1501, %dot_general3A_1503 : vector<16x256xf32>
      %tanh3A_1505 = math.tanh %add3A_1497 : vector<16x256xf32>
      %tanh3A_1506 = math.tanh %add3A_1504 : vector<16x256xf32>
      %swap3A_1507 = arith.constant 0 : index
      %swap3A_1508 = arith.constant 44 : index
      %swap3A_1509 = arith.constant 0 : index
      %swap3A_1510 = vector.load %arg7[%swap3A_1507, %swap3A_1508, %swap3A_1509] : memref<16x128x512xf32, #tpu.memory_space<vmem>>, vector<16x1x256xf32>
      %swap3A_1511 = vector.shape_cast %swap3A_1510 : vector<16x1x256xf32> to vector<16x256xf32>
      %swap3A_1512 = vector.shape_cast %tanh3A_1505 : vector<16x256xf32> to vector<16x1x256xf32>
      tpu.vector_store %arg7[%swap3A_1507, %swap3A_1508, %swap3A_1509], %swap3A_1512 {strides = array<i32>} : memref<16x128x512xf32, #tpu.memory_space<vmem>>, vector<16x1x256xf32>,
      %swap3A_1513 = arith.constant 0 : index
      %swap3A_1514 = arith.constant 44 : index
      %swap3A_1515 = arith.constant 256 : index
      %swap3A_1516 = vector.load %arg7[%swap3A_1513, %swap3A_1514, %swap3A_1515] : memref<16x128x512xf32, #tpu.memory_space<vmem>>, vector<16x1x256xf32>
      %swap3A_1517 = vector.shape_cast %swap3A_1516 : vector<16x1x256xf32> to vector<16x256xf32>
      %swap3A_1518 = vector.shape_cast %tanh3A_1506 : vector<16x256xf32> to vector<16x1x256xf32>
      tpu.vector_store %arg7[%swap3A_1513, %swap3A_1514, %swap3A_1515], %swap3A_1518 {strides = array<i32>} : memref<16x128x512xf32, #tpu.memory_space<vmem>>, vector<16x1x256xf32>,
      %get3A_1519 = arith.index_cast %select_n3A_31 : i32 to index
      %get3A_1520 = arith.constant 720 : index
      %get3A_1521 = arith.constant 0 : index
      %get3A_1522 = vector.load %arg9[%get3A_1519, %get3A_1520, %get3A_1521] : memref<2x2048x512xf32, #tpu.memory_space<vmem>>, vector<1x16x512xf32>
      %get3A_1523 = vector.shape_cast %get3A_1522 : vector<1x16x512xf32> to vector<16x512xf32>
      %slice3A_1524 = vector.extract_strided_slice %get3A_1523 {offsets = [0, 0], sizes = [16, 256], strides = [1, 1]} : vector<16x512xf32> to vector<16x256xf32>
      %dot_general3A_1525 = arith.constant dense<0.000000e+00> : vector<16x256xf32>
      %dot_general3A_1526 = tpu.matmul %tanh3A_1505, %get3A_11, %dot_general3A_1525 {dimension_numbers = #tpu.dot_dimension_numbers<[1], [0], [0], [1], [0, 0, 1, 1], [], []>, transpose_lhs_hint = false} : vector<16x256xf32>, vector<256x256xf32>, vector<16x256xf32> -> vector<16x256xf32>
      %add3A_1527 = arith.addf %slice3A_1524, %dot_general3A_1526 : vector<16x256xf32>
      %dot_general3A_1528 = arith.constant dense<0.000000e+00> : vector<16x256xf32>
      %dot_general3A_1529 = tpu.matmul %tanh3A_1506, %get3A_14, %dot_general3A_1528 {dimension_numbers = #tpu.dot_dimension_numbers<[1], [0], [0], [1], [0, 0, 1, 1], [], []>, transpose_lhs_hint = false} : vector<16x256xf32>, vector<256x256xf32>, vector<16x256xf32> -> vector<16x256xf32>
      %add3A_1530 = arith.addf %add3A_1527, %dot_general3A_1529 : vector<16x256xf32>
      %slice3A_1531 = vector.extract_strided_slice %get3A_1523 {offsets = [0, 256], sizes = [16, 256], strides = [1, 1]} : vector<16x512xf32> to vector<16x256xf32>
      %dot_general3A_1532 = arith.constant dense<0.000000e+00> : vector<16x256xf32>
      %dot_general3A_1533 = tpu.matmul %tanh3A_1505, %get3A_17, %dot_general3A_1532 {dimension_numbers = #tpu.dot_dimension_numbers<[1], [0], [0], [1], [0, 0, 1, 1], [], []>, transpose_lhs_hint = false} : vector<16x256xf32>, vector<256x256xf32>, vector<16x256xf32> -> vector<16x256xf32>
      %add3A_1534 = arith.addf %slice3A_1531, %dot_general3A_1533 : vector<16x256xf32>
      %dot_general3A_1535 = arith.constant dense<0.000000e+00> : vector<16x256xf32>
      %dot_general3A_1536 = tpu.matmul %tanh3A_1506, %get3A_20, %dot_general3A_1535 {dimension_numbers = #tpu.dot_dimension_numbers<[1], [0], [0], [1], [0, 0, 1, 1], [], []>, transpose_lhs_hint = false} : vector<16x256xf32>, vector<256x256xf32>, vector<16x256xf32> -> vector<16x256xf32>
      %add3A_1537 = arith.addf %add3A_1534, %dot_general3A_1536 : vector<16x256xf32>
      %tanh3A_1538 = math.tanh %add3A_1530 : vector<16x256xf32>
      %tanh3A_1539 = math.tanh %add3A_1537 : vector<16x256xf32>
      %swap3A_1540 = arith.constant 0 : index
      %swap3A_1541 = arith.constant 45 : index
      %swap3A_1542 = arith.constant 0 : index
      %swap3A_1543 = vector.load %arg7[%swap3A_1540, %swap3A_1541, %swap3A_1542] : memref<16x128x512xf32, #tpu.memory_space<vmem>>, vector<16x1x256xf32>
      %swap3A_1544 = vector.shape_cast %swap3A_1543 : vector<16x1x256xf32> to vector<16x256xf32>
      %swap3A_1545 = vector.shape_cast %tanh3A_1538 : vector<16x256xf32> to vector<16x1x256xf32>
      tpu.vector_store %arg7[%swap3A_1540, %swap3A_1541, %swap3A_1542], %swap3A_1545 {strides = array<i32>} : memref<16x128x512xf32, #tpu.memory_space<vmem>>, vector<16x1x256xf32>,
      %swap3A_1546 = arith.constant 0 : index
      %swap3A_1547 = arith.constant 45 : index
      %swap3A_1548 = arith.constant 256 : index
      %swap3A_1549 = vector.load %arg7[%swap3A_1546, %swap3A_1547, %swap3A_1548] : memref<16x128x512xf32, #tpu.memory_space<vmem>>, vector<16x1x256xf32>
      %swap3A_1550 = vector.shape_cast %swap3A_1549 : vector<16x1x256xf32> to vector<16x256xf32>
      %swap3A_1551 = vector.shape_cast %tanh3A_1539 : vector<16x256xf32> to vector<16x1x256xf32>
      tpu.vector_store %arg7[%swap3A_1546, %swap3A_1547, %swap3A_1548], %swap3A_1551 {strides = array<i32>} : memref<16x128x512xf32, #tpu.memory_space<vmem>>, vector<16x1x256xf32>,
      %get3A_1552 = arith.index_cast %select_n3A_31 : i32 to index
      %get3A_1553 = arith.constant 736 : index
      %get3A_1554 = arith.constant 0 : index
      %get3A_1555 = vector.load %arg9[%get3A_1552, %get3A_1553, %get3A_1554] : memref<2x2048x512xf32, #tpu.memory_space<vmem>>, vector<1x16x512xf32>
      %get3A_1556 = vector.shape_cast %get3A_1555 : vector<1x16x512xf32> to vector<16x512xf32>
      %slice3A_1557 = vector.extract_strided_slice %get3A_1556 {offsets = [0, 0], sizes = [16, 256], strides = [1, 1]} : vector<16x512xf32> to vector<16x256xf32>
      %dot_general3A_1558 = arith.constant dense<0.000000e+00> : vector<16x256xf32>
      %dot_general3A_1559 = tpu.matmul %tanh3A_1538, %get3A_11, %dot_general3A_1558 {dimension_numbers = #tpu.dot_dimension_numbers<[1], [0], [0], [1], [0, 0, 1, 1], [], []>, transpose_lhs_hint = false} : vector<16x256xf32>, vector<256x256xf32>, vector<16x256xf32> -> vector<16x256xf32>
      %add3A_1560 = arith.addf %slice3A_1557, %dot_general3A_1559 : vector<16x256xf32>
      %dot_general3A_1561 = arith.constant dense<0.000000e+00> : vector<16x256xf32>
      %dot_general3A_1562 = tpu.matmul %tanh3A_1539, %get3A_14, %dot_general3A_1561 {dimension_numbers = #tpu.dot_dimension_numbers<[1], [0], [0], [1], [0, 0, 1, 1], [], []>, transpose_lhs_hint = false} : vector<16x256xf32>, vector<256x256xf32>, vector<16x256xf32> -> vector<16x256xf32>
      %add3A_1563 = arith.addf %add3A_1560, %dot_general3A_1562 : vector<16x256xf32>
      %slice3A_1564 = vector.extract_strided_slice %get3A_1556 {offsets = [0, 256], sizes = [16, 256], strides = [1, 1]} : vector<16x512xf32> to vector<16x256xf32>
      %dot_general3A_1565 = arith.constant dense<0.000000e+00> : vector<16x256xf32>
      %dot_general3A_1566 = tpu.matmul %tanh3A_1538, %get3A_17, %dot_general3A_1565 {dimension_numbers = #tpu.dot_dimension_numbers<[1], [0], [0], [1], [0, 0, 1, 1], [], []>, transpose_lhs_hint = false} : vector<16x256xf32>, vector<256x256xf32>, vector<16x256xf32> -> vector<16x256xf32>
      %add3A_1567 = arith.addf %slice3A_1564, %dot_general3A_1566 : vector<16x256xf32>
      %dot_general3A_1568 = arith.constant dense<0.000000e+00> : vector<16x256xf32>
      %dot_general3A_1569 = tpu.matmul %tanh3A_1539, %get3A_20, %dot_general3A_1568 {dimension_numbers = #tpu.dot_dimension_numbers<[1], [0], [0], [1], [0, 0, 1, 1], [], []>, transpose_lhs_hint = false} : vector<16x256xf32>, vector<256x256xf32>, vector<16x256xf32> -> vector<16x256xf32>
      %add3A_1570 = arith.addf %add3A_1567, %dot_general3A_1569 : vector<16x256xf32>
      %tanh3A_1571 = math.tanh %add3A_1563 : vector<16x256xf32>
      %tanh3A_1572 = math.tanh %add3A_1570 : vector<16x256xf32>
      %swap3A_1573 = arith.constant 0 : index
      %swap3A_1574 = arith.constant 46 : index
      %swap3A_1575 = arith.constant 0 : index
      %swap3A_1576 = vector.load %arg7[%swap3A_1573, %swap3A_1574, %swap3A_1575] : memref<16x128x512xf32, #tpu.memory_space<vmem>>, vector<16x1x256xf32>
      %swap3A_1577 = vector.shape_cast %swap3A_1576 : vector<16x1x256xf32> to vector<16x256xf32>
      %swap3A_1578 = vector.shape_cast %tanh3A_1571 : vector<16x256xf32> to vector<16x1x256xf32>
      tpu.vector_store %arg7[%swap3A_1573, %swap3A_1574, %swap3A_1575], %swap3A_1578 {strides = array<i32>} : memref<16x128x512xf32, #tpu.memory_space<vmem>>, vector<16x1x256xf32>,
      %swap3A_1579 = arith.constant 0 : index
      %swap3A_1580 = arith.constant 46 : index
      %swap3A_1581 = arith.constant 256 : index
      %swap3A_1582 = vector.load %arg7[%swap3A_1579, %swap3A_1580, %swap3A_1581] : memref<16x128x512xf32, #tpu.memory_space<vmem>>, vector<16x1x256xf32>
      %swap3A_1583 = vector.shape_cast %swap3A_1582 : vector<16x1x256xf32> to vector<16x256xf32>
      %swap3A_1584 = vector.shape_cast %tanh3A_1572 : vector<16x256xf32> to vector<16x1x256xf32>
      tpu.vector_store %arg7[%swap3A_1579, %swap3A_1580, %swap3A_1581], %swap3A_1584 {strides = array<i32>} : memref<16x128x512xf32, #tpu.memory_space<vmem>>, vector<16x1x256xf32>,
      %get3A_1585 = arith.index_cast %select_n3A_31 : i32 to index
      %get3A_1586 = arith.constant 752 : index
      %get3A_1587 = arith.constant 0 : index
      %get3A_1588 = vector.load %arg9[%get3A_1585, %get3A_1586, %get3A_1587] : memref<2x2048x512xf32, #tpu.memory_space<vmem>>, vector<1x16x512xf32>
      %get3A_1589 = vector.shape_cast %get3A_1588 : vector<1x16x512xf32> to vector<16x512xf32>
      %slice3A_1590 = vector.extract_strided_slice %get3A_1589 {offsets = [0, 0], sizes = [16, 256], strides = [1, 1]} : vector<16x512xf32> to vector<16x256xf32>
      %dot_general3A_1591 = arith.constant dense<0.000000e+00> : vector<16x256xf32>
      %dot_general3A_1592 = tpu.matmul %tanh3A_1571, %get3A_11, %dot_general3A_1591 {dimension_numbers = #tpu.dot_dimension_numbers<[1], [0], [0], [1], [0, 0, 1, 1], [], []>, transpose_lhs_hint = false} : vector<16x256xf32>, vector<256x256xf32>, vector<16x256xf32> -> vector<16x256xf32>
      %add3A_1593 = arith.addf %slice3A_1590, %dot_general3A_1592 : vector<16x256xf32>
      %dot_general3A_1594 = arith.constant dense<0.000000e+00> : vector<16x256xf32>
      %dot_general3A_1595 = tpu.matmul %tanh3A_1572, %get3A_14, %dot_general3A_1594 {dimension_numbers = #tpu.dot_dimension_numbers<[1], [0], [0], [1], [0, 0, 1, 1], [], []>, transpose_lhs_hint = false} : vector<16x256xf32>, vector<256x256xf32>, vector<16x256xf32> -> vector<16x256xf32>
      %add3A_1596 = arith.addf %add3A_1593, %dot_general3A_1595 : vector<16x256xf32>
      %slice3A_1597 = vector.extract_strided_slice %get3A_1589 {offsets = [0, 256], sizes = [16, 256], strides = [1, 1]} : vector<16x512xf32> to vector<16x256xf32>
      %dot_general3A_1598 = arith.constant dense<0.000000e+00> : vector<16x256xf32>
      %dot_general3A_1599 = tpu.matmul %tanh3A_1571, %get3A_17, %dot_general3A_1598 {dimension_numbers = #tpu.dot_dimension_numbers<[1], [0], [0], [1], [0, 0, 1, 1], [], []>, transpose_lhs_hint = false} : vector<16x256xf32>, vector<256x256xf32>, vector<16x256xf32> -> vector<16x256xf32>
      %add3A_1600 = arith.addf %slice3A_1597, %dot_general3A_1599 : vector<16x256xf32>
      %dot_general3A_1601 = arith.constant dense<0.000000e+00> : vector<16x256xf32>
      %dot_general3A_1602 = tpu.matmul %tanh3A_1572, %get3A_20, %dot_general3A_1601 {dimension_numbers = #tpu.dot_dimension_numbers<[1], [0], [0], [1], [0, 0, 1, 1], [], []>, transpose_lhs_hint = false} : vector<16x256xf32>, vector<256x256xf32>, vector<16x256xf32> -> vector<16x256xf32>
      %add3A_1603 = arith.addf %add3A_1600, %dot_general3A_1602 : vector<16x256xf32>
      %tanh3A_1604 = math.tanh %add3A_1596 : vector<16x256xf32>
      %tanh3A_1605 = math.tanh %add3A_1603 : vector<16x256xf32>
      %swap3A_1606 = arith.constant 0 : index
      %swap3A_1607 = arith.constant 47 : index
      %swap3A_1608 = arith.constant 0 : index
      %swap3A_1609 = vector.load %arg7[%swap3A_1606, %swap3A_1607, %swap3A_1608] : memref<16x128x512xf32, #tpu.memory_space<vmem>>, vector<16x1x256xf32>
      %swap3A_1610 = vector.shape_cast %swap3A_1609 : vector<16x1x256xf32> to vector<16x256xf32>
      %swap3A_1611 = vector.shape_cast %tanh3A_1604 : vector<16x256xf32> to vector<16x1x256xf32>
      tpu.vector_store %arg7[%swap3A_1606, %swap3A_1607, %swap3A_1608], %swap3A_1611 {strides = array<i32>} : memref<16x128x512xf32, #tpu.memory_space<vmem>>, vector<16x1x256xf32>,
      %swap3A_1612 = arith.constant 0 : index
      %swap3A_1613 = arith.constant 47 : index
      %swap3A_1614 = arith.constant 256 : index
      %swap3A_1615 = vector.load %arg7[%swap3A_1612, %swap3A_1613, %swap3A_1614] : memref<16x128x512xf32, #tpu.memory_space<vmem>>, vector<16x1x256xf32>
      %swap3A_1616 = vector.shape_cast %swap3A_1615 : vector<16x1x256xf32> to vector<16x256xf32>
      %swap3A_1617 = vector.shape_cast %tanh3A_1605 : vector<16x256xf32> to vector<16x1x256xf32>
      tpu.vector_store %arg7[%swap3A_1612, %swap3A_1613, %swap3A_1614], %swap3A_1617 {strides = array<i32>} : memref<16x128x512xf32, #tpu.memory_space<vmem>>, vector<16x1x256xf32>,
      %get3A_1618 = arith.index_cast %select_n3A_31 : i32 to index
      %get3A_1619 = arith.constant 768 : index
      %get3A_1620 = arith.constant 0 : index
      %get3A_1621 = vector.load %arg9[%get3A_1618, %get3A_1619, %get3A_1620] : memref<2x2048x512xf32, #tpu.memory_space<vmem>>, vector<1x16x512xf32>
      %get3A_1622 = vector.shape_cast %get3A_1621 : vector<1x16x512xf32> to vector<16x512xf32>
      %slice3A_1623 = vector.extract_strided_slice %get3A_1622 {offsets = [0, 0], sizes = [16, 256], strides = [1, 1]} : vector<16x512xf32> to vector<16x256xf32>
      %dot_general3A_1624 = arith.constant dense<0.000000e+00> : vector<16x256xf32>
      %dot_general3A_1625 = tpu.matmul %tanh3A_1604, %get3A_11, %dot_general3A_1624 {dimension_numbers = #tpu.dot_dimension_numbers<[1], [0], [0], [1], [0, 0, 1, 1], [], []>, transpose_lhs_hint = false} : vector<16x256xf32>, vector<256x256xf32>, vector<16x256xf32> -> vector<16x256xf32>
      %add3A_1626 = arith.addf %slice3A_1623, %dot_general3A_1625 : vector<16x256xf32>
      %dot_general3A_1627 = arith.constant dense<0.000000e+00> : vector<16x256xf32>
      %dot_general3A_1628 = tpu.matmul %tanh3A_1605, %get3A_14, %dot_general3A_1627 {dimension_numbers = #tpu.dot_dimension_numbers<[1], [0], [0], [1], [0, 0, 1, 1], [], []>, transpose_lhs_hint = false} : vector<16x256xf32>, vector<256x256xf32>, vector<16x256xf32> -> vector<16x256xf32>
      %add3A_1629 = arith.addf %add3A_1626, %dot_general3A_1628 : vector<16x256xf32>
      %slice3A_1630 = vector.extract_strided_slice %get3A_1622 {offsets = [0, 256], sizes = [16, 256], strides = [1, 1]} : vector<16x512xf32> to vector<16x256xf32>
      %dot_general3A_1631 = arith.constant dense<0.000000e+00> : vector<16x256xf32>
      %dot_general3A_1632 = tpu.matmul %tanh3A_1604, %get3A_17, %dot_general3A_1631 {dimension_numbers = #tpu.dot_dimension_numbers<[1], [0], [0], [1], [0, 0, 1, 1], [], []>, transpose_lhs_hint = false} : vector<16x256xf32>, vector<256x256xf32>, vector<16x256xf32> -> vector<16x256xf32>
      %add3A_1633 = arith.addf %slice3A_1630, %dot_general3A_1632 : vector<16x256xf32>
      %dot_general3A_1634 = arith.constant dense<0.000000e+00> : vector<16x256xf32>
      %dot_general3A_1635 = tpu.matmul %tanh3A_1605, %get3A_20, %dot_general3A_1634 {dimension_numbers = #tpu.dot_dimension_numbers<[1], [0], [0], [1], [0, 0, 1, 1], [], []>, transpose_lhs_hint = false} : vector<16x256xf32>, vector<256x256xf32>, vector<16x256xf32> -> vector<16x256xf32>
      %add3A_1636 = arith.addf %add3A_1633, %dot_general3A_1635 : vector<16x256xf32>
      %tanh3A_1637 = math.tanh %add3A_1629 : vector<16x256xf32>
      %tanh3A_1638 = math.tanh %add3A_1636 : vector<16x256xf32>
      %swap3A_1639 = arith.constant 0 : index
      %swap3A_1640 = arith.constant 48 : index
      %swap3A_1641 = arith.constant 0 : index
      %swap3A_1642 = vector.load %arg7[%swap3A_1639, %swap3A_1640, %swap3A_1641] : memref<16x128x512xf32, #tpu.memory_space<vmem>>, vector<16x1x256xf32>
      %swap3A_1643 = vector.shape_cast %swap3A_1642 : vector<16x1x256xf32> to vector<16x256xf32>
      %swap3A_1644 = vector.shape_cast %tanh3A_1637 : vector<16x256xf32> to vector<16x1x256xf32>
      tpu.vector_store %arg7[%swap3A_1639, %swap3A_1640, %swap3A_1641], %swap3A_1644 {strides = array<i32>} : memref<16x128x512xf32, #tpu.memory_space<vmem>>, vector<16x1x256xf32>,
      %swap3A_1645 = arith.constant 0 : index
      %swap3A_1646 = arith.constant 48 : index
      %swap3A_1647 = arith.constant 256 : index
      %swap3A_1648 = vector.load %arg7[%swap3A_1645, %swap3A_1646, %swap3A_1647] : memref<16x128x512xf32, #tpu.memory_space<vmem>>, vector<16x1x256xf32>
      %swap3A_1649 = vector.shape_cast %swap3A_1648 : vector<16x1x256xf32> to vector<16x256xf32>
      %swap3A_1650 = vector.shape_cast %tanh3A_1638 : vector<16x256xf32> to vector<16x1x256xf32>
      tpu.vector_store %arg7[%swap3A_1645, %swap3A_1646, %swap3A_1647], %swap3A_1650 {strides = array<i32>} : memref<16x128x512xf32, #tpu.memory_space<vmem>>, vector<16x1x256xf32>,
      %get3A_1651 = arith.index_cast %select_n3A_31 : i32 to index
      %get3A_1652 = arith.constant 784 : index
      %get3A_1653 = arith.constant 0 : index
      %get3A_1654 = vector.load %arg9[%get3A_1651, %get3A_1652, %get3A_1653] : memref<2x2048x512xf32, #tpu.memory_space<vmem>>, vector<1x16x512xf32>
      %get3A_1655 = vector.shape_cast %get3A_1654 : vector<1x16x512xf32> to vector<16x512xf32>
      %slice3A_1656 = vector.extract_strided_slice %get3A_1655 {offsets = [0, 0], sizes = [16, 256], strides = [1, 1]} : vector<16x512xf32> to vector<16x256xf32>
      %dot_general3A_1657 = arith.constant dense<0.000000e+00> : vector<16x256xf32>
      %dot_general3A_1658 = tpu.matmul %tanh3A_1637, %get3A_11, %dot_general3A_1657 {dimension_numbers = #tpu.dot_dimension_numbers<[1], [0], [0], [1], [0, 0, 1, 1], [], []>, transpose_lhs_hint = false} : vector<16x256xf32>, vector<256x256xf32>, vector<16x256xf32> -> vector<16x256xf32>
      %add3A_1659 = arith.addf %slice3A_1656, %dot_general3A_1658 : vector<16x256xf32>
      %dot_general3A_1660 = arith.constant dense<0.000000e+00> : vector<16x256xf32>
      %dot_general3A_1661 = tpu.matmul %tanh3A_1638, %get3A_14, %dot_general3A_1660 {dimension_numbers = #tpu.dot_dimension_numbers<[1], [0], [0], [1], [0, 0, 1, 1], [], []>, transpose_lhs_hint = false} : vector<16x256xf32>, vector<256x256xf32>, vector<16x256xf32> -> vector<16x256xf32>
      %add3A_1662 = arith.addf %add3A_1659, %dot_general3A_1661 : vector<16x256xf32>
      %slice3A_1663 = vector.extract_strided_slice %get3A_1655 {offsets = [0, 256], sizes = [16, 256], strides = [1, 1]} : vector<16x512xf32> to vector<16x256xf32>
      %dot_general3A_1664 = arith.constant dense<0.000000e+00> : vector<16x256xf32>
      %dot_general3A_1665 = tpu.matmul %tanh3A_1637, %get3A_17, %dot_general3A_1664 {dimension_numbers = #tpu.dot_dimension_numbers<[1], [0], [0], [1], [0, 0, 1, 1], [], []>, transpose_lhs_hint = false} : vector<16x256xf32>, vector<256x256xf32>, vector<16x256xf32> -> vector<16x256xf32>
      %add3A_1666 = arith.addf %slice3A_1663, %dot_general3A_1665 : vector<16x256xf32>
      %dot_general3A_1667 = arith.constant dense<0.000000e+00> : vector<16x256xf32>
      %dot_general3A_1668 = tpu.matmul %tanh3A_1638, %get3A_20, %dot_general3A_1667 {dimension_numbers = #tpu.dot_dimension_numbers<[1], [0], [0], [1], [0, 0, 1, 1], [], []>, transpose_lhs_hint = false} : vector<16x256xf32>, vector<256x256xf32>, vector<16x256xf32> -> vector<16x256xf32>
      %add3A_1669 = arith.addf %add3A_1666, %dot_general3A_1668 : vector<16x256xf32>
      %tanh3A_1670 = math.tanh %add3A_1662 : vector<16x256xf32>
      %tanh3A_1671 = math.tanh %add3A_1669 : vector<16x256xf32>
      %swap3A_1672 = arith.constant 0 : index
      %swap3A_1673 = arith.constant 49 : index
      %swap3A_1674 = arith.constant 0 : index
      %swap3A_1675 = vector.load %arg7[%swap3A_1672, %swap3A_1673, %swap3A_1674] : memref<16x128x512xf32, #tpu.memory_space<vmem>>, vector<16x1x256xf32>
      %swap3A_1676 = vector.shape_cast %swap3A_1675 : vector<16x1x256xf32> to vector<16x256xf32>
      %swap3A_1677 = vector.shape_cast %tanh3A_1670 : vector<16x256xf32> to vector<16x1x256xf32>
      tpu.vector_store %arg7[%swap3A_1672, %swap3A_1673, %swap3A_1674], %swap3A_1677 {strides = array<i32>} : memref<16x128x512xf32, #tpu.memory_space<vmem>>, vector<16x1x256xf32>,
      %swap3A_1678 = arith.constant 0 : index
      %swap3A_1679 = arith.constant 49 : index
      %swap3A_1680 = arith.constant 256 : index
      %swap3A_1681 = vector.load %arg7[%swap3A_1678, %swap3A_1679, %swap3A_1680] : memref<16x128x512xf32, #tpu.memory_space<vmem>>, vector<16x1x256xf32>
      %swap3A_1682 = vector.shape_cast %swap3A_1681 : vector<16x1x256xf32> to vector<16x256xf32>
      %swap3A_1683 = vector.shape_cast %tanh3A_1671 : vector<16x256xf32> to vector<16x1x256xf32>
      tpu.vector_store %arg7[%swap3A_1678, %swap3A_1679, %swap3A_1680], %swap3A_1683 {strides = array<i32>} : memref<16x128x512xf32, #tpu.memory_space<vmem>>, vector<16x1x256xf32>,
      %get3A_1684 = arith.index_cast %select_n3A_31 : i32 to index
      %get3A_1685 = arith.constant 800 : index
      %get3A_1686 = arith.constant 0 : index
      %get3A_1687 = vector.load %arg9[%get3A_1684, %get3A_1685, %get3A_1686] : memref<2x2048x512xf32, #tpu.memory_space<vmem>>, vector<1x16x512xf32>
      %get3A_1688 = vector.shape_cast %get3A_1687 : vector<1x16x512xf32> to vector<16x512xf32>
      %slice3A_1689 = vector.extract_strided_slice %get3A_1688 {offsets = [0, 0], sizes = [16, 256], strides = [1, 1]} : vector<16x512xf32> to vector<16x256xf32>
      %dot_general3A_1690 = arith.constant dense<0.000000e+00> : vector<16x256xf32>
      %dot_general3A_1691 = tpu.matmul %tanh3A_1670, %get3A_11, %dot_general3A_1690 {dimension_numbers = #tpu.dot_dimension_numbers<[1], [0], [0], [1], [0, 0, 1, 1], [], []>, transpose_lhs_hint = false} : vector<16x256xf32>, vector<256x256xf32>, vector<16x256xf32> -> vector<16x256xf32>
      %add3A_1692 = arith.addf %slice3A_1689, %dot_general3A_1691 : vector<16x256xf32>
      %dot_general3A_1693 = arith.constant dense<0.000000e+00> : vector<16x256xf32>
      %dot_general3A_1694 = tpu.matmul %tanh3A_1671, %get3A_14, %dot_general3A_1693 {dimension_numbers = #tpu.dot_dimension_numbers<[1], [0], [0], [1], [0, 0, 1, 1], [], []>, transpose_lhs_hint = false} : vector<16x256xf32>, vector<256x256xf32>, vector<16x256xf32> -> vector<16x256xf32>
      %add3A_1695 = arith.addf %add3A_1692, %dot_general3A_1694 : vector<16x256xf32>
      %slice3A_1696 = vector.extract_strided_slice %get3A_1688 {offsets = [0, 256], sizes = [16, 256], strides = [1, 1]} : vector<16x512xf32> to vector<16x256xf32>
      %dot_general3A_1697 = arith.constant dense<0.000000e+00> : vector<16x256xf32>
      %dot_general3A_1698 = tpu.matmul %tanh3A_1670, %get3A_17, %dot_general3A_1697 {dimension_numbers = #tpu.dot_dimension_numbers<[1], [0], [0], [1], [0, 0, 1, 1], [], []>, transpose_lhs_hint = false} : vector<16x256xf32>, vector<256x256xf32>, vector<16x256xf32> -> vector<16x256xf32>
      %add3A_1699 = arith.addf %slice3A_1696, %dot_general3A_1698 : vector<16x256xf32>
      %dot_general3A_1700 = arith.constant dense<0.000000e+00> : vector<16x256xf32>
      %dot_general3A_1701 = tpu.matmul %tanh3A_1671, %get3A_20, %dot_general3A_1700 {dimension_numbers = #tpu.dot_dimension_numbers<[1], [0], [0], [1], [0, 0, 1, 1], [], []>, transpose_lhs_hint = false} : vector<16x256xf32>, vector<256x256xf32>, vector<16x256xf32> -> vector<16x256xf32>
      %add3A_1702 = arith.addf %add3A_1699, %dot_general3A_1701 : vector<16x256xf32>
      %tanh3A_1703 = math.tanh %add3A_1695 : vector<16x256xf32>
      %tanh3A_1704 = math.tanh %add3A_1702 : vector<16x256xf32>
      %swap3A_1705 = arith.constant 0 : index
      %swap3A_1706 = arith.constant 50 : index
      %swap3A_1707 = arith.constant 0 : index
      %swap3A_1708 = vector.load %arg7[%swap3A_1705, %swap3A_1706, %swap3A_1707] : memref<16x128x512xf32, #tpu.memory_space<vmem>>, vector<16x1x256xf32>
      %swap3A_1709 = vector.shape_cast %swap3A_1708 : vector<16x1x256xf32> to vector<16x256xf32>
      %swap3A_1710 = vector.shape_cast %tanh3A_1703 : vector<16x256xf32> to vector<16x1x256xf32>
      tpu.vector_store %arg7[%swap3A_1705, %swap3A_1706, %swap3A_1707], %swap3A_1710 {strides = array<i32>} : memref<16x128x512xf32, #tpu.memory_space<vmem>>, vector<16x1x256xf32>,
      %swap3A_1711 = arith.constant 0 : index
      %swap3A_1712 = arith.constant 50 : index
      %swap3A_1713 = arith.constant 256 : index
      %swap3A_1714 = vector.load %arg7[%swap3A_1711, %swap3A_1712, %swap3A_1713] : memref<16x128x512xf32, #tpu.memory_space<vmem>>, vector<16x1x256xf32>
      %swap3A_1715 = vector.shape_cast %swap3A_1714 : vector<16x1x256xf32> to vector<16x256xf32>
      %swap3A_1716 = vector.shape_cast %tanh3A_1704 : vector<16x256xf32> to vector<16x1x256xf32>
      tpu.vector_store %arg7[%swap3A_1711, %swap3A_1712, %swap3A_1713], %swap3A_1716 {strides = array<i32>} : memref<16x128x512xf32, #tpu.memory_space<vmem>>, vector<16x1x256xf32>,
      %get3A_1717 = arith.index_cast %select_n3A_31 : i32 to index
      %get3A_1718 = arith.constant 816 : index
      %get3A_1719 = arith.constant 0 : index
      %get3A_1720 = vector.load %arg9[%get3A_1717, %get3A_1718, %get3A_1719] : memref<2x2048x512xf32, #tpu.memory_space<vmem>>, vector<1x16x512xf32>
      %get3A_1721 = vector.shape_cast %get3A_1720 : vector<1x16x512xf32> to vector<16x512xf32>
      %slice3A_1722 = vector.extract_strided_slice %get3A_1721 {offsets = [0, 0], sizes = [16, 256], strides = [1, 1]} : vector<16x512xf32> to vector<16x256xf32>
      %dot_general3A_1723 = arith.constant dense<0.000000e+00> : vector<16x256xf32>
      %dot_general3A_1724 = tpu.matmul %tanh3A_1703, %get3A_11, %dot_general3A_1723 {dimension_numbers = #tpu.dot_dimension_numbers<[1], [0], [0], [1], [0, 0, 1, 1], [], []>, transpose_lhs_hint = false} : vector<16x256xf32>, vector<256x256xf32>, vector<16x256xf32> -> vector<16x256xf32>
      %add3A_1725 = arith.addf %slice3A_1722, %dot_general3A_1724 : vector<16x256xf32>
      %dot_general3A_1726 = arith.constant dense<0.000000e+00> : vector<16x256xf32>
      %dot_general3A_1727 = tpu.matmul %tanh3A_1704, %get3A_14, %dot_general3A_1726 {dimension_numbers = #tpu.dot_dimension_numbers<[1], [0], [0], [1], [0, 0, 1, 1], [], []>, transpose_lhs_hint = false} : vector<16x256xf32>, vector<256x256xf32>, vector<16x256xf32> -> vector<16x256xf32>
      %add3A_1728 = arith.addf %add3A_1725, %dot_general3A_1727 : vector<16x256xf32>
      %slice3A_1729 = vector.extract_strided_slice %get3A_1721 {offsets = [0, 256], sizes = [16, 256], strides = [1, 1]} : vector<16x512xf32> to vector<16x256xf32>
      %dot_general3A_1730 = arith.constant dense<0.000000e+00> : vector<16x256xf32>
      %dot_general3A_1731 = tpu.matmul %tanh3A_1703, %get3A_17, %dot_general3A_1730 {dimension_numbers = #tpu.dot_dimension_numbers<[1], [0], [0], [1], [0, 0, 1, 1], [], []>, transpose_lhs_hint = false} : vector<16x256xf32>, vector<256x256xf32>, vector<16x256xf32> -> vector<16x256xf32>
      %add3A_1732 = arith.addf %slice3A_1729, %dot_general3A_1731 : vector<16x256xf32>
      %dot_general3A_1733 = arith.constant dense<0.000000e+00> : vector<16x256xf32>
      %dot_general3A_1734 = tpu.matmul %tanh3A_1704, %get3A_20, %dot_general3A_1733 {dimension_numbers = #tpu.dot_dimension_numbers<[1], [0], [0], [1], [0, 0, 1, 1], [], []>, transpose_lhs_hint = false} : vector<16x256xf32>, vector<256x256xf32>, vector<16x256xf32> -> vector<16x256xf32>
      %add3A_1735 = arith.addf %add3A_1732, %dot_general3A_1734 : vector<16x256xf32>
      %tanh3A_1736 = math.tanh %add3A_1728 : vector<16x256xf32>
      %tanh3A_1737 = math.tanh %add3A_1735 : vector<16x256xf32>
      %swap3A_1738 = arith.constant 0 : index
      %swap3A_1739 = arith.constant 51 : index
      %swap3A_1740 = arith.constant 0 : index
      %swap3A_1741 = vector.load %arg7[%swap3A_1738, %swap3A_1739, %swap3A_1740] : memref<16x128x512xf32, #tpu.memory_space<vmem>>, vector<16x1x256xf32>
      %swap3A_1742 = vector.shape_cast %swap3A_1741 : vector<16x1x256xf32> to vector<16x256xf32>
      %swap3A_1743 = vector.shape_cast %tanh3A_1736 : vector<16x256xf32> to vector<16x1x256xf32>
      tpu.vector_store %arg7[%swap3A_1738, %swap3A_1739, %swap3A_1740], %swap3A_1743 {strides = array<i32>} : memref<16x128x512xf32, #tpu.memory_space<vmem>>, vector<16x1x256xf32>,
      %swap3A_1744 = arith.constant 0 : index
      %swap3A_1745 = arith.constant 51 : index
      %swap3A_1746 = arith.constant 256 : index
      %swap3A_1747 = vector.load %arg7[%swap3A_1744, %swap3A_1745, %swap3A_1746] : memref<16x128x512xf32, #tpu.memory_space<vmem>>, vector<16x1x256xf32>
      %swap3A_1748 = vector.shape_cast %swap3A_1747 : vector<16x1x256xf32> to vector<16x256xf32>
      %swap3A_1749 = vector.shape_cast %tanh3A_1737 : vector<16x256xf32> to vector<16x1x256xf32>
      tpu.vector_store %arg7[%swap3A_1744, %swap3A_1745, %swap3A_1746], %swap3A_1749 {strides = array<i32>} : memref<16x128x512xf32, #tpu.memory_space<vmem>>, vector<16x1x256xf32>,
      %get3A_1750 = arith.index_cast %select_n3A_31 : i32 to index
      %get3A_1751 = arith.constant 832 : index
      %get3A_1752 = arith.constant 0 : index
      %get3A_1753 = vector.load %arg9[%get3A_1750, %get3A_1751, %get3A_1752] : memref<2x2048x512xf32, #tpu.memory_space<vmem>>, vector<1x16x512xf32>
      %get3A_1754 = vector.shape_cast %get3A_1753 : vector<1x16x512xf32> to vector<16x512xf32>
      %slice3A_1755 = vector.extract_strided_slice %get3A_1754 {offsets = [0, 0], sizes = [16, 256], strides = [1, 1]} : vector<16x512xf32> to vector<16x256xf32>
      %dot_general3A_1756 = arith.constant dense<0.000000e+00> : vector<16x256xf32>
      %dot_general3A_1757 = tpu.matmul %tanh3A_1736, %get3A_11, %dot_general3A_1756 {dimension_numbers = #tpu.dot_dimension_numbers<[1], [0], [0], [1], [0, 0, 1, 1], [], []>, transpose_lhs_hint = false} : vector<16x256xf32>, vector<256x256xf32>, vector<16x256xf32> -> vector<16x256xf32>
      %add3A_1758 = arith.addf %slice3A_1755, %dot_general3A_1757 : vector<16x256xf32>
      %dot_general3A_1759 = arith.constant dense<0.000000e+00> : vector<16x256xf32>
      %dot_general3A_1760 = tpu.matmul %tanh3A_1737, %get3A_14, %dot_general3A_1759 {dimension_numbers = #tpu.dot_dimension_numbers<[1], [0], [0], [1], [0, 0, 1, 1], [], []>, transpose_lhs_hint = false} : vector<16x256xf32>, vector<256x256xf32>, vector<16x256xf32> -> vector<16x256xf32>
      %add3A_1761 = arith.addf %add3A_1758, %dot_general3A_1760 : vector<16x256xf32>
      %slice3A_1762 = vector.extract_strided_slice %get3A_1754 {offsets = [0, 256], sizes = [16, 256], strides = [1, 1]} : vector<16x512xf32> to vector<16x256xf32>
      %dot_general3A_1763 = arith.constant dense<0.000000e+00> : vector<16x256xf32>
      %dot_general3A_1764 = tpu.matmul %tanh3A_1736, %get3A_17, %dot_general3A_1763 {dimension_numbers = #tpu.dot_dimension_numbers<[1], [0], [0], [1], [0, 0, 1, 1], [], []>, transpose_lhs_hint = false} : vector<16x256xf32>, vector<256x256xf32>, vector<16x256xf32> -> vector<16x256xf32>
      %add3A_1765 = arith.addf %slice3A_1762, %dot_general3A_1764 : vector<16x256xf32>
      %dot_general3A_1766 = arith.constant dense<0.000000e+00> : vector<16x256xf32>
      %dot_general3A_1767 = tpu.matmul %tanh3A_1737, %get3A_20, %dot_general3A_1766 {dimension_numbers = #tpu.dot_dimension_numbers<[1], [0], [0], [1], [0, 0, 1, 1], [], []>, transpose_lhs_hint = false} : vector<16x256xf32>, vector<256x256xf32>, vector<16x256xf32> -> vector<16x256xf32>
      %add3A_1768 = arith.addf %add3A_1765, %dot_general3A_1767 : vector<16x256xf32>
      %tanh3A_1769 = math.tanh %add3A_1761 : vector<16x256xf32>
      %tanh3A_1770 = math.tanh %add3A_1768 : vector<16x256xf32>
      %swap3A_1771 = arith.constant 0 : index
      %swap3A_1772 = arith.constant 52 : index
      %swap3A_1773 = arith.constant 0 : index
      %swap3A_1774 = vector.load %arg7[%swap3A_1771, %swap3A_1772, %swap3A_1773] : memref<16x128x512xf32, #tpu.memory_space<vmem>>, vector<16x1x256xf32>
      %swap3A_1775 = vector.shape_cast %swap3A_1774 : vector<16x1x256xf32> to vector<16x256xf32>
      %swap3A_1776 = vector.shape_cast %tanh3A_1769 : vector<16x256xf32> to vector<16x1x256xf32>
      tpu.vector_store %arg7[%swap3A_1771, %swap3A_1772, %swap3A_1773], %swap3A_1776 {strides = array<i32>} : memref<16x128x512xf32, #tpu.memory_space<vmem>>, vector<16x1x256xf32>,
      %swap3A_1777 = arith.constant 0 : index
      %swap3A_1778 = arith.constant 52 : index
      %swap3A_1779 = arith.constant 256 : index
      %swap3A_1780 = vector.load %arg7[%swap3A_1777, %swap3A_1778, %swap3A_1779] : memref<16x128x512xf32, #tpu.memory_space<vmem>>, vector<16x1x256xf32>
      %swap3A_1781 = vector.shape_cast %swap3A_1780 : vector<16x1x256xf32> to vector<16x256xf32>
      %swap3A_1782 = vector.shape_cast %tanh3A_1770 : vector<16x256xf32> to vector<16x1x256xf32>
      tpu.vector_store %arg7[%swap3A_1777, %swap3A_1778, %swap3A_1779], %swap3A_1782 {strides = array<i32>} : memref<16x128x512xf32, #tpu.memory_space<vmem>>, vector<16x1x256xf32>,
      %get3A_1783 = arith.index_cast %select_n3A_31 : i32 to index
      %get3A_1784 = arith.constant 848 : index
      %get3A_1785 = arith.constant 0 : index
      %get3A_1786 = vector.load %arg9[%get3A_1783, %get3A_1784, %get3A_1785] : memref<2x2048x512xf32, #tpu.memory_space<vmem>>, vector<1x16x512xf32>
      %get3A_1787 = vector.shape_cast %get3A_1786 : vector<1x16x512xf32> to vector<16x512xf32>
      %slice3A_1788 = vector.extract_strided_slice %get3A_1787 {offsets = [0, 0], sizes = [16, 256], strides = [1, 1]} : vector<16x512xf32> to vector<16x256xf32>
      %dot_general3A_1789 = arith.constant dense<0.000000e+00> : vector<16x256xf32>
      %dot_general3A_1790 = tpu.matmul %tanh3A_1769, %get3A_11, %dot_general3A_1789 {dimension_numbers = #tpu.dot_dimension_numbers<[1], [0], [0], [1], [0, 0, 1, 1], [], []>, transpose_lhs_hint = false} : vector<16x256xf32>, vector<256x256xf32>, vector<16x256xf32> -> vector<16x256xf32>
      %add3A_1791 = arith.addf %slice3A_1788, %dot_general3A_1790 : vector<16x256xf32>
      %dot_general3A_1792 = arith.constant dense<0.000000e+00> : vector<16x256xf32>
      %dot_general3A_1793 = tpu.matmul %tanh3A_1770, %get3A_14, %dot_general3A_1792 {dimension_numbers = #tpu.dot_dimension_numbers<[1], [0], [0], [1], [0, 0, 1, 1], [], []>, transpose_lhs_hint = false} : vector<16x256xf32>, vector<256x256xf32>, vector<16x256xf32> -> vector<16x256xf32>
      %add3A_1794 = arith.addf %add3A_1791, %dot_general3A_1793 : vector<16x256xf32>
      %slice3A_1795 = vector.extract_strided_slice %get3A_1787 {offsets = [0, 256], sizes = [16, 256], strides = [1, 1]} : vector<16x512xf32> to vector<16x256xf32>
      %dot_general3A_1796 = arith.constant dense<0.000000e+00> : vector<16x256xf32>
      %dot_general3A_1797 = tpu.matmul %tanh3A_1769, %get3A_17, %dot_general3A_1796 {dimension_numbers = #tpu.dot_dimension_numbers<[1], [0], [0], [1], [0, 0, 1, 1], [], []>, transpose_lhs_hint = false} : vector<16x256xf32>, vector<256x256xf32>, vector<16x256xf32> -> vector<16x256xf32>
      %add3A_1798 = arith.addf %slice3A_1795, %dot_general3A_1797 : vector<16x256xf32>
      %dot_general3A_1799 = arith.constant dense<0.000000e+00> : vector<16x256xf32>
      %dot_general3A_1800 = tpu.matmul %tanh3A_1770, %get3A_20, %dot_general3A_1799 {dimension_numbers = #tpu.dot_dimension_numbers<[1], [0], [0], [1], [0, 0, 1, 1], [], []>, transpose_lhs_hint = false} : vector<16x256xf32>, vector<256x256xf32>, vector<16x256xf32> -> vector<16x256xf32>
      %add3A_1801 = arith.addf %add3A_1798, %dot_general3A_1800 : vector<16x256xf32>
      %tanh3A_1802 = math.tanh %add3A_1794 : vector<16x256xf32>
      %tanh3A_1803 = math.tanh %add3A_1801 : vector<16x256xf32>
      %swap3A_1804 = arith.constant 0 : index
      %swap3A_1805 = arith.constant 53 : index
      %swap3A_1806 = arith.constant 0 : index
      %swap3A_1807 = vector.load %arg7[%swap3A_1804, %swap3A_1805, %swap3A_1806] : memref<16x128x512xf32, #tpu.memory_space<vmem>>, vector<16x1x256xf32>
      %swap3A_1808 = vector.shape_cast %swap3A_1807 : vector<16x1x256xf32> to vector<16x256xf32>
      %swap3A_1809 = vector.shape_cast %tanh3A_1802 : vector<16x256xf32> to vector<16x1x256xf32>
      tpu.vector_store %arg7[%swap3A_1804, %swap3A_1805, %swap3A_1806], %swap3A_1809 {strides = array<i32>} : memref<16x128x512xf32, #tpu.memory_space<vmem>>, vector<16x1x256xf32>,
      %swap3A_1810 = arith.constant 0 : index
      %swap3A_1811 = arith.constant 53 : index
      %swap3A_1812 = arith.constant 256 : index
      %swap3A_1813 = vector.load %arg7[%swap3A_1810, %swap3A_1811, %swap3A_1812] : memref<16x128x512xf32, #tpu.memory_space<vmem>>, vector<16x1x256xf32>
      %swap3A_1814 = vector.shape_cast %swap3A_1813 : vector<16x1x256xf32> to vector<16x256xf32>
      %swap3A_1815 = vector.shape_cast %tanh3A_1803 : vector<16x256xf32> to vector<16x1x256xf32>
      tpu.vector_store %arg7[%swap3A_1810, %swap3A_1811, %swap3A_1812], %swap3A_1815 {strides = array<i32>} : memref<16x128x512xf32, #tpu.memory_space<vmem>>, vector<16x1x256xf32>,
      %get3A_1816 = arith.index_cast %select_n3A_31 : i32 to index
      %get3A_1817 = arith.constant 864 : index
      %get3A_1818 = arith.constant 0 : index
      %get3A_1819 = vector.load %arg9[%get3A_1816, %get3A_1817, %get3A_1818] : memref<2x2048x512xf32, #tpu.memory_space<vmem>>, vector<1x16x512xf32>
      %get3A_1820 = vector.shape_cast %get3A_1819 : vector<1x16x512xf32> to vector<16x512xf32>
      %slice3A_1821 = vector.extract_strided_slice %get3A_1820 {offsets = [0, 0], sizes = [16, 256], strides = [1, 1]} : vector<16x512xf32> to vector<16x256xf32>
      %dot_general3A_1822 = arith.constant dense<0.000000e+00> : vector<16x256xf32>
      %dot_general3A_1823 = tpu.matmul %tanh3A_1802, %get3A_11, %dot_general3A_1822 {dimension_numbers = #tpu.dot_dimension_numbers<[1], [0], [0], [1], [0, 0, 1, 1], [], []>, transpose_lhs_hint = false} : vector<16x256xf32>, vector<256x256xf32>, vector<16x256xf32> -> vector<16x256xf32>
      %add3A_1824 = arith.addf %slice3A_1821, %dot_general3A_1823 : vector<16x256xf32>
      %dot_general3A_1825 = arith.constant dense<0.000000e+00> : vector<16x256xf32>
      %dot_general3A_1826 = tpu.matmul %tanh3A_1803, %get3A_14, %dot_general3A_1825 {dimension_numbers = #tpu.dot_dimension_numbers<[1], [0], [0], [1], [0, 0, 1, 1], [], []>, transpose_lhs_hint = false} : vector<16x256xf32>, vector<256x256xf32>, vector<16x256xf32> -> vector<16x256xf32>
      %add3A_1827 = arith.addf %add3A_1824, %dot_general3A_1826 : vector<16x256xf32>
      %slice3A_1828 = vector.extract_strided_slice %get3A_1820 {offsets = [0, 256], sizes = [16, 256], strides = [1, 1]} : vector<16x512xf32> to vector<16x256xf32>
      %dot_general3A_1829 = arith.constant dense<0.000000e+00> : vector<16x256xf32>
      %dot_general3A_1830 = tpu.matmul %tanh3A_1802, %get3A_17, %dot_general3A_1829 {dimension_numbers = #tpu.dot_dimension_numbers<[1], [0], [0], [1], [0, 0, 1, 1], [], []>, transpose_lhs_hint = false} : vector<16x256xf32>, vector<256x256xf32>, vector<16x256xf32> -> vector<16x256xf32>
      %add3A_1831 = arith.addf %slice3A_1828, %dot_general3A_1830 : vector<16x256xf32>
      %dot_general3A_1832 = arith.constant dense<0.000000e+00> : vector<16x256xf32>
      %dot_general3A_1833 = tpu.matmul %tanh3A_1803, %get3A_20, %dot_general3A_1832 {dimension_numbers = #tpu.dot_dimension_numbers<[1], [0], [0], [1], [0, 0, 1, 1], [], []>, transpose_lhs_hint = false} : vector<16x256xf32>, vector<256x256xf32>, vector<16x256xf32> -> vector<16x256xf32>
      %add3A_1834 = arith.addf %add3A_1831, %dot_general3A_1833 : vector<16x256xf32>
      %tanh3A_1835 = math.tanh %add3A_1827 : vector<16x256xf32>
      %tanh3A_1836 = math.tanh %add3A_1834 : vector<16x256xf32>
      %swap3A_1837 = arith.constant 0 : index
      %swap3A_1838 = arith.constant 54 : index
      %swap3A_1839 = arith.constant 0 : index
      %swap3A_1840 = vector.load %arg7[%swap3A_1837, %swap3A_1838, %swap3A_1839] : memref<16x128x512xf32, #tpu.memory_space<vmem>>, vector<16x1x256xf32>
      %swap3A_1841 = vector.shape_cast %swap3A_1840 : vector<16x1x256xf32> to vector<16x256xf32>
      %swap3A_1842 = vector.shape_cast %tanh3A_1835 : vector<16x256xf32> to vector<16x1x256xf32>
      tpu.vector_store %arg7[%swap3A_1837, %swap3A_1838, %swap3A_1839], %swap3A_1842 {strides = array<i32>} : memref<16x128x512xf32, #tpu.memory_space<vmem>>, vector<16x1x256xf32>,
      %swap3A_1843 = arith.constant 0 : index
      %swap3A_1844 = arith.constant 54 : index
      %swap3A_1845 = arith.constant 256 : index
      %swap3A_1846 = vector.load %arg7[%swap3A_1843, %swap3A_1844, %swap3A_1845] : memref<16x128x512xf32, #tpu.memory_space<vmem>>, vector<16x1x256xf32>
      %swap3A_1847 = vector.shape_cast %swap3A_1846 : vector<16x1x256xf32> to vector<16x256xf32>
      %swap3A_1848 = vector.shape_cast %tanh3A_1836 : vector<16x256xf32> to vector<16x1x256xf32>
      tpu.vector_store %arg7[%swap3A_1843, %swap3A_1844, %swap3A_1845], %swap3A_1848 {strides = array<i32>} : memref<16x128x512xf32, #tpu.memory_space<vmem>>, vector<16x1x256xf32>,
      %get3A_1849 = arith.index_cast %select_n3A_31 : i32 to index
      %get3A_1850 = arith.constant 880 : index
      %get3A_1851 = arith.constant 0 : index
      %get3A_1852 = vector.load %arg9[%get3A_1849, %get3A_1850, %get3A_1851] : memref<2x2048x512xf32, #tpu.memory_space<vmem>>, vector<1x16x512xf32>
      %get3A_1853 = vector.shape_cast %get3A_1852 : vector<1x16x512xf32> to vector<16x512xf32>
      %slice3A_1854 = vector.extract_strided_slice %get3A_1853 {offsets = [0, 0], sizes = [16, 256], strides = [1, 1]} : vector<16x512xf32> to vector<16x256xf32>
      %dot_general3A_1855 = arith.constant dense<0.000000e+00> : vector<16x256xf32>
      %dot_general3A_1856 = tpu.matmul %tanh3A_1835, %get3A_11, %dot_general3A_1855 {dimension_numbers = #tpu.dot_dimension_numbers<[1], [0], [0], [1], [0, 0, 1, 1], [], []>, transpose_lhs_hint = false} : vector<16x256xf32>, vector<256x256xf32>, vector<16x256xf32> -> vector<16x256xf32>
      %add3A_1857 = arith.addf %slice3A_1854, %dot_general3A_1856 : vector<16x256xf32>
      %dot_general3A_1858 = arith.constant dense<0.000000e+00> : vector<16x256xf32>
      %dot_general3A_1859 = tpu.matmul %tanh3A_1836, %get3A_14, %dot_general3A_1858 {dimension_numbers = #tpu.dot_dimension_numbers<[1], [0], [0], [1], [0, 0, 1, 1], [], []>, transpose_lhs_hint = false} : vector<16x256xf32>, vector<256x256xf32>, vector<16x256xf32> -> vector<16x256xf32>
      %add3A_1860 = arith.addf %add3A_1857, %dot_general3A_1859 : vector<16x256xf32>
      %slice3A_1861 = vector.extract_strided_slice %get3A_1853 {offsets = [0, 256], sizes = [16, 256], strides = [1, 1]} : vector<16x512xf32> to vector<16x256xf32>
      %dot_general3A_1862 = arith.constant dense<0.000000e+00> : vector<16x256xf32>
      %dot_general3A_1863 = tpu.matmul %tanh3A_1835, %get3A_17, %dot_general3A_1862 {dimension_numbers = #tpu.dot_dimension_numbers<[1], [0], [0], [1], [0, 0, 1, 1], [], []>, transpose_lhs_hint = false} : vector<16x256xf32>, vector<256x256xf32>, vector<16x256xf32> -> vector<16x256xf32>
      %add3A_1864 = arith.addf %slice3A_1861, %dot_general3A_1863 : vector<16x256xf32>
      %dot_general3A_1865 = arith.constant dense<0.000000e+00> : vector<16x256xf32>
      %dot_general3A_1866 = tpu.matmul %tanh3A_1836, %get3A_20, %dot_general3A_1865 {dimension_numbers = #tpu.dot_dimension_numbers<[1], [0], [0], [1], [0, 0, 1, 1], [], []>, transpose_lhs_hint = false} : vector<16x256xf32>, vector<256x256xf32>, vector<16x256xf32> -> vector<16x256xf32>
      %add3A_1867 = arith.addf %add3A_1864, %dot_general3A_1866 : vector<16x256xf32>
      %tanh3A_1868 = math.tanh %add3A_1860 : vector<16x256xf32>
      %tanh3A_1869 = math.tanh %add3A_1867 : vector<16x256xf32>
      %swap3A_1870 = arith.constant 0 : index
      %swap3A_1871 = arith.constant 55 : index
      %swap3A_1872 = arith.constant 0 : index
      %swap3A_1873 = vector.load %arg7[%swap3A_1870, %swap3A_1871, %swap3A_1872] : memref<16x128x512xf32, #tpu.memory_space<vmem>>, vector<16x1x256xf32>
      %swap3A_1874 = vector.shape_cast %swap3A_1873 : vector<16x1x256xf32> to vector<16x256xf32>
      %swap3A_1875 = vector.shape_cast %tanh3A_1868 : vector<16x256xf32> to vector<16x1x256xf32>
      tpu.vector_store %arg7[%swap3A_1870, %swap3A_1871, %swap3A_1872], %swap3A_1875 {strides = array<i32>} : memref<16x128x512xf32, #tpu.memory_space<vmem>>, vector<16x1x256xf32>,
      %swap3A_1876 = arith.constant 0 : index
      %swap3A_1877 = arith.constant 55 : index
      %swap3A_1878 = arith.constant 256 : index
      %swap3A_1879 = vector.load %arg7[%swap3A_1876, %swap3A_1877, %swap3A_1878] : memref<16x128x512xf32, #tpu.memory_space<vmem>>, vector<16x1x256xf32>
      %swap3A_1880 = vector.shape_cast %swap3A_1879 : vector<16x1x256xf32> to vector<16x256xf32>
      %swap3A_1881 = vector.shape_cast %tanh3A_1869 : vector<16x256xf32> to vector<16x1x256xf32>
      tpu.vector_store %arg7[%swap3A_1876, %swap3A_1877, %swap3A_1878], %swap3A_1881 {strides = array<i32>} : memref<16x128x512xf32, #tpu.memory_space<vmem>>, vector<16x1x256xf32>,
      %get3A_1882 = arith.index_cast %select_n3A_31 : i32 to index
      %get3A_1883 = arith.constant 896 : index
      %get3A_1884 = arith.constant 0 : index
      %get3A_1885 = vector.load %arg9[%get3A_1882, %get3A_1883, %get3A_1884] : memref<2x2048x512xf32, #tpu.memory_space<vmem>>, vector<1x16x512xf32>
      %get3A_1886 = vector.shape_cast %get3A_1885 : vector<1x16x512xf32> to vector<16x512xf32>
      %slice3A_1887 = vector.extract_strided_slice %get3A_1886 {offsets = [0, 0], sizes = [16, 256], strides = [1, 1]} : vector<16x512xf32> to vector<16x256xf32>
      %dot_general3A_1888 = arith.constant dense<0.000000e+00> : vector<16x256xf32>
      %dot_general3A_1889 = tpu.matmul %tanh3A_1868, %get3A_11, %dot_general3A_1888 {dimension_numbers = #tpu.dot_dimension_numbers<[1], [0], [0], [1], [0, 0, 1, 1], [], []>, transpose_lhs_hint = false} : vector<16x256xf32>, vector<256x256xf32>, vector<16x256xf32> -> vector<16x256xf32>
      %add3A_1890 = arith.addf %slice3A_1887, %dot_general3A_1889 : vector<16x256xf32>
      %dot_general3A_1891 = arith.constant dense<0.000000e+00> : vector<16x256xf32>
      %dot_general3A_1892 = tpu.matmul %tanh3A_1869, %get3A_14, %dot_general3A_1891 {dimension_numbers = #tpu.dot_dimension_numbers<[1], [0], [0], [1], [0, 0, 1, 1], [], []>, transpose_lhs_hint = false} : vector<16x256xf32>, vector<256x256xf32>, vector<16x256xf32> -> vector<16x256xf32>
      %add3A_1893 = arith.addf %add3A_1890, %dot_general3A_1892 : vector<16x256xf32>
      %slice3A_1894 = vector.extract_strided_slice %get3A_1886 {offsets = [0, 256], sizes = [16, 256], strides = [1, 1]} : vector<16x512xf32> to vector<16x256xf32>
      %dot_general3A_1895 = arith.constant dense<0.000000e+00> : vector<16x256xf32>
      %dot_general3A_1896 = tpu.matmul %tanh3A_1868, %get3A_17, %dot_general3A_1895 {dimension_numbers = #tpu.dot_dimension_numbers<[1], [0], [0], [1], [0, 0, 1, 1], [], []>, transpose_lhs_hint = false} : vector<16x256xf32>, vector<256x256xf32>, vector<16x256xf32> -> vector<16x256xf32>
      %add3A_1897 = arith.addf %slice3A_1894, %dot_general3A_1896 : vector<16x256xf32>
      %dot_general3A_1898 = arith.constant dense<0.000000e+00> : vector<16x256xf32>
      %dot_general3A_1899 = tpu.matmul %tanh3A_1869, %get3A_20, %dot_general3A_1898 {dimension_numbers = #tpu.dot_dimension_numbers<[1], [0], [0], [1], [0, 0, 1, 1], [], []>, transpose_lhs_hint = false} : vector<16x256xf32>, vector<256x256xf32>, vector<16x256xf32> -> vector<16x256xf32>
      %add3A_1900 = arith.addf %add3A_1897, %dot_general3A_1899 : vector<16x256xf32>
      %tanh3A_1901 = math.tanh %add3A_1893 : vector<16x256xf32>
      %tanh3A_1902 = math.tanh %add3A_1900 : vector<16x256xf32>
      %swap3A_1903 = arith.constant 0 : index
      %swap3A_1904 = arith.constant 56 : index
      %swap3A_1905 = arith.constant 0 : index
      %swap3A_1906 = vector.load %arg7[%swap3A_1903, %swap3A_1904, %swap3A_1905] : memref<16x128x512xf32, #tpu.memory_space<vmem>>, vector<16x1x256xf32>
      %swap3A_1907 = vector.shape_cast %swap3A_1906 : vector<16x1x256xf32> to vector<16x256xf32>
      %swap3A_1908 = vector.shape_cast %tanh3A_1901 : vector<16x256xf32> to vector<16x1x256xf32>
      tpu.vector_store %arg7[%swap3A_1903, %swap3A_1904, %swap3A_1905], %swap3A_1908 {strides = array<i32>} : memref<16x128x512xf32, #tpu.memory_space<vmem>>, vector<16x1x256xf32>,
      %swap3A_1909 = arith.constant 0 : index
      %swap3A_1910 = arith.constant 56 : index
      %swap3A_1911 = arith.constant 256 : index
      %swap3A_1912 = vector.load %arg7[%swap3A_1909, %swap3A_1910, %swap3A_1911] : memref<16x128x512xf32, #tpu.memory_space<vmem>>, vector<16x1x256xf32>
      %swap3A_1913 = vector.shape_cast %swap3A_1912 : vector<16x1x256xf32> to vector<16x256xf32>
      %swap3A_1914 = vector.shape_cast %tanh3A_1902 : vector<16x256xf32> to vector<16x1x256xf32>
      tpu.vector_store %arg7[%swap3A_1909, %swap3A_1910, %swap3A_1911], %swap3A_1914 {strides = array<i32>} : memref<16x128x512xf32, #tpu.memory_space<vmem>>, vector<16x1x256xf32>,
      %get3A_1915 = arith.index_cast %select_n3A_31 : i32 to index
      %get3A_1916 = arith.constant 912 : index
      %get3A_1917 = arith.constant 0 : index
      %get3A_1918 = vector.load %arg9[%get3A_1915, %get3A_1916, %get3A_1917] : memref<2x2048x512xf32, #tpu.memory_space<vmem>>, vector<1x16x512xf32>
      %get3A_1919 = vector.shape_cast %get3A_1918 : vector<1x16x512xf32> to vector<16x512xf32>
      %slice3A_1920 = vector.extract_strided_slice %get3A_1919 {offsets = [0, 0], sizes = [16, 256], strides = [1, 1]} : vector<16x512xf32> to vector<16x256xf32>
      %dot_general3A_1921 = arith.constant dense<0.000000e+00> : vector<16x256xf32>
      %dot_general3A_1922 = tpu.matmul %tanh3A_1901, %get3A_11, %dot_general3A_1921 {dimension_numbers = #tpu.dot_dimension_numbers<[1], [0], [0], [1], [0, 0, 1, 1], [], []>, transpose_lhs_hint = false} : vector<16x256xf32>, vector<256x256xf32>, vector<16x256xf32> -> vector<16x256xf32>
      %add3A_1923 = arith.addf %slice3A_1920, %dot_general3A_1922 : vector<16x256xf32>
      %dot_general3A_1924 = arith.constant dense<0.000000e+00> : vector<16x256xf32>
      %dot_general3A_1925 = tpu.matmul %tanh3A_1902, %get3A_14, %dot_general3A_1924 {dimension_numbers = #tpu.dot_dimension_numbers<[1], [0], [0], [1], [0, 0, 1, 1], [], []>, transpose_lhs_hint = false} : vector<16x256xf32>, vector<256x256xf32>, vector<16x256xf32> -> vector<16x256xf32>
      %add3A_1926 = arith.addf %add3A_1923, %dot_general3A_1925 : vector<16x256xf32>
      %slice3A_1927 = vector.extract_strided_slice %get3A_1919 {offsets = [0, 256], sizes = [16, 256], strides = [1, 1]} : vector<16x512xf32> to vector<16x256xf32>
      %dot_general3A_1928 = arith.constant dense<0.000000e+00> : vector<16x256xf32>
      %dot_general3A_1929 = tpu.matmul %tanh3A_1901, %get3A_17, %dot_general3A_1928 {dimension_numbers = #tpu.dot_dimension_numbers<[1], [0], [0], [1], [0, 0, 1, 1], [], []>, transpose_lhs_hint = false} : vector<16x256xf32>, vector<256x256xf32>, vector<16x256xf32> -> vector<16x256xf32>
      %add3A_1930 = arith.addf %slice3A_1927, %dot_general3A_1929 : vector<16x256xf32>
      %dot_general3A_1931 = arith.constant dense<0.000000e+00> : vector<16x256xf32>
      %dot_general3A_1932 = tpu.matmul %tanh3A_1902, %get3A_20, %dot_general3A_1931 {dimension_numbers = #tpu.dot_dimension_numbers<[1], [0], [0], [1], [0, 0, 1, 1], [], []>, transpose_lhs_hint = false} : vector<16x256xf32>, vector<256x256xf32>, vector<16x256xf32> -> vector<16x256xf32>
      %add3A_1933 = arith.addf %add3A_1930, %dot_general3A_1932 : vector<16x256xf32>
      %tanh3A_1934 = math.tanh %add3A_1926 : vector<16x256xf32>
      %tanh3A_1935 = math.tanh %add3A_1933 : vector<16x256xf32>
      %swap3A_1936 = arith.constant 0 : index
      %swap3A_1937 = arith.constant 57 : index
      %swap3A_1938 = arith.constant 0 : index
      %swap3A_1939 = vector.load %arg7[%swap3A_1936, %swap3A_1937, %swap3A_1938] : memref<16x128x512xf32, #tpu.memory_space<vmem>>, vector<16x1x256xf32>
      %swap3A_1940 = vector.shape_cast %swap3A_1939 : vector<16x1x256xf32> to vector<16x256xf32>
      %swap3A_1941 = vector.shape_cast %tanh3A_1934 : vector<16x256xf32> to vector<16x1x256xf32>
      tpu.vector_store %arg7[%swap3A_1936, %swap3A_1937, %swap3A_1938], %swap3A_1941 {strides = array<i32>} : memref<16x128x512xf32, #tpu.memory_space<vmem>>, vector<16x1x256xf32>,
      %swap3A_1942 = arith.constant 0 : index
      %swap3A_1943 = arith.constant 57 : index
      %swap3A_1944 = arith.constant 256 : index
      %swap3A_1945 = vector.load %arg7[%swap3A_1942, %swap3A_1943, %swap3A_1944] : memref<16x128x512xf32, #tpu.memory_space<vmem>>, vector<16x1x256xf32>
      %swap3A_1946 = vector.shape_cast %swap3A_1945 : vector<16x1x256xf32> to vector<16x256xf32>
      %swap3A_1947 = vector.shape_cast %tanh3A_1935 : vector<16x256xf32> to vector<16x1x256xf32>
      tpu.vector_store %arg7[%swap3A_1942, %swap3A_1943, %swap3A_1944], %swap3A_1947 {strides = array<i32>} : memref<16x128x512xf32, #tpu.memory_space<vmem>>, vector<16x1x256xf32>,
      %get3A_1948 = arith.index_cast %select_n3A_31 : i32 to index
      %get3A_1949 = arith.constant 928 : index
      %get3A_1950 = arith.constant 0 : index
      %get3A_1951 = vector.load %arg9[%get3A_1948, %get3A_1949, %get3A_1950] : memref<2x2048x512xf32, #tpu.memory_space<vmem>>, vector<1x16x512xf32>
      %get3A_1952 = vector.shape_cast %get3A_1951 : vector<1x16x512xf32> to vector<16x512xf32>
      %slice3A_1953 = vector.extract_strided_slice %get3A_1952 {offsets = [0, 0], sizes = [16, 256], strides = [1, 1]} : vector<16x512xf32> to vector<16x256xf32>
      %dot_general3A_1954 = arith.constant dense<0.000000e+00> : vector<16x256xf32>
      %dot_general3A_1955 = tpu.matmul %tanh3A_1934, %get3A_11, %dot_general3A_1954 {dimension_numbers = #tpu.dot_dimension_numbers<[1], [0], [0], [1], [0, 0, 1, 1], [], []>, transpose_lhs_hint = false} : vector<16x256xf32>, vector<256x256xf32>, vector<16x256xf32> -> vector<16x256xf32>
      %add3A_1956 = arith.addf %slice3A_1953, %dot_general3A_1955 : vector<16x256xf32>
      %dot_general3A_1957 = arith.constant dense<0.000000e+00> : vector<16x256xf32>
      %dot_general3A_1958 = tpu.matmul %tanh3A_1935, %get3A_14, %dot_general3A_1957 {dimension_numbers = #tpu.dot_dimension_numbers<[1], [0], [0], [1], [0, 0, 1, 1], [], []>, transpose_lhs_hint = false} : vector<16x256xf32>, vector<256x256xf32>, vector<16x256xf32> -> vector<16x256xf32>
      %add3A_1959 = arith.addf %add3A_1956, %dot_general3A_1958 : vector<16x256xf32>
      %slice3A_1960 = vector.extract_strided_slice %get3A_1952 {offsets = [0, 256], sizes = [16, 256], strides = [1, 1]} : vector<16x512xf32> to vector<16x256xf32>
      %dot_general3A_1961 = arith.constant dense<0.000000e+00> : vector<16x256xf32>
      %dot_general3A_1962 = tpu.matmul %tanh3A_1934, %get3A_17, %dot_general3A_1961 {dimension_numbers = #tpu.dot_dimension_numbers<[1], [0], [0], [1], [0, 0, 1, 1], [], []>, transpose_lhs_hint = false} : vector<16x256xf32>, vector<256x256xf32>, vector<16x256xf32> -> vector<16x256xf32>
      %add3A_1963 = arith.addf %slice3A_1960, %dot_general3A_1962 : vector<16x256xf32>
      %dot_general3A_1964 = arith.constant dense<0.000000e+00> : vector<16x256xf32>
      %dot_general3A_1965 = tpu.matmul %tanh3A_1935, %get3A_20, %dot_general3A_1964 {dimension_numbers = #tpu.dot_dimension_numbers<[1], [0], [0], [1], [0, 0, 1, 1], [], []>, transpose_lhs_hint = false} : vector<16x256xf32>, vector<256x256xf32>, vector<16x256xf32> -> vector<16x256xf32>
      %add3A_1966 = arith.addf %add3A_1963, %dot_general3A_1965 : vector<16x256xf32>
      %tanh3A_1967 = math.tanh %add3A_1959 : vector<16x256xf32>
      %tanh3A_1968 = math.tanh %add3A_1966 : vector<16x256xf32>
      %swap3A_1969 = arith.constant 0 : index
      %swap3A_1970 = arith.constant 58 : index
      %swap3A_1971 = arith.constant 0 : index
      %swap3A_1972 = vector.load %arg7[%swap3A_1969, %swap3A_1970, %swap3A_1971] : memref<16x128x512xf32, #tpu.memory_space<vmem>>, vector<16x1x256xf32>
      %swap3A_1973 = vector.shape_cast %swap3A_1972 : vector<16x1x256xf32> to vector<16x256xf32>
      %swap3A_1974 = vector.shape_cast %tanh3A_1967 : vector<16x256xf32> to vector<16x1x256xf32>
      tpu.vector_store %arg7[%swap3A_1969, %swap3A_1970, %swap3A_1971], %swap3A_1974 {strides = array<i32>} : memref<16x128x512xf32, #tpu.memory_space<vmem>>, vector<16x1x256xf32>,
      %swap3A_1975 = arith.constant 0 : index
      %swap3A_1976 = arith.constant 58 : index
      %swap3A_1977 = arith.constant 256 : index
      %swap3A_1978 = vector.load %arg7[%swap3A_1975, %swap3A_1976, %swap3A_1977] : memref<16x128x512xf32, #tpu.memory_space<vmem>>, vector<16x1x256xf32>
      %swap3A_1979 = vector.shape_cast %swap3A_1978 : vector<16x1x256xf32> to vector<16x256xf32>
      %swap3A_1980 = vector.shape_cast %tanh3A_1968 : vector<16x256xf32> to vector<16x1x256xf32>
      tpu.vector_store %arg7[%swap3A_1975, %swap3A_1976, %swap3A_1977], %swap3A_1980 {strides = array<i32>} : memref<16x128x512xf32, #tpu.memory_space<vmem>>, vector<16x1x256xf32>,
      %get3A_1981 = arith.index_cast %select_n3A_31 : i32 to index
      %get3A_1982 = arith.constant 944 : index
      %get3A_1983 = arith.constant 0 : index
      %get3A_1984 = vector.load %arg9[%get3A_1981, %get3A_1982, %get3A_1983] : memref<2x2048x512xf32, #tpu.memory_space<vmem>>, vector<1x16x512xf32>
      %get3A_1985 = vector.shape_cast %get3A_1984 : vector<1x16x512xf32> to vector<16x512xf32>
      %slice3A_1986 = vector.extract_strided_slice %get3A_1985 {offsets = [0, 0], sizes = [16, 256], strides = [1, 1]} : vector<16x512xf32> to vector<16x256xf32>
      %dot_general3A_1987 = arith.constant dense<0.000000e+00> : vector<16x256xf32>
      %dot_general3A_1988 = tpu.matmul %tanh3A_1967, %get3A_11, %dot_general3A_1987 {dimension_numbers = #tpu.dot_dimension_numbers<[1], [0], [0], [1], [0, 0, 1, 1], [], []>, transpose_lhs_hint = false} : vector<16x256xf32>, vector<256x256xf32>, vector<16x256xf32> -> vector<16x256xf32>
      %add3A_1989 = arith.addf %slice3A_1986, %dot_general3A_1988 : vector<16x256xf32>
      %dot_general3A_1990 = arith.constant dense<0.000000e+00> : vector<16x256xf32>
      %dot_general3A_1991 = tpu.matmul %tanh3A_1968, %get3A_14, %dot_general3A_1990 {dimension_numbers = #tpu.dot_dimension_numbers<[1], [0], [0], [1], [0, 0, 1, 1], [], []>, transpose_lhs_hint = false} : vector<16x256xf32>, vector<256x256xf32>, vector<16x256xf32> -> vector<16x256xf32>
      %add3A_1992 = arith.addf %add3A_1989, %dot_general3A_1991 : vector<16x256xf32>
      %slice3A_1993 = vector.extract_strided_slice %get3A_1985 {offsets = [0, 256], sizes = [16, 256], strides = [1, 1]} : vector<16x512xf32> to vector<16x256xf32>
      %dot_general3A_1994 = arith.constant dense<0.000000e+00> : vector<16x256xf32>
      %dot_general3A_1995 = tpu.matmul %tanh3A_1967, %get3A_17, %dot_general3A_1994 {dimension_numbers = #tpu.dot_dimension_numbers<[1], [0], [0], [1], [0, 0, 1, 1], [], []>, transpose_lhs_hint = false} : vector<16x256xf32>, vector<256x256xf32>, vector<16x256xf32> -> vector<16x256xf32>
      %add3A_1996 = arith.addf %slice3A_1993, %dot_general3A_1995 : vector<16x256xf32>
      %dot_general3A_1997 = arith.constant dense<0.000000e+00> : vector<16x256xf32>
      %dot_general3A_1998 = tpu.matmul %tanh3A_1968, %get3A_20, %dot_general3A_1997 {dimension_numbers = #tpu.dot_dimension_numbers<[1], [0], [0], [1], [0, 0, 1, 1], [], []>, transpose_lhs_hint = false} : vector<16x256xf32>, vector<256x256xf32>, vector<16x256xf32> -> vector<16x256xf32>
      %add3A_1999 = arith.addf %add3A_1996, %dot_general3A_1998 : vector<16x256xf32>
      %tanh3A_2000 = math.tanh %add3A_1992 : vector<16x256xf32>
      %tanh3A_2001 = math.tanh %add3A_1999 : vector<16x256xf32>
      %swap3A_2002 = arith.constant 0 : index
      %swap3A_2003 = arith.constant 59 : index
      %swap3A_2004 = arith.constant 0 : index
      %swap3A_2005 = vector.load %arg7[%swap3A_2002, %swap3A_2003, %swap3A_2004] : memref<16x128x512xf32, #tpu.memory_space<vmem>>, vector<16x1x256xf32>
      %swap3A_2006 = vector.shape_cast %swap3A_2005 : vector<16x1x256xf32> to vector<16x256xf32>
      %swap3A_2007 = vector.shape_cast %tanh3A_2000 : vector<16x256xf32> to vector<16x1x256xf32>
      tpu.vector_store %arg7[%swap3A_2002, %swap3A_2003, %swap3A_2004], %swap3A_2007 {strides = array<i32>} : memref<16x128x512xf32, #tpu.memory_space<vmem>>, vector<16x1x256xf32>,
      %swap3A_2008 = arith.constant 0 : index
      %swap3A_2009 = arith.constant 59 : index
      %swap3A_2010 = arith.constant 256 : index
      %swap3A_2011 = vector.load %arg7[%swap3A_2008, %swap3A_2009, %swap3A_2010] : memref<16x128x512xf32, #tpu.memory_space<vmem>>, vector<16x1x256xf32>
      %swap3A_2012 = vector.shape_cast %swap3A_2011 : vector<16x1x256xf32> to vector<16x256xf32>
      %swap3A_2013 = vector.shape_cast %tanh3A_2001 : vector<16x256xf32> to vector<16x1x256xf32>
      tpu.vector_store %arg7[%swap3A_2008, %swap3A_2009, %swap3A_2010], %swap3A_2013 {strides = array<i32>} : memref<16x128x512xf32, #tpu.memory_space<vmem>>, vector<16x1x256xf32>,
      %get3A_2014 = arith.index_cast %select_n3A_31 : i32 to index
      %get3A_2015 = arith.constant 960 : index
      %get3A_2016 = arith.constant 0 : index
      %get3A_2017 = vector.load %arg9[%get3A_2014, %get3A_2015, %get3A_2016] : memref<2x2048x512xf32, #tpu.memory_space<vmem>>, vector<1x16x512xf32>
      %get3A_2018 = vector.shape_cast %get3A_2017 : vector<1x16x512xf32> to vector<16x512xf32>
      %slice3A_2019 = vector.extract_strided_slice %get3A_2018 {offsets = [0, 0], sizes = [16, 256], strides = [1, 1]} : vector<16x512xf32> to vector<16x256xf32>
      %dot_general3A_2020 = arith.constant dense<0.000000e+00> : vector<16x256xf32>
      %dot_general3A_2021 = tpu.matmul %tanh3A_2000, %get3A_11, %dot_general3A_2020 {dimension_numbers = #tpu.dot_dimension_numbers<[1], [0], [0], [1], [0, 0, 1, 1], [], []>, transpose_lhs_hint = false} : vector<16x256xf32>, vector<256x256xf32>, vector<16x256xf32> -> vector<16x256xf32>
      %add3A_2022 = arith.addf %slice3A_2019, %dot_general3A_2021 : vector<16x256xf32>
      %dot_general3A_2023 = arith.constant dense<0.000000e+00> : vector<16x256xf32>
      %dot_general3A_2024 = tpu.matmul %tanh3A_2001, %get3A_14, %dot_general3A_2023 {dimension_numbers = #tpu.dot_dimension_numbers<[1], [0], [0], [1], [0, 0, 1, 1], [], []>, transpose_lhs_hint = false} : vector<16x256xf32>, vector<256x256xf32>, vector<16x256xf32> -> vector<16x256xf32>
      %add3A_2025 = arith.addf %add3A_2022, %dot_general3A_2024 : vector<16x256xf32>
      %slice3A_2026 = vector.extract_strided_slice %get3A_2018 {offsets = [0, 256], sizes = [16, 256], strides = [1, 1]} : vector<16x512xf32> to vector<16x256xf32>
      %dot_general3A_2027 = arith.constant dense<0.000000e+00> : vector<16x256xf32>
      %dot_general3A_2028 = tpu.matmul %tanh3A_2000, %get3A_17, %dot_general3A_2027 {dimension_numbers = #tpu.dot_dimension_numbers<[1], [0], [0], [1], [0, 0, 1, 1], [], []>, transpose_lhs_hint = false} : vector<16x256xf32>, vector<256x256xf32>, vector<16x256xf32> -> vector<16x256xf32>
      %add3A_2029 = arith.addf %slice3A_2026, %dot_general3A_2028 : vector<16x256xf32>
      %dot_general3A_2030 = arith.constant dense<0.000000e+00> : vector<16x256xf32>
      %dot_general3A_2031 = tpu.matmul %tanh3A_2001, %get3A_20, %dot_general3A_2030 {dimension_numbers = #tpu.dot_dimension_numbers<[1], [0], [0], [1], [0, 0, 1, 1], [], []>, transpose_lhs_hint = false} : vector<16x256xf32>, vector<256x256xf32>, vector<16x256xf32> -> vector<16x256xf32>
      %add3A_2032 = arith.addf %add3A_2029, %dot_general3A_2031 : vector<16x256xf32>
      %tanh3A_2033 = math.tanh %add3A_2025 : vector<16x256xf32>
      %tanh3A_2034 = math.tanh %add3A_2032 : vector<16x256xf32>
      %swap3A_2035 = arith.constant 0 : index
      %swap3A_2036 = arith.constant 60 : index
      %swap3A_2037 = arith.constant 0 : index
      %swap3A_2038 = vector.load %arg7[%swap3A_2035, %swap3A_2036, %swap3A_2037] : memref<16x128x512xf32, #tpu.memory_space<vmem>>, vector<16x1x256xf32>
      %swap3A_2039 = vector.shape_cast %swap3A_2038 : vector<16x1x256xf32> to vector<16x256xf32>
      %swap3A_2040 = vector.shape_cast %tanh3A_2033 : vector<16x256xf32> to vector<16x1x256xf32>
      tpu.vector_store %arg7[%swap3A_2035, %swap3A_2036, %swap3A_2037], %swap3A_2040 {strides = array<i32>} : memref<16x128x512xf32, #tpu.memory_space<vmem>>, vector<16x1x256xf32>,
      %swap3A_2041 = arith.constant 0 : index
      %swap3A_2042 = arith.constant 60 : index
      %swap3A_2043 = arith.constant 256 : index
      %swap3A_2044 = vector.load %arg7[%swap3A_2041, %swap3A_2042, %swap3A_2043] : memref<16x128x512xf32, #tpu.memory_space<vmem>>, vector<16x1x256xf32>
      %swap3A_2045 = vector.shape_cast %swap3A_2044 : vector<16x1x256xf32> to vector<16x256xf32>
      %swap3A_2046 = vector.shape_cast %tanh3A_2034 : vector<16x256xf32> to vector<16x1x256xf32>
      tpu.vector_store %arg7[%swap3A_2041, %swap3A_2042, %swap3A_2043], %swap3A_2046 {strides = array<i32>} : memref<16x128x512xf32, #tpu.memory_space<vmem>>, vector<16x1x256xf32>,
      %get3A_2047 = arith.index_cast %select_n3A_31 : i32 to index
      %get3A_2048 = arith.constant 976 : index
      %get3A_2049 = arith.constant 0 : index
      %get3A_2050 = vector.load %arg9[%get3A_2047, %get3A_2048, %get3A_2049] : memref<2x2048x512xf32, #tpu.memory_space<vmem>>, vector<1x16x512xf32>
      %get3A_2051 = vector.shape_cast %get3A_2050 : vector<1x16x512xf32> to vector<16x512xf32>
      %slice3A_2052 = vector.extract_strided_slice %get3A_2051 {offsets = [0, 0], sizes = [16, 256], strides = [1, 1]} : vector<16x512xf32> to vector<16x256xf32>
      %dot_general3A_2053 = arith.constant dense<0.000000e+00> : vector<16x256xf32>
      %dot_general3A_2054 = tpu.matmul %tanh3A_2033, %get3A_11, %dot_general3A_2053 {dimension_numbers = #tpu.dot_dimension_numbers<[1], [0], [0], [1], [0, 0, 1, 1], [], []>, transpose_lhs_hint = false} : vector<16x256xf32>, vector<256x256xf32>, vector<16x256xf32> -> vector<16x256xf32>
      %add3A_2055 = arith.addf %slice3A_2052, %dot_general3A_2054 : vector<16x256xf32>
      %dot_general3A_2056 = arith.constant dense<0.000000e+00> : vector<16x256xf32>
      %dot_general3A_2057 = tpu.matmul %tanh3A_2034, %get3A_14, %dot_general3A_2056 {dimension_numbers = #tpu.dot_dimension_numbers<[1], [0], [0], [1], [0, 0, 1, 1], [], []>, transpose_lhs_hint = false} : vector<16x256xf32>, vector<256x256xf32>, vector<16x256xf32> -> vector<16x256xf32>
      %add3A_2058 = arith.addf %add3A_2055, %dot_general3A_2057 : vector<16x256xf32>
      %slice3A_2059 = vector.extract_strided_slice %get3A_2051 {offsets = [0, 256], sizes = [16, 256], strides = [1, 1]} : vector<16x512xf32> to vector<16x256xf32>
      %dot_general3A_2060 = arith.constant dense<0.000000e+00> : vector<16x256xf32>
      %dot_general3A_2061 = tpu.matmul %tanh3A_2033, %get3A_17, %dot_general3A_2060 {dimension_numbers = #tpu.dot_dimension_numbers<[1], [0], [0], [1], [0, 0, 1, 1], [], []>, transpose_lhs_hint = false} : vector<16x256xf32>, vector<256x256xf32>, vector<16x256xf32> -> vector<16x256xf32>
      %add3A_2062 = arith.addf %slice3A_2059, %dot_general3A_2061 : vector<16x256xf32>
      %dot_general3A_2063 = arith.constant dense<0.000000e+00> : vector<16x256xf32>
      %dot_general3A_2064 = tpu.matmul %tanh3A_2034, %get3A_20, %dot_general3A_2063 {dimension_numbers = #tpu.dot_dimension_numbers<[1], [0], [0], [1], [0, 0, 1, 1], [], []>, transpose_lhs_hint = false} : vector<16x256xf32>, vector<256x256xf32>, vector<16x256xf32> -> vector<16x256xf32>
      %add3A_2065 = arith.addf %add3A_2062, %dot_general3A_2064 : vector<16x256xf32>
      %tanh3A_2066 = math.tanh %add3A_2058 : vector<16x256xf32>
      %tanh3A_2067 = math.tanh %add3A_2065 : vector<16x256xf32>
      %swap3A_2068 = arith.constant 0 : index
      %swap3A_2069 = arith.constant 61 : index
      %swap3A_2070 = arith.constant 0 : index
      %swap3A_2071 = vector.load %arg7[%swap3A_2068, %swap3A_2069, %swap3A_2070] : memref<16x128x512xf32, #tpu.memory_space<vmem>>, vector<16x1x256xf32>
      %swap3A_2072 = vector.shape_cast %swap3A_2071 : vector<16x1x256xf32> to vector<16x256xf32>
      %swap3A_2073 = vector.shape_cast %tanh3A_2066 : vector<16x256xf32> to vector<16x1x256xf32>
      tpu.vector_store %arg7[%swap3A_2068, %swap3A_2069, %swap3A_2070], %swap3A_2073 {strides = array<i32>} : memref<16x128x512xf32, #tpu.memory_space<vmem>>, vector<16x1x256xf32>,
      %swap3A_2074 = arith.constant 0 : index
      %swap3A_2075 = arith.constant 61 : index
      %swap3A_2076 = arith.constant 256 : index
      %swap3A_2077 = vector.load %arg7[%swap3A_2074, %swap3A_2075, %swap3A_2076] : memref<16x128x512xf32, #tpu.memory_space<vmem>>, vector<16x1x256xf32>
      %swap3A_2078 = vector.shape_cast %swap3A_2077 : vector<16x1x256xf32> to vector<16x256xf32>
      %swap3A_2079 = vector.shape_cast %tanh3A_2067 : vector<16x256xf32> to vector<16x1x256xf32>
      tpu.vector_store %arg7[%swap3A_2074, %swap3A_2075, %swap3A_2076], %swap3A_2079 {strides = array<i32>} : memref<16x128x512xf32, #tpu.memory_space<vmem>>, vector<16x1x256xf32>,
      %get3A_2080 = arith.index_cast %select_n3A_31 : i32 to index
      %get3A_2081 = arith.constant 992 : index
      %get3A_2082 = arith.constant 0 : index
      %get3A_2083 = vector.load %arg9[%get3A_2080, %get3A_2081, %get3A_2082] : memref<2x2048x512xf32, #tpu.memory_space<vmem>>, vector<1x16x512xf32>
      %get3A_2084 = vector.shape_cast %get3A_2083 : vector<1x16x512xf32> to vector<16x512xf32>
      %slice3A_2085 = vector.extract_strided_slice %get3A_2084 {offsets = [0, 0], sizes = [16, 256], strides = [1, 1]} : vector<16x512xf32> to vector<16x256xf32>
      %dot_general3A_2086 = arith.constant dense<0.000000e+00> : vector<16x256xf32>
      %dot_general3A_2087 = tpu.matmul %tanh3A_2066, %get3A_11, %dot_general3A_2086 {dimension_numbers = #tpu.dot_dimension_numbers<[1], [0], [0], [1], [0, 0, 1, 1], [], []>, transpose_lhs_hint = false} : vector<16x256xf32>, vector<256x256xf32>, vector<16x256xf32> -> vector<16x256xf32>
      %add3A_2088 = arith.addf %slice3A_2085, %dot_general3A_2087 : vector<16x256xf32>
      %dot_general3A_2089 = arith.constant dense<0.000000e+00> : vector<16x256xf32>
      %dot_general3A_2090 = tpu.matmul %tanh3A_2067, %get3A_14, %dot_general3A_2089 {dimension_numbers = #tpu.dot_dimension_numbers<[1], [0], [0], [1], [0, 0, 1, 1], [], []>, transpose_lhs_hint = false} : vector<16x256xf32>, vector<256x256xf32>, vector<16x256xf32> -> vector<16x256xf32>
      %add3A_2091 = arith.addf %add3A_2088, %dot_general3A_2090 : vector<16x256xf32>
      %slice3A_2092 = vector.extract_strided_slice %get3A_2084 {offsets = [0, 256], sizes = [16, 256], strides = [1, 1]} : vector<16x512xf32> to vector<16x256xf32>
      %dot_general3A_2093 = arith.constant dense<0.000000e+00> : vector<16x256xf32>
      %dot_general3A_2094 = tpu.matmul %tanh3A_2066, %get3A_17, %dot_general3A_2093 {dimension_numbers = #tpu.dot_dimension_numbers<[1], [0], [0], [1], [0, 0, 1, 1], [], []>, transpose_lhs_hint = false} : vector<16x256xf32>, vector<256x256xf32>, vector<16x256xf32> -> vector<16x256xf32>
      %add3A_2095 = arith.addf %slice3A_2092, %dot_general3A_2094 : vector<16x256xf32>
      %dot_general3A_2096 = arith.constant dense<0.000000e+00> : vector<16x256xf32>
      %dot_general3A_2097 = tpu.matmul %tanh3A_2067, %get3A_20, %dot_general3A_2096 {dimension_numbers = #tpu.dot_dimension_numbers<[1], [0], [0], [1], [0, 0, 1, 1], [], []>, transpose_lhs_hint = false} : vector<16x256xf32>, vector<256x256xf32>, vector<16x256xf32> -> vector<16x256xf32>
      %add3A_2098 = arith.addf %add3A_2095, %dot_general3A_2097 : vector<16x256xf32>
      %tanh3A_2099 = math.tanh %add3A_2091 : vector<16x256xf32>
      %tanh3A_2100 = math.tanh %add3A_2098 : vector<16x256xf32>
      %swap3A_2101 = arith.constant 0 : index
      %swap3A_2102 = arith.constant 62 : index
      %swap3A_2103 = arith.constant 0 : index
      %swap3A_2104 = vector.load %arg7[%swap3A_2101, %swap3A_2102, %swap3A_2103] : memref<16x128x512xf32, #tpu.memory_space<vmem>>, vector<16x1x256xf32>
      %swap3A_2105 = vector.shape_cast %swap3A_2104 : vector<16x1x256xf32> to vector<16x256xf32>
      %swap3A_2106 = vector.shape_cast %tanh3A_2099 : vector<16x256xf32> to vector<16x1x256xf32>
      tpu.vector_store %arg7[%swap3A_2101, %swap3A_2102, %swap3A_2103], %swap3A_2106 {strides = array<i32>} : memref<16x128x512xf32, #tpu.memory_space<vmem>>, vector<16x1x256xf32>,
      %swap3A_2107 = arith.constant 0 : index
      %swap3A_2108 = arith.constant 62 : index
      %swap3A_2109 = arith.constant 256 : index
      %swap3A_2110 = vector.load %arg7[%swap3A_2107, %swap3A_2108, %swap3A_2109] : memref<16x128x512xf32, #tpu.memory_space<vmem>>, vector<16x1x256xf32>
      %swap3A_2111 = vector.shape_cast %swap3A_2110 : vector<16x1x256xf32> to vector<16x256xf32>
      %swap3A_2112 = vector.shape_cast %tanh3A_2100 : vector<16x256xf32> to vector<16x1x256xf32>
      tpu.vector_store %arg7[%swap3A_2107, %swap3A_2108, %swap3A_2109], %swap3A_2112 {strides = array<i32>} : memref<16x128x512xf32, #tpu.memory_space<vmem>>, vector<16x1x256xf32>,
      %get3A_2113 = arith.index_cast %select_n3A_31 : i32 to index
      %get3A_2114 = arith.constant 1008 : index
      %get3A_2115 = arith.constant 0 : index
      %get3A_2116 = vector.load %arg9[%get3A_2113, %get3A_2114, %get3A_2115] : memref<2x2048x512xf32, #tpu.memory_space<vmem>>, vector<1x16x512xf32>
      %get3A_2117 = vector.shape_cast %get3A_2116 : vector<1x16x512xf32> to vector<16x512xf32>
      %slice3A_2118 = vector.extract_strided_slice %get3A_2117 {offsets = [0, 0], sizes = [16, 256], strides = [1, 1]} : vector<16x512xf32> to vector<16x256xf32>
      %dot_general3A_2119 = arith.constant dense<0.000000e+00> : vector<16x256xf32>
      %dot_general3A_2120 = tpu.matmul %tanh3A_2099, %get3A_11, %dot_general3A_2119 {dimension_numbers = #tpu.dot_dimension_numbers<[1], [0], [0], [1], [0, 0, 1, 1], [], []>, transpose_lhs_hint = false} : vector<16x256xf32>, vector<256x256xf32>, vector<16x256xf32> -> vector<16x256xf32>
      %add3A_2121 = arith.addf %slice3A_2118, %dot_general3A_2120 : vector<16x256xf32>
      %dot_general3A_2122 = arith.constant dense<0.000000e+00> : vector<16x256xf32>
      %dot_general3A_2123 = tpu.matmul %tanh3A_2100, %get3A_14, %dot_general3A_2122 {dimension_numbers = #tpu.dot_dimension_numbers<[1], [0], [0], [1], [0, 0, 1, 1], [], []>, transpose_lhs_hint = false} : vector<16x256xf32>, vector<256x256xf32>, vector<16x256xf32> -> vector<16x256xf32>
      %add3A_2124 = arith.addf %add3A_2121, %dot_general3A_2123 : vector<16x256xf32>
      %slice3A_2125 = vector.extract_strided_slice %get3A_2117 {offsets = [0, 256], sizes = [16, 256], strides = [1, 1]} : vector<16x512xf32> to vector<16x256xf32>
      %dot_general3A_2126 = arith.constant dense<0.000000e+00> : vector<16x256xf32>
      %dot_general3A_2127 = tpu.matmul %tanh3A_2099, %get3A_17, %dot_general3A_2126 {dimension_numbers = #tpu.dot_dimension_numbers<[1], [0], [0], [1], [0, 0, 1, 1], [], []>, transpose_lhs_hint = false} : vector<16x256xf32>, vector<256x256xf32>, vector<16x256xf32> -> vector<16x256xf32>
      %add3A_2128 = arith.addf %slice3A_2125, %dot_general3A_2127 : vector<16x256xf32>
      %dot_general3A_2129 = arith.constant dense<0.000000e+00> : vector<16x256xf32>
      %dot_general3A_2130 = tpu.matmul %tanh3A_2100, %get3A_20, %dot_general3A_2129 {dimension_numbers = #tpu.dot_dimension_numbers<[1], [0], [0], [1], [0, 0, 1, 1], [], []>, transpose_lhs_hint = false} : vector<16x256xf32>, vector<256x256xf32>, vector<16x256xf32> -> vector<16x256xf32>
      %add3A_2131 = arith.addf %add3A_2128, %dot_general3A_2130 : vector<16x256xf32>
      %tanh3A_2132 = math.tanh %add3A_2124 : vector<16x256xf32>
      %tanh3A_2133 = math.tanh %add3A_2131 : vector<16x256xf32>
      %swap3A_2134 = arith.constant 0 : index
      %swap3A_2135 = arith.constant 63 : index
      %swap3A_2136 = arith.constant 0 : index
      %swap3A_2137 = vector.load %arg7[%swap3A_2134, %swap3A_2135, %swap3A_2136] : memref<16x128x512xf32, #tpu.memory_space<vmem>>, vector<16x1x256xf32>
      %swap3A_2138 = vector.shape_cast %swap3A_2137 : vector<16x1x256xf32> to vector<16x256xf32>
      %swap3A_2139 = vector.shape_cast %tanh3A_2132 : vector<16x256xf32> to vector<16x1x256xf32>
      tpu.vector_store %arg7[%swap3A_2134, %swap3A_2135, %swap3A_2136], %swap3A_2139 {strides = array<i32>} : memref<16x128x512xf32, #tpu.memory_space<vmem>>, vector<16x1x256xf32>,
      %swap3A_2140 = arith.constant 0 : index
      %swap3A_2141 = arith.constant 63 : index
      %swap3A_2142 = arith.constant 256 : index
      %swap3A_2143 = vector.load %arg7[%swap3A_2140, %swap3A_2141, %swap3A_2142] : memref<16x128x512xf32, #tpu.memory_space<vmem>>, vector<16x1x256xf32>
      %swap3A_2144 = vector.shape_cast %swap3A_2143 : vector<16x1x256xf32> to vector<16x256xf32>
      %swap3A_2145 = vector.shape_cast %tanh3A_2133 : vector<16x256xf32> to vector<16x1x256xf32>
      tpu.vector_store %arg7[%swap3A_2140, %swap3A_2141, %swap3A_2142], %swap3A_2145 {strides = array<i32>} : memref<16x128x512xf32, #tpu.memory_space<vmem>>, vector<16x1x256xf32>,
      %get3A_2146 = arith.index_cast %select_n3A_31 : i32 to index
      %get3A_2147 = arith.constant 1024 : index
      %get3A_2148 = arith.constant 0 : index
      %get3A_2149 = vector.load %arg9[%get3A_2146, %get3A_2147, %get3A_2148] : memref<2x2048x512xf32, #tpu.memory_space<vmem>>, vector<1x16x512xf32>
      %get3A_2150 = vector.shape_cast %get3A_2149 : vector<1x16x512xf32> to vector<16x512xf32>
      %slice3A_2151 = vector.extract_strided_slice %get3A_2150 {offsets = [0, 0], sizes = [16, 256], strides = [1, 1]} : vector<16x512xf32> to vector<16x256xf32>
      %dot_general3A_2152 = arith.constant dense<0.000000e+00> : vector<16x256xf32>
      %dot_general3A_2153 = tpu.matmul %tanh3A_2132, %get3A_11, %dot_general3A_2152 {dimension_numbers = #tpu.dot_dimension_numbers<[1], [0], [0], [1], [0, 0, 1, 1], [], []>, transpose_lhs_hint = false} : vector<16x256xf32>, vector<256x256xf32>, vector<16x256xf32> -> vector<16x256xf32>
      %add3A_2154 = arith.addf %slice3A_2151, %dot_general3A_2153 : vector<16x256xf32>
      %dot_general3A_2155 = arith.constant dense<0.000000e+00> : vector<16x256xf32>
      %dot_general3A_2156 = tpu.matmul %tanh3A_2133, %get3A_14, %dot_general3A_2155 {dimension_numbers = #tpu.dot_dimension_numbers<[1], [0], [0], [1], [0, 0, 1, 1], [], []>, transpose_lhs_hint = false} : vector<16x256xf32>, vector<256x256xf32>, vector<16x256xf32> -> vector<16x256xf32>
      %add3A_2157 = arith.addf %add3A_2154, %dot_general3A_2156 : vector<16x256xf32>
      %slice3A_2158 = vector.extract_strided_slice %get3A_2150 {offsets = [0, 256], sizes = [16, 256], strides = [1, 1]} : vector<16x512xf32> to vector<16x256xf32>
      %dot_general3A_2159 = arith.constant dense<0.000000e+00> : vector<16x256xf32>
      %dot_general3A_2160 = tpu.matmul %tanh3A_2132, %get3A_17, %dot_general3A_2159 {dimension_numbers = #tpu.dot_dimension_numbers<[1], [0], [0], [1], [0, 0, 1, 1], [], []>, transpose_lhs_hint = false} : vector<16x256xf32>, vector<256x256xf32>, vector<16x256xf32> -> vector<16x256xf32>
      %add3A_2161 = arith.addf %slice3A_2158, %dot_general3A_2160 : vector<16x256xf32>
      %dot_general3A_2162 = arith.constant dense<0.000000e+00> : vector<16x256xf32>
      %dot_general3A_2163 = tpu.matmul %tanh3A_2133, %get3A_20, %dot_general3A_2162 {dimension_numbers = #tpu.dot_dimension_numbers<[1], [0], [0], [1], [0, 0, 1, 1], [], []>, transpose_lhs_hint = false} : vector<16x256xf32>, vector<256x256xf32>, vector<16x256xf32> -> vector<16x256xf32>
      %add3A_2164 = arith.addf %add3A_2161, %dot_general3A_2163 : vector<16x256xf32>
      %tanh3A_2165 = math.tanh %add3A_2157 : vector<16x256xf32>
      %tanh3A_2166 = math.tanh %add3A_2164 : vector<16x256xf32>
      %swap3A_2167 = arith.constant 0 : index
      %swap3A_2168 = arith.constant 64 : index
      %swap3A_2169 = arith.constant 0 : index
      %swap3A_2170 = vector.load %arg7[%swap3A_2167, %swap3A_2168, %swap3A_2169] : memref<16x128x512xf32, #tpu.memory_space<vmem>>, vector<16x1x256xf32>
      %swap3A_2171 = vector.shape_cast %swap3A_2170 : vector<16x1x256xf32> to vector<16x256xf32>
      %swap3A_2172 = vector.shape_cast %tanh3A_2165 : vector<16x256xf32> to vector<16x1x256xf32>
      tpu.vector_store %arg7[%swap3A_2167, %swap3A_2168, %swap3A_2169], %swap3A_2172 {strides = array<i32>} : memref<16x128x512xf32, #tpu.memory_space<vmem>>, vector<16x1x256xf32>,
      %swap3A_2173 = arith.constant 0 : index
      %swap3A_2174 = arith.constant 64 : index
      %swap3A_2175 = arith.constant 256 : index
      %swap3A_2176 = vector.load %arg7[%swap3A_2173, %swap3A_2174, %swap3A_2175] : memref<16x128x512xf32, #tpu.memory_space<vmem>>, vector<16x1x256xf32>
      %swap3A_2177 = vector.shape_cast %swap3A_2176 : vector<16x1x256xf32> to vector<16x256xf32>
      %swap3A_2178 = vector.shape_cast %tanh3A_2166 : vector<16x256xf32> to vector<16x1x256xf32>
      tpu.vector_store %arg7[%swap3A_2173, %swap3A_2174, %swap3A_2175], %swap3A_2178 {strides = array<i32>} : memref<16x128x512xf32, #tpu.memory_space<vmem>>, vector<16x1x256xf32>,
      %get3A_2179 = arith.index_cast %select_n3A_31 : i32 to index
      %get3A_2180 = arith.constant 1040 : index
      %get3A_2181 = arith.constant 0 : index
      %get3A_2182 = vector.load %arg9[%get3A_2179, %get3A_2180, %get3A_2181] : memref<2x2048x512xf32, #tpu.memory_space<vmem>>, vector<1x16x512xf32>
      %get3A_2183 = vector.shape_cast %get3A_2182 : vector<1x16x512xf32> to vector<16x512xf32>
      %slice3A_2184 = vector.extract_strided_slice %get3A_2183 {offsets = [0, 0], sizes = [16, 256], strides = [1, 1]} : vector<16x512xf32> to vector<16x256xf32>
      %dot_general3A_2185 = arith.constant dense<0.000000e+00> : vector<16x256xf32>
      %dot_general3A_2186 = tpu.matmul %tanh3A_2165, %get3A_11, %dot_general3A_2185 {dimension_numbers = #tpu.dot_dimension_numbers<[1], [0], [0], [1], [0, 0, 1, 1], [], []>, transpose_lhs_hint = false} : vector<16x256xf32>, vector<256x256xf32>, vector<16x256xf32> -> vector<16x256xf32>
      %add3A_2187 = arith.addf %slice3A_2184, %dot_general3A_2186 : vector<16x256xf32>
      %dot_general3A_2188 = arith.constant dense<0.000000e+00> : vector<16x256xf32>
      %dot_general3A_2189 = tpu.matmul %tanh3A_2166, %get3A_14, %dot_general3A_2188 {dimension_numbers = #tpu.dot_dimension_numbers<[1], [0], [0], [1], [0, 0, 1, 1], [], []>, transpose_lhs_hint = false} : vector<16x256xf32>, vector<256x256xf32>, vector<16x256xf32> -> vector<16x256xf32>
      %add3A_2190 = arith.addf %add3A_2187, %dot_general3A_2189 : vector<16x256xf32>
      %slice3A_2191 = vector.extract_strided_slice %get3A_2183 {offsets = [0, 256], sizes = [16, 256], strides = [1, 1]} : vector<16x512xf32> to vector<16x256xf32>
      %dot_general3A_2192 = arith.constant dense<0.000000e+00> : vector<16x256xf32>
      %dot_general3A_2193 = tpu.matmul %tanh3A_2165, %get3A_17, %dot_general3A_2192 {dimension_numbers = #tpu.dot_dimension_numbers<[1], [0], [0], [1], [0, 0, 1, 1], [], []>, transpose_lhs_hint = false} : vector<16x256xf32>, vector<256x256xf32>, vector<16x256xf32> -> vector<16x256xf32>
      %add3A_2194 = arith.addf %slice3A_2191, %dot_general3A_2193 : vector<16x256xf32>
      %dot_general3A_2195 = arith.constant dense<0.000000e+00> : vector<16x256xf32>
      %dot_general3A_2196 = tpu.matmul %tanh3A_2166, %get3A_20, %dot_general3A_2195 {dimension_numbers = #tpu.dot_dimension_numbers<[1], [0], [0], [1], [0, 0, 1, 1], [], []>, transpose_lhs_hint = false} : vector<16x256xf32>, vector<256x256xf32>, vector<16x256xf32> -> vector<16x256xf32>
      %add3A_2197 = arith.addf %add3A_2194, %dot_general3A_2196 : vector<16x256xf32>
      %tanh3A_2198 = math.tanh %add3A_2190 : vector<16x256xf32>
      %tanh3A_2199 = math.tanh %add3A_2197 : vector<16x256xf32>
      %swap3A_2200 = arith.constant 0 : index
      %swap3A_2201 = arith.constant 65 : index
      %swap3A_2202 = arith.constant 0 : index
      %swap3A_2203 = vector.load %arg7[%swap3A_2200, %swap3A_2201, %swap3A_2202] : memref<16x128x512xf32, #tpu.memory_space<vmem>>, vector<16x1x256xf32>
      %swap3A_2204 = vector.shape_cast %swap3A_2203 : vector<16x1x256xf32> to vector<16x256xf32>
      %swap3A_2205 = vector.shape_cast %tanh3A_2198 : vector<16x256xf32> to vector<16x1x256xf32>
      tpu.vector_store %arg7[%swap3A_2200, %swap3A_2201, %swap3A_2202], %swap3A_2205 {strides = array<i32>} : memref<16x128x512xf32, #tpu.memory_space<vmem>>, vector<16x1x256xf32>,
      %swap3A_2206 = arith.constant 0 : index
      %swap3A_2207 = arith.constant 65 : index
      %swap3A_2208 = arith.constant 256 : index
      %swap3A_2209 = vector.load %arg7[%swap3A_2206, %swap3A_2207, %swap3A_2208] : memref<16x128x512xf32, #tpu.memory_space<vmem>>, vector<16x1x256xf32>
      %swap3A_2210 = vector.shape_cast %swap3A_2209 : vector<16x1x256xf32> to vector<16x256xf32>
      %swap3A_2211 = vector.shape_cast %tanh3A_2199 : vector<16x256xf32> to vector<16x1x256xf32>
      tpu.vector_store %arg7[%swap3A_2206, %swap3A_2207, %swap3A_2208], %swap3A_2211 {strides = array<i32>} : memref<16x128x512xf32, #tpu.memory_space<vmem>>, vector<16x1x256xf32>,
      %get3A_2212 = arith.index_cast %select_n3A_31 : i32 to index
      %get3A_2213 = arith.constant 1056 : index
      %get3A_2214 = arith.constant 0 : index
      %get3A_2215 = vector.load %arg9[%get3A_2212, %get3A_2213, %get3A_2214] : memref<2x2048x512xf32, #tpu.memory_space<vmem>>, vector<1x16x512xf32>
      %get3A_2216 = vector.shape_cast %get3A_2215 : vector<1x16x512xf32> to vector<16x512xf32>
      %slice3A_2217 = vector.extract_strided_slice %get3A_2216 {offsets = [0, 0], sizes = [16, 256], strides = [1, 1]} : vector<16x512xf32> to vector<16x256xf32>
      %dot_general3A_2218 = arith.constant dense<0.000000e+00> : vector<16x256xf32>
      %dot_general3A_2219 = tpu.matmul %tanh3A_2198, %get3A_11, %dot_general3A_2218 {dimension_numbers = #tpu.dot_dimension_numbers<[1], [0], [0], [1], [0, 0, 1, 1], [], []>, transpose_lhs_hint = false} : vector<16x256xf32>, vector<256x256xf32>, vector<16x256xf32> -> vector<16x256xf32>
      %add3A_2220 = arith.addf %slice3A_2217, %dot_general3A_2219 : vector<16x256xf32>
      %dot_general3A_2221 = arith.constant dense<0.000000e+00> : vector<16x256xf32>
      %dot_general3A_2222 = tpu.matmul %tanh3A_2199, %get3A_14, %dot_general3A_2221 {dimension_numbers = #tpu.dot_dimension_numbers<[1], [0], [0], [1], [0, 0, 1, 1], [], []>, transpose_lhs_hint = false} : vector<16x256xf32>, vector<256x256xf32>, vector<16x256xf32> -> vector<16x256xf32>
      %add3A_2223 = arith.addf %add3A_2220, %dot_general3A_2222 : vector<16x256xf32>
      %slice3A_2224 = vector.extract_strided_slice %get3A_2216 {offsets = [0, 256], sizes = [16, 256], strides = [1, 1]} : vector<16x512xf32> to vector<16x256xf32>
      %dot_general3A_2225 = arith.constant dense<0.000000e+00> : vector<16x256xf32>
      %dot_general3A_2226 = tpu.matmul %tanh3A_2198, %get3A_17, %dot_general3A_2225 {dimension_numbers = #tpu.dot_dimension_numbers<[1], [0], [0], [1], [0, 0, 1, 1], [], []>, transpose_lhs_hint = false} : vector<16x256xf32>, vector<256x256xf32>, vector<16x256xf32> -> vector<16x256xf32>
      %add3A_2227 = arith.addf %slice3A_2224, %dot_general3A_2226 : vector<16x256xf32>
      %dot_general3A_2228 = arith.constant dense<0.000000e+00> : vector<16x256xf32>
      %dot_general3A_2229 = tpu.matmul %tanh3A_2199, %get3A_20, %dot_general3A_2228 {dimension_numbers = #tpu.dot_dimension_numbers<[1], [0], [0], [1], [0, 0, 1, 1], [], []>, transpose_lhs_hint = false} : vector<16x256xf32>, vector<256x256xf32>, vector<16x256xf32> -> vector<16x256xf32>
      %add3A_2230 = arith.addf %add3A_2227, %dot_general3A_2229 : vector<16x256xf32>
      %tanh3A_2231 = math.tanh %add3A_2223 : vector<16x256xf32>
      %tanh3A_2232 = math.tanh %add3A_2230 : vector<16x256xf32>
      %swap3A_2233 = arith.constant 0 : index
      %swap3A_2234 = arith.constant 66 : index
      %swap3A_2235 = arith.constant 0 : index
      %swap3A_2236 = vector.load %arg7[%swap3A_2233, %swap3A_2234, %swap3A_2235] : memref<16x128x512xf32, #tpu.memory_space<vmem>>, vector<16x1x256xf32>
      %swap3A_2237 = vector.shape_cast %swap3A_2236 : vector<16x1x256xf32> to vector<16x256xf32>
      %swap3A_2238 = vector.shape_cast %tanh3A_2231 : vector<16x256xf32> to vector<16x1x256xf32>
      tpu.vector_store %arg7[%swap3A_2233, %swap3A_2234, %swap3A_2235], %swap3A_2238 {strides = array<i32>} : memref<16x128x512xf32, #tpu.memory_space<vmem>>, vector<16x1x256xf32>,
      %swap3A_2239 = arith.constant 0 : index
      %swap3A_2240 = arith.constant 66 : index
      %swap3A_2241 = arith.constant 256 : index
      %swap3A_2242 = vector.load %arg7[%swap3A_2239, %swap3A_2240, %swap3A_2241] : memref<16x128x512xf32, #tpu.memory_space<vmem>>, vector<16x1x256xf32>
      %swap3A_2243 = vector.shape_cast %swap3A_2242 : vector<16x1x256xf32> to vector<16x256xf32>
      %swap3A_2244 = vector.shape_cast %tanh3A_2232 : vector<16x256xf32> to vector<16x1x256xf32>
      tpu.vector_store %arg7[%swap3A_2239, %swap3A_2240, %swap3A_2241], %swap3A_2244 {strides = array<i32>} : memref<16x128x512xf32, #tpu.memory_space<vmem>>, vector<16x1x256xf32>,
      %get3A_2245 = arith.index_cast %select_n3A_31 : i32 to index
      %get3A_2246 = arith.constant 1072 : index
      %get3A_2247 = arith.constant 0 : index
      %get3A_2248 = vector.load %arg9[%get3A_2245, %get3A_2246, %get3A_2247] : memref<2x2048x512xf32, #tpu.memory_space<vmem>>, vector<1x16x512xf32>
      %get3A_2249 = vector.shape_cast %get3A_2248 : vector<1x16x512xf32> to vector<16x512xf32>
      %slice3A_2250 = vector.extract_strided_slice %get3A_2249 {offsets = [0, 0], sizes = [16, 256], strides = [1, 1]} : vector<16x512xf32> to vector<16x256xf32>
      %dot_general3A_2251 = arith.constant dense<0.000000e+00> : vector<16x256xf32>
      %dot_general3A_2252 = tpu.matmul %tanh3A_2231, %get3A_11, %dot_general3A_2251 {dimension_numbers = #tpu.dot_dimension_numbers<[1], [0], [0], [1], [0, 0, 1, 1], [], []>, transpose_lhs_hint = false} : vector<16x256xf32>, vector<256x256xf32>, vector<16x256xf32> -> vector<16x256xf32>
      %add3A_2253 = arith.addf %slice3A_2250, %dot_general3A_2252 : vector<16x256xf32>
      %dot_general3A_2254 = arith.constant dense<0.000000e+00> : vector<16x256xf32>
      %dot_general3A_2255 = tpu.matmul %tanh3A_2232, %get3A_14, %dot_general3A_2254 {dimension_numbers = #tpu.dot_dimension_numbers<[1], [0], [0], [1], [0, 0, 1, 1], [], []>, transpose_lhs_hint = false} : vector<16x256xf32>, vector<256x256xf32>, vector<16x256xf32> -> vector<16x256xf32>
      %add3A_2256 = arith.addf %add3A_2253, %dot_general3A_2255 : vector<16x256xf32>
      %slice3A_2257 = vector.extract_strided_slice %get3A_2249 {offsets = [0, 256], sizes = [16, 256], strides = [1, 1]} : vector<16x512xf32> to vector<16x256xf32>
      %dot_general3A_2258 = arith.constant dense<0.000000e+00> : vector<16x256xf32>
      %dot_general3A_2259 = tpu.matmul %tanh3A_2231, %get3A_17, %dot_general3A_2258 {dimension_numbers = #tpu.dot_dimension_numbers<[1], [0], [0], [1], [0, 0, 1, 1], [], []>, transpose_lhs_hint = false} : vector<16x256xf32>, vector<256x256xf32>, vector<16x256xf32> -> vector<16x256xf32>
      %add3A_2260 = arith.addf %slice3A_2257, %dot_general3A_2259 : vector<16x256xf32>
      %dot_general3A_2261 = arith.constant dense<0.000000e+00> : vector<16x256xf32>
      %dot_general3A_2262 = tpu.matmul %tanh3A_2232, %get3A_20, %dot_general3A_2261 {dimension_numbers = #tpu.dot_dimension_numbers<[1], [0], [0], [1], [0, 0, 1, 1], [], []>, transpose_lhs_hint = false} : vector<16x256xf32>, vector<256x256xf32>, vector<16x256xf32> -> vector<16x256xf32>
      %add3A_2263 = arith.addf %add3A_2260, %dot_general3A_2262 : vector<16x256xf32>
      %tanh3A_2264 = math.tanh %add3A_2256 : vector<16x256xf32>
      %tanh3A_2265 = math.tanh %add3A_2263 : vector<16x256xf32>
      %swap3A_2266 = arith.constant 0 : index
      %swap3A_2267 = arith.constant 67 : index
      %swap3A_2268 = arith.constant 0 : index
      %swap3A_2269 = vector.load %arg7[%swap3A_2266, %swap3A_2267, %swap3A_2268] : memref<16x128x512xf32, #tpu.memory_space<vmem>>, vector<16x1x256xf32>
      %swap3A_2270 = vector.shape_cast %swap3A_2269 : vector<16x1x256xf32> to vector<16x256xf32>
      %swap3A_2271 = vector.shape_cast %tanh3A_2264 : vector<16x256xf32> to vector<16x1x256xf32>
      tpu.vector_store %arg7[%swap3A_2266, %swap3A_2267, %swap3A_2268], %swap3A_2271 {strides = array<i32>} : memref<16x128x512xf32, #tpu.memory_space<vmem>>, vector<16x1x256xf32>,
      %swap3A_2272 = arith.constant 0 : index
      %swap3A_2273 = arith.constant 67 : index
      %swap3A_2274 = arith.constant 256 : index
      %swap3A_2275 = vector.load %arg7[%swap3A_2272, %swap3A_2273, %swap3A_2274] : memref<16x128x512xf32, #tpu.memory_space<vmem>>, vector<16x1x256xf32>
      %swap3A_2276 = vector.shape_cast %swap3A_2275 : vector<16x1x256xf32> to vector<16x256xf32>
      %swap3A_2277 = vector.shape_cast %tanh3A_2265 : vector<16x256xf32> to vector<16x1x256xf32>
      tpu.vector_store %arg7[%swap3A_2272, %swap3A_2273, %swap3A_2274], %swap3A_2277 {strides = array<i32>} : memref<16x128x512xf32, #tpu.memory_space<vmem>>, vector<16x1x256xf32>,
      %get3A_2278 = arith.index_cast %select_n3A_31 : i32 to index
      %get3A_2279 = arith.constant 1088 : index
      %get3A_2280 = arith.constant 0 : index
      %get3A_2281 = vector.load %arg9[%get3A_2278, %get3A_2279, %get3A_2280] : memref<2x2048x512xf32, #tpu.memory_space<vmem>>, vector<1x16x512xf32>
      %get3A_2282 = vector.shape_cast %get3A_2281 : vector<1x16x512xf32> to vector<16x512xf32>
      %slice3A_2283 = vector.extract_strided_slice %get3A_2282 {offsets = [0, 0], sizes = [16, 256], strides = [1, 1]} : vector<16x512xf32> to vector<16x256xf32>
      %dot_general3A_2284 = arith.constant dense<0.000000e+00> : vector<16x256xf32>
      %dot_general3A_2285 = tpu.matmul %tanh3A_2264, %get3A_11, %dot_general3A_2284 {dimension_numbers = #tpu.dot_dimension_numbers<[1], [0], [0], [1], [0, 0, 1, 1], [], []>, transpose_lhs_hint = false} : vector<16x256xf32>, vector<256x256xf32>, vector<16x256xf32> -> vector<16x256xf32>
      %add3A_2286 = arith.addf %slice3A_2283, %dot_general3A_2285 : vector<16x256xf32>
      %dot_general3A_2287 = arith.constant dense<0.000000e+00> : vector<16x256xf32>
      %dot_general3A_2288 = tpu.matmul %tanh3A_2265, %get3A_14, %dot_general3A_2287 {dimension_numbers = #tpu.dot_dimension_numbers<[1], [0], [0], [1], [0, 0, 1, 1], [], []>, transpose_lhs_hint = false} : vector<16x256xf32>, vector<256x256xf32>, vector<16x256xf32> -> vector<16x256xf32>
      %add3A_2289 = arith.addf %add3A_2286, %dot_general3A_2288 : vector<16x256xf32>
      %slice3A_2290 = vector.extract_strided_slice %get3A_2282 {offsets = [0, 256], sizes = [16, 256], strides = [1, 1]} : vector<16x512xf32> to vector<16x256xf32>
      %dot_general3A_2291 = arith.constant dense<0.000000e+00> : vector<16x256xf32>
      %dot_general3A_2292 = tpu.matmul %tanh3A_2264, %get3A_17, %dot_general3A_2291 {dimension_numbers = #tpu.dot_dimension_numbers<[1], [0], [0], [1], [0, 0, 1, 1], [], []>, transpose_lhs_hint = false} : vector<16x256xf32>, vector<256x256xf32>, vector<16x256xf32> -> vector<16x256xf32>
      %add3A_2293 = arith.addf %slice3A_2290, %dot_general3A_2292 : vector<16x256xf32>
      %dot_general3A_2294 = arith.constant dense<0.000000e+00> : vector<16x256xf32>
      %dot_general3A_2295 = tpu.matmul %tanh3A_2265, %get3A_20, %dot_general3A_2294 {dimension_numbers = #tpu.dot_dimension_numbers<[1], [0], [0], [1], [0, 0, 1, 1], [], []>, transpose_lhs_hint = false} : vector<16x256xf32>, vector<256x256xf32>, vector<16x256xf32> -> vector<16x256xf32>
      %add3A_2296 = arith.addf %add3A_2293, %dot_general3A_2295 : vector<16x256xf32>
      %tanh3A_2297 = math.tanh %add3A_2289 : vector<16x256xf32>
      %tanh3A_2298 = math.tanh %add3A_2296 : vector<16x256xf32>
      %swap3A_2299 = arith.constant 0 : index
      %swap3A_2300 = arith.constant 68 : index
      %swap3A_2301 = arith.constant 0 : index
      %swap3A_2302 = vector.load %arg7[%swap3A_2299, %swap3A_2300, %swap3A_2301] : memref<16x128x512xf32, #tpu.memory_space<vmem>>, vector<16x1x256xf32>
      %swap3A_2303 = vector.shape_cast %swap3A_2302 : vector<16x1x256xf32> to vector<16x256xf32>
      %swap3A_2304 = vector.shape_cast %tanh3A_2297 : vector<16x256xf32> to vector<16x1x256xf32>
      tpu.vector_store %arg7[%swap3A_2299, %swap3A_2300, %swap3A_2301], %swap3A_2304 {strides = array<i32>} : memref<16x128x512xf32, #tpu.memory_space<vmem>>, vector<16x1x256xf32>,
      %swap3A_2305 = arith.constant 0 : index
      %swap3A_2306 = arith.constant 68 : index
      %swap3A_2307 = arith.constant 256 : index
      %swap3A_2308 = vector.load %arg7[%swap3A_2305, %swap3A_2306, %swap3A_2307] : memref<16x128x512xf32, #tpu.memory_space<vmem>>, vector<16x1x256xf32>
      %swap3A_2309 = vector.shape_cast %swap3A_2308 : vector<16x1x256xf32> to vector<16x256xf32>
      %swap3A_2310 = vector.shape_cast %tanh3A_2298 : vector<16x256xf32> to vector<16x1x256xf32>
      tpu.vector_store %arg7[%swap3A_2305, %swap3A_2306, %swap3A_2307], %swap3A_2310 {strides = array<i32>} : memref<16x128x512xf32, #tpu.memory_space<vmem>>, vector<16x1x256xf32>,
      %get3A_2311 = arith.index_cast %select_n3A_31 : i32 to index
      %get3A_2312 = arith.constant 1104 : index
      %get3A_2313 = arith.constant 0 : index
      %get3A_2314 = vector.load %arg9[%get3A_2311, %get3A_2312, %get3A_2313] : memref<2x2048x512xf32, #tpu.memory_space<vmem>>, vector<1x16x512xf32>
      %get3A_2315 = vector.shape_cast %get3A_2314 : vector<1x16x512xf32> to vector<16x512xf32>
      %slice3A_2316 = vector.extract_strided_slice %get3A_2315 {offsets = [0, 0], sizes = [16, 256], strides = [1, 1]} : vector<16x512xf32> to vector<16x256xf32>
      %dot_general3A_2317 = arith.constant dense<0.000000e+00> : vector<16x256xf32>
      %dot_general3A_2318 = tpu.matmul %tanh3A_2297, %get3A_11, %dot_general3A_2317 {dimension_numbers = #tpu.dot_dimension_numbers<[1], [0], [0], [1], [0, 0, 1, 1], [], []>, transpose_lhs_hint = false} : vector<16x256xf32>, vector<256x256xf32>, vector<16x256xf32> -> vector<16x256xf32>
      %add3A_2319 = arith.addf %slice3A_2316, %dot_general3A_2318 : vector<16x256xf32>
      %dot_general3A_2320 = arith.constant dense<0.000000e+00> : vector<16x256xf32>
      %dot_general3A_2321 = tpu.matmul %tanh3A_2298, %get3A_14, %dot_general3A_2320 {dimension_numbers = #tpu.dot_dimension_numbers<[1], [0], [0], [1], [0, 0, 1, 1], [], []>, transpose_lhs_hint = false} : vector<16x256xf32>, vector<256x256xf32>, vector<16x256xf32> -> vector<16x256xf32>
      %add3A_2322 = arith.addf %add3A_2319, %dot_general3A_2321 : vector<16x256xf32>
      %slice3A_2323 = vector.extract_strided_slice %get3A_2315 {offsets = [0, 256], sizes = [16, 256], strides = [1, 1]} : vector<16x512xf32> to vector<16x256xf32>
      %dot_general3A_2324 = arith.constant dense<0.000000e+00> : vector<16x256xf32>
      %dot_general3A_2325 = tpu.matmul %tanh3A_2297, %get3A_17, %dot_general3A_2324 {dimension_numbers = #tpu.dot_dimension_numbers<[1], [0], [0], [1], [0, 0, 1, 1], [], []>, transpose_lhs_hint = false} : vector<16x256xf32>, vector<256x256xf32>, vector<16x256xf32> -> vector<16x256xf32>
      %add3A_2326 = arith.addf %slice3A_2323, %dot_general3A_2325 : vector<16x256xf32>
      %dot_general3A_2327 = arith.constant dense<0.000000e+00> : vector<16x256xf32>
      %dot_general3A_2328 = tpu.matmul %tanh3A_2298, %get3A_20, %dot_general3A_2327 {dimension_numbers = #tpu.dot_dimension_numbers<[1], [0], [0], [1], [0, 0, 1, 1], [], []>, transpose_lhs_hint = false} : vector<16x256xf32>, vector<256x256xf32>, vector<16x256xf32> -> vector<16x256xf32>
      %add3A_2329 = arith.addf %add3A_2326, %dot_general3A_2328 : vector<16x256xf32>
      %tanh3A_2330 = math.tanh %add3A_2322 : vector<16x256xf32>
      %tanh3A_2331 = math.tanh %add3A_2329 : vector<16x256xf32>
      %swap3A_2332 = arith.constant 0 : index
      %swap3A_2333 = arith.constant 69 : index
      %swap3A_2334 = arith.constant 0 : index
      %swap3A_2335 = vector.load %arg7[%swap3A_2332, %swap3A_2333, %swap3A_2334] : memref<16x128x512xf32, #tpu.memory_space<vmem>>, vector<16x1x256xf32>
      %swap3A_2336 = vector.shape_cast %swap3A_2335 : vector<16x1x256xf32> to vector<16x256xf32>
      %swap3A_2337 = vector.shape_cast %tanh3A_2330 : vector<16x256xf32> to vector<16x1x256xf32>
      tpu.vector_store %arg7[%swap3A_2332, %swap3A_2333, %swap3A_2334], %swap3A_2337 {strides = array<i32>} : memref<16x128x512xf32, #tpu.memory_space<vmem>>, vector<16x1x256xf32>,
      %swap3A_2338 = arith.constant 0 : index
      %swap3A_2339 = arith.constant 69 : index
      %swap3A_2340 = arith.constant 256 : index
      %swap3A_2341 = vector.load %arg7[%swap3A_2338, %swap3A_2339, %swap3A_2340] : memref<16x128x512xf32, #tpu.memory_space<vmem>>, vector<16x1x256xf32>
      %swap3A_2342 = vector.shape_cast %swap3A_2341 : vector<16x1x256xf32> to vector<16x256xf32>
      %swap3A_2343 = vector.shape_cast %tanh3A_2331 : vector<16x256xf32> to vector<16x1x256xf32>
      tpu.vector_store %arg7[%swap3A_2338, %swap3A_2339, %swap3A_2340], %swap3A_2343 {strides = array<i32>} : memref<16x128x512xf32, #tpu.memory_space<vmem>>, vector<16x1x256xf32>,
      %get3A_2344 = arith.index_cast %select_n3A_31 : i32 to index
      %get3A_2345 = arith.constant 1120 : index
      %get3A_2346 = arith.constant 0 : index
      %get3A_2347 = vector.load %arg9[%get3A_2344, %get3A_2345, %get3A_2346] : memref<2x2048x512xf32, #tpu.memory_space<vmem>>, vector<1x16x512xf32>
      %get3A_2348 = vector.shape_cast %get3A_2347 : vector<1x16x512xf32> to vector<16x512xf32>
      %slice3A_2349 = vector.extract_strided_slice %get3A_2348 {offsets = [0, 0], sizes = [16, 256], strides = [1, 1]} : vector<16x512xf32> to vector<16x256xf32>
      %dot_general3A_2350 = arith.constant dense<0.000000e+00> : vector<16x256xf32>
      %dot_general3A_2351 = tpu.matmul %tanh3A_2330, %get3A_11, %dot_general3A_2350 {dimension_numbers = #tpu.dot_dimension_numbers<[1], [0], [0], [1], [0, 0, 1, 1], [], []>, transpose_lhs_hint = false} : vector<16x256xf32>, vector<256x256xf32>, vector<16x256xf32> -> vector<16x256xf32>
      %add3A_2352 = arith.addf %slice3A_2349, %dot_general3A_2351 : vector<16x256xf32>
      %dot_general3A_2353 = arith.constant dense<0.000000e+00> : vector<16x256xf32>
      %dot_general3A_2354 = tpu.matmul %tanh3A_2331, %get3A_14, %dot_general3A_2353 {dimension_numbers = #tpu.dot_dimension_numbers<[1], [0], [0], [1], [0, 0, 1, 1], [], []>, transpose_lhs_hint = false} : vector<16x256xf32>, vector<256x256xf32>, vector<16x256xf32> -> vector<16x256xf32>
      %add3A_2355 = arith.addf %add3A_2352, %dot_general3A_2354 : vector<16x256xf32>
      %slice3A_2356 = vector.extract_strided_slice %get3A_2348 {offsets = [0, 256], sizes = [16, 256], strides = [1, 1]} : vector<16x512xf32> to vector<16x256xf32>
      %dot_general3A_2357 = arith.constant dense<0.000000e+00> : vector<16x256xf32>
      %dot_general3A_2358 = tpu.matmul %tanh3A_2330, %get3A_17, %dot_general3A_2357 {dimension_numbers = #tpu.dot_dimension_numbers<[1], [0], [0], [1], [0, 0, 1, 1], [], []>, transpose_lhs_hint = false} : vector<16x256xf32>, vector<256x256xf32>, vector<16x256xf32> -> vector<16x256xf32>
      %add3A_2359 = arith.addf %slice3A_2356, %dot_general3A_2358 : vector<16x256xf32>
      %dot_general3A_2360 = arith.constant dense<0.000000e+00> : vector<16x256xf32>
      %dot_general3A_2361 = tpu.matmul %tanh3A_2331, %get3A_20, %dot_general3A_2360 {dimension_numbers = #tpu.dot_dimension_numbers<[1], [0], [0], [1], [0, 0, 1, 1], [], []>, transpose_lhs_hint = false} : vector<16x256xf32>, vector<256x256xf32>, vector<16x256xf32> -> vector<16x256xf32>
      %add3A_2362 = arith.addf %add3A_2359, %dot_general3A_2361 : vector<16x256xf32>
      %tanh3A_2363 = math.tanh %add3A_2355 : vector<16x256xf32>
      %tanh3A_2364 = math.tanh %add3A_2362 : vector<16x256xf32>
      %swap3A_2365 = arith.constant 0 : index
      %swap3A_2366 = arith.constant 70 : index
      %swap3A_2367 = arith.constant 0 : index
      %swap3A_2368 = vector.load %arg7[%swap3A_2365, %swap3A_2366, %swap3A_2367] : memref<16x128x512xf32, #tpu.memory_space<vmem>>, vector<16x1x256xf32>
      %swap3A_2369 = vector.shape_cast %swap3A_2368 : vector<16x1x256xf32> to vector<16x256xf32>
      %swap3A_2370 = vector.shape_cast %tanh3A_2363 : vector<16x256xf32> to vector<16x1x256xf32>
      tpu.vector_store %arg7[%swap3A_2365, %swap3A_2366, %swap3A_2367], %swap3A_2370 {strides = array<i32>} : memref<16x128x512xf32, #tpu.memory_space<vmem>>, vector<16x1x256xf32>,
      %swap3A_2371 = arith.constant 0 : index
      %swap3A_2372 = arith.constant 70 : index
      %swap3A_2373 = arith.constant 256 : index
      %swap3A_2374 = vector.load %arg7[%swap3A_2371, %swap3A_2372, %swap3A_2373] : memref<16x128x512xf32, #tpu.memory_space<vmem>>, vector<16x1x256xf32>
      %swap3A_2375 = vector.shape_cast %swap3A_2374 : vector<16x1x256xf32> to vector<16x256xf32>
      %swap3A_2376 = vector.shape_cast %tanh3A_2364 : vector<16x256xf32> to vector<16x1x256xf32>
      tpu.vector_store %arg7[%swap3A_2371, %swap3A_2372, %swap3A_2373], %swap3A_2376 {strides = array<i32>} : memref<16x128x512xf32, #tpu.memory_space<vmem>>, vector<16x1x256xf32>,
      %get3A_2377 = arith.index_cast %select_n3A_31 : i32 to index
      %get3A_2378 = arith.constant 1136 : index
      %get3A_2379 = arith.constant 0 : index
      %get3A_2380 = vector.load %arg9[%get3A_2377, %get3A_2378, %get3A_2379] : memref<2x2048x512xf32, #tpu.memory_space<vmem>>, vector<1x16x512xf32>
      %get3A_2381 = vector.shape_cast %get3A_2380 : vector<1x16x512xf32> to vector<16x512xf32>
      %slice3A_2382 = vector.extract_strided_slice %get3A_2381 {offsets = [0, 0], sizes = [16, 256], strides = [1, 1]} : vector<16x512xf32> to vector<16x256xf32>
      %dot_general3A_2383 = arith.constant dense<0.000000e+00> : vector<16x256xf32>
      %dot_general3A_2384 = tpu.matmul %tanh3A_2363, %get3A_11, %dot_general3A_2383 {dimension_numbers = #tpu.dot_dimension_numbers<[1], [0], [0], [1], [0, 0, 1, 1], [], []>, transpose_lhs_hint = false} : vector<16x256xf32>, vector<256x256xf32>, vector<16x256xf32> -> vector<16x256xf32>
      %add3A_2385 = arith.addf %slice3A_2382, %dot_general3A_2384 : vector<16x256xf32>
      %dot_general3A_2386 = arith.constant dense<0.000000e+00> : vector<16x256xf32>
      %dot_general3A_2387 = tpu.matmul %tanh3A_2364, %get3A_14, %dot_general3A_2386 {dimension_numbers = #tpu.dot_dimension_numbers<[1], [0], [0], [1], [0, 0, 1, 1], [], []>, transpose_lhs_hint = false} : vector<16x256xf32>, vector<256x256xf32>, vector<16x256xf32> -> vector<16x256xf32>
      %add3A_2388 = arith.addf %add3A_2385, %dot_general3A_2387 : vector<16x256xf32>
      %slice3A_2389 = vector.extract_strided_slice %get3A_2381 {offsets = [0, 256], sizes = [16, 256], strides = [1, 1]} : vector<16x512xf32> to vector<16x256xf32>
      %dot_general3A_2390 = arith.constant dense<0.000000e+00> : vector<16x256xf32>
      %dot_general3A_2391 = tpu.matmul %tanh3A_2363, %get3A_17, %dot_general3A_2390 {dimension_numbers = #tpu.dot_dimension_numbers<[1], [0], [0], [1], [0, 0, 1, 1], [], []>, transpose_lhs_hint = false} : vector<16x256xf32>, vector<256x256xf32>, vector<16x256xf32> -> vector<16x256xf32>
      %add3A_2392 = arith.addf %slice3A_2389, %dot_general3A_2391 : vector<16x256xf32>
      %dot_general3A_2393 = arith.constant dense<0.000000e+00> : vector<16x256xf32>
      %dot_general3A_2394 = tpu.matmul %tanh3A_2364, %get3A_20, %dot_general3A_2393 {dimension_numbers = #tpu.dot_dimension_numbers<[1], [0], [0], [1], [0, 0, 1, 1], [], []>, transpose_lhs_hint = false} : vector<16x256xf32>, vector<256x256xf32>, vector<16x256xf32> -> vector<16x256xf32>
      %add3A_2395 = arith.addf %add3A_2392, %dot_general3A_2394 : vector<16x256xf32>
      %tanh3A_2396 = math.tanh %add3A_2388 : vector<16x256xf32>
      %tanh3A_2397 = math.tanh %add3A_2395 : vector<16x256xf32>
      %swap3A_2398 = arith.constant 0 : index
      %swap3A_2399 = arith.constant 71 : index
      %swap3A_2400 = arith.constant 0 : index
      %swap3A_2401 = vector.load %arg7[%swap3A_2398, %swap3A_2399, %swap3A_2400] : memref<16x128x512xf32, #tpu.memory_space<vmem>>, vector<16x1x256xf32>
      %swap3A_2402 = vector.shape_cast %swap3A_2401 : vector<16x1x256xf32> to vector<16x256xf32>
      %swap3A_2403 = vector.shape_cast %tanh3A_2396 : vector<16x256xf32> to vector<16x1x256xf32>
      tpu.vector_store %arg7[%swap3A_2398, %swap3A_2399, %swap3A_2400], %swap3A_2403 {strides = array<i32>} : memref<16x128x512xf32, #tpu.memory_space<vmem>>, vector<16x1x256xf32>,
      %swap3A_2404 = arith.constant 0 : index
      %swap3A_2405 = arith.constant 71 : index
      %swap3A_2406 = arith.constant 256 : index
      %swap3A_2407 = vector.load %arg7[%swap3A_2404, %swap3A_2405, %swap3A_2406] : memref<16x128x512xf32, #tpu.memory_space<vmem>>, vector<16x1x256xf32>
      %swap3A_2408 = vector.shape_cast %swap3A_2407 : vector<16x1x256xf32> to vector<16x256xf32>
      %swap3A_2409 = vector.shape_cast %tanh3A_2397 : vector<16x256xf32> to vector<16x1x256xf32>
      tpu.vector_store %arg7[%swap3A_2404, %swap3A_2405, %swap3A_2406], %swap3A_2409 {strides = array<i32>} : memref<16x128x512xf32, #tpu.memory_space<vmem>>, vector<16x1x256xf32>,
      %get3A_2410 = arith.index_cast %select_n3A_31 : i32 to index
      %get3A_2411 = arith.constant 1152 : index
      %get3A_2412 = arith.constant 0 : index
      %get3A_2413 = vector.load %arg9[%get3A_2410, %get3A_2411, %get3A_2412] : memref<2x2048x512xf32, #tpu.memory_space<vmem>>, vector<1x16x512xf32>
      %get3A_2414 = vector.shape_cast %get3A_2413 : vector<1x16x512xf32> to vector<16x512xf32>
      %slice3A_2415 = vector.extract_strided_slice %get3A_2414 {offsets = [0, 0], sizes = [16, 256], strides = [1, 1]} : vector<16x512xf32> to vector<16x256xf32>
      %dot_general3A_2416 = arith.constant dense<0.000000e+00> : vector<16x256xf32>
      %dot_general3A_2417 = tpu.matmul %tanh3A_2396, %get3A_11, %dot_general3A_2416 {dimension_numbers = #tpu.dot_dimension_numbers<[1], [0], [0], [1], [0, 0, 1, 1], [], []>, transpose_lhs_hint = false} : vector<16x256xf32>, vector<256x256xf32>, vector<16x256xf32> -> vector<16x256xf32>
      %add3A_2418 = arith.addf %slice3A_2415, %dot_general3A_2417 : vector<16x256xf32>
      %dot_general3A_2419 = arith.constant dense<0.000000e+00> : vector<16x256xf32>
      %dot_general3A_2420 = tpu.matmul %tanh3A_2397, %get3A_14, %dot_general3A_2419 {dimension_numbers = #tpu.dot_dimension_numbers<[1], [0], [0], [1], [0, 0, 1, 1], [], []>, transpose_lhs_hint = false} : vector<16x256xf32>, vector<256x256xf32>, vector<16x256xf32> -> vector<16x256xf32>
      %add3A_2421 = arith.addf %add3A_2418, %dot_general3A_2420 : vector<16x256xf32>
      %slice3A_2422 = vector.extract_strided_slice %get3A_2414 {offsets = [0, 256], sizes = [16, 256], strides = [1, 1]} : vector<16x512xf32> to vector<16x256xf32>
      %dot_general3A_2423 = arith.constant dense<0.000000e+00> : vector<16x256xf32>
      %dot_general3A_2424 = tpu.matmul %tanh3A_2396, %get3A_17, %dot_general3A_2423 {dimension_numbers = #tpu.dot_dimension_numbers<[1], [0], [0], [1], [0, 0, 1, 1], [], []>, transpose_lhs_hint = false} : vector<16x256xf32>, vector<256x256xf32>, vector<16x256xf32> -> vector<16x256xf32>
      %add3A_2425 = arith.addf %slice3A_2422, %dot_general3A_2424 : vector<16x256xf32>
      %dot_general3A_2426 = arith.constant dense<0.000000e+00> : vector<16x256xf32>
      %dot_general3A_2427 = tpu.matmul %tanh3A_2397, %get3A_20, %dot_general3A_2426 {dimension_numbers = #tpu.dot_dimension_numbers<[1], [0], [0], [1], [0, 0, 1, 1], [], []>, transpose_lhs_hint = false} : vector<16x256xf32>, vector<256x256xf32>, vector<16x256xf32> -> vector<16x256xf32>
      %add3A_2428 = arith.addf %add3A_2425, %dot_general3A_2427 : vector<16x256xf32>
      %tanh3A_2429 = math.tanh %add3A_2421 : vector<16x256xf32>
      %tanh3A_2430 = math.tanh %add3A_2428 : vector<16x256xf32>
      %swap3A_2431 = arith.constant 0 : index
      %swap3A_2432 = arith.constant 72 : index
      %swap3A_2433 = arith.constant 0 : index
      %swap3A_2434 = vector.load %arg7[%swap3A_2431, %swap3A_2432, %swap3A_2433] : memref<16x128x512xf32, #tpu.memory_space<vmem>>, vector<16x1x256xf32>
      %swap3A_2435 = vector.shape_cast %swap3A_2434 : vector<16x1x256xf32> to vector<16x256xf32>
      %swap3A_2436 = vector.shape_cast %tanh3A_2429 : vector<16x256xf32> to vector<16x1x256xf32>
      tpu.vector_store %arg7[%swap3A_2431, %swap3A_2432, %swap3A_2433], %swap3A_2436 {strides = array<i32>} : memref<16x128x512xf32, #tpu.memory_space<vmem>>, vector<16x1x256xf32>,
      %swap3A_2437 = arith.constant 0 : index
      %swap3A_2438 = arith.constant 72 : index
      %swap3A_2439 = arith.constant 256 : index
      %swap3A_2440 = vector.load %arg7[%swap3A_2437, %swap3A_2438, %swap3A_2439] : memref<16x128x512xf32, #tpu.memory_space<vmem>>, vector<16x1x256xf32>
      %swap3A_2441 = vector.shape_cast %swap3A_2440 : vector<16x1x256xf32> to vector<16x256xf32>
      %swap3A_2442 = vector.shape_cast %tanh3A_2430 : vector<16x256xf32> to vector<16x1x256xf32>
      tpu.vector_store %arg7[%swap3A_2437, %swap3A_2438, %swap3A_2439], %swap3A_2442 {strides = array<i32>} : memref<16x128x512xf32, #tpu.memory_space<vmem>>, vector<16x1x256xf32>,
      %get3A_2443 = arith.index_cast %select_n3A_31 : i32 to index
      %get3A_2444 = arith.constant 1168 : index
      %get3A_2445 = arith.constant 0 : index
      %get3A_2446 = vector.load %arg9[%get3A_2443, %get3A_2444, %get3A_2445] : memref<2x2048x512xf32, #tpu.memory_space<vmem>>, vector<1x16x512xf32>
      %get3A_2447 = vector.shape_cast %get3A_2446 : vector<1x16x512xf32> to vector<16x512xf32>
      %slice3A_2448 = vector.extract_strided_slice %get3A_2447 {offsets = [0, 0], sizes = [16, 256], strides = [1, 1]} : vector<16x512xf32> to vector<16x256xf32>
      %dot_general3A_2449 = arith.constant dense<0.000000e+00> : vector<16x256xf32>
      %dot_general3A_2450 = tpu.matmul %tanh3A_2429, %get3A_11, %dot_general3A_2449 {dimension_numbers = #tpu.dot_dimension_numbers<[1], [0], [0], [1], [0, 0, 1, 1], [], []>, transpose_lhs_hint = false} : vector<16x256xf32>, vector<256x256xf32>, vector<16x256xf32> -> vector<16x256xf32>
      %add3A_2451 = arith.addf %slice3A_2448, %dot_general3A_2450 : vector<16x256xf32>
      %dot_general3A_2452 = arith.constant dense<0.000000e+00> : vector<16x256xf32>
      %dot_general3A_2453 = tpu.matmul %tanh3A_2430, %get3A_14, %dot_general3A_2452 {dimension_numbers = #tpu.dot_dimension_numbers<[1], [0], [0], [1], [0, 0, 1, 1], [], []>, transpose_lhs_hint = false} : vector<16x256xf32>, vector<256x256xf32>, vector<16x256xf32> -> vector<16x256xf32>
      %add3A_2454 = arith.addf %add3A_2451, %dot_general3A_2453 : vector<16x256xf32>
      %slice3A_2455 = vector.extract_strided_slice %get3A_2447 {offsets = [0, 256], sizes = [16, 256], strides = [1, 1]} : vector<16x512xf32> to vector<16x256xf32>
      %dot_general3A_2456 = arith.constant dense<0.000000e+00> : vector<16x256xf32>
      %dot_general3A_2457 = tpu.matmul %tanh3A_2429, %get3A_17, %dot_general3A_2456 {dimension_numbers = #tpu.dot_dimension_numbers<[1], [0], [0], [1], [0, 0, 1, 1], [], []>, transpose_lhs_hint = false} : vector<16x256xf32>, vector<256x256xf32>, vector<16x256xf32> -> vector<16x256xf32>
      %add3A_2458 = arith.addf %slice3A_2455, %dot_general3A_2457 : vector<16x256xf32>
      %dot_general3A_2459 = arith.constant dense<0.000000e+00> : vector<16x256xf32>
      %dot_general3A_2460 = tpu.matmul %tanh3A_2430, %get3A_20, %dot_general3A_2459 {dimension_numbers = #tpu.dot_dimension_numbers<[1], [0], [0], [1], [0, 0, 1, 1], [], []>, transpose_lhs_hint = false} : vector<16x256xf32>, vector<256x256xf32>, vector<16x256xf32> -> vector<16x256xf32>
      %add3A_2461 = arith.addf %add3A_2458, %dot_general3A_2460 : vector<16x256xf32>
      %tanh3A_2462 = math.tanh %add3A_2454 : vector<16x256xf32>
      %tanh3A_2463 = math.tanh %add3A_2461 : vector<16x256xf32>
      %swap3A_2464 = arith.constant 0 : index
      %swap3A_2465 = arith.constant 73 : index
      %swap3A_2466 = arith.constant 0 : index
      %swap3A_2467 = vector.load %arg7[%swap3A_2464, %swap3A_2465, %swap3A_2466] : memref<16x128x512xf32, #tpu.memory_space<vmem>>, vector<16x1x256xf32>
      %swap3A_2468 = vector.shape_cast %swap3A_2467 : vector<16x1x256xf32> to vector<16x256xf32>
      %swap3A_2469 = vector.shape_cast %tanh3A_2462 : vector<16x256xf32> to vector<16x1x256xf32>
      tpu.vector_store %arg7[%swap3A_2464, %swap3A_2465, %swap3A_2466], %swap3A_2469 {strides = array<i32>} : memref<16x128x512xf32, #tpu.memory_space<vmem>>, vector<16x1x256xf32>,
      %swap3A_2470 = arith.constant 0 : index
      %swap3A_2471 = arith.constant 73 : index
      %swap3A_2472 = arith.constant 256 : index
      %swap3A_2473 = vector.load %arg7[%swap3A_2470, %swap3A_2471, %swap3A_2472] : memref<16x128x512xf32, #tpu.memory_space<vmem>>, vector<16x1x256xf32>
      %swap3A_2474 = vector.shape_cast %swap3A_2473 : vector<16x1x256xf32> to vector<16x256xf32>
      %swap3A_2475 = vector.shape_cast %tanh3A_2463 : vector<16x256xf32> to vector<16x1x256xf32>
      tpu.vector_store %arg7[%swap3A_2470, %swap3A_2471, %swap3A_2472], %swap3A_2475 {strides = array<i32>} : memref<16x128x512xf32, #tpu.memory_space<vmem>>, vector<16x1x256xf32>,
      %get3A_2476 = arith.index_cast %select_n3A_31 : i32 to index
      %get3A_2477 = arith.constant 1184 : index
      %get3A_2478 = arith.constant 0 : index
      %get3A_2479 = vector.load %arg9[%get3A_2476, %get3A_2477, %get3A_2478] : memref<2x2048x512xf32, #tpu.memory_space<vmem>>, vector<1x16x512xf32>
      %get3A_2480 = vector.shape_cast %get3A_2479 : vector<1x16x512xf32> to vector<16x512xf32>
      %slice3A_2481 = vector.extract_strided_slice %get3A_2480 {offsets = [0, 0], sizes = [16, 256], strides = [1, 1]} : vector<16x512xf32> to vector<16x256xf32>
      %dot_general3A_2482 = arith.constant dense<0.000000e+00> : vector<16x256xf32>
      %dot_general3A_2483 = tpu.matmul %tanh3A_2462, %get3A_11, %dot_general3A_2482 {dimension_numbers = #tpu.dot_dimension_numbers<[1], [0], [0], [1], [0, 0, 1, 1], [], []>, transpose_lhs_hint = false} : vector<16x256xf32>, vector<256x256xf32>, vector<16x256xf32> -> vector<16x256xf32>
      %add3A_2484 = arith.addf %slice3A_2481, %dot_general3A_2483 : vector<16x256xf32>
      %dot_general3A_2485 = arith.constant dense<0.000000e+00> : vector<16x256xf32>
      %dot_general3A_2486 = tpu.matmul %tanh3A_2463, %get3A_14, %dot_general3A_2485 {dimension_numbers = #tpu.dot_dimension_numbers<[1], [0], [0], [1], [0, 0, 1, 1], [], []>, transpose_lhs_hint = false} : vector<16x256xf32>, vector<256x256xf32>, vector<16x256xf32> -> vector<16x256xf32>
      %add3A_2487 = arith.addf %add3A_2484, %dot_general3A_2486 : vector<16x256xf32>
      %slice3A_2488 = vector.extract_strided_slice %get3A_2480 {offsets = [0, 256], sizes = [16, 256], strides = [1, 1]} : vector<16x512xf32> to vector<16x256xf32>
      %dot_general3A_2489 = arith.constant dense<0.000000e+00> : vector<16x256xf32>
      %dot_general3A_2490 = tpu.matmul %tanh3A_2462, %get3A_17, %dot_general3A_2489 {dimension_numbers = #tpu.dot_dimension_numbers<[1], [0], [0], [1], [0, 0, 1, 1], [], []>, transpose_lhs_hint = false} : vector<16x256xf32>, vector<256x256xf32>, vector<16x256xf32> -> vector<16x256xf32>
      %add3A_2491 = arith.addf %slice3A_2488, %dot_general3A_2490 : vector<16x256xf32>
      %dot_general3A_2492 = arith.constant dense<0.000000e+00> : vector<16x256xf32>
      %dot_general3A_2493 = tpu.matmul %tanh3A_2463, %get3A_20, %dot_general3A_2492 {dimension_numbers = #tpu.dot_dimension_numbers<[1], [0], [0], [1], [0, 0, 1, 1], [], []>, transpose_lhs_hint = false} : vector<16x256xf32>, vector<256x256xf32>, vector<16x256xf32> -> vector<16x256xf32>
      %add3A_2494 = arith.addf %add3A_2491, %dot_general3A_2493 : vector<16x256xf32>
      %tanh3A_2495 = math.tanh %add3A_2487 : vector<16x256xf32>
      %tanh3A_2496 = math.tanh %add3A_2494 : vector<16x256xf32>
      %swap3A_2497 = arith.constant 0 : index
      %swap3A_2498 = arith.constant 74 : index
      %swap3A_2499 = arith.constant 0 : index
      %swap3A_2500 = vector.load %arg7[%swap3A_2497, %swap3A_2498, %swap3A_2499] : memref<16x128x512xf32, #tpu.memory_space<vmem>>, vector<16x1x256xf32>
      %swap3A_2501 = vector.shape_cast %swap3A_2500 : vector<16x1x256xf32> to vector<16x256xf32>
      %swap3A_2502 = vector.shape_cast %tanh3A_2495 : vector<16x256xf32> to vector<16x1x256xf32>
      tpu.vector_store %arg7[%swap3A_2497, %swap3A_2498, %swap3A_2499], %swap3A_2502 {strides = array<i32>} : memref<16x128x512xf32, #tpu.memory_space<vmem>>, vector<16x1x256xf32>,
      %swap3A_2503 = arith.constant 0 : index
      %swap3A_2504 = arith.constant 74 : index
      %swap3A_2505 = arith.constant 256 : index
      %swap3A_2506 = vector.load %arg7[%swap3A_2503, %swap3A_2504, %swap3A_2505] : memref<16x128x512xf32, #tpu.memory_space<vmem>>, vector<16x1x256xf32>
      %swap3A_2507 = vector.shape_cast %swap3A_2506 : vector<16x1x256xf32> to vector<16x256xf32>
      %swap3A_2508 = vector.shape_cast %tanh3A_2496 : vector<16x256xf32> to vector<16x1x256xf32>
      tpu.vector_store %arg7[%swap3A_2503, %swap3A_2504, %swap3A_2505], %swap3A_2508 {strides = array<i32>} : memref<16x128x512xf32, #tpu.memory_space<vmem>>, vector<16x1x256xf32>,
      %get3A_2509 = arith.index_cast %select_n3A_31 : i32 to index
      %get3A_2510 = arith.constant 1200 : index
      %get3A_2511 = arith.constant 0 : index
      %get3A_2512 = vector.load %arg9[%get3A_2509, %get3A_2510, %get3A_2511] : memref<2x2048x512xf32, #tpu.memory_space<vmem>>, vector<1x16x512xf32>
      %get3A_2513 = vector.shape_cast %get3A_2512 : vector<1x16x512xf32> to vector<16x512xf32>
      %slice3A_2514 = vector.extract_strided_slice %get3A_2513 {offsets = [0, 0], sizes = [16, 256], strides = [1, 1]} : vector<16x512xf32> to vector<16x256xf32>
      %dot_general3A_2515 = arith.constant dense<0.000000e+00> : vector<16x256xf32>
      %dot_general3A_2516 = tpu.matmul %tanh3A_2495, %get3A_11, %dot_general3A_2515 {dimension_numbers = #tpu.dot_dimension_numbers<[1], [0], [0], [1], [0, 0, 1, 1], [], []>, transpose_lhs_hint = false} : vector<16x256xf32>, vector<256x256xf32>, vector<16x256xf32> -> vector<16x256xf32>
      %add3A_2517 = arith.addf %slice3A_2514, %dot_general3A_2516 : vector<16x256xf32>
      %dot_general3A_2518 = arith.constant dense<0.000000e+00> : vector<16x256xf32>
      %dot_general3A_2519 = tpu.matmul %tanh3A_2496, %get3A_14, %dot_general3A_2518 {dimension_numbers = #tpu.dot_dimension_numbers<[1], [0], [0], [1], [0, 0, 1, 1], [], []>, transpose_lhs_hint = false} : vector<16x256xf32>, vector<256x256xf32>, vector<16x256xf32> -> vector<16x256xf32>
      %add3A_2520 = arith.addf %add3A_2517, %dot_general3A_2519 : vector<16x256xf32>
      %slice3A_2521 = vector.extract_strided_slice %get3A_2513 {offsets = [0, 256], sizes = [16, 256], strides = [1, 1]} : vector<16x512xf32> to vector<16x256xf32>
      %dot_general3A_2522 = arith.constant dense<0.000000e+00> : vector<16x256xf32>
      %dot_general3A_2523 = tpu.matmul %tanh3A_2495, %get3A_17, %dot_general3A_2522 {dimension_numbers = #tpu.dot_dimension_numbers<[1], [0], [0], [1], [0, 0, 1, 1], [], []>, transpose_lhs_hint = false} : vector<16x256xf32>, vector<256x256xf32>, vector<16x256xf32> -> vector<16x256xf32>
      %add3A_2524 = arith.addf %slice3A_2521, %dot_general3A_2523 : vector<16x256xf32>
      %dot_general3A_2525 = arith.constant dense<0.000000e+00> : vector<16x256xf32>
      %dot_general3A_2526 = tpu.matmul %tanh3A_2496, %get3A_20, %dot_general3A_2525 {dimension_numbers = #tpu.dot_dimension_numbers<[1], [0], [0], [1], [0, 0, 1, 1], [], []>, transpose_lhs_hint = false} : vector<16x256xf32>, vector<256x256xf32>, vector<16x256xf32> -> vector<16x256xf32>
      %add3A_2527 = arith.addf %add3A_2524, %dot_general3A_2526 : vector<16x256xf32>
      %tanh3A_2528 = math.tanh %add3A_2520 : vector<16x256xf32>
      %tanh3A_2529 = math.tanh %add3A_2527 : vector<16x256xf32>
      %swap3A_2530 = arith.constant 0 : index
      %swap3A_2531 = arith.constant 75 : index
      %swap3A_2532 = arith.constant 0 : index
      %swap3A_2533 = vector.load %arg7[%swap3A_2530, %swap3A_2531, %swap3A_2532] : memref<16x128x512xf32, #tpu.memory_space<vmem>>, vector<16x1x256xf32>
      %swap3A_2534 = vector.shape_cast %swap3A_2533 : vector<16x1x256xf32> to vector<16x256xf32>
      %swap3A_2535 = vector.shape_cast %tanh3A_2528 : vector<16x256xf32> to vector<16x1x256xf32>
      tpu.vector_store %arg7[%swap3A_2530, %swap3A_2531, %swap3A_2532], %swap3A_2535 {strides = array<i32>} : memref<16x128x512xf32, #tpu.memory_space<vmem>>, vector<16x1x256xf32>,
      %swap3A_2536 = arith.constant 0 : index
      %swap3A_2537 = arith.constant 75 : index
      %swap3A_2538 = arith.constant 256 : index
      %swap3A_2539 = vector.load %arg7[%swap3A_2536, %swap3A_2537, %swap3A_2538] : memref<16x128x512xf32, #tpu.memory_space<vmem>>, vector<16x1x256xf32>
      %swap3A_2540 = vector.shape_cast %swap3A_2539 : vector<16x1x256xf32> to vector<16x256xf32>
      %swap3A_2541 = vector.shape_cast %tanh3A_2529 : vector<16x256xf32> to vector<16x1x256xf32>
      tpu.vector_store %arg7[%swap3A_2536, %swap3A_2537, %swap3A_2538], %swap3A_2541 {strides = array<i32>} : memref<16x128x512xf32, #tpu.memory_space<vmem>>, vector<16x1x256xf32>,
      %get3A_2542 = arith.index_cast %select_n3A_31 : i32 to index
      %get3A_2543 = arith.constant 1216 : index
      %get3A_2544 = arith.constant 0 : index
      %get3A_2545 = vector.load %arg9[%get3A_2542, %get3A_2543, %get3A_2544] : memref<2x2048x512xf32, #tpu.memory_space<vmem>>, vector<1x16x512xf32>
      %get3A_2546 = vector.shape_cast %get3A_2545 : vector<1x16x512xf32> to vector<16x512xf32>
      %slice3A_2547 = vector.extract_strided_slice %get3A_2546 {offsets = [0, 0], sizes = [16, 256], strides = [1, 1]} : vector<16x512xf32> to vector<16x256xf32>
      %dot_general3A_2548 = arith.constant dense<0.000000e+00> : vector<16x256xf32>
      %dot_general3A_2549 = tpu.matmul %tanh3A_2528, %get3A_11, %dot_general3A_2548 {dimension_numbers = #tpu.dot_dimension_numbers<[1], [0], [0], [1], [0, 0, 1, 1], [], []>, transpose_lhs_hint = false} : vector<16x256xf32>, vector<256x256xf32>, vector<16x256xf32> -> vector<16x256xf32>
      %add3A_2550 = arith.addf %slice3A_2547, %dot_general3A_2549 : vector<16x256xf32>
      %dot_general3A_2551 = arith.constant dense<0.000000e+00> : vector<16x256xf32>
      %dot_general3A_2552 = tpu.matmul %tanh3A_2529, %get3A_14, %dot_general3A_2551 {dimension_numbers = #tpu.dot_dimension_numbers<[1], [0], [0], [1], [0, 0, 1, 1], [], []>, transpose_lhs_hint = false} : vector<16x256xf32>, vector<256x256xf32>, vector<16x256xf32> -> vector<16x256xf32>
      %add3A_2553 = arith.addf %add3A_2550, %dot_general3A_2552 : vector<16x256xf32>
      %slice3A_2554 = vector.extract_strided_slice %get3A_2546 {offsets = [0, 256], sizes = [16, 256], strides = [1, 1]} : vector<16x512xf32> to vector<16x256xf32>
      %dot_general3A_2555 = arith.constant dense<0.000000e+00> : vector<16x256xf32>
      %dot_general3A_2556 = tpu.matmul %tanh3A_2528, %get3A_17, %dot_general3A_2555 {dimension_numbers = #tpu.dot_dimension_numbers<[1], [0], [0], [1], [0, 0, 1, 1], [], []>, transpose_lhs_hint = false} : vector<16x256xf32>, vector<256x256xf32>, vector<16x256xf32> -> vector<16x256xf32>
      %add3A_2557 = arith.addf %slice3A_2554, %dot_general3A_2556 : vector<16x256xf32>
      %dot_general3A_2558 = arith.constant dense<0.000000e+00> : vector<16x256xf32>
      %dot_general3A_2559 = tpu.matmul %tanh3A_2529, %get3A_20, %dot_general3A_2558 {dimension_numbers = #tpu.dot_dimension_numbers<[1], [0], [0], [1], [0, 0, 1, 1], [], []>, transpose_lhs_hint = false} : vector<16x256xf32>, vector<256x256xf32>, vector<16x256xf32> -> vector<16x256xf32>
      %add3A_2560 = arith.addf %add3A_2557, %dot_general3A_2559 : vector<16x256xf32>
      %tanh3A_2561 = math.tanh %add3A_2553 : vector<16x256xf32>
      %tanh3A_2562 = math.tanh %add3A_2560 : vector<16x256xf32>
      %swap3A_2563 = arith.constant 0 : index
      %swap3A_2564 = arith.constant 76 : index
      %swap3A_2565 = arith.constant 0 : index
      %swap3A_2566 = vector.load %arg7[%swap3A_2563, %swap3A_2564, %swap3A_2565] : memref<16x128x512xf32, #tpu.memory_space<vmem>>, vector<16x1x256xf32>
      %swap3A_2567 = vector.shape_cast %swap3A_2566 : vector<16x1x256xf32> to vector<16x256xf32>
      %swap3A_2568 = vector.shape_cast %tanh3A_2561 : vector<16x256xf32> to vector<16x1x256xf32>
      tpu.vector_store %arg7[%swap3A_2563, %swap3A_2564, %swap3A_2565], %swap3A_2568 {strides = array<i32>} : memref<16x128x512xf32, #tpu.memory_space<vmem>>, vector<16x1x256xf32>,
      %swap3A_2569 = arith.constant 0 : index
      %swap3A_2570 = arith.constant 76 : index
      %swap3A_2571 = arith.constant 256 : index
      %swap3A_2572 = vector.load %arg7[%swap3A_2569, %swap3A_2570, %swap3A_2571] : memref<16x128x512xf32, #tpu.memory_space<vmem>>, vector<16x1x256xf32>
      %swap3A_2573 = vector.shape_cast %swap3A_2572 : vector<16x1x256xf32> to vector<16x256xf32>
      %swap3A_2574 = vector.shape_cast %tanh3A_2562 : vector<16x256xf32> to vector<16x1x256xf32>
      tpu.vector_store %arg7[%swap3A_2569, %swap3A_2570, %swap3A_2571], %swap3A_2574 {strides = array<i32>} : memref<16x128x512xf32, #tpu.memory_space<vmem>>, vector<16x1x256xf32>,
      %get3A_2575 = arith.index_cast %select_n3A_31 : i32 to index
      %get3A_2576 = arith.constant 1232 : index
      %get3A_2577 = arith.constant 0 : index
      %get3A_2578 = vector.load %arg9[%get3A_2575, %get3A_2576, %get3A_2577] : memref<2x2048x512xf32, #tpu.memory_space<vmem>>, vector<1x16x512xf32>
      %get3A_2579 = vector.shape_cast %get3A_2578 : vector<1x16x512xf32> to vector<16x512xf32>
      %slice3A_2580 = vector.extract_strided_slice %get3A_2579 {offsets = [0, 0], sizes = [16, 256], strides = [1, 1]} : vector<16x512xf32> to vector<16x256xf32>
      %dot_general3A_2581 = arith.constant dense<0.000000e+00> : vector<16x256xf32>
      %dot_general3A_2582 = tpu.matmul %tanh3A_2561, %get3A_11, %dot_general3A_2581 {dimension_numbers = #tpu.dot_dimension_numbers<[1], [0], [0], [1], [0, 0, 1, 1], [], []>, transpose_lhs_hint = false} : vector<16x256xf32>, vector<256x256xf32>, vector<16x256xf32> -> vector<16x256xf32>
      %add3A_2583 = arith.addf %slice3A_2580, %dot_general3A_2582 : vector<16x256xf32>
      %dot_general3A_2584 = arith.constant dense<0.000000e+00> : vector<16x256xf32>
      %dot_general3A_2585 = tpu.matmul %tanh3A_2562, %get3A_14, %dot_general3A_2584 {dimension_numbers = #tpu.dot_dimension_numbers<[1], [0], [0], [1], [0, 0, 1, 1], [], []>, transpose_lhs_hint = false} : vector<16x256xf32>, vector<256x256xf32>, vector<16x256xf32> -> vector<16x256xf32>
      %add3A_2586 = arith.addf %add3A_2583, %dot_general3A_2585 : vector<16x256xf32>
      %slice3A_2587 = vector.extract_strided_slice %get3A_2579 {offsets = [0, 256], sizes = [16, 256], strides = [1, 1]} : vector<16x512xf32> to vector<16x256xf32>
      %dot_general3A_2588 = arith.constant dense<0.000000e+00> : vector<16x256xf32>
      %dot_general3A_2589 = tpu.matmul %tanh3A_2561, %get3A_17, %dot_general3A_2588 {dimension_numbers = #tpu.dot_dimension_numbers<[1], [0], [0], [1], [0, 0, 1, 1], [], []>, transpose_lhs_hint = false} : vector<16x256xf32>, vector<256x256xf32>, vector<16x256xf32> -> vector<16x256xf32>
      %add3A_2590 = arith.addf %slice3A_2587, %dot_general3A_2589 : vector<16x256xf32>
      %dot_general3A_2591 = arith.constant dense<0.000000e+00> : vector<16x256xf32>
      %dot_general3A_2592 = tpu.matmul %tanh3A_2562, %get3A_20, %dot_general3A_2591 {dimension_numbers = #tpu.dot_dimension_numbers<[1], [0], [0], [1], [0, 0, 1, 1], [], []>, transpose_lhs_hint = false} : vector<16x256xf32>, vector<256x256xf32>, vector<16x256xf32> -> vector<16x256xf32>
      %add3A_2593 = arith.addf %add3A_2590, %dot_general3A_2592 : vector<16x256xf32>
      %tanh3A_2594 = math.tanh %add3A_2586 : vector<16x256xf32>
      %tanh3A_2595 = math.tanh %add3A_2593 : vector<16x256xf32>
      %swap3A_2596 = arith.constant 0 : index
      %swap3A_2597 = arith.constant 77 : index
      %swap3A_2598 = arith.constant 0 : index
      %swap3A_2599 = vector.load %arg7[%swap3A_2596, %swap3A_2597, %swap3A_2598] : memref<16x128x512xf32, #tpu.memory_space<vmem>>, vector<16x1x256xf32>
      %swap3A_2600 = vector.shape_cast %swap3A_2599 : vector<16x1x256xf32> to vector<16x256xf32>
      %swap3A_2601 = vector.shape_cast %tanh3A_2594 : vector<16x256xf32> to vector<16x1x256xf32>
      tpu.vector_store %arg7[%swap3A_2596, %swap3A_2597, %swap3A_2598], %swap3A_2601 {strides = array<i32>} : memref<16x128x512xf32, #tpu.memory_space<vmem>>, vector<16x1x256xf32>,
      %swap3A_2602 = arith.constant 0 : index
      %swap3A_2603 = arith.constant 77 : index
      %swap3A_2604 = arith.constant 256 : index
      %swap3A_2605 = vector.load %arg7[%swap3A_2602, %swap3A_2603, %swap3A_2604] : memref<16x128x512xf32, #tpu.memory_space<vmem>>, vector<16x1x256xf32>
      %swap3A_2606 = vector.shape_cast %swap3A_2605 : vector<16x1x256xf32> to vector<16x256xf32>
      %swap3A_2607 = vector.shape_cast %tanh3A_2595 : vector<16x256xf32> to vector<16x1x256xf32>
      tpu.vector_store %arg7[%swap3A_2602, %swap3A_2603, %swap3A_2604], %swap3A_2607 {strides = array<i32>} : memref<16x128x512xf32, #tpu.memory_space<vmem>>, vector<16x1x256xf32>,
      %get3A_2608 = arith.index_cast %select_n3A_31 : i32 to index
      %get3A_2609 = arith.constant 1248 : index
      %get3A_2610 = arith.constant 0 : index
      %get3A_2611 = vector.load %arg9[%get3A_2608, %get3A_2609, %get3A_2610] : memref<2x2048x512xf32, #tpu.memory_space<vmem>>, vector<1x16x512xf32>
      %get3A_2612 = vector.shape_cast %get3A_2611 : vector<1x16x512xf32> to vector<16x512xf32>
      %slice3A_2613 = vector.extract_strided_slice %get3A_2612 {offsets = [0, 0], sizes = [16, 256], strides = [1, 1]} : vector<16x512xf32> to vector<16x256xf32>
      %dot_general3A_2614 = arith.constant dense<0.000000e+00> : vector<16x256xf32>
      %dot_general3A_2615 = tpu.matmul %tanh3A_2594, %get3A_11, %dot_general3A_2614 {dimension_numbers = #tpu.dot_dimension_numbers<[1], [0], [0], [1], [0, 0, 1, 1], [], []>, transpose_lhs_hint = false} : vector<16x256xf32>, vector<256x256xf32>, vector<16x256xf32> -> vector<16x256xf32>
      %add3A_2616 = arith.addf %slice3A_2613, %dot_general3A_2615 : vector<16x256xf32>
      %dot_general3A_2617 = arith.constant dense<0.000000e+00> : vector<16x256xf32>
      %dot_general3A_2618 = tpu.matmul %tanh3A_2595, %get3A_14, %dot_general3A_2617 {dimension_numbers = #tpu.dot_dimension_numbers<[1], [0], [0], [1], [0, 0, 1, 1], [], []>, transpose_lhs_hint = false} : vector<16x256xf32>, vector<256x256xf32>, vector<16x256xf32> -> vector<16x256xf32>
      %add3A_2619 = arith.addf %add3A_2616, %dot_general3A_2618 : vector<16x256xf32>
      %slice3A_2620 = vector.extract_strided_slice %get3A_2612 {offsets = [0, 256], sizes = [16, 256], strides = [1, 1]} : vector<16x512xf32> to vector<16x256xf32>
      %dot_general3A_2621 = arith.constant dense<0.000000e+00> : vector<16x256xf32>
      %dot_general3A_2622 = tpu.matmul %tanh3A_2594, %get3A_17, %dot_general3A_2621 {dimension_numbers = #tpu.dot_dimension_numbers<[1], [0], [0], [1], [0, 0, 1, 1], [], []>, transpose_lhs_hint = false} : vector<16x256xf32>, vector<256x256xf32>, vector<16x256xf32> -> vector<16x256xf32>
      %add3A_2623 = arith.addf %slice3A_2620, %dot_general3A_2622 : vector<16x256xf32>
      %dot_general3A_2624 = arith.constant dense<0.000000e+00> : vector<16x256xf32>
      %dot_general3A_2625 = tpu.matmul %tanh3A_2595, %get3A_20, %dot_general3A_2624 {dimension_numbers = #tpu.dot_dimension_numbers<[1], [0], [0], [1], [0, 0, 1, 1], [], []>, transpose_lhs_hint = false} : vector<16x256xf32>, vector<256x256xf32>, vector<16x256xf32> -> vector<16x256xf32>
      %add3A_2626 = arith.addf %add3A_2623, %dot_general3A_2625 : vector<16x256xf32>
      %tanh3A_2627 = math.tanh %add3A_2619 : vector<16x256xf32>
      %tanh3A_2628 = math.tanh %add3A_2626 : vector<16x256xf32>
      %swap3A_2629 = arith.constant 0 : index
      %swap3A_2630 = arith.constant 78 : index
      %swap3A_2631 = arith.constant 0 : index
      %swap3A_2632 = vector.load %arg7[%swap3A_2629, %swap3A_2630, %swap3A_2631] : memref<16x128x512xf32, #tpu.memory_space<vmem>>, vector<16x1x256xf32>
      %swap3A_2633 = vector.shape_cast %swap3A_2632 : vector<16x1x256xf32> to vector<16x256xf32>
      %swap3A_2634 = vector.shape_cast %tanh3A_2627 : vector<16x256xf32> to vector<16x1x256xf32>
      tpu.vector_store %arg7[%swap3A_2629, %swap3A_2630, %swap3A_2631], %swap3A_2634 {strides = array<i32>} : memref<16x128x512xf32, #tpu.memory_space<vmem>>, vector<16x1x256xf32>,
      %swap3A_2635 = arith.constant 0 : index
      %swap3A_2636 = arith.constant 78 : index
      %swap3A_2637 = arith.constant 256 : index
      %swap3A_2638 = vector.load %arg7[%swap3A_2635, %swap3A_2636, %swap3A_2637] : memref<16x128x512xf32, #tpu.memory_space<vmem>>, vector<16x1x256xf32>
      %swap3A_2639 = vector.shape_cast %swap3A_2638 : vector<16x1x256xf32> to vector<16x256xf32>
      %swap3A_2640 = vector.shape_cast %tanh3A_2628 : vector<16x256xf32> to vector<16x1x256xf32>
      tpu.vector_store %arg7[%swap3A_2635, %swap3A_2636, %swap3A_2637], %swap3A_2640 {strides = array<i32>} : memref<16x128x512xf32, #tpu.memory_space<vmem>>, vector<16x1x256xf32>,
      %get3A_2641 = arith.index_cast %select_n3A_31 : i32 to index
      %get3A_2642 = arith.constant 1264 : index
      %get3A_2643 = arith.constant 0 : index
      %get3A_2644 = vector.load %arg9[%get3A_2641, %get3A_2642, %get3A_2643] : memref<2x2048x512xf32, #tpu.memory_space<vmem>>, vector<1x16x512xf32>
      %get3A_2645 = vector.shape_cast %get3A_2644 : vector<1x16x512xf32> to vector<16x512xf32>
      %slice3A_2646 = vector.extract_strided_slice %get3A_2645 {offsets = [0, 0], sizes = [16, 256], strides = [1, 1]} : vector<16x512xf32> to vector<16x256xf32>
      %dot_general3A_2647 = arith.constant dense<0.000000e+00> : vector<16x256xf32>
      %dot_general3A_2648 = tpu.matmul %tanh3A_2627, %get3A_11, %dot_general3A_2647 {dimension_numbers = #tpu.dot_dimension_numbers<[1], [0], [0], [1], [0, 0, 1, 1], [], []>, transpose_lhs_hint = false} : vector<16x256xf32>, vector<256x256xf32>, vector<16x256xf32> -> vector<16x256xf32>
      %add3A_2649 = arith.addf %slice3A_2646, %dot_general3A_2648 : vector<16x256xf32>
      %dot_general3A_2650 = arith.constant dense<0.000000e+00> : vector<16x256xf32>
      %dot_general3A_2651 = tpu.matmul %tanh3A_2628, %get3A_14, %dot_general3A_2650 {dimension_numbers = #tpu.dot_dimension_numbers<[1], [0], [0], [1], [0, 0, 1, 1], [], []>, transpose_lhs_hint = false} : vector<16x256xf32>, vector<256x256xf32>, vector<16x256xf32> -> vector<16x256xf32>
      %add3A_2652 = arith.addf %add3A_2649, %dot_general3A_2651 : vector<16x256xf32>
      %slice3A_2653 = vector.extract_strided_slice %get3A_2645 {offsets = [0, 256], sizes = [16, 256], strides = [1, 1]} : vector<16x512xf32> to vector<16x256xf32>
      %dot_general3A_2654 = arith.constant dense<0.000000e+00> : vector<16x256xf32>
      %dot_general3A_2655 = tpu.matmul %tanh3A_2627, %get3A_17, %dot_general3A_2654 {dimension_numbers = #tpu.dot_dimension_numbers<[1], [0], [0], [1], [0, 0, 1, 1], [], []>, transpose_lhs_hint = false} : vector<16x256xf32>, vector<256x256xf32>, vector<16x256xf32> -> vector<16x256xf32>
      %add3A_2656 = arith.addf %slice3A_2653, %dot_general3A_2655 : vector<16x256xf32>
      %dot_general3A_2657 = arith.constant dense<0.000000e+00> : vector<16x256xf32>
      %dot_general3A_2658 = tpu.matmul %tanh3A_2628, %get3A_20, %dot_general3A_2657 {dimension_numbers = #tpu.dot_dimension_numbers<[1], [0], [0], [1], [0, 0, 1, 1], [], []>, transpose_lhs_hint = false} : vector<16x256xf32>, vector<256x256xf32>, vector<16x256xf32> -> vector<16x256xf32>
      %add3A_2659 = arith.addf %add3A_2656, %dot_general3A_2658 : vector<16x256xf32>
      %tanh3A_2660 = math.tanh %add3A_2652 : vector<16x256xf32>
      %tanh3A_2661 = math.tanh %add3A_2659 : vector<16x256xf32>
      %swap3A_2662 = arith.constant 0 : index
      %swap3A_2663 = arith.constant 79 : index
      %swap3A_2664 = arith.constant 0 : index
      %swap3A_2665 = vector.load %arg7[%swap3A_2662, %swap3A_2663, %swap3A_2664] : memref<16x128x512xf32, #tpu.memory_space<vmem>>, vector<16x1x256xf32>
      %swap3A_2666 = vector.shape_cast %swap3A_2665 : vector<16x1x256xf32> to vector<16x256xf32>
      %swap3A_2667 = vector.shape_cast %tanh3A_2660 : vector<16x256xf32> to vector<16x1x256xf32>
      tpu.vector_store %arg7[%swap3A_2662, %swap3A_2663, %swap3A_2664], %swap3A_2667 {strides = array<i32>} : memref<16x128x512xf32, #tpu.memory_space<vmem>>, vector<16x1x256xf32>,
      %swap3A_2668 = arith.constant 0 : index
      %swap3A_2669 = arith.constant 79 : index
      %swap3A_2670 = arith.constant 256 : index
      %swap3A_2671 = vector.load %arg7[%swap3A_2668, %swap3A_2669, %swap3A_2670] : memref<16x128x512xf32, #tpu.memory_space<vmem>>, vector<16x1x256xf32>
      %swap3A_2672 = vector.shape_cast %swap3A_2671 : vector<16x1x256xf32> to vector<16x256xf32>
      %swap3A_2673 = vector.shape_cast %tanh3A_2661 : vector<16x256xf32> to vector<16x1x256xf32>
      tpu.vector_store %arg7[%swap3A_2668, %swap3A_2669, %swap3A_2670], %swap3A_2673 {strides = array<i32>} : memref<16x128x512xf32, #tpu.memory_space<vmem>>, vector<16x1x256xf32>,
      %get3A_2674 = arith.index_cast %select_n3A_31 : i32 to index
      %get3A_2675 = arith.constant 1280 : index
      %get3A_2676 = arith.constant 0 : index
      %get3A_2677 = vector.load %arg9[%get3A_2674, %get3A_2675, %get3A_2676] : memref<2x2048x512xf32, #tpu.memory_space<vmem>>, vector<1x16x512xf32>
      %get3A_2678 = vector.shape_cast %get3A_2677 : vector<1x16x512xf32> to vector<16x512xf32>
      %slice3A_2679 = vector.extract_strided_slice %get3A_2678 {offsets = [0, 0], sizes = [16, 256], strides = [1, 1]} : vector<16x512xf32> to vector<16x256xf32>
      %dot_general3A_2680 = arith.constant dense<0.000000e+00> : vector<16x256xf32>
      %dot_general3A_2681 = tpu.matmul %tanh3A_2660, %get3A_11, %dot_general3A_2680 {dimension_numbers = #tpu.dot_dimension_numbers<[1], [0], [0], [1], [0, 0, 1, 1], [], []>, transpose_lhs_hint = false} : vector<16x256xf32>, vector<256x256xf32>, vector<16x256xf32> -> vector<16x256xf32>
      %add3A_2682 = arith.addf %slice3A_2679, %dot_general3A_2681 : vector<16x256xf32>
      %dot_general3A_2683 = arith.constant dense<0.000000e+00> : vector<16x256xf32>
      %dot_general3A_2684 = tpu.matmul %tanh3A_2661, %get3A_14, %dot_general3A_2683 {dimension_numbers = #tpu.dot_dimension_numbers<[1], [0], [0], [1], [0, 0, 1, 1], [], []>, transpose_lhs_hint = false} : vector<16x256xf32>, vector<256x256xf32>, vector<16x256xf32> -> vector<16x256xf32>
      %add3A_2685 = arith.addf %add3A_2682, %dot_general3A_2684 : vector<16x256xf32>
      %slice3A_2686 = vector.extract_strided_slice %get3A_2678 {offsets = [0, 256], sizes = [16, 256], strides = [1, 1]} : vector<16x512xf32> to vector<16x256xf32>
      %dot_general3A_2687 = arith.constant dense<0.000000e+00> : vector<16x256xf32>
      %dot_general3A_2688 = tpu.matmul %tanh3A_2660, %get3A_17, %dot_general3A_2687 {dimension_numbers = #tpu.dot_dimension_numbers<[1], [0], [0], [1], [0, 0, 1, 1], [], []>, transpose_lhs_hint = false} : vector<16x256xf32>, vector<256x256xf32>, vector<16x256xf32> -> vector<16x256xf32>
      %add3A_2689 = arith.addf %slice3A_2686, %dot_general3A_2688 : vector<16x256xf32>
      %dot_general3A_2690 = arith.constant dense<0.000000e+00> : vector<16x256xf32>
      %dot_general3A_2691 = tpu.matmul %tanh3A_2661, %get3A_20, %dot_general3A_2690 {dimension_numbers = #tpu.dot_dimension_numbers<[1], [0], [0], [1], [0, 0, 1, 1], [], []>, transpose_lhs_hint = false} : vector<16x256xf32>, vector<256x256xf32>, vector<16x256xf32> -> vector<16x256xf32>
      %add3A_2692 = arith.addf %add3A_2689, %dot_general3A_2691 : vector<16x256xf32>
      %tanh3A_2693 = math.tanh %add3A_2685 : vector<16x256xf32>
      %tanh3A_2694 = math.tanh %add3A_2692 : vector<16x256xf32>
      %swap3A_2695 = arith.constant 0 : index
      %swap3A_2696 = arith.constant 80 : index
      %swap3A_2697 = arith.constant 0 : index
      %swap3A_2698 = vector.load %arg7[%swap3A_2695, %swap3A_2696, %swap3A_2697] : memref<16x128x512xf32, #tpu.memory_space<vmem>>, vector<16x1x256xf32>
      %swap3A_2699 = vector.shape_cast %swap3A_2698 : vector<16x1x256xf32> to vector<16x256xf32>
      %swap3A_2700 = vector.shape_cast %tanh3A_2693 : vector<16x256xf32> to vector<16x1x256xf32>
      tpu.vector_store %arg7[%swap3A_2695, %swap3A_2696, %swap3A_2697], %swap3A_2700 {strides = array<i32>} : memref<16x128x512xf32, #tpu.memory_space<vmem>>, vector<16x1x256xf32>,
      %swap3A_2701 = arith.constant 0 : index
      %swap3A_2702 = arith.constant 80 : index
      %swap3A_2703 = arith.constant 256 : index
      %swap3A_2704 = vector.load %arg7[%swap3A_2701, %swap3A_2702, %swap3A_2703] : memref<16x128x512xf32, #tpu.memory_space<vmem>>, vector<16x1x256xf32>
      %swap3A_2705 = vector.shape_cast %swap3A_2704 : vector<16x1x256xf32> to vector<16x256xf32>
      %swap3A_2706 = vector.shape_cast %tanh3A_2694 : vector<16x256xf32> to vector<16x1x256xf32>
      tpu.vector_store %arg7[%swap3A_2701, %swap3A_2702, %swap3A_2703], %swap3A_2706 {strides = array<i32>} : memref<16x128x512xf32, #tpu.memory_space<vmem>>, vector<16x1x256xf32>,
      %get3A_2707 = arith.index_cast %select_n3A_31 : i32 to index
      %get3A_2708 = arith.constant 1296 : index
      %get3A_2709 = arith.constant 0 : index
      %get3A_2710 = vector.load %arg9[%get3A_2707, %get3A_2708, %get3A_2709] : memref<2x2048x512xf32, #tpu.memory_space<vmem>>, vector<1x16x512xf32>
      %get3A_2711 = vector.shape_cast %get3A_2710 : vector<1x16x512xf32> to vector<16x512xf32>
      %slice3A_2712 = vector.extract_strided_slice %get3A_2711 {offsets = [0, 0], sizes = [16, 256], strides = [1, 1]} : vector<16x512xf32> to vector<16x256xf32>
      %dot_general3A_2713 = arith.constant dense<0.000000e+00> : vector<16x256xf32>
      %dot_general3A_2714 = tpu.matmul %tanh3A_2693, %get3A_11, %dot_general3A_2713 {dimension_numbers = #tpu.dot_dimension_numbers<[1], [0], [0], [1], [0, 0, 1, 1], [], []>, transpose_lhs_hint = false} : vector<16x256xf32>, vector<256x256xf32>, vector<16x256xf32> -> vector<16x256xf32>
      %add3A_2715 = arith.addf %slice3A_2712, %dot_general3A_2714 : vector<16x256xf32>
      %dot_general3A_2716 = arith.constant dense<0.000000e+00> : vector<16x256xf32>
      %dot_general3A_2717 = tpu.matmul %tanh3A_2694, %get3A_14, %dot_general3A_2716 {dimension_numbers = #tpu.dot_dimension_numbers<[1], [0], [0], [1], [0, 0, 1, 1], [], []>, transpose_lhs_hint = false} : vector<16x256xf32>, vector<256x256xf32>, vector<16x256xf32> -> vector<16x256xf32>
      %add3A_2718 = arith.addf %add3A_2715, %dot_general3A_2717 : vector<16x256xf32>
      %slice3A_2719 = vector.extract_strided_slice %get3A_2711 {offsets = [0, 256], sizes = [16, 256], strides = [1, 1]} : vector<16x512xf32> to vector<16x256xf32>
      %dot_general3A_2720 = arith.constant dense<0.000000e+00> : vector<16x256xf32>
      %dot_general3A_2721 = tpu.matmul %tanh3A_2693, %get3A_17, %dot_general3A_2720 {dimension_numbers = #tpu.dot_dimension_numbers<[1], [0], [0], [1], [0, 0, 1, 1], [], []>, transpose_lhs_hint = false} : vector<16x256xf32>, vector<256x256xf32>, vector<16x256xf32> -> vector<16x256xf32>
      %add3A_2722 = arith.addf %slice3A_2719, %dot_general3A_2721 : vector<16x256xf32>
      %dot_general3A_2723 = arith.constant dense<0.000000e+00> : vector<16x256xf32>
      %dot_general3A_2724 = tpu.matmul %tanh3A_2694, %get3A_20, %dot_general3A_2723 {dimension_numbers = #tpu.dot_dimension_numbers<[1], [0], [0], [1], [0, 0, 1, 1], [], []>, transpose_lhs_hint = false} : vector<16x256xf32>, vector<256x256xf32>, vector<16x256xf32> -> vector<16x256xf32>
      %add3A_2725 = arith.addf %add3A_2722, %dot_general3A_2724 : vector<16x256xf32>
      %tanh3A_2726 = math.tanh %add3A_2718 : vector<16x256xf32>
      %tanh3A_2727 = math.tanh %add3A_2725 : vector<16x256xf32>
      %swap3A_2728 = arith.constant 0 : index
      %swap3A_2729 = arith.constant 81 : index
      %swap3A_2730 = arith.constant 0 : index
      %swap3A_2731 = vector.load %arg7[%swap3A_2728, %swap3A_2729, %swap3A_2730] : memref<16x128x512xf32, #tpu.memory_space<vmem>>, vector<16x1x256xf32>
      %swap3A_2732 = vector.shape_cast %swap3A_2731 : vector<16x1x256xf32> to vector<16x256xf32>
      %swap3A_2733 = vector.shape_cast %tanh3A_2726 : vector<16x256xf32> to vector<16x1x256xf32>
      tpu.vector_store %arg7[%swap3A_2728, %swap3A_2729, %swap3A_2730], %swap3A_2733 {strides = array<i32>} : memref<16x128x512xf32, #tpu.memory_space<vmem>>, vector<16x1x256xf32>,
      %swap3A_2734 = arith.constant 0 : index
      %swap3A_2735 = arith.constant 81 : index
      %swap3A_2736 = arith.constant 256 : index
      %swap3A_2737 = vector.load %arg7[%swap3A_2734, %swap3A_2735, %swap3A_2736] : memref<16x128x512xf32, #tpu.memory_space<vmem>>, vector<16x1x256xf32>
      %swap3A_2738 = vector.shape_cast %swap3A_2737 : vector<16x1x256xf32> to vector<16x256xf32>
      %swap3A_2739 = vector.shape_cast %tanh3A_2727 : vector<16x256xf32> to vector<16x1x256xf32>
      tpu.vector_store %arg7[%swap3A_2734, %swap3A_2735, %swap3A_2736], %swap3A_2739 {strides = array<i32>} : memref<16x128x512xf32, #tpu.memory_space<vmem>>, vector<16x1x256xf32>,
      %get3A_2740 = arith.index_cast %select_n3A_31 : i32 to index
      %get3A_2741 = arith.constant 1312 : index
      %get3A_2742 = arith.constant 0 : index
      %get3A_2743 = vector.load %arg9[%get3A_2740, %get3A_2741, %get3A_2742] : memref<2x2048x512xf32, #tpu.memory_space<vmem>>, vector<1x16x512xf32>
      %get3A_2744 = vector.shape_cast %get3A_2743 : vector<1x16x512xf32> to vector<16x512xf32>
      %slice3A_2745 = vector.extract_strided_slice %get3A_2744 {offsets = [0, 0], sizes = [16, 256], strides = [1, 1]} : vector<16x512xf32> to vector<16x256xf32>
      %dot_general3A_2746 = arith.constant dense<0.000000e+00> : vector<16x256xf32>
      %dot_general3A_2747 = tpu.matmul %tanh3A_2726, %get3A_11, %dot_general3A_2746 {dimension_numbers = #tpu.dot_dimension_numbers<[1], [0], [0], [1], [0, 0, 1, 1], [], []>, transpose_lhs_hint = false} : vector<16x256xf32>, vector<256x256xf32>, vector<16x256xf32> -> vector<16x256xf32>
      %add3A_2748 = arith.addf %slice3A_2745, %dot_general3A_2747 : vector<16x256xf32>
      %dot_general3A_2749 = arith.constant dense<0.000000e+00> : vector<16x256xf32>
      %dot_general3A_2750 = tpu.matmul %tanh3A_2727, %get3A_14, %dot_general3A_2749 {dimension_numbers = #tpu.dot_dimension_numbers<[1], [0], [0], [1], [0, 0, 1, 1], [], []>, transpose_lhs_hint = false} : vector<16x256xf32>, vector<256x256xf32>, vector<16x256xf32> -> vector<16x256xf32>
      %add3A_2751 = arith.addf %add3A_2748, %dot_general3A_2750 : vector<16x256xf32>
      %slice3A_2752 = vector.extract_strided_slice %get3A_2744 {offsets = [0, 256], sizes = [16, 256], strides = [1, 1]} : vector<16x512xf32> to vector<16x256xf32>
      %dot_general3A_2753 = arith.constant dense<0.000000e+00> : vector<16x256xf32>
      %dot_general3A_2754 = tpu.matmul %tanh3A_2726, %get3A_17, %dot_general3A_2753 {dimension_numbers = #tpu.dot_dimension_numbers<[1], [0], [0], [1], [0, 0, 1, 1], [], []>, transpose_lhs_hint = false} : vector<16x256xf32>, vector<256x256xf32>, vector<16x256xf32> -> vector<16x256xf32>
      %add3A_2755 = arith.addf %slice3A_2752, %dot_general3A_2754 : vector<16x256xf32>
      %dot_general3A_2756 = arith.constant dense<0.000000e+00> : vector<16x256xf32>
      %dot_general3A_2757 = tpu.matmul %tanh3A_2727, %get3A_20, %dot_general3A_2756 {dimension_numbers = #tpu.dot_dimension_numbers<[1], [0], [0], [1], [0, 0, 1, 1], [], []>, transpose_lhs_hint = false} : vector<16x256xf32>, vector<256x256xf32>, vector<16x256xf32> -> vector<16x256xf32>
      %add3A_2758 = arith.addf %add3A_2755, %dot_general3A_2757 : vector<16x256xf32>
      %tanh3A_2759 = math.tanh %add3A_2751 : vector<16x256xf32>
      %tanh3A_2760 = math.tanh %add3A_2758 : vector<16x256xf32>
      %swap3A_2761 = arith.constant 0 : index
      %swap3A_2762 = arith.constant 82 : index
      %swap3A_2763 = arith.constant 0 : index
      %swap3A_2764 = vector.load %arg7[%swap3A_2761, %swap3A_2762, %swap3A_2763] : memref<16x128x512xf32, #tpu.memory_space<vmem>>, vector<16x1x256xf32>
      %swap3A_2765 = vector.shape_cast %swap3A_2764 : vector<16x1x256xf32> to vector<16x256xf32>
      %swap3A_2766 = vector.shape_cast %tanh3A_2759 : vector<16x256xf32> to vector<16x1x256xf32>
      tpu.vector_store %arg7[%swap3A_2761, %swap3A_2762, %swap3A_2763], %swap3A_2766 {strides = array<i32>} : memref<16x128x512xf32, #tpu.memory_space<vmem>>, vector<16x1x256xf32>,
      %swap3A_2767 = arith.constant 0 : index
      %swap3A_2768 = arith.constant 82 : index
      %swap3A_2769 = arith.constant 256 : index
      %swap3A_2770 = vector.load %arg7[%swap3A_2767, %swap3A_2768, %swap3A_2769] : memref<16x128x512xf32, #tpu.memory_space<vmem>>, vector<16x1x256xf32>
      %swap3A_2771 = vector.shape_cast %swap3A_2770 : vector<16x1x256xf32> to vector<16x256xf32>
      %swap3A_2772 = vector.shape_cast %tanh3A_2760 : vector<16x256xf32> to vector<16x1x256xf32>
      tpu.vector_store %arg7[%swap3A_2767, %swap3A_2768, %swap3A_2769], %swap3A_2772 {strides = array<i32>} : memref<16x128x512xf32, #tpu.memory_space<vmem>>, vector<16x1x256xf32>,
      %get3A_2773 = arith.index_cast %select_n3A_31 : i32 to index
      %get3A_2774 = arith.constant 1328 : index
      %get3A_2775 = arith.constant 0 : index
      %get3A_2776 = vector.load %arg9[%get3A_2773, %get3A_2774, %get3A_2775] : memref<2x2048x512xf32, #tpu.memory_space<vmem>>, vector<1x16x512xf32>
      %get3A_2777 = vector.shape_cast %get3A_2776 : vector<1x16x512xf32> to vector<16x512xf32>
      %slice3A_2778 = vector.extract_strided_slice %get3A_2777 {offsets = [0, 0], sizes = [16, 256], strides = [1, 1]} : vector<16x512xf32> to vector<16x256xf32>
      %dot_general3A_2779 = arith.constant dense<0.000000e+00> : vector<16x256xf32>
      %dot_general3A_2780 = tpu.matmul %tanh3A_2759, %get3A_11, %dot_general3A_2779 {dimension_numbers = #tpu.dot_dimension_numbers<[1], [0], [0], [1], [0, 0, 1, 1], [], []>, transpose_lhs_hint = false} : vector<16x256xf32>, vector<256x256xf32>, vector<16x256xf32> -> vector<16x256xf32>
      %add3A_2781 = arith.addf %slice3A_2778, %dot_general3A_2780 : vector<16x256xf32>
      %dot_general3A_2782 = arith.constant dense<0.000000e+00> : vector<16x256xf32>
      %dot_general3A_2783 = tpu.matmul %tanh3A_2760, %get3A_14, %dot_general3A_2782 {dimension_numbers = #tpu.dot_dimension_numbers<[1], [0], [0], [1], [0, 0, 1, 1], [], []>, transpose_lhs_hint = false} : vector<16x256xf32>, vector<256x256xf32>, vector<16x256xf32> -> vector<16x256xf32>
      %add3A_2784 = arith.addf %add3A_2781, %dot_general3A_2783 : vector<16x256xf32>
      %slice3A_2785 = vector.extract_strided_slice %get3A_2777 {offsets = [0, 256], sizes = [16, 256], strides = [1, 1]} : vector<16x512xf32> to vector<16x256xf32>
      %dot_general3A_2786 = arith.constant dense<0.000000e+00> : vector<16x256xf32>
      %dot_general3A_2787 = tpu.matmul %tanh3A_2759, %get3A_17, %dot_general3A_2786 {dimension_numbers = #tpu.dot_dimension_numbers<[1], [0], [0], [1], [0, 0, 1, 1], [], []>, transpose_lhs_hint = false} : vector<16x256xf32>, vector<256x256xf32>, vector<16x256xf32> -> vector<16x256xf32>
      %add3A_2788 = arith.addf %slice3A_2785, %dot_general3A_2787 : vector<16x256xf32>
      %dot_general3A_2789 = arith.constant dense<0.000000e+00> : vector<16x256xf32>
      %dot_general3A_2790 = tpu.matmul %tanh3A_2760, %get3A_20, %dot_general3A_2789 {dimension_numbers = #tpu.dot_dimension_numbers<[1], [0], [0], [1], [0, 0, 1, 1], [], []>, transpose_lhs_hint = false} : vector<16x256xf32>, vector<256x256xf32>, vector<16x256xf32> -> vector<16x256xf32>
      %add3A_2791 = arith.addf %add3A_2788, %dot_general3A_2790 : vector<16x256xf32>
      %tanh3A_2792 = math.tanh %add3A_2784 : vector<16x256xf32>
      %tanh3A_2793 = math.tanh %add3A_2791 : vector<16x256xf32>
      %swap3A_2794 = arith.constant 0 : index
      %swap3A_2795 = arith.constant 83 : index
      %swap3A_2796 = arith.constant 0 : index
      %swap3A_2797 = vector.load %arg7[%swap3A_2794, %swap3A_2795, %swap3A_2796] : memref<16x128x512xf32, #tpu.memory_space<vmem>>, vector<16x1x256xf32>
      %swap3A_2798 = vector.shape_cast %swap3A_2797 : vector<16x1x256xf32> to vector<16x256xf32>
      %swap3A_2799 = vector.shape_cast %tanh3A_2792 : vector<16x256xf32> to vector<16x1x256xf32>
      tpu.vector_store %arg7[%swap3A_2794, %swap3A_2795, %swap3A_2796], %swap3A_2799 {strides = array<i32>} : memref<16x128x512xf32, #tpu.memory_space<vmem>>, vector<16x1x256xf32>,
      %swap3A_2800 = arith.constant 0 : index
      %swap3A_2801 = arith.constant 83 : index
      %swap3A_2802 = arith.constant 256 : index
      %swap3A_2803 = vector.load %arg7[%swap3A_2800, %swap3A_2801, %swap3A_2802] : memref<16x128x512xf32, #tpu.memory_space<vmem>>, vector<16x1x256xf32>
      %swap3A_2804 = vector.shape_cast %swap3A_2803 : vector<16x1x256xf32> to vector<16x256xf32>
      %swap3A_2805 = vector.shape_cast %tanh3A_2793 : vector<16x256xf32> to vector<16x1x256xf32>
      tpu.vector_store %arg7[%swap3A_2800, %swap3A_2801, %swap3A_2802], %swap3A_2805 {strides = array<i32>} : memref<16x128x512xf32, #tpu.memory_space<vmem>>, vector<16x1x256xf32>,
      %get3A_2806 = arith.index_cast %select_n3A_31 : i32 to index
      %get3A_2807 = arith.constant 1344 : index
      %get3A_2808 = arith.constant 0 : index
      %get3A_2809 = vector.load %arg9[%get3A_2806, %get3A_2807, %get3A_2808] : memref<2x2048x512xf32, #tpu.memory_space<vmem>>, vector<1x16x512xf32>
      %get3A_2810 = vector.shape_cast %get3A_2809 : vector<1x16x512xf32> to vector<16x512xf32>
      %slice3A_2811 = vector.extract_strided_slice %get3A_2810 {offsets = [0, 0], sizes = [16, 256], strides = [1, 1]} : vector<16x512xf32> to vector<16x256xf32>
      %dot_general3A_2812 = arith.constant dense<0.000000e+00> : vector<16x256xf32>
      %dot_general3A_2813 = tpu.matmul %tanh3A_2792, %get3A_11, %dot_general3A_2812 {dimension_numbers = #tpu.dot_dimension_numbers<[1], [0], [0], [1], [0, 0, 1, 1], [], []>, transpose_lhs_hint = false} : vector<16x256xf32>, vector<256x256xf32>, vector<16x256xf32> -> vector<16x256xf32>
      %add3A_2814 = arith.addf %slice3A_2811, %dot_general3A_2813 : vector<16x256xf32>
      %dot_general3A_2815 = arith.constant dense<0.000000e+00> : vector<16x256xf32>
      %dot_general3A_2816 = tpu.matmul %tanh3A_2793, %get3A_14, %dot_general3A_2815 {dimension_numbers = #tpu.dot_dimension_numbers<[1], [0], [0], [1], [0, 0, 1, 1], [], []>, transpose_lhs_hint = false} : vector<16x256xf32>, vector<256x256xf32>, vector<16x256xf32> -> vector<16x256xf32>
      %add3A_2817 = arith.addf %add3A_2814, %dot_general3A_2816 : vector<16x256xf32>
      %slice3A_2818 = vector.extract_strided_slice %get3A_2810 {offsets = [0, 256], sizes = [16, 256], strides = [1, 1]} : vector<16x512xf32> to vector<16x256xf32>
      %dot_general3A_2819 = arith.constant dense<0.000000e+00> : vector<16x256xf32>
      %dot_general3A_2820 = tpu.matmul %tanh3A_2792, %get3A_17, %dot_general3A_2819 {dimension_numbers = #tpu.dot_dimension_numbers<[1], [0], [0], [1], [0, 0, 1, 1], [], []>, transpose_lhs_hint = false} : vector<16x256xf32>, vector<256x256xf32>, vector<16x256xf32> -> vector<16x256xf32>
      %add3A_2821 = arith.addf %slice3A_2818, %dot_general3A_2820 : vector<16x256xf32>
      %dot_general3A_2822 = arith.constant dense<0.000000e+00> : vector<16x256xf32>
      %dot_general3A_2823 = tpu.matmul %tanh3A_2793, %get3A_20, %dot_general3A_2822 {dimension_numbers = #tpu.dot_dimension_numbers<[1], [0], [0], [1], [0, 0, 1, 1], [], []>, transpose_lhs_hint = false} : vector<16x256xf32>, vector<256x256xf32>, vector<16x256xf32> -> vector<16x256xf32>
      %add3A_2824 = arith.addf %add3A_2821, %dot_general3A_2823 : vector<16x256xf32>
      %tanh3A_2825 = math.tanh %add3A_2817 : vector<16x256xf32>
      %tanh3A_2826 = math.tanh %add3A_2824 : vector<16x256xf32>
      %swap3A_2827 = arith.constant 0 : index
      %swap3A_2828 = arith.constant 84 : index
      %swap3A_2829 = arith.constant 0 : index
      %swap3A_2830 = vector.load %arg7[%swap3A_2827, %swap3A_2828, %swap3A_2829] : memref<16x128x512xf32, #tpu.memory_space<vmem>>, vector<16x1x256xf32>
      %swap3A_2831 = vector.shape_cast %swap3A_2830 : vector<16x1x256xf32> to vector<16x256xf32>
      %swap3A_2832 = vector.shape_cast %tanh3A_2825 : vector<16x256xf32> to vector<16x1x256xf32>
      tpu.vector_store %arg7[%swap3A_2827, %swap3A_2828, %swap3A_2829], %swap3A_2832 {strides = array<i32>} : memref<16x128x512xf32, #tpu.memory_space<vmem>>, vector<16x1x256xf32>,
      %swap3A_2833 = arith.constant 0 : index
      %swap3A_2834 = arith.constant 84 : index
      %swap3A_2835 = arith.constant 256 : index
      %swap3A_2836 = vector.load %arg7[%swap3A_2833, %swap3A_2834, %swap3A_2835] : memref<16x128x512xf32, #tpu.memory_space<vmem>>, vector<16x1x256xf32>
      %swap3A_2837 = vector.shape_cast %swap3A_2836 : vector<16x1x256xf32> to vector<16x256xf32>
      %swap3A_2838 = vector.shape_cast %tanh3A_2826 : vector<16x256xf32> to vector<16x1x256xf32>
      tpu.vector_store %arg7[%swap3A_2833, %swap3A_2834, %swap3A_2835], %swap3A_2838 {strides = array<i32>} : memref<16x128x512xf32, #tpu.memory_space<vmem>>, vector<16x1x256xf32>,
      %get3A_2839 = arith.index_cast %select_n3A_31 : i32 to index
      %get3A_2840 = arith.constant 1360 : index
      %get3A_2841 = arith.constant 0 : index
      %get3A_2842 = vector.load %arg9[%get3A_2839, %get3A_2840, %get3A_2841] : memref<2x2048x512xf32, #tpu.memory_space<vmem>>, vector<1x16x512xf32>
      %get3A_2843 = vector.shape_cast %get3A_2842 : vector<1x16x512xf32> to vector<16x512xf32>
      %slice3A_2844 = vector.extract_strided_slice %get3A_2843 {offsets = [0, 0], sizes = [16, 256], strides = [1, 1]} : vector<16x512xf32> to vector<16x256xf32>
      %dot_general3A_2845 = arith.constant dense<0.000000e+00> : vector<16x256xf32>
      %dot_general3A_2846 = tpu.matmul %tanh3A_2825, %get3A_11, %dot_general3A_2845 {dimension_numbers = #tpu.dot_dimension_numbers<[1], [0], [0], [1], [0, 0, 1, 1], [], []>, transpose_lhs_hint = false} : vector<16x256xf32>, vector<256x256xf32>, vector<16x256xf32> -> vector<16x256xf32>
      %add3A_2847 = arith.addf %slice3A_2844, %dot_general3A_2846 : vector<16x256xf32>
      %dot_general3A_2848 = arith.constant dense<0.000000e+00> : vector<16x256xf32>
      %dot_general3A_2849 = tpu.matmul %tanh3A_2826, %get3A_14, %dot_general3A_2848 {dimension_numbers = #tpu.dot_dimension_numbers<[1], [0], [0], [1], [0, 0, 1, 1], [], []>, transpose_lhs_hint = false} : vector<16x256xf32>, vector<256x256xf32>, vector<16x256xf32> -> vector<16x256xf32>
      %add3A_2850 = arith.addf %add3A_2847, %dot_general3A_2849 : vector<16x256xf32>
      %slice3A_2851 = vector.extract_strided_slice %get3A_2843 {offsets = [0, 256], sizes = [16, 256], strides = [1, 1]} : vector<16x512xf32> to vector<16x256xf32>
      %dot_general3A_2852 = arith.constant dense<0.000000e+00> : vector<16x256xf32>
      %dot_general3A_2853 = tpu.matmul %tanh3A_2825, %get3A_17, %dot_general3A_2852 {dimension_numbers = #tpu.dot_dimension_numbers<[1], [0], [0], [1], [0, 0, 1, 1], [], []>, transpose_lhs_hint = false} : vector<16x256xf32>, vector<256x256xf32>, vector<16x256xf32> -> vector<16x256xf32>
      %add3A_2854 = arith.addf %slice3A_2851, %dot_general3A_2853 : vector<16x256xf32>
      %dot_general3A_2855 = arith.constant dense<0.000000e+00> : vector<16x256xf32>
      %dot_general3A_2856 = tpu.matmul %tanh3A_2826, %get3A_20, %dot_general3A_2855 {dimension_numbers = #tpu.dot_dimension_numbers<[1], [0], [0], [1], [0, 0, 1, 1], [], []>, transpose_lhs_hint = false} : vector<16x256xf32>, vector<256x256xf32>, vector<16x256xf32> -> vector<16x256xf32>
      %add3A_2857 = arith.addf %add3A_2854, %dot_general3A_2856 : vector<16x256xf32>
      %tanh3A_2858 = math.tanh %add3A_2850 : vector<16x256xf32>
      %tanh3A_2859 = math.tanh %add3A_2857 : vector<16x256xf32>
      %swap3A_2860 = arith.constant 0 : index
      %swap3A_2861 = arith.constant 85 : index
      %swap3A_2862 = arith.constant 0 : index
      %swap3A_2863 = vector.load %arg7[%swap3A_2860, %swap3A_2861, %swap3A_2862] : memref<16x128x512xf32, #tpu.memory_space<vmem>>, vector<16x1x256xf32>
      %swap3A_2864 = vector.shape_cast %swap3A_2863 : vector<16x1x256xf32> to vector<16x256xf32>
      %swap3A_2865 = vector.shape_cast %tanh3A_2858 : vector<16x256xf32> to vector<16x1x256xf32>
      tpu.vector_store %arg7[%swap3A_2860, %swap3A_2861, %swap3A_2862], %swap3A_2865 {strides = array<i32>} : memref<16x128x512xf32, #tpu.memory_space<vmem>>, vector<16x1x256xf32>,
      %swap3A_2866 = arith.constant 0 : index
      %swap3A_2867 = arith.constant 85 : index
      %swap3A_2868 = arith.constant 256 : index
      %swap3A_2869 = vector.load %arg7[%swap3A_2866, %swap3A_2867, %swap3A_2868] : memref<16x128x512xf32, #tpu.memory_space<vmem>>, vector<16x1x256xf32>
      %swap3A_2870 = vector.shape_cast %swap3A_2869 : vector<16x1x256xf32> to vector<16x256xf32>
      %swap3A_2871 = vector.shape_cast %tanh3A_2859 : vector<16x256xf32> to vector<16x1x256xf32>
      tpu.vector_store %arg7[%swap3A_2866, %swap3A_2867, %swap3A_2868], %swap3A_2871 {strides = array<i32>} : memref<16x128x512xf32, #tpu.memory_space<vmem>>, vector<16x1x256xf32>,
      %get3A_2872 = arith.index_cast %select_n3A_31 : i32 to index
      %get3A_2873 = arith.constant 1376 : index
      %get3A_2874 = arith.constant 0 : index
      %get3A_2875 = vector.load %arg9[%get3A_2872, %get3A_2873, %get3A_2874] : memref<2x2048x512xf32, #tpu.memory_space<vmem>>, vector<1x16x512xf32>
      %get3A_2876 = vector.shape_cast %get3A_2875 : vector<1x16x512xf32> to vector<16x512xf32>
      %slice3A_2877 = vector.extract_strided_slice %get3A_2876 {offsets = [0, 0], sizes = [16, 256], strides = [1, 1]} : vector<16x512xf32> to vector<16x256xf32>
      %dot_general3A_2878 = arith.constant dense<0.000000e+00> : vector<16x256xf32>
      %dot_general3A_2879 = tpu.matmul %tanh3A_2858, %get3A_11, %dot_general3A_2878 {dimension_numbers = #tpu.dot_dimension_numbers<[1], [0], [0], [1], [0, 0, 1, 1], [], []>, transpose_lhs_hint = false} : vector<16x256xf32>, vector<256x256xf32>, vector<16x256xf32> -> vector<16x256xf32>
      %add3A_2880 = arith.addf %slice3A_2877, %dot_general3A_2879 : vector<16x256xf32>
      %dot_general3A_2881 = arith.constant dense<0.000000e+00> : vector<16x256xf32>
      %dot_general3A_2882 = tpu.matmul %tanh3A_2859, %get3A_14, %dot_general3A_2881 {dimension_numbers = #tpu.dot_dimension_numbers<[1], [0], [0], [1], [0, 0, 1, 1], [], []>, transpose_lhs_hint = false} : vector<16x256xf32>, vector<256x256xf32>, vector<16x256xf32> -> vector<16x256xf32>
      %add3A_2883 = arith.addf %add3A_2880, %dot_general3A_2882 : vector<16x256xf32>
      %slice3A_2884 = vector.extract_strided_slice %get3A_2876 {offsets = [0, 256], sizes = [16, 256], strides = [1, 1]} : vector<16x512xf32> to vector<16x256xf32>
      %dot_general3A_2885 = arith.constant dense<0.000000e+00> : vector<16x256xf32>
      %dot_general3A_2886 = tpu.matmul %tanh3A_2858, %get3A_17, %dot_general3A_2885 {dimension_numbers = #tpu.dot_dimension_numbers<[1], [0], [0], [1], [0, 0, 1, 1], [], []>, transpose_lhs_hint = false} : vector<16x256xf32>, vector<256x256xf32>, vector<16x256xf32> -> vector<16x256xf32>
      %add3A_2887 = arith.addf %slice3A_2884, %dot_general3A_2886 : vector<16x256xf32>
      %dot_general3A_2888 = arith.constant dense<0.000000e+00> : vector<16x256xf32>
      %dot_general3A_2889 = tpu.matmul %tanh3A_2859, %get3A_20, %dot_general3A_2888 {dimension_numbers = #tpu.dot_dimension_numbers<[1], [0], [0], [1], [0, 0, 1, 1], [], []>, transpose_lhs_hint = false} : vector<16x256xf32>, vector<256x256xf32>, vector<16x256xf32> -> vector<16x256xf32>
      %add3A_2890 = arith.addf %add3A_2887, %dot_general3A_2889 : vector<16x256xf32>
      %tanh3A_2891 = math.tanh %add3A_2883 : vector<16x256xf32>
      %tanh3A_2892 = math.tanh %add3A_2890 : vector<16x256xf32>
      %swap3A_2893 = arith.constant 0 : index
      %swap3A_2894 = arith.constant 86 : index
      %swap3A_2895 = arith.constant 0 : index
      %swap3A_2896 = vector.load %arg7[%swap3A_2893, %swap3A_2894, %swap3A_2895] : memref<16x128x512xf32, #tpu.memory_space<vmem>>, vector<16x1x256xf32>
      %swap3A_2897 = vector.shape_cast %swap3A_2896 : vector<16x1x256xf32> to vector<16x256xf32>
      %swap3A_2898 = vector.shape_cast %tanh3A_2891 : vector<16x256xf32> to vector<16x1x256xf32>
      tpu.vector_store %arg7[%swap3A_2893, %swap3A_2894, %swap3A_2895], %swap3A_2898 {strides = array<i32>} : memref<16x128x512xf32, #tpu.memory_space<vmem>>, vector<16x1x256xf32>,
      %swap3A_2899 = arith.constant 0 : index
      %swap3A_2900 = arith.constant 86 : index
      %swap3A_2901 = arith.constant 256 : index
      %swap3A_2902 = vector.load %arg7[%swap3A_2899, %swap3A_2900, %swap3A_2901] : memref<16x128x512xf32, #tpu.memory_space<vmem>>, vector<16x1x256xf32>
      %swap3A_2903 = vector.shape_cast %swap3A_2902 : vector<16x1x256xf32> to vector<16x256xf32>
      %swap3A_2904 = vector.shape_cast %tanh3A_2892 : vector<16x256xf32> to vector<16x1x256xf32>
      tpu.vector_store %arg7[%swap3A_2899, %swap3A_2900, %swap3A_2901], %swap3A_2904 {strides = array<i32>} : memref<16x128x512xf32, #tpu.memory_space<vmem>>, vector<16x1x256xf32>,
      %get3A_2905 = arith.index_cast %select_n3A_31 : i32 to index
      %get3A_2906 = arith.constant 1392 : index
      %get3A_2907 = arith.constant 0 : index
      %get3A_2908 = vector.load %arg9[%get3A_2905, %get3A_2906, %get3A_2907] : memref<2x2048x512xf32, #tpu.memory_space<vmem>>, vector<1x16x512xf32>
      %get3A_2909 = vector.shape_cast %get3A_2908 : vector<1x16x512xf32> to vector<16x512xf32>
      %slice3A_2910 = vector.extract_strided_slice %get3A_2909 {offsets = [0, 0], sizes = [16, 256], strides = [1, 1]} : vector<16x512xf32> to vector<16x256xf32>
      %dot_general3A_2911 = arith.constant dense<0.000000e+00> : vector<16x256xf32>
      %dot_general3A_2912 = tpu.matmul %tanh3A_2891, %get3A_11, %dot_general3A_2911 {dimension_numbers = #tpu.dot_dimension_numbers<[1], [0], [0], [1], [0, 0, 1, 1], [], []>, transpose_lhs_hint = false} : vector<16x256xf32>, vector<256x256xf32>, vector<16x256xf32> -> vector<16x256xf32>
      %add3A_2913 = arith.addf %slice3A_2910, %dot_general3A_2912 : vector<16x256xf32>
      %dot_general3A_2914 = arith.constant dense<0.000000e+00> : vector<16x256xf32>
      %dot_general3A_2915 = tpu.matmul %tanh3A_2892, %get3A_14, %dot_general3A_2914 {dimension_numbers = #tpu.dot_dimension_numbers<[1], [0], [0], [1], [0, 0, 1, 1], [], []>, transpose_lhs_hint = false} : vector<16x256xf32>, vector<256x256xf32>, vector<16x256xf32> -> vector<16x256xf32>
      %add3A_2916 = arith.addf %add3A_2913, %dot_general3A_2915 : vector<16x256xf32>
      %slice3A_2917 = vector.extract_strided_slice %get3A_2909 {offsets = [0, 256], sizes = [16, 256], strides = [1, 1]} : vector<16x512xf32> to vector<16x256xf32>
      %dot_general3A_2918 = arith.constant dense<0.000000e+00> : vector<16x256xf32>
      %dot_general3A_2919 = tpu.matmul %tanh3A_2891, %get3A_17, %dot_general3A_2918 {dimension_numbers = #tpu.dot_dimension_numbers<[1], [0], [0], [1], [0, 0, 1, 1], [], []>, transpose_lhs_hint = false} : vector<16x256xf32>, vector<256x256xf32>, vector<16x256xf32> -> vector<16x256xf32>
      %add3A_2920 = arith.addf %slice3A_2917, %dot_general3A_2919 : vector<16x256xf32>
      %dot_general3A_2921 = arith.constant dense<0.000000e+00> : vector<16x256xf32>
      %dot_general3A_2922 = tpu.matmul %tanh3A_2892, %get3A_20, %dot_general3A_2921 {dimension_numbers = #tpu.dot_dimension_numbers<[1], [0], [0], [1], [0, 0, 1, 1], [], []>, transpose_lhs_hint = false} : vector<16x256xf32>, vector<256x256xf32>, vector<16x256xf32> -> vector<16x256xf32>
      %add3A_2923 = arith.addf %add3A_2920, %dot_general3A_2922 : vector<16x256xf32>
      %tanh3A_2924 = math.tanh %add3A_2916 : vector<16x256xf32>
      %tanh3A_2925 = math.tanh %add3A_2923 : vector<16x256xf32>
      %swap3A_2926 = arith.constant 0 : index
      %swap3A_2927 = arith.constant 87 : index
      %swap3A_2928 = arith.constant 0 : index
      %swap3A_2929 = vector.load %arg7[%swap3A_2926, %swap3A_2927, %swap3A_2928] : memref<16x128x512xf32, #tpu.memory_space<vmem>>, vector<16x1x256xf32>
      %swap3A_2930 = vector.shape_cast %swap3A_2929 : vector<16x1x256xf32> to vector<16x256xf32>
      %swap3A_2931 = vector.shape_cast %tanh3A_2924 : vector<16x256xf32> to vector<16x1x256xf32>
      tpu.vector_store %arg7[%swap3A_2926, %swap3A_2927, %swap3A_2928], %swap3A_2931 {strides = array<i32>} : memref<16x128x512xf32, #tpu.memory_space<vmem>>, vector<16x1x256xf32>,
      %swap3A_2932 = arith.constant 0 : index
      %swap3A_2933 = arith.constant 87 : index
      %swap3A_2934 = arith.constant 256 : index
      %swap3A_2935 = vector.load %arg7[%swap3A_2932, %swap3A_2933, %swap3A_2934] : memref<16x128x512xf32, #tpu.memory_space<vmem>>, vector<16x1x256xf32>
      %swap3A_2936 = vector.shape_cast %swap3A_2935 : vector<16x1x256xf32> to vector<16x256xf32>
      %swap3A_2937 = vector.shape_cast %tanh3A_2925 : vector<16x256xf32> to vector<16x1x256xf32>
      tpu.vector_store %arg7[%swap3A_2932, %swap3A_2933, %swap3A_2934], %swap3A_2937 {strides = array<i32>} : memref<16x128x512xf32, #tpu.memory_space<vmem>>, vector<16x1x256xf32>,
      %get3A_2938 = arith.index_cast %select_n3A_31 : i32 to index
      %get3A_2939 = arith.constant 1408 : index
      %get3A_2940 = arith.constant 0 : index
      %get3A_2941 = vector.load %arg9[%get3A_2938, %get3A_2939, %get3A_2940] : memref<2x2048x512xf32, #tpu.memory_space<vmem>>, vector<1x16x512xf32>
      %get3A_2942 = vector.shape_cast %get3A_2941 : vector<1x16x512xf32> to vector<16x512xf32>
      %slice3A_2943 = vector.extract_strided_slice %get3A_2942 {offsets = [0, 0], sizes = [16, 256], strides = [1, 1]} : vector<16x512xf32> to vector<16x256xf32>
      %dot_general3A_2944 = arith.constant dense<0.000000e+00> : vector<16x256xf32>
      %dot_general3A_2945 = tpu.matmul %tanh3A_2924, %get3A_11, %dot_general3A_2944 {dimension_numbers = #tpu.dot_dimension_numbers<[1], [0], [0], [1], [0, 0, 1, 1], [], []>, transpose_lhs_hint = false} : vector<16x256xf32>, vector<256x256xf32>, vector<16x256xf32> -> vector<16x256xf32>
      %add3A_2946 = arith.addf %slice3A_2943, %dot_general3A_2945 : vector<16x256xf32>
      %dot_general3A_2947 = arith.constant dense<0.000000e+00> : vector<16x256xf32>
      %dot_general3A_2948 = tpu.matmul %tanh3A_2925, %get3A_14, %dot_general3A_2947 {dimension_numbers = #tpu.dot_dimension_numbers<[1], [0], [0], [1], [0, 0, 1, 1], [], []>, transpose_lhs_hint = false} : vector<16x256xf32>, vector<256x256xf32>, vector<16x256xf32> -> vector<16x256xf32>
      %add3A_2949 = arith.addf %add3A_2946, %dot_general3A_2948 : vector<16x256xf32>
      %slice3A_2950 = vector.extract_strided_slice %get3A_2942 {offsets = [0, 256], sizes = [16, 256], strides = [1, 1]} : vector<16x512xf32> to vector<16x256xf32>
      %dot_general3A_2951 = arith.constant dense<0.000000e+00> : vector<16x256xf32>
      %dot_general3A_2952 = tpu.matmul %tanh3A_2924, %get3A_17, %dot_general3A_2951 {dimension_numbers = #tpu.dot_dimension_numbers<[1], [0], [0], [1], [0, 0, 1, 1], [], []>, transpose_lhs_hint = false} : vector<16x256xf32>, vector<256x256xf32>, vector<16x256xf32> -> vector<16x256xf32>
      %add3A_2953 = arith.addf %slice3A_2950, %dot_general3A_2952 : vector<16x256xf32>
      %dot_general3A_2954 = arith.constant dense<0.000000e+00> : vector<16x256xf32>
      %dot_general3A_2955 = tpu.matmul %tanh3A_2925, %get3A_20, %dot_general3A_2954 {dimension_numbers = #tpu.dot_dimension_numbers<[1], [0], [0], [1], [0, 0, 1, 1], [], []>, transpose_lhs_hint = false} : vector<16x256xf32>, vector<256x256xf32>, vector<16x256xf32> -> vector<16x256xf32>
      %add3A_2956 = arith.addf %add3A_2953, %dot_general3A_2955 : vector<16x256xf32>
      %tanh3A_2957 = math.tanh %add3A_2949 : vector<16x256xf32>
      %tanh3A_2958 = math.tanh %add3A_2956 : vector<16x256xf32>
      %swap3A_2959 = arith.constant 0 : index
      %swap3A_2960 = arith.constant 88 : index
      %swap3A_2961 = arith.constant 0 : index
      %swap3A_2962 = vector.load %arg7[%swap3A_2959, %swap3A_2960, %swap3A_2961] : memref<16x128x512xf32, #tpu.memory_space<vmem>>, vector<16x1x256xf32>
      %swap3A_2963 = vector.shape_cast %swap3A_2962 : vector<16x1x256xf32> to vector<16x256xf32>
      %swap3A_2964 = vector.shape_cast %tanh3A_2957 : vector<16x256xf32> to vector<16x1x256xf32>
      tpu.vector_store %arg7[%swap3A_2959, %swap3A_2960, %swap3A_2961], %swap3A_2964 {strides = array<i32>} : memref<16x128x512xf32, #tpu.memory_space<vmem>>, vector<16x1x256xf32>,
      %swap3A_2965 = arith.constant 0 : index
      %swap3A_2966 = arith.constant 88 : index
      %swap3A_2967 = arith.constant 256 : index
      %swap3A_2968 = vector.load %arg7[%swap3A_2965, %swap3A_2966, %swap3A_2967] : memref<16x128x512xf32, #tpu.memory_space<vmem>>, vector<16x1x256xf32>
      %swap3A_2969 = vector.shape_cast %swap3A_2968 : vector<16x1x256xf32> to vector<16x256xf32>
      %swap3A_2970 = vector.shape_cast %tanh3A_2958 : vector<16x256xf32> to vector<16x1x256xf32>
      tpu.vector_store %arg7[%swap3A_2965, %swap3A_2966, %swap3A_2967], %swap3A_2970 {strides = array<i32>} : memref<16x128x512xf32, #tpu.memory_space<vmem>>, vector<16x1x256xf32>,
      %get3A_2971 = arith.index_cast %select_n3A_31 : i32 to index
      %get3A_2972 = arith.constant 1424 : index
      %get3A_2973 = arith.constant 0 : index
      %get3A_2974 = vector.load %arg9[%get3A_2971, %get3A_2972, %get3A_2973] : memref<2x2048x512xf32, #tpu.memory_space<vmem>>, vector<1x16x512xf32>
      %get3A_2975 = vector.shape_cast %get3A_2974 : vector<1x16x512xf32> to vector<16x512xf32>
      %slice3A_2976 = vector.extract_strided_slice %get3A_2975 {offsets = [0, 0], sizes = [16, 256], strides = [1, 1]} : vector<16x512xf32> to vector<16x256xf32>
      %dot_general3A_2977 = arith.constant dense<0.000000e+00> : vector<16x256xf32>
      %dot_general3A_2978 = tpu.matmul %tanh3A_2957, %get3A_11, %dot_general3A_2977 {dimension_numbers = #tpu.dot_dimension_numbers<[1], [0], [0], [1], [0, 0, 1, 1], [], []>, transpose_lhs_hint = false} : vector<16x256xf32>, vector<256x256xf32>, vector<16x256xf32> -> vector<16x256xf32>
      %add3A_2979 = arith.addf %slice3A_2976, %dot_general3A_2978 : vector<16x256xf32>
      %dot_general3A_2980 = arith.constant dense<0.000000e+00> : vector<16x256xf32>
      %dot_general3A_2981 = tpu.matmul %tanh3A_2958, %get3A_14, %dot_general3A_2980 {dimension_numbers = #tpu.dot_dimension_numbers<[1], [0], [0], [1], [0, 0, 1, 1], [], []>, transpose_lhs_hint = false} : vector<16x256xf32>, vector<256x256xf32>, vector<16x256xf32> -> vector<16x256xf32>
      %add3A_2982 = arith.addf %add3A_2979, %dot_general3A_2981 : vector<16x256xf32>
      %slice3A_2983 = vector.extract_strided_slice %get3A_2975 {offsets = [0, 256], sizes = [16, 256], strides = [1, 1]} : vector<16x512xf32> to vector<16x256xf32>
      %dot_general3A_2984 = arith.constant dense<0.000000e+00> : vector<16x256xf32>
      %dot_general3A_2985 = tpu.matmul %tanh3A_2957, %get3A_17, %dot_general3A_2984 {dimension_numbers = #tpu.dot_dimension_numbers<[1], [0], [0], [1], [0, 0, 1, 1], [], []>, transpose_lhs_hint = false} : vector<16x256xf32>, vector<256x256xf32>, vector<16x256xf32> -> vector<16x256xf32>
      %add3A_2986 = arith.addf %slice3A_2983, %dot_general3A_2985 : vector<16x256xf32>
      %dot_general3A_2987 = arith.constant dense<0.000000e+00> : vector<16x256xf32>
      %dot_general3A_2988 = tpu.matmul %tanh3A_2958, %get3A_20, %dot_general3A_2987 {dimension_numbers = #tpu.dot_dimension_numbers<[1], [0], [0], [1], [0, 0, 1, 1], [], []>, transpose_lhs_hint = false} : vector<16x256xf32>, vector<256x256xf32>, vector<16x256xf32> -> vector<16x256xf32>
      %add3A_2989 = arith.addf %add3A_2986, %dot_general3A_2988 : vector<16x256xf32>
      %tanh3A_2990 = math.tanh %add3A_2982 : vector<16x256xf32>
      %tanh3A_2991 = math.tanh %add3A_2989 : vector<16x256xf32>
      %swap3A_2992 = arith.constant 0 : index
      %swap3A_2993 = arith.constant 89 : index
      %swap3A_2994 = arith.constant 0 : index
      %swap3A_2995 = vector.load %arg7[%swap3A_2992, %swap3A_2993, %swap3A_2994] : memref<16x128x512xf32, #tpu.memory_space<vmem>>, vector<16x1x256xf32>
      %swap3A_2996 = vector.shape_cast %swap3A_2995 : vector<16x1x256xf32> to vector<16x256xf32>
      %swap3A_2997 = vector.shape_cast %tanh3A_2990 : vector<16x256xf32> to vector<16x1x256xf32>
      tpu.vector_store %arg7[%swap3A_2992, %swap3A_2993, %swap3A_2994], %swap3A_2997 {strides = array<i32>} : memref<16x128x512xf32, #tpu.memory_space<vmem>>, vector<16x1x256xf32>,
      %swap3A_2998 = arith.constant 0 : index
      %swap3A_2999 = arith.constant 89 : index
      %swap3A_3000 = arith.constant 256 : index
      %swap3A_3001 = vector.load %arg7[%swap3A_2998, %swap3A_2999, %swap3A_3000] : memref<16x128x512xf32, #tpu.memory_space<vmem>>, vector<16x1x256xf32>
      %swap3A_3002 = vector.shape_cast %swap3A_3001 : vector<16x1x256xf32> to vector<16x256xf32>
      %swap3A_3003 = vector.shape_cast %tanh3A_2991 : vector<16x256xf32> to vector<16x1x256xf32>
      tpu.vector_store %arg7[%swap3A_2998, %swap3A_2999, %swap3A_3000], %swap3A_3003 {strides = array<i32>} : memref<16x128x512xf32, #tpu.memory_space<vmem>>, vector<16x1x256xf32>,
      %get3A_3004 = arith.index_cast %select_n3A_31 : i32 to index
      %get3A_3005 = arith.constant 1440 : index
      %get3A_3006 = arith.constant 0 : index
      %get3A_3007 = vector.load %arg9[%get3A_3004, %get3A_3005, %get3A_3006] : memref<2x2048x512xf32, #tpu.memory_space<vmem>>, vector<1x16x512xf32>
      %get3A_3008 = vector.shape_cast %get3A_3007 : vector<1x16x512xf32> to vector<16x512xf32>
      %slice3A_3009 = vector.extract_strided_slice %get3A_3008 {offsets = [0, 0], sizes = [16, 256], strides = [1, 1]} : vector<16x512xf32> to vector<16x256xf32>
      %dot_general3A_3010 = arith.constant dense<0.000000e+00> : vector<16x256xf32>
      %dot_general3A_3011 = tpu.matmul %tanh3A_2990, %get3A_11, %dot_general3A_3010 {dimension_numbers = #tpu.dot_dimension_numbers<[1], [0], [0], [1], [0, 0, 1, 1], [], []>, transpose_lhs_hint = false} : vector<16x256xf32>, vector<256x256xf32>, vector<16x256xf32> -> vector<16x256xf32>
      %add3A_3012 = arith.addf %slice3A_3009, %dot_general3A_3011 : vector<16x256xf32>
      %dot_general3A_3013 = arith.constant dense<0.000000e+00> : vector<16x256xf32>
      %dot_general3A_3014 = tpu.matmul %tanh3A_2991, %get3A_14, %dot_general3A_3013 {dimension_numbers = #tpu.dot_dimension_numbers<[1], [0], [0], [1], [0, 0, 1, 1], [], []>, transpose_lhs_hint = false} : vector<16x256xf32>, vector<256x256xf32>, vector<16x256xf32> -> vector<16x256xf32>
      %add3A_3015 = arith.addf %add3A_3012, %dot_general3A_3014 : vector<16x256xf32>
      %slice3A_3016 = vector.extract_strided_slice %get3A_3008 {offsets = [0, 256], sizes = [16, 256], strides = [1, 1]} : vector<16x512xf32> to vector<16x256xf32>
      %dot_general3A_3017 = arith.constant dense<0.000000e+00> : vector<16x256xf32>
      %dot_general3A_3018 = tpu.matmul %tanh3A_2990, %get3A_17, %dot_general3A_3017 {dimension_numbers = #tpu.dot_dimension_numbers<[1], [0], [0], [1], [0, 0, 1, 1], [], []>, transpose_lhs_hint = false} : vector<16x256xf32>, vector<256x256xf32>, vector<16x256xf32> -> vector<16x256xf32>
      %add3A_3019 = arith.addf %slice3A_3016, %dot_general3A_3018 : vector<16x256xf32>
      %dot_general3A_3020 = arith.constant dense<0.000000e+00> : vector<16x256xf32>
      %dot_general3A_3021 = tpu.matmul %tanh3A_2991, %get3A_20, %dot_general3A_3020 {dimension_numbers = #tpu.dot_dimension_numbers<[1], [0], [0], [1], [0, 0, 1, 1], [], []>, transpose_lhs_hint = false} : vector<16x256xf32>, vector<256x256xf32>, vector<16x256xf32> -> vector<16x256xf32>
      %add3A_3022 = arith.addf %add3A_3019, %dot_general3A_3021 : vector<16x256xf32>
      %tanh3A_3023 = math.tanh %add3A_3015 : vector<16x256xf32>
      %tanh3A_3024 = math.tanh %add3A_3022 : vector<16x256xf32>
      %swap3A_3025 = arith.constant 0 : index
      %swap3A_3026 = arith.constant 90 : index
      %swap3A_3027 = arith.constant 0 : index
      %swap3A_3028 = vector.load %arg7[%swap3A_3025, %swap3A_3026, %swap3A_3027] : memref<16x128x512xf32, #tpu.memory_space<vmem>>, vector<16x1x256xf32>
      %swap3A_3029 = vector.shape_cast %swap3A_3028 : vector<16x1x256xf32> to vector<16x256xf32>
      %swap3A_3030 = vector.shape_cast %tanh3A_3023 : vector<16x256xf32> to vector<16x1x256xf32>
      tpu.vector_store %arg7[%swap3A_3025, %swap3A_3026, %swap3A_3027], %swap3A_3030 {strides = array<i32>} : memref<16x128x512xf32, #tpu.memory_space<vmem>>, vector<16x1x256xf32>,
      %swap3A_3031 = arith.constant 0 : index
      %swap3A_3032 = arith.constant 90 : index
      %swap3A_3033 = arith.constant 256 : index
      %swap3A_3034 = vector.load %arg7[%swap3A_3031, %swap3A_3032, %swap3A_3033] : memref<16x128x512xf32, #tpu.memory_space<vmem>>, vector<16x1x256xf32>
      %swap3A_3035 = vector.shape_cast %swap3A_3034 : vector<16x1x256xf32> to vector<16x256xf32>
      %swap3A_3036 = vector.shape_cast %tanh3A_3024 : vector<16x256xf32> to vector<16x1x256xf32>
      tpu.vector_store %arg7[%swap3A_3031, %swap3A_3032, %swap3A_3033], %swap3A_3036 {strides = array<i32>} : memref<16x128x512xf32, #tpu.memory_space<vmem>>, vector<16x1x256xf32>,
      %get3A_3037 = arith.index_cast %select_n3A_31 : i32 to index
      %get3A_3038 = arith.constant 1456 : index
      %get3A_3039 = arith.constant 0 : index
      %get3A_3040 = vector.load %arg9[%get3A_3037, %get3A_3038, %get3A_3039] : memref<2x2048x512xf32, #tpu.memory_space<vmem>>, vector<1x16x512xf32>
      %get3A_3041 = vector.shape_cast %get3A_3040 : vector<1x16x512xf32> to vector<16x512xf32>
      %slice3A_3042 = vector.extract_strided_slice %get3A_3041 {offsets = [0, 0], sizes = [16, 256], strides = [1, 1]} : vector<16x512xf32> to vector<16x256xf32>
      %dot_general3A_3043 = arith.constant dense<0.000000e+00> : vector<16x256xf32>
      %dot_general3A_3044 = tpu.matmul %tanh3A_3023, %get3A_11, %dot_general3A_3043 {dimension_numbers = #tpu.dot_dimension_numbers<[1], [0], [0], [1], [0, 0, 1, 1], [], []>, transpose_lhs_hint = false} : vector<16x256xf32>, vector<256x256xf32>, vector<16x256xf32> -> vector<16x256xf32>
      %add3A_3045 = arith.addf %slice3A_3042, %dot_general3A_3044 : vector<16x256xf32>
      %dot_general3A_3046 = arith.constant dense<0.000000e+00> : vector<16x256xf32>
      %dot_general3A_3047 = tpu.matmul %tanh3A_3024, %get3A_14, %dot_general3A_3046 {dimension_numbers = #tpu.dot_dimension_numbers<[1], [0], [0], [1], [0, 0, 1, 1], [], []>, transpose_lhs_hint = false} : vector<16x256xf32>, vector<256x256xf32>, vector<16x256xf32> -> vector<16x256xf32>
      %add3A_3048 = arith.addf %add3A_3045, %dot_general3A_3047 : vector<16x256xf32>
      %slice3A_3049 = vector.extract_strided_slice %get3A_3041 {offsets = [0, 256], sizes = [16, 256], strides = [1, 1]} : vector<16x512xf32> to vector<16x256xf32>
      %dot_general3A_3050 = arith.constant dense<0.000000e+00> : vector<16x256xf32>
      %dot_general3A_3051 = tpu.matmul %tanh3A_3023, %get3A_17, %dot_general3A_3050 {dimension_numbers = #tpu.dot_dimension_numbers<[1], [0], [0], [1], [0, 0, 1, 1], [], []>, transpose_lhs_hint = false} : vector<16x256xf32>, vector<256x256xf32>, vector<16x256xf32> -> vector<16x256xf32>
      %add3A_3052 = arith.addf %slice3A_3049, %dot_general3A_3051 : vector<16x256xf32>
      %dot_general3A_3053 = arith.constant dense<0.000000e+00> : vector<16x256xf32>
      %dot_general3A_3054 = tpu.matmul %tanh3A_3024, %get3A_20, %dot_general3A_3053 {dimension_numbers = #tpu.dot_dimension_numbers<[1], [0], [0], [1], [0, 0, 1, 1], [], []>, transpose_lhs_hint = false} : vector<16x256xf32>, vector<256x256xf32>, vector<16x256xf32> -> vector<16x256xf32>
      %add3A_3055 = arith.addf %add3A_3052, %dot_general3A_3054 : vector<16x256xf32>
      %tanh3A_3056 = math.tanh %add3A_3048 : vector<16x256xf32>
      %tanh3A_3057 = math.tanh %add3A_3055 : vector<16x256xf32>
      %swap3A_3058 = arith.constant 0 : index
      %swap3A_3059 = arith.constant 91 : index
      %swap3A_3060 = arith.constant 0 : index
      %swap3A_3061 = vector.load %arg7[%swap3A_3058, %swap3A_3059, %swap3A_3060] : memref<16x128x512xf32, #tpu.memory_space<vmem>>, vector<16x1x256xf32>
      %swap3A_3062 = vector.shape_cast %swap3A_3061 : vector<16x1x256xf32> to vector<16x256xf32>
      %swap3A_3063 = vector.shape_cast %tanh3A_3056 : vector<16x256xf32> to vector<16x1x256xf32>
      tpu.vector_store %arg7[%swap3A_3058, %swap3A_3059, %swap3A_3060], %swap3A_3063 {strides = array<i32>} : memref<16x128x512xf32, #tpu.memory_space<vmem>>, vector<16x1x256xf32>,
      %swap3A_3064 = arith.constant 0 : index
      %swap3A_3065 = arith.constant 91 : index
      %swap3A_3066 = arith.constant 256 : index
      %swap3A_3067 = vector.load %arg7[%swap3A_3064, %swap3A_3065, %swap3A_3066] : memref<16x128x512xf32, #tpu.memory_space<vmem>>, vector<16x1x256xf32>
      %swap3A_3068 = vector.shape_cast %swap3A_3067 : vector<16x1x256xf32> to vector<16x256xf32>
      %swap3A_3069 = vector.shape_cast %tanh3A_3057 : vector<16x256xf32> to vector<16x1x256xf32>
      tpu.vector_store %arg7[%swap3A_3064, %swap3A_3065, %swap3A_3066], %swap3A_3069 {strides = array<i32>} : memref<16x128x512xf32, #tpu.memory_space<vmem>>, vector<16x1x256xf32>,
      %get3A_3070 = arith.index_cast %select_n3A_31 : i32 to index
      %get3A_3071 = arith.constant 1472 : index
      %get3A_3072 = arith.constant 0 : index
      %get3A_3073 = vector.load %arg9[%get3A_3070, %get3A_3071, %get3A_3072] : memref<2x2048x512xf32, #tpu.memory_space<vmem>>, vector<1x16x512xf32>
      %get3A_3074 = vector.shape_cast %get3A_3073 : vector<1x16x512xf32> to vector<16x512xf32>
      %slice3A_3075 = vector.extract_strided_slice %get3A_3074 {offsets = [0, 0], sizes = [16, 256], strides = [1, 1]} : vector<16x512xf32> to vector<16x256xf32>
      %dot_general3A_3076 = arith.constant dense<0.000000e+00> : vector<16x256xf32>
      %dot_general3A_3077 = tpu.matmul %tanh3A_3056, %get3A_11, %dot_general3A_3076 {dimension_numbers = #tpu.dot_dimension_numbers<[1], [0], [0], [1], [0, 0, 1, 1], [], []>, transpose_lhs_hint = false} : vector<16x256xf32>, vector<256x256xf32>, vector<16x256xf32> -> vector<16x256xf32>
      %add3A_3078 = arith.addf %slice3A_3075, %dot_general3A_3077 : vector<16x256xf32>
      %dot_general3A_3079 = arith.constant dense<0.000000e+00> : vector<16x256xf32>
      %dot_general3A_3080 = tpu.matmul %tanh3A_3057, %get3A_14, %dot_general3A_3079 {dimension_numbers = #tpu.dot_dimension_numbers<[1], [0], [0], [1], [0, 0, 1, 1], [], []>, transpose_lhs_hint = false} : vector<16x256xf32>, vector<256x256xf32>, vector<16x256xf32> -> vector<16x256xf32>
      %add3A_3081 = arith.addf %add3A_3078, %dot_general3A_3080 : vector<16x256xf32>
      %slice3A_3082 = vector.extract_strided_slice %get3A_3074 {offsets = [0, 256], sizes = [16, 256], strides = [1, 1]} : vector<16x512xf32> to vector<16x256xf32>
      %dot_general3A_3083 = arith.constant dense<0.000000e+00> : vector<16x256xf32>
      %dot_general3A_3084 = tpu.matmul %tanh3A_3056, %get3A_17, %dot_general3A_3083 {dimension_numbers = #tpu.dot_dimension_numbers<[1], [0], [0], [1], [0, 0, 1, 1], [], []>, transpose_lhs_hint = false} : vector<16x256xf32>, vector<256x256xf32>, vector<16x256xf32> -> vector<16x256xf32>
      %add3A_3085 = arith.addf %slice3A_3082, %dot_general3A_3084 : vector<16x256xf32>
      %dot_general3A_3086 = arith.constant dense<0.000000e+00> : vector<16x256xf32>
      %dot_general3A_3087 = tpu.matmul %tanh3A_3057, %get3A_20, %dot_general3A_3086 {dimension_numbers = #tpu.dot_dimension_numbers<[1], [0], [0], [1], [0, 0, 1, 1], [], []>, transpose_lhs_hint = false} : vector<16x256xf32>, vector<256x256xf32>, vector<16x256xf32> -> vector<16x256xf32>
      %add3A_3088 = arith.addf %add3A_3085, %dot_general3A_3087 : vector<16x256xf32>
      %tanh3A_3089 = math.tanh %add3A_3081 : vector<16x256xf32>
      %tanh3A_3090 = math.tanh %add3A_3088 : vector<16x256xf32>
      %swap3A_3091 = arith.constant 0 : index
      %swap3A_3092 = arith.constant 92 : index
      %swap3A_3093 = arith.constant 0 : index
      %swap3A_3094 = vector.load %arg7[%swap3A_3091, %swap3A_3092, %swap3A_3093] : memref<16x128x512xf32, #tpu.memory_space<vmem>>, vector<16x1x256xf32>
      %swap3A_3095 = vector.shape_cast %swap3A_3094 : vector<16x1x256xf32> to vector<16x256xf32>
      %swap3A_3096 = vector.shape_cast %tanh3A_3089 : vector<16x256xf32> to vector<16x1x256xf32>
      tpu.vector_store %arg7[%swap3A_3091, %swap3A_3092, %swap3A_3093], %swap3A_3096 {strides = array<i32>} : memref<16x128x512xf32, #tpu.memory_space<vmem>>, vector<16x1x256xf32>,
      %swap3A_3097 = arith.constant 0 : index
      %swap3A_3098 = arith.constant 92 : index
      %swap3A_3099 = arith.constant 256 : index
      %swap3A_3100 = vector.load %arg7[%swap3A_3097, %swap3A_3098, %swap3A_3099] : memref<16x128x512xf32, #tpu.memory_space<vmem>>, vector<16x1x256xf32>
      %swap3A_3101 = vector.shape_cast %swap3A_3100 : vector<16x1x256xf32> to vector<16x256xf32>
      %swap3A_3102 = vector.shape_cast %tanh3A_3090 : vector<16x256xf32> to vector<16x1x256xf32>
      tpu.vector_store %arg7[%swap3A_3097, %swap3A_3098, %swap3A_3099], %swap3A_3102 {strides = array<i32>} : memref<16x128x512xf32, #tpu.memory_space<vmem>>, vector<16x1x256xf32>,
      %get3A_3103 = arith.index_cast %select_n3A_31 : i32 to index
      %get3A_3104 = arith.constant 1488 : index
      %get3A_3105 = arith.constant 0 : index
      %get3A_3106 = vector.load %arg9[%get3A_3103, %get3A_3104, %get3A_3105] : memref<2x2048x512xf32, #tpu.memory_space<vmem>>, vector<1x16x512xf32>
      %get3A_3107 = vector.shape_cast %get3A_3106 : vector<1x16x512xf32> to vector<16x512xf32>
      %slice3A_3108 = vector.extract_strided_slice %get3A_3107 {offsets = [0, 0], sizes = [16, 256], strides = [1, 1]} : vector<16x512xf32> to vector<16x256xf32>
      %dot_general3A_3109 = arith.constant dense<0.000000e+00> : vector<16x256xf32>
      %dot_general3A_3110 = tpu.matmul %tanh3A_3089, %get3A_11, %dot_general3A_3109 {dimension_numbers = #tpu.dot_dimension_numbers<[1], [0], [0], [1], [0, 0, 1, 1], [], []>, transpose_lhs_hint = false} : vector<16x256xf32>, vector<256x256xf32>, vector<16x256xf32> -> vector<16x256xf32>
      %add3A_3111 = arith.addf %slice3A_3108, %dot_general3A_3110 : vector<16x256xf32>
      %dot_general3A_3112 = arith.constant dense<0.000000e+00> : vector<16x256xf32>
      %dot_general3A_3113 = tpu.matmul %tanh3A_3090, %get3A_14, %dot_general3A_3112 {dimension_numbers = #tpu.dot_dimension_numbers<[1], [0], [0], [1], [0, 0, 1, 1], [], []>, transpose_lhs_hint = false} : vector<16x256xf32>, vector<256x256xf32>, vector<16x256xf32> -> vector<16x256xf32>
      %add3A_3114 = arith.addf %add3A_3111, %dot_general3A_3113 : vector<16x256xf32>
      %slice3A_3115 = vector.extract_strided_slice %get3A_3107 {offsets = [0, 256], sizes = [16, 256], strides = [1, 1]} : vector<16x512xf32> to vector<16x256xf32>
      %dot_general3A_3116 = arith.constant dense<0.000000e+00> : vector<16x256xf32>
      %dot_general3A_3117 = tpu.matmul %tanh3A_3089, %get3A_17, %dot_general3A_3116 {dimension_numbers = #tpu.dot_dimension_numbers<[1], [0], [0], [1], [0, 0, 1, 1], [], []>, transpose_lhs_hint = false} : vector<16x256xf32>, vector<256x256xf32>, vector<16x256xf32> -> vector<16x256xf32>
      %add3A_3118 = arith.addf %slice3A_3115, %dot_general3A_3117 : vector<16x256xf32>
      %dot_general3A_3119 = arith.constant dense<0.000000e+00> : vector<16x256xf32>
      %dot_general3A_3120 = tpu.matmul %tanh3A_3090, %get3A_20, %dot_general3A_3119 {dimension_numbers = #tpu.dot_dimension_numbers<[1], [0], [0], [1], [0, 0, 1, 1], [], []>, transpose_lhs_hint = false} : vector<16x256xf32>, vector<256x256xf32>, vector<16x256xf32> -> vector<16x256xf32>
      %add3A_3121 = arith.addf %add3A_3118, %dot_general3A_3120 : vector<16x256xf32>
      %tanh3A_3122 = math.tanh %add3A_3114 : vector<16x256xf32>
      %tanh3A_3123 = math.tanh %add3A_3121 : vector<16x256xf32>
      %swap3A_3124 = arith.constant 0 : index
      %swap3A_3125 = arith.constant 93 : index
      %swap3A_3126 = arith.constant 0 : index
      %swap3A_3127 = vector.load %arg7[%swap3A_3124, %swap3A_3125, %swap3A_3126] : memref<16x128x512xf32, #tpu.memory_space<vmem>>, vector<16x1x256xf32>
      %swap3A_3128 = vector.shape_cast %swap3A_3127 : vector<16x1x256xf32> to vector<16x256xf32>
      %swap3A_3129 = vector.shape_cast %tanh3A_3122 : vector<16x256xf32> to vector<16x1x256xf32>
      tpu.vector_store %arg7[%swap3A_3124, %swap3A_3125, %swap3A_3126], %swap3A_3129 {strides = array<i32>} : memref<16x128x512xf32, #tpu.memory_space<vmem>>, vector<16x1x256xf32>,
      %swap3A_3130 = arith.constant 0 : index
      %swap3A_3131 = arith.constant 93 : index
      %swap3A_3132 = arith.constant 256 : index
      %swap3A_3133 = vector.load %arg7[%swap3A_3130, %swap3A_3131, %swap3A_3132] : memref<16x128x512xf32, #tpu.memory_space<vmem>>, vector<16x1x256xf32>
      %swap3A_3134 = vector.shape_cast %swap3A_3133 : vector<16x1x256xf32> to vector<16x256xf32>
      %swap3A_3135 = vector.shape_cast %tanh3A_3123 : vector<16x256xf32> to vector<16x1x256xf32>
      tpu.vector_store %arg7[%swap3A_3130, %swap3A_3131, %swap3A_3132], %swap3A_3135 {strides = array<i32>} : memref<16x128x512xf32, #tpu.memory_space<vmem>>, vector<16x1x256xf32>,
      %get3A_3136 = arith.index_cast %select_n3A_31 : i32 to index
      %get3A_3137 = arith.constant 1504 : index
      %get3A_3138 = arith.constant 0 : index
      %get3A_3139 = vector.load %arg9[%get3A_3136, %get3A_3137, %get3A_3138] : memref<2x2048x512xf32, #tpu.memory_space<vmem>>, vector<1x16x512xf32>
      %get3A_3140 = vector.shape_cast %get3A_3139 : vector<1x16x512xf32> to vector<16x512xf32>
      %slice3A_3141 = vector.extract_strided_slice %get3A_3140 {offsets = [0, 0], sizes = [16, 256], strides = [1, 1]} : vector<16x512xf32> to vector<16x256xf32>
      %dot_general3A_3142 = arith.constant dense<0.000000e+00> : vector<16x256xf32>
      %dot_general3A_3143 = tpu.matmul %tanh3A_3122, %get3A_11, %dot_general3A_3142 {dimension_numbers = #tpu.dot_dimension_numbers<[1], [0], [0], [1], [0, 0, 1, 1], [], []>, transpose_lhs_hint = false} : vector<16x256xf32>, vector<256x256xf32>, vector<16x256xf32> -> vector<16x256xf32>
      %add3A_3144 = arith.addf %slice3A_3141, %dot_general3A_3143 : vector<16x256xf32>
      %dot_general3A_3145 = arith.constant dense<0.000000e+00> : vector<16x256xf32>
      %dot_general3A_3146 = tpu.matmul %tanh3A_3123, %get3A_14, %dot_general3A_3145 {dimension_numbers = #tpu.dot_dimension_numbers<[1], [0], [0], [1], [0, 0, 1, 1], [], []>, transpose_lhs_hint = false} : vector<16x256xf32>, vector<256x256xf32>, vector<16x256xf32> -> vector<16x256xf32>
      %add3A_3147 = arith.addf %add3A_3144, %dot_general3A_3146 : vector<16x256xf32>
      %slice3A_3148 = vector.extract_strided_slice %get3A_3140 {offsets = [0, 256], sizes = [16, 256], strides = [1, 1]} : vector<16x512xf32> to vector<16x256xf32>
      %dot_general3A_3149 = arith.constant dense<0.000000e+00> : vector<16x256xf32>
      %dot_general3A_3150 = tpu.matmul %tanh3A_3122, %get3A_17, %dot_general3A_3149 {dimension_numbers = #tpu.dot_dimension_numbers<[1], [0], [0], [1], [0, 0, 1, 1], [], []>, transpose_lhs_hint = false} : vector<16x256xf32>, vector<256x256xf32>, vector<16x256xf32> -> vector<16x256xf32>
      %add3A_3151 = arith.addf %slice3A_3148, %dot_general3A_3150 : vector<16x256xf32>
      %dot_general3A_3152 = arith.constant dense<0.000000e+00> : vector<16x256xf32>
      %dot_general3A_3153 = tpu.matmul %tanh3A_3123, %get3A_20, %dot_general3A_3152 {dimension_numbers = #tpu.dot_dimension_numbers<[1], [0], [0], [1], [0, 0, 1, 1], [], []>, transpose_lhs_hint = false} : vector<16x256xf32>, vector<256x256xf32>, vector<16x256xf32> -> vector<16x256xf32>
      %add3A_3154 = arith.addf %add3A_3151, %dot_general3A_3153 : vector<16x256xf32>
      %tanh3A_3155 = math.tanh %add3A_3147 : vector<16x256xf32>
      %tanh3A_3156 = math.tanh %add3A_3154 : vector<16x256xf32>
      %swap3A_3157 = arith.constant 0 : index
      %swap3A_3158 = arith.constant 94 : index
      %swap3A_3159 = arith.constant 0 : index
      %swap3A_3160 = vector.load %arg7[%swap3A_3157, %swap3A_3158, %swap3A_3159] : memref<16x128x512xf32, #tpu.memory_space<vmem>>, vector<16x1x256xf32>
      %swap3A_3161 = vector.shape_cast %swap3A_3160 : vector<16x1x256xf32> to vector<16x256xf32>
      %swap3A_3162 = vector.shape_cast %tanh3A_3155 : vector<16x256xf32> to vector<16x1x256xf32>
      tpu.vector_store %arg7[%swap3A_3157, %swap3A_3158, %swap3A_3159], %swap3A_3162 {strides = array<i32>} : memref<16x128x512xf32, #tpu.memory_space<vmem>>, vector<16x1x256xf32>,
      %swap3A_3163 = arith.constant 0 : index
      %swap3A_3164 = arith.constant 94 : index
      %swap3A_3165 = arith.constant 256 : index
      %swap3A_3166 = vector.load %arg7[%swap3A_3163, %swap3A_3164, %swap3A_3165] : memref<16x128x512xf32, #tpu.memory_space<vmem>>, vector<16x1x256xf32>
      %swap3A_3167 = vector.shape_cast %swap3A_3166 : vector<16x1x256xf32> to vector<16x256xf32>
      %swap3A_3168 = vector.shape_cast %tanh3A_3156 : vector<16x256xf32> to vector<16x1x256xf32>
      tpu.vector_store %arg7[%swap3A_3163, %swap3A_3164, %swap3A_3165], %swap3A_3168 {strides = array<i32>} : memref<16x128x512xf32, #tpu.memory_space<vmem>>, vector<16x1x256xf32>,
      %get3A_3169 = arith.index_cast %select_n3A_31 : i32 to index
      %get3A_3170 = arith.constant 1520 : index
      %get3A_3171 = arith.constant 0 : index
      %get3A_3172 = vector.load %arg9[%get3A_3169, %get3A_3170, %get3A_3171] : memref<2x2048x512xf32, #tpu.memory_space<vmem>>, vector<1x16x512xf32>
      %get3A_3173 = vector.shape_cast %get3A_3172 : vector<1x16x512xf32> to vector<16x512xf32>
      %slice3A_3174 = vector.extract_strided_slice %get3A_3173 {offsets = [0, 0], sizes = [16, 256], strides = [1, 1]} : vector<16x512xf32> to vector<16x256xf32>
      %dot_general3A_3175 = arith.constant dense<0.000000e+00> : vector<16x256xf32>
      %dot_general3A_3176 = tpu.matmul %tanh3A_3155, %get3A_11, %dot_general3A_3175 {dimension_numbers = #tpu.dot_dimension_numbers<[1], [0], [0], [1], [0, 0, 1, 1], [], []>, transpose_lhs_hint = false} : vector<16x256xf32>, vector<256x256xf32>, vector<16x256xf32> -> vector<16x256xf32>
      %add3A_3177 = arith.addf %slice3A_3174, %dot_general3A_3176 : vector<16x256xf32>
      %dot_general3A_3178 = arith.constant dense<0.000000e+00> : vector<16x256xf32>
      %dot_general3A_3179 = tpu.matmul %tanh3A_3156, %get3A_14, %dot_general3A_3178 {dimension_numbers = #tpu.dot_dimension_numbers<[1], [0], [0], [1], [0, 0, 1, 1], [], []>, transpose_lhs_hint = false} : vector<16x256xf32>, vector<256x256xf32>, vector<16x256xf32> -> vector<16x256xf32>
      %add3A_3180 = arith.addf %add3A_3177, %dot_general3A_3179 : vector<16x256xf32>
      %slice3A_3181 = vector.extract_strided_slice %get3A_3173 {offsets = [0, 256], sizes = [16, 256], strides = [1, 1]} : vector<16x512xf32> to vector<16x256xf32>
      %dot_general3A_3182 = arith.constant dense<0.000000e+00> : vector<16x256xf32>
      %dot_general3A_3183 = tpu.matmul %tanh3A_3155, %get3A_17, %dot_general3A_3182 {dimension_numbers = #tpu.dot_dimension_numbers<[1], [0], [0], [1], [0, 0, 1, 1], [], []>, transpose_lhs_hint = false} : vector<16x256xf32>, vector<256x256xf32>, vector<16x256xf32> -> vector<16x256xf32>
      %add3A_3184 = arith.addf %slice3A_3181, %dot_general3A_3183 : vector<16x256xf32>
      %dot_general3A_3185 = arith.constant dense<0.000000e+00> : vector<16x256xf32>
      %dot_general3A_3186 = tpu.matmul %tanh3A_3156, %get3A_20, %dot_general3A_3185 {dimension_numbers = #tpu.dot_dimension_numbers<[1], [0], [0], [1], [0, 0, 1, 1], [], []>, transpose_lhs_hint = false} : vector<16x256xf32>, vector<256x256xf32>, vector<16x256xf32> -> vector<16x256xf32>
      %add3A_3187 = arith.addf %add3A_3184, %dot_general3A_3186 : vector<16x256xf32>
      %tanh3A_3188 = math.tanh %add3A_3180 : vector<16x256xf32>
      %tanh3A_3189 = math.tanh %add3A_3187 : vector<16x256xf32>
      %swap3A_3190 = arith.constant 0 : index
      %swap3A_3191 = arith.constant 95 : index
      %swap3A_3192 = arith.constant 0 : index
      %swap3A_3193 = vector.load %arg7[%swap3A_3190, %swap3A_3191, %swap3A_3192] : memref<16x128x512xf32, #tpu.memory_space<vmem>>, vector<16x1x256xf32>
      %swap3A_3194 = vector.shape_cast %swap3A_3193 : vector<16x1x256xf32> to vector<16x256xf32>
      %swap3A_3195 = vector.shape_cast %tanh3A_3188 : vector<16x256xf32> to vector<16x1x256xf32>
      tpu.vector_store %arg7[%swap3A_3190, %swap3A_3191, %swap3A_3192], %swap3A_3195 {strides = array<i32>} : memref<16x128x512xf32, #tpu.memory_space<vmem>>, vector<16x1x256xf32>,
      %swap3A_3196 = arith.constant 0 : index
      %swap3A_3197 = arith.constant 95 : index
      %swap3A_3198 = arith.constant 256 : index
      %swap3A_3199 = vector.load %arg7[%swap3A_3196, %swap3A_3197, %swap3A_3198] : memref<16x128x512xf32, #tpu.memory_space<vmem>>, vector<16x1x256xf32>
      %swap3A_3200 = vector.shape_cast %swap3A_3199 : vector<16x1x256xf32> to vector<16x256xf32>
      %swap3A_3201 = vector.shape_cast %tanh3A_3189 : vector<16x256xf32> to vector<16x1x256xf32>
      tpu.vector_store %arg7[%swap3A_3196, %swap3A_3197, %swap3A_3198], %swap3A_3201 {strides = array<i32>} : memref<16x128x512xf32, #tpu.memory_space<vmem>>, vector<16x1x256xf32>,
      %get3A_3202 = arith.index_cast %select_n3A_31 : i32 to index
      %get3A_3203 = arith.constant 1536 : index
      %get3A_3204 = arith.constant 0 : index
      %get3A_3205 = vector.load %arg9[%get3A_3202, %get3A_3203, %get3A_3204] : memref<2x2048x512xf32, #tpu.memory_space<vmem>>, vector<1x16x512xf32>
      %get3A_3206 = vector.shape_cast %get3A_3205 : vector<1x16x512xf32> to vector<16x512xf32>
      %slice3A_3207 = vector.extract_strided_slice %get3A_3206 {offsets = [0, 0], sizes = [16, 256], strides = [1, 1]} : vector<16x512xf32> to vector<16x256xf32>
      %dot_general3A_3208 = arith.constant dense<0.000000e+00> : vector<16x256xf32>
      %dot_general3A_3209 = tpu.matmul %tanh3A_3188, %get3A_11, %dot_general3A_3208 {dimension_numbers = #tpu.dot_dimension_numbers<[1], [0], [0], [1], [0, 0, 1, 1], [], []>, transpose_lhs_hint = false} : vector<16x256xf32>, vector<256x256xf32>, vector<16x256xf32> -> vector<16x256xf32>
      %add3A_3210 = arith.addf %slice3A_3207, %dot_general3A_3209 : vector<16x256xf32>
      %dot_general3A_3211 = arith.constant dense<0.000000e+00> : vector<16x256xf32>
      %dot_general3A_3212 = tpu.matmul %tanh3A_3189, %get3A_14, %dot_general3A_3211 {dimension_numbers = #tpu.dot_dimension_numbers<[1], [0], [0], [1], [0, 0, 1, 1], [], []>, transpose_lhs_hint = false} : vector<16x256xf32>, vector<256x256xf32>, vector<16x256xf32> -> vector<16x256xf32>
      %add3A_3213 = arith.addf %add3A_3210, %dot_general3A_3212 : vector<16x256xf32>
      %slice3A_3214 = vector.extract_strided_slice %get3A_3206 {offsets = [0, 256], sizes = [16, 256], strides = [1, 1]} : vector<16x512xf32> to vector<16x256xf32>
      %dot_general3A_3215 = arith.constant dense<0.000000e+00> : vector<16x256xf32>
      %dot_general3A_3216 = tpu.matmul %tanh3A_3188, %get3A_17, %dot_general3A_3215 {dimension_numbers = #tpu.dot_dimension_numbers<[1], [0], [0], [1], [0, 0, 1, 1], [], []>, transpose_lhs_hint = false} : vector<16x256xf32>, vector<256x256xf32>, vector<16x256xf32> -> vector<16x256xf32>
      %add3A_3217 = arith.addf %slice3A_3214, %dot_general3A_3216 : vector<16x256xf32>
      %dot_general3A_3218 = arith.constant dense<0.000000e+00> : vector<16x256xf32>
      %dot_general3A_3219 = tpu.matmul %tanh3A_3189, %get3A_20, %dot_general3A_3218 {dimension_numbers = #tpu.dot_dimension_numbers<[1], [0], [0], [1], [0, 0, 1, 1], [], []>, transpose_lhs_hint = false} : vector<16x256xf32>, vector<256x256xf32>, vector<16x256xf32> -> vector<16x256xf32>
      %add3A_3220 = arith.addf %add3A_3217, %dot_general3A_3219 : vector<16x256xf32>
      %tanh3A_3221 = math.tanh %add3A_3213 : vector<16x256xf32>
      %tanh3A_3222 = math.tanh %add3A_3220 : vector<16x256xf32>
      %swap3A_3223 = arith.constant 0 : index
      %swap3A_3224 = arith.constant 96 : index
      %swap3A_3225 = arith.constant 0 : index
      %swap3A_3226 = vector.load %arg7[%swap3A_3223, %swap3A_3224, %swap3A_3225] : memref<16x128x512xf32, #tpu.memory_space<vmem>>, vector<16x1x256xf32>
      %swap3A_3227 = vector.shape_cast %swap3A_3226 : vector<16x1x256xf32> to vector<16x256xf32>
      %swap3A_3228 = vector.shape_cast %tanh3A_3221 : vector<16x256xf32> to vector<16x1x256xf32>
      tpu.vector_store %arg7[%swap3A_3223, %swap3A_3224, %swap3A_3225], %swap3A_3228 {strides = array<i32>} : memref<16x128x512xf32, #tpu.memory_space<vmem>>, vector<16x1x256xf32>,
      %swap3A_3229 = arith.constant 0 : index
      %swap3A_3230 = arith.constant 96 : index
      %swap3A_3231 = arith.constant 256 : index
      %swap3A_3232 = vector.load %arg7[%swap3A_3229, %swap3A_3230, %swap3A_3231] : memref<16x128x512xf32, #tpu.memory_space<vmem>>, vector<16x1x256xf32>
      %swap3A_3233 = vector.shape_cast %swap3A_3232 : vector<16x1x256xf32> to vector<16x256xf32>
      %swap3A_3234 = vector.shape_cast %tanh3A_3222 : vector<16x256xf32> to vector<16x1x256xf32>
      tpu.vector_store %arg7[%swap3A_3229, %swap3A_3230, %swap3A_3231], %swap3A_3234 {strides = array<i32>} : memref<16x128x512xf32, #tpu.memory_space<vmem>>, vector<16x1x256xf32>,
      %get3A_3235 = arith.index_cast %select_n3A_31 : i32 to index
      %get3A_3236 = arith.constant 1552 : index
      %get3A_3237 = arith.constant 0 : index
      %get3A_3238 = vector.load %arg9[%get3A_3235, %get3A_3236, %get3A_3237] : memref<2x2048x512xf32, #tpu.memory_space<vmem>>, vector<1x16x512xf32>
      %get3A_3239 = vector.shape_cast %get3A_3238 : vector<1x16x512xf32> to vector<16x512xf32>
      %slice3A_3240 = vector.extract_strided_slice %get3A_3239 {offsets = [0, 0], sizes = [16, 256], strides = [1, 1]} : vector<16x512xf32> to vector<16x256xf32>
      %dot_general3A_3241 = arith.constant dense<0.000000e+00> : vector<16x256xf32>
      %dot_general3A_3242 = tpu.matmul %tanh3A_3221, %get3A_11, %dot_general3A_3241 {dimension_numbers = #tpu.dot_dimension_numbers<[1], [0], [0], [1], [0, 0, 1, 1], [], []>, transpose_lhs_hint = false} : vector<16x256xf32>, vector<256x256xf32>, vector<16x256xf32> -> vector<16x256xf32>
      %add3A_3243 = arith.addf %slice3A_3240, %dot_general3A_3242 : vector<16x256xf32>
      %dot_general3A_3244 = arith.constant dense<0.000000e+00> : vector<16x256xf32>
      %dot_general3A_3245 = tpu.matmul %tanh3A_3222, %get3A_14, %dot_general3A_3244 {dimension_numbers = #tpu.dot_dimension_numbers<[1], [0], [0], [1], [0, 0, 1, 1], [], []>, transpose_lhs_hint = false} : vector<16x256xf32>, vector<256x256xf32>, vector<16x256xf32> -> vector<16x256xf32>
      %add3A_3246 = arith.addf %add3A_3243, %dot_general3A_3245 : vector<16x256xf32>
      %slice3A_3247 = vector.extract_strided_slice %get3A_3239 {offsets = [0, 256], sizes = [16, 256], strides = [1, 1]} : vector<16x512xf32> to vector<16x256xf32>
      %dot_general3A_3248 = arith.constant dense<0.000000e+00> : vector<16x256xf32>
      %dot_general3A_3249 = tpu.matmul %tanh3A_3221, %get3A_17, %dot_general3A_3248 {dimension_numbers = #tpu.dot_dimension_numbers<[1], [0], [0], [1], [0, 0, 1, 1], [], []>, transpose_lhs_hint = false} : vector<16x256xf32>, vector<256x256xf32>, vector<16x256xf32> -> vector<16x256xf32>
      %add3A_3250 = arith.addf %slice3A_3247, %dot_general3A_3249 : vector<16x256xf32>
      %dot_general3A_3251 = arith.constant dense<0.000000e+00> : vector<16x256xf32>
      %dot_general3A_3252 = tpu.matmul %tanh3A_3222, %get3A_20, %dot_general3A_3251 {dimension_numbers = #tpu.dot_dimension_numbers<[1], [0], [0], [1], [0, 0, 1, 1], [], []>, transpose_lhs_hint = false} : vector<16x256xf32>, vector<256x256xf32>, vector<16x256xf32> -> vector<16x256xf32>
      %add3A_3253 = arith.addf %add3A_3250, %dot_general3A_3252 : vector<16x256xf32>
      %tanh3A_3254 = math.tanh %add3A_3246 : vector<16x256xf32>
      %tanh3A_3255 = math.tanh %add3A_3253 : vector<16x256xf32>
      %swap3A_3256 = arith.constant 0 : index
      %swap3A_3257 = arith.constant 97 : index
      %swap3A_3258 = arith.constant 0 : index
      %swap3A_3259 = vector.load %arg7[%swap3A_3256, %swap3A_3257, %swap3A_3258] : memref<16x128x512xf32, #tpu.memory_space<vmem>>, vector<16x1x256xf32>
      %swap3A_3260 = vector.shape_cast %swap3A_3259 : vector<16x1x256xf32> to vector<16x256xf32>
      %swap3A_3261 = vector.shape_cast %tanh3A_3254 : vector<16x256xf32> to vector<16x1x256xf32>
      tpu.vector_store %arg7[%swap3A_3256, %swap3A_3257, %swap3A_3258], %swap3A_3261 {strides = array<i32>} : memref<16x128x512xf32, #tpu.memory_space<vmem>>, vector<16x1x256xf32>,
      %swap3A_3262 = arith.constant 0 : index
      %swap3A_3263 = arith.constant 97 : index
      %swap3A_3264 = arith.constant 256 : index
      %swap3A_3265 = vector.load %arg7[%swap3A_3262, %swap3A_3263, %swap3A_3264] : memref<16x128x512xf32, #tpu.memory_space<vmem>>, vector<16x1x256xf32>
      %swap3A_3266 = vector.shape_cast %swap3A_3265 : vector<16x1x256xf32> to vector<16x256xf32>
      %swap3A_3267 = vector.shape_cast %tanh3A_3255 : vector<16x256xf32> to vector<16x1x256xf32>
      tpu.vector_store %arg7[%swap3A_3262, %swap3A_3263, %swap3A_3264], %swap3A_3267 {strides = array<i32>} : memref<16x128x512xf32, #tpu.memory_space<vmem>>, vector<16x1x256xf32>,
      %get3A_3268 = arith.index_cast %select_n3A_31 : i32 to index
      %get3A_3269 = arith.constant 1568 : index
      %get3A_3270 = arith.constant 0 : index
      %get3A_3271 = vector.load %arg9[%get3A_3268, %get3A_3269, %get3A_3270] : memref<2x2048x512xf32, #tpu.memory_space<vmem>>, vector<1x16x512xf32>
      %get3A_3272 = vector.shape_cast %get3A_3271 : vector<1x16x512xf32> to vector<16x512xf32>
      %slice3A_3273 = vector.extract_strided_slice %get3A_3272 {offsets = [0, 0], sizes = [16, 256], strides = [1, 1]} : vector<16x512xf32> to vector<16x256xf32>
      %dot_general3A_3274 = arith.constant dense<0.000000e+00> : vector<16x256xf32>
      %dot_general3A_3275 = tpu.matmul %tanh3A_3254, %get3A_11, %dot_general3A_3274 {dimension_numbers = #tpu.dot_dimension_numbers<[1], [0], [0], [1], [0, 0, 1, 1], [], []>, transpose_lhs_hint = false} : vector<16x256xf32>, vector<256x256xf32>, vector<16x256xf32> -> vector<16x256xf32>
      %add3A_3276 = arith.addf %slice3A_3273, %dot_general3A_3275 : vector<16x256xf32>
      %dot_general3A_3277 = arith.constant dense<0.000000e+00> : vector<16x256xf32>
      %dot_general3A_3278 = tpu.matmul %tanh3A_3255, %get3A_14, %dot_general3A_3277 {dimension_numbers = #tpu.dot_dimension_numbers<[1], [0], [0], [1], [0, 0, 1, 1], [], []>, transpose_lhs_hint = false} : vector<16x256xf32>, vector<256x256xf32>, vector<16x256xf32> -> vector<16x256xf32>
      %add3A_3279 = arith.addf %add3A_3276, %dot_general3A_3278 : vector<16x256xf32>
      %slice3A_3280 = vector.extract_strided_slice %get3A_3272 {offsets = [0, 256], sizes = [16, 256], strides = [1, 1]} : vector<16x512xf32> to vector<16x256xf32>
      %dot_general3A_3281 = arith.constant dense<0.000000e+00> : vector<16x256xf32>
      %dot_general3A_3282 = tpu.matmul %tanh3A_3254, %get3A_17, %dot_general3A_3281 {dimension_numbers = #tpu.dot_dimension_numbers<[1], [0], [0], [1], [0, 0, 1, 1], [], []>, transpose_lhs_hint = false} : vector<16x256xf32>, vector<256x256xf32>, vector<16x256xf32> -> vector<16x256xf32>
      %add3A_3283 = arith.addf %slice3A_3280, %dot_general3A_3282 : vector<16x256xf32>
      %dot_general3A_3284 = arith.constant dense<0.000000e+00> : vector<16x256xf32>
      %dot_general3A_3285 = tpu.matmul %tanh3A_3255, %get3A_20, %dot_general3A_3284 {dimension_numbers = #tpu.dot_dimension_numbers<[1], [0], [0], [1], [0, 0, 1, 1], [], []>, transpose_lhs_hint = false} : vector<16x256xf32>, vector<256x256xf32>, vector<16x256xf32> -> vector<16x256xf32>
      %add3A_3286 = arith.addf %add3A_3283, %dot_general3A_3285 : vector<16x256xf32>
      %tanh3A_3287 = math.tanh %add3A_3279 : vector<16x256xf32>
      %tanh3A_3288 = math.tanh %add3A_3286 : vector<16x256xf32>
      %swap3A_3289 = arith.constant 0 : index
      %swap3A_3290 = arith.constant 98 : index
      %swap3A_3291 = arith.constant 0 : index
      %swap3A_3292 = vector.load %arg7[%swap3A_3289, %swap3A_3290, %swap3A_3291] : memref<16x128x512xf32, #tpu.memory_space<vmem>>, vector<16x1x256xf32>
      %swap3A_3293 = vector.shape_cast %swap3A_3292 : vector<16x1x256xf32> to vector<16x256xf32>
      %swap3A_3294 = vector.shape_cast %tanh3A_3287 : vector<16x256xf32> to vector<16x1x256xf32>
      tpu.vector_store %arg7[%swap3A_3289, %swap3A_3290, %swap3A_3291], %swap3A_3294 {strides = array<i32>} : memref<16x128x512xf32, #tpu.memory_space<vmem>>, vector<16x1x256xf32>,
      %swap3A_3295 = arith.constant 0 : index
      %swap3A_3296 = arith.constant 98 : index
      %swap3A_3297 = arith.constant 256 : index
      %swap3A_3298 = vector.load %arg7[%swap3A_3295, %swap3A_3296, %swap3A_3297] : memref<16x128x512xf32, #tpu.memory_space<vmem>>, vector<16x1x256xf32>
      %swap3A_3299 = vector.shape_cast %swap3A_3298 : vector<16x1x256xf32> to vector<16x256xf32>
      %swap3A_3300 = vector.shape_cast %tanh3A_3288 : vector<16x256xf32> to vector<16x1x256xf32>
      tpu.vector_store %arg7[%swap3A_3295, %swap3A_3296, %swap3A_3297], %swap3A_3300 {strides = array<i32>} : memref<16x128x512xf32, #tpu.memory_space<vmem>>, vector<16x1x256xf32>,
      %get3A_3301 = arith.index_cast %select_n3A_31 : i32 to index
      %get3A_3302 = arith.constant 1584 : index
      %get3A_3303 = arith.constant 0 : index
      %get3A_3304 = vector.load %arg9[%get3A_3301, %get3A_3302, %get3A_3303] : memref<2x2048x512xf32, #tpu.memory_space<vmem>>, vector<1x16x512xf32>
      %get3A_3305 = vector.shape_cast %get3A_3304 : vector<1x16x512xf32> to vector<16x512xf32>
      %slice3A_3306 = vector.extract_strided_slice %get3A_3305 {offsets = [0, 0], sizes = [16, 256], strides = [1, 1]} : vector<16x512xf32> to vector<16x256xf32>
      %dot_general3A_3307 = arith.constant dense<0.000000e+00> : vector<16x256xf32>
      %dot_general3A_3308 = tpu.matmul %tanh3A_3287, %get3A_11, %dot_general3A_3307 {dimension_numbers = #tpu.dot_dimension_numbers<[1], [0], [0], [1], [0, 0, 1, 1], [], []>, transpose_lhs_hint = false} : vector<16x256xf32>, vector<256x256xf32>, vector<16x256xf32> -> vector<16x256xf32>
      %add3A_3309 = arith.addf %slice3A_3306, %dot_general3A_3308 : vector<16x256xf32>
      %dot_general3A_3310 = arith.constant dense<0.000000e+00> : vector<16x256xf32>
      %dot_general3A_3311 = tpu.matmul %tanh3A_3288, %get3A_14, %dot_general3A_3310 {dimension_numbers = #tpu.dot_dimension_numbers<[1], [0], [0], [1], [0, 0, 1, 1], [], []>, transpose_lhs_hint = false} : vector<16x256xf32>, vector<256x256xf32>, vector<16x256xf32> -> vector<16x256xf32>
      %add3A_3312 = arith.addf %add3A_3309, %dot_general3A_3311 : vector<16x256xf32>
      %slice3A_3313 = vector.extract_strided_slice %get3A_3305 {offsets = [0, 256], sizes = [16, 256], strides = [1, 1]} : vector<16x512xf32> to vector<16x256xf32>
      %dot_general3A_3314 = arith.constant dense<0.000000e+00> : vector<16x256xf32>
      %dot_general3A_3315 = tpu.matmul %tanh3A_3287, %get3A_17, %dot_general3A_3314 {dimension_numbers = #tpu.dot_dimension_numbers<[1], [0], [0], [1], [0, 0, 1, 1], [], []>, transpose_lhs_hint = false} : vector<16x256xf32>, vector<256x256xf32>, vector<16x256xf32> -> vector<16x256xf32>
      %add3A_3316 = arith.addf %slice3A_3313, %dot_general3A_3315 : vector<16x256xf32>
      %dot_general3A_3317 = arith.constant dense<0.000000e+00> : vector<16x256xf32>
      %dot_general3A_3318 = tpu.matmul %tanh3A_3288, %get3A_20, %dot_general3A_3317 {dimension_numbers = #tpu.dot_dimension_numbers<[1], [0], [0], [1], [0, 0, 1, 1], [], []>, transpose_lhs_hint = false} : vector<16x256xf32>, vector<256x256xf32>, vector<16x256xf32> -> vector<16x256xf32>
      %add3A_3319 = arith.addf %add3A_3316, %dot_general3A_3318 : vector<16x256xf32>
      %tanh3A_3320 = math.tanh %add3A_3312 : vector<16x256xf32>
      %tanh3A_3321 = math.tanh %add3A_3319 : vector<16x256xf32>
      %swap3A_3322 = arith.constant 0 : index
      %swap3A_3323 = arith.constant 99 : index
      %swap3A_3324 = arith.constant 0 : index
      %swap3A_3325 = vector.load %arg7[%swap3A_3322, %swap3A_3323, %swap3A_3324] : memref<16x128x512xf32, #tpu.memory_space<vmem>>, vector<16x1x256xf32>
      %swap3A_3326 = vector.shape_cast %swap3A_3325 : vector<16x1x256xf32> to vector<16x256xf32>
      %swap3A_3327 = vector.shape_cast %tanh3A_3320 : vector<16x256xf32> to vector<16x1x256xf32>
      tpu.vector_store %arg7[%swap3A_3322, %swap3A_3323, %swap3A_3324], %swap3A_3327 {strides = array<i32>} : memref<16x128x512xf32, #tpu.memory_space<vmem>>, vector<16x1x256xf32>,
      %swap3A_3328 = arith.constant 0 : index
      %swap3A_3329 = arith.constant 99 : index
      %swap3A_3330 = arith.constant 256 : index
      %swap3A_3331 = vector.load %arg7[%swap3A_3328, %swap3A_3329, %swap3A_3330] : memref<16x128x512xf32, #tpu.memory_space<vmem>>, vector<16x1x256xf32>
      %swap3A_3332 = vector.shape_cast %swap3A_3331 : vector<16x1x256xf32> to vector<16x256xf32>
      %swap3A_3333 = vector.shape_cast %tanh3A_3321 : vector<16x256xf32> to vector<16x1x256xf32>
      tpu.vector_store %arg7[%swap3A_3328, %swap3A_3329, %swap3A_3330], %swap3A_3333 {strides = array<i32>} : memref<16x128x512xf32, #tpu.memory_space<vmem>>, vector<16x1x256xf32>,
      %get3A_3334 = arith.index_cast %select_n3A_31 : i32 to index
      %get3A_3335 = arith.constant 1600 : index
      %get3A_3336 = arith.constant 0 : index
      %get3A_3337 = vector.load %arg9[%get3A_3334, %get3A_3335, %get3A_3336] : memref<2x2048x512xf32, #tpu.memory_space<vmem>>, vector<1x16x512xf32>
      %get3A_3338 = vector.shape_cast %get3A_3337 : vector<1x16x512xf32> to vector<16x512xf32>
      %slice3A_3339 = vector.extract_strided_slice %get3A_3338 {offsets = [0, 0], sizes = [16, 256], strides = [1, 1]} : vector<16x512xf32> to vector<16x256xf32>
      %dot_general3A_3340 = arith.constant dense<0.000000e+00> : vector<16x256xf32>
      %dot_general3A_3341 = tpu.matmul %tanh3A_3320, %get3A_11, %dot_general3A_3340 {dimension_numbers = #tpu.dot_dimension_numbers<[1], [0], [0], [1], [0, 0, 1, 1], [], []>, transpose_lhs_hint = false} : vector<16x256xf32>, vector<256x256xf32>, vector<16x256xf32> -> vector<16x256xf32>
      %add3A_3342 = arith.addf %slice3A_3339, %dot_general3A_3341 : vector<16x256xf32>
      %dot_general3A_3343 = arith.constant dense<0.000000e+00> : vector<16x256xf32>
      %dot_general3A_3344 = tpu.matmul %tanh3A_3321, %get3A_14, %dot_general3A_3343 {dimension_numbers = #tpu.dot_dimension_numbers<[1], [0], [0], [1], [0, 0, 1, 1], [], []>, transpose_lhs_hint = false} : vector<16x256xf32>, vector<256x256xf32>, vector<16x256xf32> -> vector<16x256xf32>
      %add3A_3345 = arith.addf %add3A_3342, %dot_general3A_3344 : vector<16x256xf32>
      %slice3A_3346 = vector.extract_strided_slice %get3A_3338 {offsets = [0, 256], sizes = [16, 256], strides = [1, 1]} : vector<16x512xf32> to vector<16x256xf32>
      %dot_general3A_3347 = arith.constant dense<0.000000e+00> : vector<16x256xf32>
      %dot_general3A_3348 = tpu.matmul %tanh3A_3320, %get3A_17, %dot_general3A_3347 {dimension_numbers = #tpu.dot_dimension_numbers<[1], [0], [0], [1], [0, 0, 1, 1], [], []>, transpose_lhs_hint = false} : vector<16x256xf32>, vector<256x256xf32>, vector<16x256xf32> -> vector<16x256xf32>
      %add3A_3349 = arith.addf %slice3A_3346, %dot_general3A_3348 : vector<16x256xf32>
      %dot_general3A_3350 = arith.constant dense<0.000000e+00> : vector<16x256xf32>
      %dot_general3A_3351 = tpu.matmul %tanh3A_3321, %get3A_20, %dot_general3A_3350 {dimension_numbers = #tpu.dot_dimension_numbers<[1], [0], [0], [1], [0, 0, 1, 1], [], []>, transpose_lhs_hint = false} : vector<16x256xf32>, vector<256x256xf32>, vector<16x256xf32> -> vector<16x256xf32>
      %add3A_3352 = arith.addf %add3A_3349, %dot_general3A_3351 : vector<16x256xf32>
      %tanh3A_3353 = math.tanh %add3A_3345 : vector<16x256xf32>
      %tanh3A_3354 = math.tanh %add3A_3352 : vector<16x256xf32>
      %swap3A_3355 = arith.constant 0 : index
      %swap3A_3356 = arith.constant 100 : index
      %swap3A_3357 = arith.constant 0 : index
      %swap3A_3358 = vector.load %arg7[%swap3A_3355, %swap3A_3356, %swap3A_3357] : memref<16x128x512xf32, #tpu.memory_space<vmem>>, vector<16x1x256xf32>
      %swap3A_3359 = vector.shape_cast %swap3A_3358 : vector<16x1x256xf32> to vector<16x256xf32>
      %swap3A_3360 = vector.shape_cast %tanh3A_3353 : vector<16x256xf32> to vector<16x1x256xf32>
      tpu.vector_store %arg7[%swap3A_3355, %swap3A_3356, %swap3A_3357], %swap3A_3360 {strides = array<i32>} : memref<16x128x512xf32, #tpu.memory_space<vmem>>, vector<16x1x256xf32>,
      %swap3A_3361 = arith.constant 0 : index
      %swap3A_3362 = arith.constant 100 : index
      %swap3A_3363 = arith.constant 256 : index
      %swap3A_3364 = vector.load %arg7[%swap3A_3361, %swap3A_3362, %swap3A_3363] : memref<16x128x512xf32, #tpu.memory_space<vmem>>, vector<16x1x256xf32>
      %swap3A_3365 = vector.shape_cast %swap3A_3364 : vector<16x1x256xf32> to vector<16x256xf32>
      %swap3A_3366 = vector.shape_cast %tanh3A_3354 : vector<16x256xf32> to vector<16x1x256xf32>
      tpu.vector_store %arg7[%swap3A_3361, %swap3A_3362, %swap3A_3363], %swap3A_3366 {strides = array<i32>} : memref<16x128x512xf32, #tpu.memory_space<vmem>>, vector<16x1x256xf32>,
      %get3A_3367 = arith.index_cast %select_n3A_31 : i32 to index
      %get3A_3368 = arith.constant 1616 : index
      %get3A_3369 = arith.constant 0 : index
      %get3A_3370 = vector.load %arg9[%get3A_3367, %get3A_3368, %get3A_3369] : memref<2x2048x512xf32, #tpu.memory_space<vmem>>, vector<1x16x512xf32>
      %get3A_3371 = vector.shape_cast %get3A_3370 : vector<1x16x512xf32> to vector<16x512xf32>
      %slice3A_3372 = vector.extract_strided_slice %get3A_3371 {offsets = [0, 0], sizes = [16, 256], strides = [1, 1]} : vector<16x512xf32> to vector<16x256xf32>
      %dot_general3A_3373 = arith.constant dense<0.000000e+00> : vector<16x256xf32>
      %dot_general3A_3374 = tpu.matmul %tanh3A_3353, %get3A_11, %dot_general3A_3373 {dimension_numbers = #tpu.dot_dimension_numbers<[1], [0], [0], [1], [0, 0, 1, 1], [], []>, transpose_lhs_hint = false} : vector<16x256xf32>, vector<256x256xf32>, vector<16x256xf32> -> vector<16x256xf32>
      %add3A_3375 = arith.addf %slice3A_3372, %dot_general3A_3374 : vector<16x256xf32>
      %dot_general3A_3376 = arith.constant dense<0.000000e+00> : vector<16x256xf32>
      %dot_general3A_3377 = tpu.matmul %tanh3A_3354, %get3A_14, %dot_general3A_3376 {dimension_numbers = #tpu.dot_dimension_numbers<[1], [0], [0], [1], [0, 0, 1, 1], [], []>, transpose_lhs_hint = false} : vector<16x256xf32>, vector<256x256xf32>, vector<16x256xf32> -> vector<16x256xf32>
      %add3A_3378 = arith.addf %add3A_3375, %dot_general3A_3377 : vector<16x256xf32>
      %slice3A_3379 = vector.extract_strided_slice %get3A_3371 {offsets = [0, 256], sizes = [16, 256], strides = [1, 1]} : vector<16x512xf32> to vector<16x256xf32>
      %dot_general3A_3380 = arith.constant dense<0.000000e+00> : vector<16x256xf32>
      %dot_general3A_3381 = tpu.matmul %tanh3A_3353, %get3A_17, %dot_general3A_3380 {dimension_numbers = #tpu.dot_dimension_numbers<[1], [0], [0], [1], [0, 0, 1, 1], [], []>, transpose_lhs_hint = false} : vector<16x256xf32>, vector<256x256xf32>, vector<16x256xf32> -> vector<16x256xf32>
      %add3A_3382 = arith.addf %slice3A_3379, %dot_general3A_3381 : vector<16x256xf32>
      %dot_general3A_3383 = arith.constant dense<0.000000e+00> : vector<16x256xf32>
      %dot_general3A_3384 = tpu.matmul %tanh3A_3354, %get3A_20, %dot_general3A_3383 {dimension_numbers = #tpu.dot_dimension_numbers<[1], [0], [0], [1], [0, 0, 1, 1], [], []>, transpose_lhs_hint = false} : vector<16x256xf32>, vector<256x256xf32>, vector<16x256xf32> -> vector<16x256xf32>
      %add3A_3385 = arith.addf %add3A_3382, %dot_general3A_3384 : vector<16x256xf32>
      %tanh3A_3386 = math.tanh %add3A_3378 : vector<16x256xf32>
      %tanh3A_3387 = math.tanh %add3A_3385 : vector<16x256xf32>
      %swap3A_3388 = arith.constant 0 : index
      %swap3A_3389 = arith.constant 101 : index
      %swap3A_3390 = arith.constant 0 : index
      %swap3A_3391 = vector.load %arg7[%swap3A_3388, %swap3A_3389, %swap3A_3390] : memref<16x128x512xf32, #tpu.memory_space<vmem>>, vector<16x1x256xf32>
      %swap3A_3392 = vector.shape_cast %swap3A_3391 : vector<16x1x256xf32> to vector<16x256xf32>
      %swap3A_3393 = vector.shape_cast %tanh3A_3386 : vector<16x256xf32> to vector<16x1x256xf32>
      tpu.vector_store %arg7[%swap3A_3388, %swap3A_3389, %swap3A_3390], %swap3A_3393 {strides = array<i32>} : memref<16x128x512xf32, #tpu.memory_space<vmem>>, vector<16x1x256xf32>,
      %swap3A_3394 = arith.constant 0 : index
      %swap3A_3395 = arith.constant 101 : index
      %swap3A_3396 = arith.constant 256 : index
      %swap3A_3397 = vector.load %arg7[%swap3A_3394, %swap3A_3395, %swap3A_3396] : memref<16x128x512xf32, #tpu.memory_space<vmem>>, vector<16x1x256xf32>
      %swap3A_3398 = vector.shape_cast %swap3A_3397 : vector<16x1x256xf32> to vector<16x256xf32>
      %swap3A_3399 = vector.shape_cast %tanh3A_3387 : vector<16x256xf32> to vector<16x1x256xf32>
      tpu.vector_store %arg7[%swap3A_3394, %swap3A_3395, %swap3A_3396], %swap3A_3399 {strides = array<i32>} : memref<16x128x512xf32, #tpu.memory_space<vmem>>, vector<16x1x256xf32>,
      %get3A_3400 = arith.index_cast %select_n3A_31 : i32 to index
      %get3A_3401 = arith.constant 1632 : index
      %get3A_3402 = arith.constant 0 : index
      %get3A_3403 = vector.load %arg9[%get3A_3400, %get3A_3401, %get3A_3402] : memref<2x2048x512xf32, #tpu.memory_space<vmem>>, vector<1x16x512xf32>
      %get3A_3404 = vector.shape_cast %get3A_3403 : vector<1x16x512xf32> to vector<16x512xf32>
      %slice3A_3405 = vector.extract_strided_slice %get3A_3404 {offsets = [0, 0], sizes = [16, 256], strides = [1, 1]} : vector<16x512xf32> to vector<16x256xf32>
      %dot_general3A_3406 = arith.constant dense<0.000000e+00> : vector<16x256xf32>
      %dot_general3A_3407 = tpu.matmul %tanh3A_3386, %get3A_11, %dot_general3A_3406 {dimension_numbers = #tpu.dot_dimension_numbers<[1], [0], [0], [1], [0, 0, 1, 1], [], []>, transpose_lhs_hint = false} : vector<16x256xf32>, vector<256x256xf32>, vector<16x256xf32> -> vector<16x256xf32>
      %add3A_3408 = arith.addf %slice3A_3405, %dot_general3A_3407 : vector<16x256xf32>
      %dot_general3A_3409 = arith.constant dense<0.000000e+00> : vector<16x256xf32>
      %dot_general3A_3410 = tpu.matmul %tanh3A_3387, %get3A_14, %dot_general3A_3409 {dimension_numbers = #tpu.dot_dimension_numbers<[1], [0], [0], [1], [0, 0, 1, 1], [], []>, transpose_lhs_hint = false} : vector<16x256xf32>, vector<256x256xf32>, vector<16x256xf32> -> vector<16x256xf32>
      %add3A_3411 = arith.addf %add3A_3408, %dot_general3A_3410 : vector<16x256xf32>
      %slice3A_3412 = vector.extract_strided_slice %get3A_3404 {offsets = [0, 256], sizes = [16, 256], strides = [1, 1]} : vector<16x512xf32> to vector<16x256xf32>
      %dot_general3A_3413 = arith.constant dense<0.000000e+00> : vector<16x256xf32>
      %dot_general3A_3414 = tpu.matmul %tanh3A_3386, %get3A_17, %dot_general3A_3413 {dimension_numbers = #tpu.dot_dimension_numbers<[1], [0], [0], [1], [0, 0, 1, 1], [], []>, transpose_lhs_hint = false} : vector<16x256xf32>, vector<256x256xf32>, vector<16x256xf32> -> vector<16x256xf32>
      %add3A_3415 = arith.addf %slice3A_3412, %dot_general3A_3414 : vector<16x256xf32>
      %dot_general3A_3416 = arith.constant dense<0.000000e+00> : vector<16x256xf32>
      %dot_general3A_3417 = tpu.matmul %tanh3A_3387, %get3A_20, %dot_general3A_3416 {dimension_numbers = #tpu.dot_dimension_numbers<[1], [0], [0], [1], [0, 0, 1, 1], [], []>, transpose_lhs_hint = false} : vector<16x256xf32>, vector<256x256xf32>, vector<16x256xf32> -> vector<16x256xf32>
      %add3A_3418 = arith.addf %add3A_3415, %dot_general3A_3417 : vector<16x256xf32>
      %tanh3A_3419 = math.tanh %add3A_3411 : vector<16x256xf32>
      %tanh3A_3420 = math.tanh %add3A_3418 : vector<16x256xf32>
      %swap3A_3421 = arith.constant 0 : index
      %swap3A_3422 = arith.constant 102 : index
      %swap3A_3423 = arith.constant 0 : index
      %swap3A_3424 = vector.load %arg7[%swap3A_3421, %swap3A_3422, %swap3A_3423] : memref<16x128x512xf32, #tpu.memory_space<vmem>>, vector<16x1x256xf32>
      %swap3A_3425 = vector.shape_cast %swap3A_3424 : vector<16x1x256xf32> to vector<16x256xf32>
      %swap3A_3426 = vector.shape_cast %tanh3A_3419 : vector<16x256xf32> to vector<16x1x256xf32>
      tpu.vector_store %arg7[%swap3A_3421, %swap3A_3422, %swap3A_3423], %swap3A_3426 {strides = array<i32>} : memref<16x128x512xf32, #tpu.memory_space<vmem>>, vector<16x1x256xf32>,
      %swap3A_3427 = arith.constant 0 : index
      %swap3A_3428 = arith.constant 102 : index
      %swap3A_3429 = arith.constant 256 : index
      %swap3A_3430 = vector.load %arg7[%swap3A_3427, %swap3A_3428, %swap3A_3429] : memref<16x128x512xf32, #tpu.memory_space<vmem>>, vector<16x1x256xf32>
      %swap3A_3431 = vector.shape_cast %swap3A_3430 : vector<16x1x256xf32> to vector<16x256xf32>
      %swap3A_3432 = vector.shape_cast %tanh3A_3420 : vector<16x256xf32> to vector<16x1x256xf32>
      tpu.vector_store %arg7[%swap3A_3427, %swap3A_3428, %swap3A_3429], %swap3A_3432 {strides = array<i32>} : memref<16x128x512xf32, #tpu.memory_space<vmem>>, vector<16x1x256xf32>,
      %get3A_3433 = arith.index_cast %select_n3A_31 : i32 to index
      %get3A_3434 = arith.constant 1648 : index
      %get3A_3435 = arith.constant 0 : index
      %get3A_3436 = vector.load %arg9[%get3A_3433, %get3A_3434, %get3A_3435] : memref<2x2048x512xf32, #tpu.memory_space<vmem>>, vector<1x16x512xf32>
      %get3A_3437 = vector.shape_cast %get3A_3436 : vector<1x16x512xf32> to vector<16x512xf32>
      %slice3A_3438 = vector.extract_strided_slice %get3A_3437 {offsets = [0, 0], sizes = [16, 256], strides = [1, 1]} : vector<16x512xf32> to vector<16x256xf32>
      %dot_general3A_3439 = arith.constant dense<0.000000e+00> : vector<16x256xf32>
      %dot_general3A_3440 = tpu.matmul %tanh3A_3419, %get3A_11, %dot_general3A_3439 {dimension_numbers = #tpu.dot_dimension_numbers<[1], [0], [0], [1], [0, 0, 1, 1], [], []>, transpose_lhs_hint = false} : vector<16x256xf32>, vector<256x256xf32>, vector<16x256xf32> -> vector<16x256xf32>
      %add3A_3441 = arith.addf %slice3A_3438, %dot_general3A_3440 : vector<16x256xf32>
      %dot_general3A_3442 = arith.constant dense<0.000000e+00> : vector<16x256xf32>
      %dot_general3A_3443 = tpu.matmul %tanh3A_3420, %get3A_14, %dot_general3A_3442 {dimension_numbers = #tpu.dot_dimension_numbers<[1], [0], [0], [1], [0, 0, 1, 1], [], []>, transpose_lhs_hint = false} : vector<16x256xf32>, vector<256x256xf32>, vector<16x256xf32> -> vector<16x256xf32>
      %add3A_3444 = arith.addf %add3A_3441, %dot_general3A_3443 : vector<16x256xf32>
      %slice3A_3445 = vector.extract_strided_slice %get3A_3437 {offsets = [0, 256], sizes = [16, 256], strides = [1, 1]} : vector<16x512xf32> to vector<16x256xf32>
      %dot_general3A_3446 = arith.constant dense<0.000000e+00> : vector<16x256xf32>
      %dot_general3A_3447 = tpu.matmul %tanh3A_3419, %get3A_17, %dot_general3A_3446 {dimension_numbers = #tpu.dot_dimension_numbers<[1], [0], [0], [1], [0, 0, 1, 1], [], []>, transpose_lhs_hint = false} : vector<16x256xf32>, vector<256x256xf32>, vector<16x256xf32> -> vector<16x256xf32>
      %add3A_3448 = arith.addf %slice3A_3445, %dot_general3A_3447 : vector<16x256xf32>
      %dot_general3A_3449 = arith.constant dense<0.000000e+00> : vector<16x256xf32>
      %dot_general3A_3450 = tpu.matmul %tanh3A_3420, %get3A_20, %dot_general3A_3449 {dimension_numbers = #tpu.dot_dimension_numbers<[1], [0], [0], [1], [0, 0, 1, 1], [], []>, transpose_lhs_hint = false} : vector<16x256xf32>, vector<256x256xf32>, vector<16x256xf32> -> vector<16x256xf32>
      %add3A_3451 = arith.addf %add3A_3448, %dot_general3A_3450 : vector<16x256xf32>
      %tanh3A_3452 = math.tanh %add3A_3444 : vector<16x256xf32>
      %tanh3A_3453 = math.tanh %add3A_3451 : vector<16x256xf32>
      %swap3A_3454 = arith.constant 0 : index
      %swap3A_3455 = arith.constant 103 : index
      %swap3A_3456 = arith.constant 0 : index
      %swap3A_3457 = vector.load %arg7[%swap3A_3454, %swap3A_3455, %swap3A_3456] : memref<16x128x512xf32, #tpu.memory_space<vmem>>, vector<16x1x256xf32>
      %swap3A_3458 = vector.shape_cast %swap3A_3457 : vector<16x1x256xf32> to vector<16x256xf32>
      %swap3A_3459 = vector.shape_cast %tanh3A_3452 : vector<16x256xf32> to vector<16x1x256xf32>
      tpu.vector_store %arg7[%swap3A_3454, %swap3A_3455, %swap3A_3456], %swap3A_3459 {strides = array<i32>} : memref<16x128x512xf32, #tpu.memory_space<vmem>>, vector<16x1x256xf32>,
      %swap3A_3460 = arith.constant 0 : index
      %swap3A_3461 = arith.constant 103 : index
      %swap3A_3462 = arith.constant 256 : index
      %swap3A_3463 = vector.load %arg7[%swap3A_3460, %swap3A_3461, %swap3A_3462] : memref<16x128x512xf32, #tpu.memory_space<vmem>>, vector<16x1x256xf32>
      %swap3A_3464 = vector.shape_cast %swap3A_3463 : vector<16x1x256xf32> to vector<16x256xf32>
      %swap3A_3465 = vector.shape_cast %tanh3A_3453 : vector<16x256xf32> to vector<16x1x256xf32>
      tpu.vector_store %arg7[%swap3A_3460, %swap3A_3461, %swap3A_3462], %swap3A_3465 {strides = array<i32>} : memref<16x128x512xf32, #tpu.memory_space<vmem>>, vector<16x1x256xf32>,
      %get3A_3466 = arith.index_cast %select_n3A_31 : i32 to index
      %get3A_3467 = arith.constant 1664 : index
      %get3A_3468 = arith.constant 0 : index
      %get3A_3469 = vector.load %arg9[%get3A_3466, %get3A_3467, %get3A_3468] : memref<2x2048x512xf32, #tpu.memory_space<vmem>>, vector<1x16x512xf32>
      %get3A_3470 = vector.shape_cast %get3A_3469 : vector<1x16x512xf32> to vector<16x512xf32>
      %slice3A_3471 = vector.extract_strided_slice %get3A_3470 {offsets = [0, 0], sizes = [16, 256], strides = [1, 1]} : vector<16x512xf32> to vector<16x256xf32>
      %dot_general3A_3472 = arith.constant dense<0.000000e+00> : vector<16x256xf32>
      %dot_general3A_3473 = tpu.matmul %tanh3A_3452, %get3A_11, %dot_general3A_3472 {dimension_numbers = #tpu.dot_dimension_numbers<[1], [0], [0], [1], [0, 0, 1, 1], [], []>, transpose_lhs_hint = false} : vector<16x256xf32>, vector<256x256xf32>, vector<16x256xf32> -> vector<16x256xf32>
      %add3A_3474 = arith.addf %slice3A_3471, %dot_general3A_3473 : vector<16x256xf32>
      %dot_general3A_3475 = arith.constant dense<0.000000e+00> : vector<16x256xf32>
      %dot_general3A_3476 = tpu.matmul %tanh3A_3453, %get3A_14, %dot_general3A_3475 {dimension_numbers = #tpu.dot_dimension_numbers<[1], [0], [0], [1], [0, 0, 1, 1], [], []>, transpose_lhs_hint = false} : vector<16x256xf32>, vector<256x256xf32>, vector<16x256xf32> -> vector<16x256xf32>
      %add3A_3477 = arith.addf %add3A_3474, %dot_general3A_3476 : vector<16x256xf32>
      %slice3A_3478 = vector.extract_strided_slice %get3A_3470 {offsets = [0, 256], sizes = [16, 256], strides = [1, 1]} : vector<16x512xf32> to vector<16x256xf32>
      %dot_general3A_3479 = arith.constant dense<0.000000e+00> : vector<16x256xf32>
      %dot_general3A_3480 = tpu.matmul %tanh3A_3452, %get3A_17, %dot_general3A_3479 {dimension_numbers = #tpu.dot_dimension_numbers<[1], [0], [0], [1], [0, 0, 1, 1], [], []>, transpose_lhs_hint = false} : vector<16x256xf32>, vector<256x256xf32>, vector<16x256xf32> -> vector<16x256xf32>
      %add3A_3481 = arith.addf %slice3A_3478, %dot_general3A_3480 : vector<16x256xf32>
      %dot_general3A_3482 = arith.constant dense<0.000000e+00> : vector<16x256xf32>
      %dot_general3A_3483 = tpu.matmul %tanh3A_3453, %get3A_20, %dot_general3A_3482 {dimension_numbers = #tpu.dot_dimension_numbers<[1], [0], [0], [1], [0, 0, 1, 1], [], []>, transpose_lhs_hint = false} : vector<16x256xf32>, vector<256x256xf32>, vector<16x256xf32> -> vector<16x256xf32>
      %add3A_3484 = arith.addf %add3A_3481, %dot_general3A_3483 : vector<16x256xf32>
      %tanh3A_3485 = math.tanh %add3A_3477 : vector<16x256xf32>
      %tanh3A_3486 = math.tanh %add3A_3484 : vector<16x256xf32>
      %swap3A_3487 = arith.constant 0 : index
      %swap3A_3488 = arith.constant 104 : index
      %swap3A_3489 = arith.constant 0 : index
      %swap3A_3490 = vector.load %arg7[%swap3A_3487, %swap3A_3488, %swap3A_3489] : memref<16x128x512xf32, #tpu.memory_space<vmem>>, vector<16x1x256xf32>
      %swap3A_3491 = vector.shape_cast %swap3A_3490 : vector<16x1x256xf32> to vector<16x256xf32>
      %swap3A_3492 = vector.shape_cast %tanh3A_3485 : vector<16x256xf32> to vector<16x1x256xf32>
      tpu.vector_store %arg7[%swap3A_3487, %swap3A_3488, %swap3A_3489], %swap3A_3492 {strides = array<i32>} : memref<16x128x512xf32, #tpu.memory_space<vmem>>, vector<16x1x256xf32>,
      %swap3A_3493 = arith.constant 0 : index
      %swap3A_3494 = arith.constant 104 : index
      %swap3A_3495 = arith.constant 256 : index
      %swap3A_3496 = vector.load %arg7[%swap3A_3493, %swap3A_3494, %swap3A_3495] : memref<16x128x512xf32, #tpu.memory_space<vmem>>, vector<16x1x256xf32>
      %swap3A_3497 = vector.shape_cast %swap3A_3496 : vector<16x1x256xf32> to vector<16x256xf32>
      %swap3A_3498 = vector.shape_cast %tanh3A_3486 : vector<16x256xf32> to vector<16x1x256xf32>
      tpu.vector_store %arg7[%swap3A_3493, %swap3A_3494, %swap3A_3495], %swap3A_3498 {strides = array<i32>} : memref<16x128x512xf32, #tpu.memory_space<vmem>>, vector<16x1x256xf32>,
      %get3A_3499 = arith.index_cast %select_n3A_31 : i32 to index
      %get3A_3500 = arith.constant 1680 : index
      %get3A_3501 = arith.constant 0 : index
      %get3A_3502 = vector.load %arg9[%get3A_3499, %get3A_3500, %get3A_3501] : memref<2x2048x512xf32, #tpu.memory_space<vmem>>, vector<1x16x512xf32>
      %get3A_3503 = vector.shape_cast %get3A_3502 : vector<1x16x512xf32> to vector<16x512xf32>
      %slice3A_3504 = vector.extract_strided_slice %get3A_3503 {offsets = [0, 0], sizes = [16, 256], strides = [1, 1]} : vector<16x512xf32> to vector<16x256xf32>
      %dot_general3A_3505 = arith.constant dense<0.000000e+00> : vector<16x256xf32>
      %dot_general3A_3506 = tpu.matmul %tanh3A_3485, %get3A_11, %dot_general3A_3505 {dimension_numbers = #tpu.dot_dimension_numbers<[1], [0], [0], [1], [0, 0, 1, 1], [], []>, transpose_lhs_hint = false} : vector<16x256xf32>, vector<256x256xf32>, vector<16x256xf32> -> vector<16x256xf32>
      %add3A_3507 = arith.addf %slice3A_3504, %dot_general3A_3506 : vector<16x256xf32>
      %dot_general3A_3508 = arith.constant dense<0.000000e+00> : vector<16x256xf32>
      %dot_general3A_3509 = tpu.matmul %tanh3A_3486, %get3A_14, %dot_general3A_3508 {dimension_numbers = #tpu.dot_dimension_numbers<[1], [0], [0], [1], [0, 0, 1, 1], [], []>, transpose_lhs_hint = false} : vector<16x256xf32>, vector<256x256xf32>, vector<16x256xf32> -> vector<16x256xf32>
      %add3A_3510 = arith.addf %add3A_3507, %dot_general3A_3509 : vector<16x256xf32>
      %slice3A_3511 = vector.extract_strided_slice %get3A_3503 {offsets = [0, 256], sizes = [16, 256], strides = [1, 1]} : vector<16x512xf32> to vector<16x256xf32>
      %dot_general3A_3512 = arith.constant dense<0.000000e+00> : vector<16x256xf32>
      %dot_general3A_3513 = tpu.matmul %tanh3A_3485, %get3A_17, %dot_general3A_3512 {dimension_numbers = #tpu.dot_dimension_numbers<[1], [0], [0], [1], [0, 0, 1, 1], [], []>, transpose_lhs_hint = false} : vector<16x256xf32>, vector<256x256xf32>, vector<16x256xf32> -> vector<16x256xf32>
      %add3A_3514 = arith.addf %slice3A_3511, %dot_general3A_3513 : vector<16x256xf32>
      %dot_general3A_3515 = arith.constant dense<0.000000e+00> : vector<16x256xf32>
      %dot_general3A_3516 = tpu.matmul %tanh3A_3486, %get3A_20, %dot_general3A_3515 {dimension_numbers = #tpu.dot_dimension_numbers<[1], [0], [0], [1], [0, 0, 1, 1], [], []>, transpose_lhs_hint = false} : vector<16x256xf32>, vector<256x256xf32>, vector<16x256xf32> -> vector<16x256xf32>
      %add3A_3517 = arith.addf %add3A_3514, %dot_general3A_3516 : vector<16x256xf32>
      %tanh3A_3518 = math.tanh %add3A_3510 : vector<16x256xf32>
      %tanh3A_3519 = math.tanh %add3A_3517 : vector<16x256xf32>
      %swap3A_3520 = arith.constant 0 : index
      %swap3A_3521 = arith.constant 105 : index
      %swap3A_3522 = arith.constant 0 : index
      %swap3A_3523 = vector.load %arg7[%swap3A_3520, %swap3A_3521, %swap3A_3522] : memref<16x128x512xf32, #tpu.memory_space<vmem>>, vector<16x1x256xf32>
      %swap3A_3524 = vector.shape_cast %swap3A_3523 : vector<16x1x256xf32> to vector<16x256xf32>
      %swap3A_3525 = vector.shape_cast %tanh3A_3518 : vector<16x256xf32> to vector<16x1x256xf32>
      tpu.vector_store %arg7[%swap3A_3520, %swap3A_3521, %swap3A_3522], %swap3A_3525 {strides = array<i32>} : memref<16x128x512xf32, #tpu.memory_space<vmem>>, vector<16x1x256xf32>,
      %swap3A_3526 = arith.constant 0 : index
      %swap3A_3527 = arith.constant 105 : index
      %swap3A_3528 = arith.constant 256 : index
      %swap3A_3529 = vector.load %arg7[%swap3A_3526, %swap3A_3527, %swap3A_3528] : memref<16x128x512xf32, #tpu.memory_space<vmem>>, vector<16x1x256xf32>
      %swap3A_3530 = vector.shape_cast %swap3A_3529 : vector<16x1x256xf32> to vector<16x256xf32>
      %swap3A_3531 = vector.shape_cast %tanh3A_3519 : vector<16x256xf32> to vector<16x1x256xf32>
      tpu.vector_store %arg7[%swap3A_3526, %swap3A_3527, %swap3A_3528], %swap3A_3531 {strides = array<i32>} : memref<16x128x512xf32, #tpu.memory_space<vmem>>, vector<16x1x256xf32>,
      %get3A_3532 = arith.index_cast %select_n3A_31 : i32 to index
      %get3A_3533 = arith.constant 1696 : index
      %get3A_3534 = arith.constant 0 : index
      %get3A_3535 = vector.load %arg9[%get3A_3532, %get3A_3533, %get3A_3534] : memref<2x2048x512xf32, #tpu.memory_space<vmem>>, vector<1x16x512xf32>
      %get3A_3536 = vector.shape_cast %get3A_3535 : vector<1x16x512xf32> to vector<16x512xf32>
      %slice3A_3537 = vector.extract_strided_slice %get3A_3536 {offsets = [0, 0], sizes = [16, 256], strides = [1, 1]} : vector<16x512xf32> to vector<16x256xf32>
      %dot_general3A_3538 = arith.constant dense<0.000000e+00> : vector<16x256xf32>
      %dot_general3A_3539 = tpu.matmul %tanh3A_3518, %get3A_11, %dot_general3A_3538 {dimension_numbers = #tpu.dot_dimension_numbers<[1], [0], [0], [1], [0, 0, 1, 1], [], []>, transpose_lhs_hint = false} : vector<16x256xf32>, vector<256x256xf32>, vector<16x256xf32> -> vector<16x256xf32>
      %add3A_3540 = arith.addf %slice3A_3537, %dot_general3A_3539 : vector<16x256xf32>
      %dot_general3A_3541 = arith.constant dense<0.000000e+00> : vector<16x256xf32>
      %dot_general3A_3542 = tpu.matmul %tanh3A_3519, %get3A_14, %dot_general3A_3541 {dimension_numbers = #tpu.dot_dimension_numbers<[1], [0], [0], [1], [0, 0, 1, 1], [], []>, transpose_lhs_hint = false} : vector<16x256xf32>, vector<256x256xf32>, vector<16x256xf32> -> vector<16x256xf32>
      %add3A_3543 = arith.addf %add3A_3540, %dot_general3A_3542 : vector<16x256xf32>
      %slice3A_3544 = vector.extract_strided_slice %get3A_3536 {offsets = [0, 256], sizes = [16, 256], strides = [1, 1]} : vector<16x512xf32> to vector<16x256xf32>
      %dot_general3A_3545 = arith.constant dense<0.000000e+00> : vector<16x256xf32>
      %dot_general3A_3546 = tpu.matmul %tanh3A_3518, %get3A_17, %dot_general3A_3545 {dimension_numbers = #tpu.dot_dimension_numbers<[1], [0], [0], [1], [0, 0, 1, 1], [], []>, transpose_lhs_hint = false} : vector<16x256xf32>, vector<256x256xf32>, vector<16x256xf32> -> vector<16x256xf32>
      %add3A_3547 = arith.addf %slice3A_3544, %dot_general3A_3546 : vector<16x256xf32>
      %dot_general3A_3548 = arith.constant dense<0.000000e+00> : vector<16x256xf32>
      %dot_general3A_3549 = tpu.matmul %tanh3A_3519, %get3A_20, %dot_general3A_3548 {dimension_numbers = #tpu.dot_dimension_numbers<[1], [0], [0], [1], [0, 0, 1, 1], [], []>, transpose_lhs_hint = false} : vector<16x256xf32>, vector<256x256xf32>, vector<16x256xf32> -> vector<16x256xf32>
      %add3A_3550 = arith.addf %add3A_3547, %dot_general3A_3549 : vector<16x256xf32>
      %tanh3A_3551 = math.tanh %add3A_3543 : vector<16x256xf32>
      %tanh3A_3552 = math.tanh %add3A_3550 : vector<16x256xf32>
      %swap3A_3553 = arith.constant 0 : index
      %swap3A_3554 = arith.constant 106 : index
      %swap3A_3555 = arith.constant 0 : index
      %swap3A_3556 = vector.load %arg7[%swap3A_3553, %swap3A_3554, %swap3A_3555] : memref<16x128x512xf32, #tpu.memory_space<vmem>>, vector<16x1x256xf32>
      %swap3A_3557 = vector.shape_cast %swap3A_3556 : vector<16x1x256xf32> to vector<16x256xf32>
      %swap3A_3558 = vector.shape_cast %tanh3A_3551 : vector<16x256xf32> to vector<16x1x256xf32>
      tpu.vector_store %arg7[%swap3A_3553, %swap3A_3554, %swap3A_3555], %swap3A_3558 {strides = array<i32>} : memref<16x128x512xf32, #tpu.memory_space<vmem>>, vector<16x1x256xf32>,
      %swap3A_3559 = arith.constant 0 : index
      %swap3A_3560 = arith.constant 106 : index
      %swap3A_3561 = arith.constant 256 : index
      %swap3A_3562 = vector.load %arg7[%swap3A_3559, %swap3A_3560, %swap3A_3561] : memref<16x128x512xf32, #tpu.memory_space<vmem>>, vector<16x1x256xf32>
      %swap3A_3563 = vector.shape_cast %swap3A_3562 : vector<16x1x256xf32> to vector<16x256xf32>
      %swap3A_3564 = vector.shape_cast %tanh3A_3552 : vector<16x256xf32> to vector<16x1x256xf32>
      tpu.vector_store %arg7[%swap3A_3559, %swap3A_3560, %swap3A_3561], %swap3A_3564 {strides = array<i32>} : memref<16x128x512xf32, #tpu.memory_space<vmem>>, vector<16x1x256xf32>,
      %get3A_3565 = arith.index_cast %select_n3A_31 : i32 to index
      %get3A_3566 = arith.constant 1712 : index
      %get3A_3567 = arith.constant 0 : index
      %get3A_3568 = vector.load %arg9[%get3A_3565, %get3A_3566, %get3A_3567] : memref<2x2048x512xf32, #tpu.memory_space<vmem>>, vector<1x16x512xf32>
      %get3A_3569 = vector.shape_cast %get3A_3568 : vector<1x16x512xf32> to vector<16x512xf32>
      %slice3A_3570 = vector.extract_strided_slice %get3A_3569 {offsets = [0, 0], sizes = [16, 256], strides = [1, 1]} : vector<16x512xf32> to vector<16x256xf32>
      %dot_general3A_3571 = arith.constant dense<0.000000e+00> : vector<16x256xf32>
      %dot_general3A_3572 = tpu.matmul %tanh3A_3551, %get3A_11, %dot_general3A_3571 {dimension_numbers = #tpu.dot_dimension_numbers<[1], [0], [0], [1], [0, 0, 1, 1], [], []>, transpose_lhs_hint = false} : vector<16x256xf32>, vector<256x256xf32>, vector<16x256xf32> -> vector<16x256xf32>
      %add3A_3573 = arith.addf %slice3A_3570, %dot_general3A_3572 : vector<16x256xf32>
      %dot_general3A_3574 = arith.constant dense<0.000000e+00> : vector<16x256xf32>
      %dot_general3A_3575 = tpu.matmul %tanh3A_3552, %get3A_14, %dot_general3A_3574 {dimension_numbers = #tpu.dot_dimension_numbers<[1], [0], [0], [1], [0, 0, 1, 1], [], []>, transpose_lhs_hint = false} : vector<16x256xf32>, vector<256x256xf32>, vector<16x256xf32> -> vector<16x256xf32>
      %add3A_3576 = arith.addf %add3A_3573, %dot_general3A_3575 : vector<16x256xf32>
      %slice3A_3577 = vector.extract_strided_slice %get3A_3569 {offsets = [0, 256], sizes = [16, 256], strides = [1, 1]} : vector<16x512xf32> to vector<16x256xf32>
      %dot_general3A_3578 = arith.constant dense<0.000000e+00> : vector<16x256xf32>
      %dot_general3A_3579 = tpu.matmul %tanh3A_3551, %get3A_17, %dot_general3A_3578 {dimension_numbers = #tpu.dot_dimension_numbers<[1], [0], [0], [1], [0, 0, 1, 1], [], []>, transpose_lhs_hint = false} : vector<16x256xf32>, vector<256x256xf32>, vector<16x256xf32> -> vector<16x256xf32>
      %add3A_3580 = arith.addf %slice3A_3577, %dot_general3A_3579 : vector<16x256xf32>
      %dot_general3A_3581 = arith.constant dense<0.000000e+00> : vector<16x256xf32>
      %dot_general3A_3582 = tpu.matmul %tanh3A_3552, %get3A_20, %dot_general3A_3581 {dimension_numbers = #tpu.dot_dimension_numbers<[1], [0], [0], [1], [0, 0, 1, 1], [], []>, transpose_lhs_hint = false} : vector<16x256xf32>, vector<256x256xf32>, vector<16x256xf32> -> vector<16x256xf32>
      %add3A_3583 = arith.addf %add3A_3580, %dot_general3A_3582 : vector<16x256xf32>
      %tanh3A_3584 = math.tanh %add3A_3576 : vector<16x256xf32>
      %tanh3A_3585 = math.tanh %add3A_3583 : vector<16x256xf32>
      %swap3A_3586 = arith.constant 0 : index
      %swap3A_3587 = arith.constant 107 : index
      %swap3A_3588 = arith.constant 0 : index
      %swap3A_3589 = vector.load %arg7[%swap3A_3586, %swap3A_3587, %swap3A_3588] : memref<16x128x512xf32, #tpu.memory_space<vmem>>, vector<16x1x256xf32>
      %swap3A_3590 = vector.shape_cast %swap3A_3589 : vector<16x1x256xf32> to vector<16x256xf32>
      %swap3A_3591 = vector.shape_cast %tanh3A_3584 : vector<16x256xf32> to vector<16x1x256xf32>
      tpu.vector_store %arg7[%swap3A_3586, %swap3A_3587, %swap3A_3588], %swap3A_3591 {strides = array<i32>} : memref<16x128x512xf32, #tpu.memory_space<vmem>>, vector<16x1x256xf32>,
      %swap3A_3592 = arith.constant 0 : index
      %swap3A_3593 = arith.constant 107 : index
      %swap3A_3594 = arith.constant 256 : index
      %swap3A_3595 = vector.load %arg7[%swap3A_3592, %swap3A_3593, %swap3A_3594] : memref<16x128x512xf32, #tpu.memory_space<vmem>>, vector<16x1x256xf32>
      %swap3A_3596 = vector.shape_cast %swap3A_3595 : vector<16x1x256xf32> to vector<16x256xf32>
      %swap3A_3597 = vector.shape_cast %tanh3A_3585 : vector<16x256xf32> to vector<16x1x256xf32>
      tpu.vector_store %arg7[%swap3A_3592, %swap3A_3593, %swap3A_3594], %swap3A_3597 {strides = array<i32>} : memref<16x128x512xf32, #tpu.memory_space<vmem>>, vector<16x1x256xf32>,
      %get3A_3598 = arith.index_cast %select_n3A_31 : i32 to index
      %get3A_3599 = arith.constant 1728 : index
      %get3A_3600 = arith.constant 0 : index
      %get3A_3601 = vector.load %arg9[%get3A_3598, %get3A_3599, %get3A_3600] : memref<2x2048x512xf32, #tpu.memory_space<vmem>>, vector<1x16x512xf32>
      %get3A_3602 = vector.shape_cast %get3A_3601 : vector<1x16x512xf32> to vector<16x512xf32>
      %slice3A_3603 = vector.extract_strided_slice %get3A_3602 {offsets = [0, 0], sizes = [16, 256], strides = [1, 1]} : vector<16x512xf32> to vector<16x256xf32>
      %dot_general3A_3604 = arith.constant dense<0.000000e+00> : vector<16x256xf32>
      %dot_general3A_3605 = tpu.matmul %tanh3A_3584, %get3A_11, %dot_general3A_3604 {dimension_numbers = #tpu.dot_dimension_numbers<[1], [0], [0], [1], [0, 0, 1, 1], [], []>, transpose_lhs_hint = false} : vector<16x256xf32>, vector<256x256xf32>, vector<16x256xf32> -> vector<16x256xf32>
      %add3A_3606 = arith.addf %slice3A_3603, %dot_general3A_3605 : vector<16x256xf32>
      %dot_general3A_3607 = arith.constant dense<0.000000e+00> : vector<16x256xf32>
      %dot_general3A_3608 = tpu.matmul %tanh3A_3585, %get3A_14, %dot_general3A_3607 {dimension_numbers = #tpu.dot_dimension_numbers<[1], [0], [0], [1], [0, 0, 1, 1], [], []>, transpose_lhs_hint = false} : vector<16x256xf32>, vector<256x256xf32>, vector<16x256xf32> -> vector<16x256xf32>
      %add3A_3609 = arith.addf %add3A_3606, %dot_general3A_3608 : vector<16x256xf32>
      %slice3A_3610 = vector.extract_strided_slice %get3A_3602 {offsets = [0, 256], sizes = [16, 256], strides = [1, 1]} : vector<16x512xf32> to vector<16x256xf32>
      %dot_general3A_3611 = arith.constant dense<0.000000e+00> : vector<16x256xf32>
      %dot_general3A_3612 = tpu.matmul %tanh3A_3584, %get3A_17, %dot_general3A_3611 {dimension_numbers = #tpu.dot_dimension_numbers<[1], [0], [0], [1], [0, 0, 1, 1], [], []>, transpose_lhs_hint = false} : vector<16x256xf32>, vector<256x256xf32>, vector<16x256xf32> -> vector<16x256xf32>
      %add3A_3613 = arith.addf %slice3A_3610, %dot_general3A_3612 : vector<16x256xf32>
      %dot_general3A_3614 = arith.constant dense<0.000000e+00> : vector<16x256xf32>
      %dot_general3A_3615 = tpu.matmul %tanh3A_3585, %get3A_20, %dot_general3A_3614 {dimension_numbers = #tpu.dot_dimension_numbers<[1], [0], [0], [1], [0, 0, 1, 1], [], []>, transpose_lhs_hint = false} : vector<16x256xf32>, vector<256x256xf32>, vector<16x256xf32> -> vector<16x256xf32>
      %add3A_3616 = arith.addf %add3A_3613, %dot_general3A_3615 : vector<16x256xf32>
      %tanh3A_3617 = math.tanh %add3A_3609 : vector<16x256xf32>
      %tanh3A_3618 = math.tanh %add3A_3616 : vector<16x256xf32>
      %swap3A_3619 = arith.constant 0 : index
      %swap3A_3620 = arith.constant 108 : index
      %swap3A_3621 = arith.constant 0 : index
      %swap3A_3622 = vector.load %arg7[%swap3A_3619, %swap3A_3620, %swap3A_3621] : memref<16x128x512xf32, #tpu.memory_space<vmem>>, vector<16x1x256xf32>
      %swap3A_3623 = vector.shape_cast %swap3A_3622 : vector<16x1x256xf32> to vector<16x256xf32>
      %swap3A_3624 = vector.shape_cast %tanh3A_3617 : vector<16x256xf32> to vector<16x1x256xf32>
      tpu.vector_store %arg7[%swap3A_3619, %swap3A_3620, %swap3A_3621], %swap3A_3624 {strides = array<i32>} : memref<16x128x512xf32, #tpu.memory_space<vmem>>, vector<16x1x256xf32>,
      %swap3A_3625 = arith.constant 0 : index
      %swap3A_3626 = arith.constant 108 : index
      %swap3A_3627 = arith.constant 256 : index
      %swap3A_3628 = vector.load %arg7[%swap3A_3625, %swap3A_3626, %swap3A_3627] : memref<16x128x512xf32, #tpu.memory_space<vmem>>, vector<16x1x256xf32>
      %swap3A_3629 = vector.shape_cast %swap3A_3628 : vector<16x1x256xf32> to vector<16x256xf32>
      %swap3A_3630 = vector.shape_cast %tanh3A_3618 : vector<16x256xf32> to vector<16x1x256xf32>
      tpu.vector_store %arg7[%swap3A_3625, %swap3A_3626, %swap3A_3627], %swap3A_3630 {strides = array<i32>} : memref<16x128x512xf32, #tpu.memory_space<vmem>>, vector<16x1x256xf32>,
      %get3A_3631 = arith.index_cast %select_n3A_31 : i32 to index
      %get3A_3632 = arith.constant 1744 : index
      %get3A_3633 = arith.constant 0 : index
      %get3A_3634 = vector.load %arg9[%get3A_3631, %get3A_3632, %get3A_3633] : memref<2x2048x512xf32, #tpu.memory_space<vmem>>, vector<1x16x512xf32>
      %get3A_3635 = vector.shape_cast %get3A_3634 : vector<1x16x512xf32> to vector<16x512xf32>
      %slice3A_3636 = vector.extract_strided_slice %get3A_3635 {offsets = [0, 0], sizes = [16, 256], strides = [1, 1]} : vector<16x512xf32> to vector<16x256xf32>
      %dot_general3A_3637 = arith.constant dense<0.000000e+00> : vector<16x256xf32>
      %dot_general3A_3638 = tpu.matmul %tanh3A_3617, %get3A_11, %dot_general3A_3637 {dimension_numbers = #tpu.dot_dimension_numbers<[1], [0], [0], [1], [0, 0, 1, 1], [], []>, transpose_lhs_hint = false} : vector<16x256xf32>, vector<256x256xf32>, vector<16x256xf32> -> vector<16x256xf32>
      %add3A_3639 = arith.addf %slice3A_3636, %dot_general3A_3638 : vector<16x256xf32>
      %dot_general3A_3640 = arith.constant dense<0.000000e+00> : vector<16x256xf32>
      %dot_general3A_3641 = tpu.matmul %tanh3A_3618, %get3A_14, %dot_general3A_3640 {dimension_numbers = #tpu.dot_dimension_numbers<[1], [0], [0], [1], [0, 0, 1, 1], [], []>, transpose_lhs_hint = false} : vector<16x256xf32>, vector<256x256xf32>, vector<16x256xf32> -> vector<16x256xf32>
      %add3A_3642 = arith.addf %add3A_3639, %dot_general3A_3641 : vector<16x256xf32>
      %slice3A_3643 = vector.extract_strided_slice %get3A_3635 {offsets = [0, 256], sizes = [16, 256], strides = [1, 1]} : vector<16x512xf32> to vector<16x256xf32>
      %dot_general3A_3644 = arith.constant dense<0.000000e+00> : vector<16x256xf32>
      %dot_general3A_3645 = tpu.matmul %tanh3A_3617, %get3A_17, %dot_general3A_3644 {dimension_numbers = #tpu.dot_dimension_numbers<[1], [0], [0], [1], [0, 0, 1, 1], [], []>, transpose_lhs_hint = false} : vector<16x256xf32>, vector<256x256xf32>, vector<16x256xf32> -> vector<16x256xf32>
      %add3A_3646 = arith.addf %slice3A_3643, %dot_general3A_3645 : vector<16x256xf32>
      %dot_general3A_3647 = arith.constant dense<0.000000e+00> : vector<16x256xf32>
      %dot_general3A_3648 = tpu.matmul %tanh3A_3618, %get3A_20, %dot_general3A_3647 {dimension_numbers = #tpu.dot_dimension_numbers<[1], [0], [0], [1], [0, 0, 1, 1], [], []>, transpose_lhs_hint = false} : vector<16x256xf32>, vector<256x256xf32>, vector<16x256xf32> -> vector<16x256xf32>
      %add3A_3649 = arith.addf %add3A_3646, %dot_general3A_3648 : vector<16x256xf32>
      %tanh3A_3650 = math.tanh %add3A_3642 : vector<16x256xf32>
      %tanh3A_3651 = math.tanh %add3A_3649 : vector<16x256xf32>
      %swap3A_3652 = arith.constant 0 : index
      %swap3A_3653 = arith.constant 109 : index
      %swap3A_3654 = arith.constant 0 : index
      %swap3A_3655 = vector.load %arg7[%swap3A_3652, %swap3A_3653, %swap3A_3654] : memref<16x128x512xf32, #tpu.memory_space<vmem>>, vector<16x1x256xf32>
      %swap3A_3656 = vector.shape_cast %swap3A_3655 : vector<16x1x256xf32> to vector<16x256xf32>
      %swap3A_3657 = vector.shape_cast %tanh3A_3650 : vector<16x256xf32> to vector<16x1x256xf32>
      tpu.vector_store %arg7[%swap3A_3652, %swap3A_3653, %swap3A_3654], %swap3A_3657 {strides = array<i32>} : memref<16x128x512xf32, #tpu.memory_space<vmem>>, vector<16x1x256xf32>,
      %swap3A_3658 = arith.constant 0 : index
      %swap3A_3659 = arith.constant 109 : index
      %swap3A_3660 = arith.constant 256 : index
      %swap3A_3661 = vector.load %arg7[%swap3A_3658, %swap3A_3659, %swap3A_3660] : memref<16x128x512xf32, #tpu.memory_space<vmem>>, vector<16x1x256xf32>
      %swap3A_3662 = vector.shape_cast %swap3A_3661 : vector<16x1x256xf32> to vector<16x256xf32>
      %swap3A_3663 = vector.shape_cast %tanh3A_3651 : vector<16x256xf32> to vector<16x1x256xf32>
      tpu.vector_store %arg7[%swap3A_3658, %swap3A_3659, %swap3A_3660], %swap3A_3663 {strides = array<i32>} : memref<16x128x512xf32, #tpu.memory_space<vmem>>, vector<16x1x256xf32>,
      %get3A_3664 = arith.index_cast %select_n3A_31 : i32 to index
      %get3A_3665 = arith.constant 1760 : index
      %get3A_3666 = arith.constant 0 : index
      %get3A_3667 = vector.load %arg9[%get3A_3664, %get3A_3665, %get3A_3666] : memref<2x2048x512xf32, #tpu.memory_space<vmem>>, vector<1x16x512xf32>
      %get3A_3668 = vector.shape_cast %get3A_3667 : vector<1x16x512xf32> to vector<16x512xf32>
      %slice3A_3669 = vector.extract_strided_slice %get3A_3668 {offsets = [0, 0], sizes = [16, 256], strides = [1, 1]} : vector<16x512xf32> to vector<16x256xf32>
      %dot_general3A_3670 = arith.constant dense<0.000000e+00> : vector<16x256xf32>
      %dot_general3A_3671 = tpu.matmul %tanh3A_3650, %get3A_11, %dot_general3A_3670 {dimension_numbers = #tpu.dot_dimension_numbers<[1], [0], [0], [1], [0, 0, 1, 1], [], []>, transpose_lhs_hint = false} : vector<16x256xf32>, vector<256x256xf32>, vector<16x256xf32> -> vector<16x256xf32>
      %add3A_3672 = arith.addf %slice3A_3669, %dot_general3A_3671 : vector<16x256xf32>
      %dot_general3A_3673 = arith.constant dense<0.000000e+00> : vector<16x256xf32>
      %dot_general3A_3674 = tpu.matmul %tanh3A_3651, %get3A_14, %dot_general3A_3673 {dimension_numbers = #tpu.dot_dimension_numbers<[1], [0], [0], [1], [0, 0, 1, 1], [], []>, transpose_lhs_hint = false} : vector<16x256xf32>, vector<256x256xf32>, vector<16x256xf32> -> vector<16x256xf32>
      %add3A_3675 = arith.addf %add3A_3672, %dot_general3A_3674 : vector<16x256xf32>
      %slice3A_3676 = vector.extract_strided_slice %get3A_3668 {offsets = [0, 256], sizes = [16, 256], strides = [1, 1]} : vector<16x512xf32> to vector<16x256xf32>
      %dot_general3A_3677 = arith.constant dense<0.000000e+00> : vector<16x256xf32>
      %dot_general3A_3678 = tpu.matmul %tanh3A_3650, %get3A_17, %dot_general3A_3677 {dimension_numbers = #tpu.dot_dimension_numbers<[1], [0], [0], [1], [0, 0, 1, 1], [], []>, transpose_lhs_hint = false} : vector<16x256xf32>, vector<256x256xf32>, vector<16x256xf32> -> vector<16x256xf32>
      %add3A_3679 = arith.addf %slice3A_3676, %dot_general3A_3678 : vector<16x256xf32>
      %dot_general3A_3680 = arith.constant dense<0.000000e+00> : vector<16x256xf32>
      %dot_general3A_3681 = tpu.matmul %tanh3A_3651, %get3A_20, %dot_general3A_3680 {dimension_numbers = #tpu.dot_dimension_numbers<[1], [0], [0], [1], [0, 0, 1, 1], [], []>, transpose_lhs_hint = false} : vector<16x256xf32>, vector<256x256xf32>, vector<16x256xf32> -> vector<16x256xf32>
      %add3A_3682 = arith.addf %add3A_3679, %dot_general3A_3681 : vector<16x256xf32>
      %tanh3A_3683 = math.tanh %add3A_3675 : vector<16x256xf32>
      %tanh3A_3684 = math.tanh %add3A_3682 : vector<16x256xf32>
      %swap3A_3685 = arith.constant 0 : index
      %swap3A_3686 = arith.constant 110 : index
      %swap3A_3687 = arith.constant 0 : index
      %swap3A_3688 = vector.load %arg7[%swap3A_3685, %swap3A_3686, %swap3A_3687] : memref<16x128x512xf32, #tpu.memory_space<vmem>>, vector<16x1x256xf32>
      %swap3A_3689 = vector.shape_cast %swap3A_3688 : vector<16x1x256xf32> to vector<16x256xf32>
      %swap3A_3690 = vector.shape_cast %tanh3A_3683 : vector<16x256xf32> to vector<16x1x256xf32>
      tpu.vector_store %arg7[%swap3A_3685, %swap3A_3686, %swap3A_3687], %swap3A_3690 {strides = array<i32>} : memref<16x128x512xf32, #tpu.memory_space<vmem>>, vector<16x1x256xf32>,
      %swap3A_3691 = arith.constant 0 : index
      %swap3A_3692 = arith.constant 110 : index
      %swap3A_3693 = arith.constant 256 : index
      %swap3A_3694 = vector.load %arg7[%swap3A_3691, %swap3A_3692, %swap3A_3693] : memref<16x128x512xf32, #tpu.memory_space<vmem>>, vector<16x1x256xf32>
      %swap3A_3695 = vector.shape_cast %swap3A_3694 : vector<16x1x256xf32> to vector<16x256xf32>
      %swap3A_3696 = vector.shape_cast %tanh3A_3684 : vector<16x256xf32> to vector<16x1x256xf32>
      tpu.vector_store %arg7[%swap3A_3691, %swap3A_3692, %swap3A_3693], %swap3A_3696 {strides = array<i32>} : memref<16x128x512xf32, #tpu.memory_space<vmem>>, vector<16x1x256xf32>,
      %get3A_3697 = arith.index_cast %select_n3A_31 : i32 to index
      %get3A_3698 = arith.constant 1776 : index
      %get3A_3699 = arith.constant 0 : index
      %get3A_3700 = vector.load %arg9[%get3A_3697, %get3A_3698, %get3A_3699] : memref<2x2048x512xf32, #tpu.memory_space<vmem>>, vector<1x16x512xf32>
      %get3A_3701 = vector.shape_cast %get3A_3700 : vector<1x16x512xf32> to vector<16x512xf32>
      %slice3A_3702 = vector.extract_strided_slice %get3A_3701 {offsets = [0, 0], sizes = [16, 256], strides = [1, 1]} : vector<16x512xf32> to vector<16x256xf32>
      %dot_general3A_3703 = arith.constant dense<0.000000e+00> : vector<16x256xf32>
      %dot_general3A_3704 = tpu.matmul %tanh3A_3683, %get3A_11, %dot_general3A_3703 {dimension_numbers = #tpu.dot_dimension_numbers<[1], [0], [0], [1], [0, 0, 1, 1], [], []>, transpose_lhs_hint = false} : vector<16x256xf32>, vector<256x256xf32>, vector<16x256xf32> -> vector<16x256xf32>
      %add3A_3705 = arith.addf %slice3A_3702, %dot_general3A_3704 : vector<16x256xf32>
      %dot_general3A_3706 = arith.constant dense<0.000000e+00> : vector<16x256xf32>
      %dot_general3A_3707 = tpu.matmul %tanh3A_3684, %get3A_14, %dot_general3A_3706 {dimension_numbers = #tpu.dot_dimension_numbers<[1], [0], [0], [1], [0, 0, 1, 1], [], []>, transpose_lhs_hint = false} : vector<16x256xf32>, vector<256x256xf32>, vector<16x256xf32> -> vector<16x256xf32>
      %add3A_3708 = arith.addf %add3A_3705, %dot_general3A_3707 : vector<16x256xf32>
      %slice3A_3709 = vector.extract_strided_slice %get3A_3701 {offsets = [0, 256], sizes = [16, 256], strides = [1, 1]} : vector<16x512xf32> to vector<16x256xf32>
      %dot_general3A_3710 = arith.constant dense<0.000000e+00> : vector<16x256xf32>
      %dot_general3A_3711 = tpu.matmul %tanh3A_3683, %get3A_17, %dot_general3A_3710 {dimension_numbers = #tpu.dot_dimension_numbers<[1], [0], [0], [1], [0, 0, 1, 1], [], []>, transpose_lhs_hint = false} : vector<16x256xf32>, vector<256x256xf32>, vector<16x256xf32> -> vector<16x256xf32>
      %add3A_3712 = arith.addf %slice3A_3709, %dot_general3A_3711 : vector<16x256xf32>
      %dot_general3A_3713 = arith.constant dense<0.000000e+00> : vector<16x256xf32>
      %dot_general3A_3714 = tpu.matmul %tanh3A_3684, %get3A_20, %dot_general3A_3713 {dimension_numbers = #tpu.dot_dimension_numbers<[1], [0], [0], [1], [0, 0, 1, 1], [], []>, transpose_lhs_hint = false} : vector<16x256xf32>, vector<256x256xf32>, vector<16x256xf32> -> vector<16x256xf32>
      %add3A_3715 = arith.addf %add3A_3712, %dot_general3A_3714 : vector<16x256xf32>
      %tanh3A_3716 = math.tanh %add3A_3708 : vector<16x256xf32>
      %tanh3A_3717 = math.tanh %add3A_3715 : vector<16x256xf32>
      %swap3A_3718 = arith.constant 0 : index
      %swap3A_3719 = arith.constant 111 : index
      %swap3A_3720 = arith.constant 0 : index
      %swap3A_3721 = vector.load %arg7[%swap3A_3718, %swap3A_3719, %swap3A_3720] : memref<16x128x512xf32, #tpu.memory_space<vmem>>, vector<16x1x256xf32>
      %swap3A_3722 = vector.shape_cast %swap3A_3721 : vector<16x1x256xf32> to vector<16x256xf32>
      %swap3A_3723 = vector.shape_cast %tanh3A_3716 : vector<16x256xf32> to vector<16x1x256xf32>
      tpu.vector_store %arg7[%swap3A_3718, %swap3A_3719, %swap3A_3720], %swap3A_3723 {strides = array<i32>} : memref<16x128x512xf32, #tpu.memory_space<vmem>>, vector<16x1x256xf32>,
      %swap3A_3724 = arith.constant 0 : index
      %swap3A_3725 = arith.constant 111 : index
      %swap3A_3726 = arith.constant 256 : index
      %swap3A_3727 = vector.load %arg7[%swap3A_3724, %swap3A_3725, %swap3A_3726] : memref<16x128x512xf32, #tpu.memory_space<vmem>>, vector<16x1x256xf32>
      %swap3A_3728 = vector.shape_cast %swap3A_3727 : vector<16x1x256xf32> to vector<16x256xf32>
      %swap3A_3729 = vector.shape_cast %tanh3A_3717 : vector<16x256xf32> to vector<16x1x256xf32>
      tpu.vector_store %arg7[%swap3A_3724, %swap3A_3725, %swap3A_3726], %swap3A_3729 {strides = array<i32>} : memref<16x128x512xf32, #tpu.memory_space<vmem>>, vector<16x1x256xf32>,
      %get3A_3730 = arith.index_cast %select_n3A_31 : i32 to index
      %get3A_3731 = arith.constant 1792 : index
      %get3A_3732 = arith.constant 0 : index
      %get3A_3733 = vector.load %arg9[%get3A_3730, %get3A_3731, %get3A_3732] : memref<2x2048x512xf32, #tpu.memory_space<vmem>>, vector<1x16x512xf32>
      %get3A_3734 = vector.shape_cast %get3A_3733 : vector<1x16x512xf32> to vector<16x512xf32>
      %slice3A_3735 = vector.extract_strided_slice %get3A_3734 {offsets = [0, 0], sizes = [16, 256], strides = [1, 1]} : vector<16x512xf32> to vector<16x256xf32>
      %dot_general3A_3736 = arith.constant dense<0.000000e+00> : vector<16x256xf32>
      %dot_general3A_3737 = tpu.matmul %tanh3A_3716, %get3A_11, %dot_general3A_3736 {dimension_numbers = #tpu.dot_dimension_numbers<[1], [0], [0], [1], [0, 0, 1, 1], [], []>, transpose_lhs_hint = false} : vector<16x256xf32>, vector<256x256xf32>, vector<16x256xf32> -> vector<16x256xf32>
      %add3A_3738 = arith.addf %slice3A_3735, %dot_general3A_3737 : vector<16x256xf32>
      %dot_general3A_3739 = arith.constant dense<0.000000e+00> : vector<16x256xf32>
      %dot_general3A_3740 = tpu.matmul %tanh3A_3717, %get3A_14, %dot_general3A_3739 {dimension_numbers = #tpu.dot_dimension_numbers<[1], [0], [0], [1], [0, 0, 1, 1], [], []>, transpose_lhs_hint = false} : vector<16x256xf32>, vector<256x256xf32>, vector<16x256xf32> -> vector<16x256xf32>
      %add3A_3741 = arith.addf %add3A_3738, %dot_general3A_3740 : vector<16x256xf32>
      %slice3A_3742 = vector.extract_strided_slice %get3A_3734 {offsets = [0, 256], sizes = [16, 256], strides = [1, 1]} : vector<16x512xf32> to vector<16x256xf32>
      %dot_general3A_3743 = arith.constant dense<0.000000e+00> : vector<16x256xf32>
      %dot_general3A_3744 = tpu.matmul %tanh3A_3716, %get3A_17, %dot_general3A_3743 {dimension_numbers = #tpu.dot_dimension_numbers<[1], [0], [0], [1], [0, 0, 1, 1], [], []>, transpose_lhs_hint = false} : vector<16x256xf32>, vector<256x256xf32>, vector<16x256xf32> -> vector<16x256xf32>
      %add3A_3745 = arith.addf %slice3A_3742, %dot_general3A_3744 : vector<16x256xf32>
      %dot_general3A_3746 = arith.constant dense<0.000000e+00> : vector<16x256xf32>
      %dot_general3A_3747 = tpu.matmul %tanh3A_3717, %get3A_20, %dot_general3A_3746 {dimension_numbers = #tpu.dot_dimension_numbers<[1], [0], [0], [1], [0, 0, 1, 1], [], []>, transpose_lhs_hint = false} : vector<16x256xf32>, vector<256x256xf32>, vector<16x256xf32> -> vector<16x256xf32>
      %add3A_3748 = arith.addf %add3A_3745, %dot_general3A_3747 : vector<16x256xf32>
      %tanh3A_3749 = math.tanh %add3A_3741 : vector<16x256xf32>
      %tanh3A_3750 = math.tanh %add3A_3748 : vector<16x256xf32>
      %swap3A_3751 = arith.constant 0 : index
      %swap3A_3752 = arith.constant 112 : index
      %swap3A_3753 = arith.constant 0 : index
      %swap3A_3754 = vector.load %arg7[%swap3A_3751, %swap3A_3752, %swap3A_3753] : memref<16x128x512xf32, #tpu.memory_space<vmem>>, vector<16x1x256xf32>
      %swap3A_3755 = vector.shape_cast %swap3A_3754 : vector<16x1x256xf32> to vector<16x256xf32>
      %swap3A_3756 = vector.shape_cast %tanh3A_3749 : vector<16x256xf32> to vector<16x1x256xf32>
      tpu.vector_store %arg7[%swap3A_3751, %swap3A_3752, %swap3A_3753], %swap3A_3756 {strides = array<i32>} : memref<16x128x512xf32, #tpu.memory_space<vmem>>, vector<16x1x256xf32>,
      %swap3A_3757 = arith.constant 0 : index
      %swap3A_3758 = arith.constant 112 : index
      %swap3A_3759 = arith.constant 256 : index
      %swap3A_3760 = vector.load %arg7[%swap3A_3757, %swap3A_3758, %swap3A_3759] : memref<16x128x512xf32, #tpu.memory_space<vmem>>, vector<16x1x256xf32>
      %swap3A_3761 = vector.shape_cast %swap3A_3760 : vector<16x1x256xf32> to vector<16x256xf32>
      %swap3A_3762 = vector.shape_cast %tanh3A_3750 : vector<16x256xf32> to vector<16x1x256xf32>
      tpu.vector_store %arg7[%swap3A_3757, %swap3A_3758, %swap3A_3759], %swap3A_3762 {strides = array<i32>} : memref<16x128x512xf32, #tpu.memory_space<vmem>>, vector<16x1x256xf32>,
      %get3A_3763 = arith.index_cast %select_n3A_31 : i32 to index
      %get3A_3764 = arith.constant 1808 : index
      %get3A_3765 = arith.constant 0 : index
      %get3A_3766 = vector.load %arg9[%get3A_3763, %get3A_3764, %get3A_3765] : memref<2x2048x512xf32, #tpu.memory_space<vmem>>, vector<1x16x512xf32>
      %get3A_3767 = vector.shape_cast %get3A_3766 : vector<1x16x512xf32> to vector<16x512xf32>
      %slice3A_3768 = vector.extract_strided_slice %get3A_3767 {offsets = [0, 0], sizes = [16, 256], strides = [1, 1]} : vector<16x512xf32> to vector<16x256xf32>
      %dot_general3A_3769 = arith.constant dense<0.000000e+00> : vector<16x256xf32>
      %dot_general3A_3770 = tpu.matmul %tanh3A_3749, %get3A_11, %dot_general3A_3769 {dimension_numbers = #tpu.dot_dimension_numbers<[1], [0], [0], [1], [0, 0, 1, 1], [], []>, transpose_lhs_hint = false} : vector<16x256xf32>, vector<256x256xf32>, vector<16x256xf32> -> vector<16x256xf32>
      %add3A_3771 = arith.addf %slice3A_3768, %dot_general3A_3770 : vector<16x256xf32>
      %dot_general3A_3772 = arith.constant dense<0.000000e+00> : vector<16x256xf32>
      %dot_general3A_3773 = tpu.matmul %tanh3A_3750, %get3A_14, %dot_general3A_3772 {dimension_numbers = #tpu.dot_dimension_numbers<[1], [0], [0], [1], [0, 0, 1, 1], [], []>, transpose_lhs_hint = false} : vector<16x256xf32>, vector<256x256xf32>, vector<16x256xf32> -> vector<16x256xf32>
      %add3A_3774 = arith.addf %add3A_3771, %dot_general3A_3773 : vector<16x256xf32>
      %slice3A_3775 = vector.extract_strided_slice %get3A_3767 {offsets = [0, 256], sizes = [16, 256], strides = [1, 1]} : vector<16x512xf32> to vector<16x256xf32>
      %dot_general3A_3776 = arith.constant dense<0.000000e+00> : vector<16x256xf32>
      %dot_general3A_3777 = tpu.matmul %tanh3A_3749, %get3A_17, %dot_general3A_3776 {dimension_numbers = #tpu.dot_dimension_numbers<[1], [0], [0], [1], [0, 0, 1, 1], [], []>, transpose_lhs_hint = false} : vector<16x256xf32>, vector<256x256xf32>, vector<16x256xf32> -> vector<16x256xf32>
      %add3A_3778 = arith.addf %slice3A_3775, %dot_general3A_3777 : vector<16x256xf32>
      %dot_general3A_3779 = arith.constant dense<0.000000e+00> : vector<16x256xf32>
      %dot_general3A_3780 = tpu.matmul %tanh3A_3750, %get3A_20, %dot_general3A_3779 {dimension_numbers = #tpu.dot_dimension_numbers<[1], [0], [0], [1], [0, 0, 1, 1], [], []>, transpose_lhs_hint = false} : vector<16x256xf32>, vector<256x256xf32>, vector<16x256xf32> -> vector<16x256xf32>
      %add3A_3781 = arith.addf %add3A_3778, %dot_general3A_3780 : vector<16x256xf32>
      %tanh3A_3782 = math.tanh %add3A_3774 : vector<16x256xf32>
      %tanh3A_3783 = math.tanh %add3A_3781 : vector<16x256xf32>
      %swap3A_3784 = arith.constant 0 : index
      %swap3A_3785 = arith.constant 113 : index
      %swap3A_3786 = arith.constant 0 : index
      %swap3A_3787 = vector.load %arg7[%swap3A_3784, %swap3A_3785, %swap3A_3786] : memref<16x128x512xf32, #tpu.memory_space<vmem>>, vector<16x1x256xf32>
      %swap3A_3788 = vector.shape_cast %swap3A_3787 : vector<16x1x256xf32> to vector<16x256xf32>
      %swap3A_3789 = vector.shape_cast %tanh3A_3782 : vector<16x256xf32> to vector<16x1x256xf32>
      tpu.vector_store %arg7[%swap3A_3784, %swap3A_3785, %swap3A_3786], %swap3A_3789 {strides = array<i32>} : memref<16x128x512xf32, #tpu.memory_space<vmem>>, vector<16x1x256xf32>,
      %swap3A_3790 = arith.constant 0 : index
      %swap3A_3791 = arith.constant 113 : index
      %swap3A_3792 = arith.constant 256 : index
      %swap3A_3793 = vector.load %arg7[%swap3A_3790, %swap3A_3791, %swap3A_3792] : memref<16x128x512xf32, #tpu.memory_space<vmem>>, vector<16x1x256xf32>
      %swap3A_3794 = vector.shape_cast %swap3A_3793 : vector<16x1x256xf32> to vector<16x256xf32>
      %swap3A_3795 = vector.shape_cast %tanh3A_3783 : vector<16x256xf32> to vector<16x1x256xf32>
      tpu.vector_store %arg7[%swap3A_3790, %swap3A_3791, %swap3A_3792], %swap3A_3795 {strides = array<i32>} : memref<16x128x512xf32, #tpu.memory_space<vmem>>, vector<16x1x256xf32>,
      %get3A_3796 = arith.index_cast %select_n3A_31 : i32 to index
      %get3A_3797 = arith.constant 1824 : index
      %get3A_3798 = arith.constant 0 : index
      %get3A_3799 = vector.load %arg9[%get3A_3796, %get3A_3797, %get3A_3798] : memref<2x2048x512xf32, #tpu.memory_space<vmem>>, vector<1x16x512xf32>
      %get3A_3800 = vector.shape_cast %get3A_3799 : vector<1x16x512xf32> to vector<16x512xf32>
      %slice3A_3801 = vector.extract_strided_slice %get3A_3800 {offsets = [0, 0], sizes = [16, 256], strides = [1, 1]} : vector<16x512xf32> to vector<16x256xf32>
      %dot_general3A_3802 = arith.constant dense<0.000000e+00> : vector<16x256xf32>
      %dot_general3A_3803 = tpu.matmul %tanh3A_3782, %get3A_11, %dot_general3A_3802 {dimension_numbers = #tpu.dot_dimension_numbers<[1], [0], [0], [1], [0, 0, 1, 1], [], []>, transpose_lhs_hint = false} : vector<16x256xf32>, vector<256x256xf32>, vector<16x256xf32> -> vector<16x256xf32>
      %add3A_3804 = arith.addf %slice3A_3801, %dot_general3A_3803 : vector<16x256xf32>
      %dot_general3A_3805 = arith.constant dense<0.000000e+00> : vector<16x256xf32>
      %dot_general3A_3806 = tpu.matmul %tanh3A_3783, %get3A_14, %dot_general3A_3805 {dimension_numbers = #tpu.dot_dimension_numbers<[1], [0], [0], [1], [0, 0, 1, 1], [], []>, transpose_lhs_hint = false} : vector<16x256xf32>, vector<256x256xf32>, vector<16x256xf32> -> vector<16x256xf32>
      %add3A_3807 = arith.addf %add3A_3804, %dot_general3A_3806 : vector<16x256xf32>
      %slice3A_3808 = vector.extract_strided_slice %get3A_3800 {offsets = [0, 256], sizes = [16, 256], strides = [1, 1]} : vector<16x512xf32> to vector<16x256xf32>
      %dot_general3A_3809 = arith.constant dense<0.000000e+00> : vector<16x256xf32>
      %dot_general3A_3810 = tpu.matmul %tanh3A_3782, %get3A_17, %dot_general3A_3809 {dimension_numbers = #tpu.dot_dimension_numbers<[1], [0], [0], [1], [0, 0, 1, 1], [], []>, transpose_lhs_hint = false} : vector<16x256xf32>, vector<256x256xf32>, vector<16x256xf32> -> vector<16x256xf32>
      %add3A_3811 = arith.addf %slice3A_3808, %dot_general3A_3810 : vector<16x256xf32>
      %dot_general3A_3812 = arith.constant dense<0.000000e+00> : vector<16x256xf32>
      %dot_general3A_3813 = tpu.matmul %tanh3A_3783, %get3A_20, %dot_general3A_3812 {dimension_numbers = #tpu.dot_dimension_numbers<[1], [0], [0], [1], [0, 0, 1, 1], [], []>, transpose_lhs_hint = false} : vector<16x256xf32>, vector<256x256xf32>, vector<16x256xf32> -> vector<16x256xf32>
      %add3A_3814 = arith.addf %add3A_3811, %dot_general3A_3813 : vector<16x256xf32>
      %tanh3A_3815 = math.tanh %add3A_3807 : vector<16x256xf32>
      %tanh3A_3816 = math.tanh %add3A_3814 : vector<16x256xf32>
      %swap3A_3817 = arith.constant 0 : index
      %swap3A_3818 = arith.constant 114 : index
      %swap3A_3819 = arith.constant 0 : index
      %swap3A_3820 = vector.load %arg7[%swap3A_3817, %swap3A_3818, %swap3A_3819] : memref<16x128x512xf32, #tpu.memory_space<vmem>>, vector<16x1x256xf32>
      %swap3A_3821 = vector.shape_cast %swap3A_3820 : vector<16x1x256xf32> to vector<16x256xf32>
      %swap3A_3822 = vector.shape_cast %tanh3A_3815 : vector<16x256xf32> to vector<16x1x256xf32>
      tpu.vector_store %arg7[%swap3A_3817, %swap3A_3818, %swap3A_3819], %swap3A_3822 {strides = array<i32>} : memref<16x128x512xf32, #tpu.memory_space<vmem>>, vector<16x1x256xf32>,
      %swap3A_3823 = arith.constant 0 : index
      %swap3A_3824 = arith.constant 114 : index
      %swap3A_3825 = arith.constant 256 : index
      %swap3A_3826 = vector.load %arg7[%swap3A_3823, %swap3A_3824, %swap3A_3825] : memref<16x128x512xf32, #tpu.memory_space<vmem>>, vector<16x1x256xf32>
      %swap3A_3827 = vector.shape_cast %swap3A_3826 : vector<16x1x256xf32> to vector<16x256xf32>
      %swap3A_3828 = vector.shape_cast %tanh3A_3816 : vector<16x256xf32> to vector<16x1x256xf32>
      tpu.vector_store %arg7[%swap3A_3823, %swap3A_3824, %swap3A_3825], %swap3A_3828 {strides = array<i32>} : memref<16x128x512xf32, #tpu.memory_space<vmem>>, vector<16x1x256xf32>,
      %get3A_3829 = arith.index_cast %select_n3A_31 : i32 to index
      %get3A_3830 = arith.constant 1840 : index
      %get3A_3831 = arith.constant 0 : index
      %get3A_3832 = vector.load %arg9[%get3A_3829, %get3A_3830, %get3A_3831] : memref<2x2048x512xf32, #tpu.memory_space<vmem>>, vector<1x16x512xf32>
      %get3A_3833 = vector.shape_cast %get3A_3832 : vector<1x16x512xf32> to vector<16x512xf32>
      %slice3A_3834 = vector.extract_strided_slice %get3A_3833 {offsets = [0, 0], sizes = [16, 256], strides = [1, 1]} : vector<16x512xf32> to vector<16x256xf32>
      %dot_general3A_3835 = arith.constant dense<0.000000e+00> : vector<16x256xf32>
      %dot_general3A_3836 = tpu.matmul %tanh3A_3815, %get3A_11, %dot_general3A_3835 {dimension_numbers = #tpu.dot_dimension_numbers<[1], [0], [0], [1], [0, 0, 1, 1], [], []>, transpose_lhs_hint = false} : vector<16x256xf32>, vector<256x256xf32>, vector<16x256xf32> -> vector<16x256xf32>
      %add3A_3837 = arith.addf %slice3A_3834, %dot_general3A_3836 : vector<16x256xf32>
      %dot_general3A_3838 = arith.constant dense<0.000000e+00> : vector<16x256xf32>
      %dot_general3A_3839 = tpu.matmul %tanh3A_3816, %get3A_14, %dot_general3A_3838 {dimension_numbers = #tpu.dot_dimension_numbers<[1], [0], [0], [1], [0, 0, 1, 1], [], []>, transpose_lhs_hint = false} : vector<16x256xf32>, vector<256x256xf32>, vector<16x256xf32> -> vector<16x256xf32>
      %add3A_3840 = arith.addf %add3A_3837, %dot_general3A_3839 : vector<16x256xf32>
      %slice3A_3841 = vector.extract_strided_slice %get3A_3833 {offsets = [0, 256], sizes = [16, 256], strides = [1, 1]} : vector<16x512xf32> to vector<16x256xf32>
      %dot_general3A_3842 = arith.constant dense<0.000000e+00> : vector<16x256xf32>
      %dot_general3A_3843 = tpu.matmul %tanh3A_3815, %get3A_17, %dot_general3A_3842 {dimension_numbers = #tpu.dot_dimension_numbers<[1], [0], [0], [1], [0, 0, 1, 1], [], []>, transpose_lhs_hint = false} : vector<16x256xf32>, vector<256x256xf32>, vector<16x256xf32> -> vector<16x256xf32>
      %add3A_3844 = arith.addf %slice3A_3841, %dot_general3A_3843 : vector<16x256xf32>
      %dot_general3A_3845 = arith.constant dense<0.000000e+00> : vector<16x256xf32>
      %dot_general3A_3846 = tpu.matmul %tanh3A_3816, %get3A_20, %dot_general3A_3845 {dimension_numbers = #tpu.dot_dimension_numbers<[1], [0], [0], [1], [0, 0, 1, 1], [], []>, transpose_lhs_hint = false} : vector<16x256xf32>, vector<256x256xf32>, vector<16x256xf32> -> vector<16x256xf32>
      %add3A_3847 = arith.addf %add3A_3844, %dot_general3A_3846 : vector<16x256xf32>
      %tanh3A_3848 = math.tanh %add3A_3840 : vector<16x256xf32>
      %tanh3A_3849 = math.tanh %add3A_3847 : vector<16x256xf32>
      %swap3A_3850 = arith.constant 0 : index
      %swap3A_3851 = arith.constant 115 : index
      %swap3A_3852 = arith.constant 0 : index
      %swap3A_3853 = vector.load %arg7[%swap3A_3850, %swap3A_3851, %swap3A_3852] : memref<16x128x512xf32, #tpu.memory_space<vmem>>, vector<16x1x256xf32>
      %swap3A_3854 = vector.shape_cast %swap3A_3853 : vector<16x1x256xf32> to vector<16x256xf32>
      %swap3A_3855 = vector.shape_cast %tanh3A_3848 : vector<16x256xf32> to vector<16x1x256xf32>
      tpu.vector_store %arg7[%swap3A_3850, %swap3A_3851, %swap3A_3852], %swap3A_3855 {strides = array<i32>} : memref<16x128x512xf32, #tpu.memory_space<vmem>>, vector<16x1x256xf32>,
      %swap3A_3856 = arith.constant 0 : index
      %swap3A_3857 = arith.constant 115 : index
      %swap3A_3858 = arith.constant 256 : index
      %swap3A_3859 = vector.load %arg7[%swap3A_3856, %swap3A_3857, %swap3A_3858] : memref<16x128x512xf32, #tpu.memory_space<vmem>>, vector<16x1x256xf32>
      %swap3A_3860 = vector.shape_cast %swap3A_3859 : vector<16x1x256xf32> to vector<16x256xf32>
      %swap3A_3861 = vector.shape_cast %tanh3A_3849 : vector<16x256xf32> to vector<16x1x256xf32>
      tpu.vector_store %arg7[%swap3A_3856, %swap3A_3857, %swap3A_3858], %swap3A_3861 {strides = array<i32>} : memref<16x128x512xf32, #tpu.memory_space<vmem>>, vector<16x1x256xf32>,
      %get3A_3862 = arith.index_cast %select_n3A_31 : i32 to index
      %get3A_3863 = arith.constant 1856 : index
      %get3A_3864 = arith.constant 0 : index
      %get3A_3865 = vector.load %arg9[%get3A_3862, %get3A_3863, %get3A_3864] : memref<2x2048x512xf32, #tpu.memory_space<vmem>>, vector<1x16x512xf32>
      %get3A_3866 = vector.shape_cast %get3A_3865 : vector<1x16x512xf32> to vector<16x512xf32>
      %slice3A_3867 = vector.extract_strided_slice %get3A_3866 {offsets = [0, 0], sizes = [16, 256], strides = [1, 1]} : vector<16x512xf32> to vector<16x256xf32>
      %dot_general3A_3868 = arith.constant dense<0.000000e+00> : vector<16x256xf32>
      %dot_general3A_3869 = tpu.matmul %tanh3A_3848, %get3A_11, %dot_general3A_3868 {dimension_numbers = #tpu.dot_dimension_numbers<[1], [0], [0], [1], [0, 0, 1, 1], [], []>, transpose_lhs_hint = false} : vector<16x256xf32>, vector<256x256xf32>, vector<16x256xf32> -> vector<16x256xf32>
      %add3A_3870 = arith.addf %slice3A_3867, %dot_general3A_3869 : vector<16x256xf32>
      %dot_general3A_3871 = arith.constant dense<0.000000e+00> : vector<16x256xf32>
      %dot_general3A_3872 = tpu.matmul %tanh3A_3849, %get3A_14, %dot_general3A_3871 {dimension_numbers = #tpu.dot_dimension_numbers<[1], [0], [0], [1], [0, 0, 1, 1], [], []>, transpose_lhs_hint = false} : vector<16x256xf32>, vector<256x256xf32>, vector<16x256xf32> -> vector<16x256xf32>
      %add3A_3873 = arith.addf %add3A_3870, %dot_general3A_3872 : vector<16x256xf32>
      %slice3A_3874 = vector.extract_strided_slice %get3A_3866 {offsets = [0, 256], sizes = [16, 256], strides = [1, 1]} : vector<16x512xf32> to vector<16x256xf32>
      %dot_general3A_3875 = arith.constant dense<0.000000e+00> : vector<16x256xf32>
      %dot_general3A_3876 = tpu.matmul %tanh3A_3848, %get3A_17, %dot_general3A_3875 {dimension_numbers = #tpu.dot_dimension_numbers<[1], [0], [0], [1], [0, 0, 1, 1], [], []>, transpose_lhs_hint = false} : vector<16x256xf32>, vector<256x256xf32>, vector<16x256xf32> -> vector<16x256xf32>
      %add3A_3877 = arith.addf %slice3A_3874, %dot_general3A_3876 : vector<16x256xf32>
      %dot_general3A_3878 = arith.constant dense<0.000000e+00> : vector<16x256xf32>
      %dot_general3A_3879 = tpu.matmul %tanh3A_3849, %get3A_20, %dot_general3A_3878 {dimension_numbers = #tpu.dot_dimension_numbers<[1], [0], [0], [1], [0, 0, 1, 1], [], []>, transpose_lhs_hint = false} : vector<16x256xf32>, vector<256x256xf32>, vector<16x256xf32> -> vector<16x256xf32>
      %add3A_3880 = arith.addf %add3A_3877, %dot_general3A_3879 : vector<16x256xf32>
      %tanh3A_3881 = math.tanh %add3A_3873 : vector<16x256xf32>
      %tanh3A_3882 = math.tanh %add3A_3880 : vector<16x256xf32>
      %swap3A_3883 = arith.constant 0 : index
      %swap3A_3884 = arith.constant 116 : index
      %swap3A_3885 = arith.constant 0 : index
      %swap3A_3886 = vector.load %arg7[%swap3A_3883, %swap3A_3884, %swap3A_3885] : memref<16x128x512xf32, #tpu.memory_space<vmem>>, vector<16x1x256xf32>
      %swap3A_3887 = vector.shape_cast %swap3A_3886 : vector<16x1x256xf32> to vector<16x256xf32>
      %swap3A_3888 = vector.shape_cast %tanh3A_3881 : vector<16x256xf32> to vector<16x1x256xf32>
      tpu.vector_store %arg7[%swap3A_3883, %swap3A_3884, %swap3A_3885], %swap3A_3888 {strides = array<i32>} : memref<16x128x512xf32, #tpu.memory_space<vmem>>, vector<16x1x256xf32>,
      %swap3A_3889 = arith.constant 0 : index
      %swap3A_3890 = arith.constant 116 : index
      %swap3A_3891 = arith.constant 256 : index
      %swap3A_3892 = vector.load %arg7[%swap3A_3889, %swap3A_3890, %swap3A_3891] : memref<16x128x512xf32, #tpu.memory_space<vmem>>, vector<16x1x256xf32>
      %swap3A_3893 = vector.shape_cast %swap3A_3892 : vector<16x1x256xf32> to vector<16x256xf32>
      %swap3A_3894 = vector.shape_cast %tanh3A_3882 : vector<16x256xf32> to vector<16x1x256xf32>
      tpu.vector_store %arg7[%swap3A_3889, %swap3A_3890, %swap3A_3891], %swap3A_3894 {strides = array<i32>} : memref<16x128x512xf32, #tpu.memory_space<vmem>>, vector<16x1x256xf32>,
      %get3A_3895 = arith.index_cast %select_n3A_31 : i32 to index
      %get3A_3896 = arith.constant 1872 : index
      %get3A_3897 = arith.constant 0 : index
      %get3A_3898 = vector.load %arg9[%get3A_3895, %get3A_3896, %get3A_3897] : memref<2x2048x512xf32, #tpu.memory_space<vmem>>, vector<1x16x512xf32>
      %get3A_3899 = vector.shape_cast %get3A_3898 : vector<1x16x512xf32> to vector<16x512xf32>
      %slice3A_3900 = vector.extract_strided_slice %get3A_3899 {offsets = [0, 0], sizes = [16, 256], strides = [1, 1]} : vector<16x512xf32> to vector<16x256xf32>
      %dot_general3A_3901 = arith.constant dense<0.000000e+00> : vector<16x256xf32>
      %dot_general3A_3902 = tpu.matmul %tanh3A_3881, %get3A_11, %dot_general3A_3901 {dimension_numbers = #tpu.dot_dimension_numbers<[1], [0], [0], [1], [0, 0, 1, 1], [], []>, transpose_lhs_hint = false} : vector<16x256xf32>, vector<256x256xf32>, vector<16x256xf32> -> vector<16x256xf32>
      %add3A_3903 = arith.addf %slice3A_3900, %dot_general3A_3902 : vector<16x256xf32>
      %dot_general3A_3904 = arith.constant dense<0.000000e+00> : vector<16x256xf32>
      %dot_general3A_3905 = tpu.matmul %tanh3A_3882, %get3A_14, %dot_general3A_3904 {dimension_numbers = #tpu.dot_dimension_numbers<[1], [0], [0], [1], [0, 0, 1, 1], [], []>, transpose_lhs_hint = false} : vector<16x256xf32>, vector<256x256xf32>, vector<16x256xf32> -> vector<16x256xf32>
      %add3A_3906 = arith.addf %add3A_3903, %dot_general3A_3905 : vector<16x256xf32>
      %slice3A_3907 = vector.extract_strided_slice %get3A_3899 {offsets = [0, 256], sizes = [16, 256], strides = [1, 1]} : vector<16x512xf32> to vector<16x256xf32>
      %dot_general3A_3908 = arith.constant dense<0.000000e+00> : vector<16x256xf32>
      %dot_general3A_3909 = tpu.matmul %tanh3A_3881, %get3A_17, %dot_general3A_3908 {dimension_numbers = #tpu.dot_dimension_numbers<[1], [0], [0], [1], [0, 0, 1, 1], [], []>, transpose_lhs_hint = false} : vector<16x256xf32>, vector<256x256xf32>, vector<16x256xf32> -> vector<16x256xf32>
      %add3A_3910 = arith.addf %slice3A_3907, %dot_general3A_3909 : vector<16x256xf32>
      %dot_general3A_3911 = arith.constant dense<0.000000e+00> : vector<16x256xf32>
      %dot_general3A_3912 = tpu.matmul %tanh3A_3882, %get3A_20, %dot_general3A_3911 {dimension_numbers = #tpu.dot_dimension_numbers<[1], [0], [0], [1], [0, 0, 1, 1], [], []>, transpose_lhs_hint = false} : vector<16x256xf32>, vector<256x256xf32>, vector<16x256xf32> -> vector<16x256xf32>
      %add3A_3913 = arith.addf %add3A_3910, %dot_general3A_3912 : vector<16x256xf32>
      %tanh3A_3914 = math.tanh %add3A_3906 : vector<16x256xf32>
      %tanh3A_3915 = math.tanh %add3A_3913 : vector<16x256xf32>
      %swap3A_3916 = arith.constant 0 : index
      %swap3A_3917 = arith.constant 117 : index
      %swap3A_3918 = arith.constant 0 : index
      %swap3A_3919 = vector.load %arg7[%swap3A_3916, %swap3A_3917, %swap3A_3918] : memref<16x128x512xf32, #tpu.memory_space<vmem>>, vector<16x1x256xf32>
      %swap3A_3920 = vector.shape_cast %swap3A_3919 : vector<16x1x256xf32> to vector<16x256xf32>
      %swap3A_3921 = vector.shape_cast %tanh3A_3914 : vector<16x256xf32> to vector<16x1x256xf32>
      tpu.vector_store %arg7[%swap3A_3916, %swap3A_3917, %swap3A_3918], %swap3A_3921 {strides = array<i32>} : memref<16x128x512xf32, #tpu.memory_space<vmem>>, vector<16x1x256xf32>,
      %swap3A_3922 = arith.constant 0 : index
      %swap3A_3923 = arith.constant 117 : index
      %swap3A_3924 = arith.constant 256 : index
      %swap3A_3925 = vector.load %arg7[%swap3A_3922, %swap3A_3923, %swap3A_3924] : memref<16x128x512xf32, #tpu.memory_space<vmem>>, vector<16x1x256xf32>
      %swap3A_3926 = vector.shape_cast %swap3A_3925 : vector<16x1x256xf32> to vector<16x256xf32>
      %swap3A_3927 = vector.shape_cast %tanh3A_3915 : vector<16x256xf32> to vector<16x1x256xf32>
      tpu.vector_store %arg7[%swap3A_3922, %swap3A_3923, %swap3A_3924], %swap3A_3927 {strides = array<i32>} : memref<16x128x512xf32, #tpu.memory_space<vmem>>, vector<16x1x256xf32>,
      %get3A_3928 = arith.index_cast %select_n3A_31 : i32 to index
      %get3A_3929 = arith.constant 1888 : index
      %get3A_3930 = arith.constant 0 : index
      %get3A_3931 = vector.load %arg9[%get3A_3928, %get3A_3929, %get3A_3930] : memref<2x2048x512xf32, #tpu.memory_space<vmem>>, vector<1x16x512xf32>
      %get3A_3932 = vector.shape_cast %get3A_3931 : vector<1x16x512xf32> to vector<16x512xf32>
      %slice3A_3933 = vector.extract_strided_slice %get3A_3932 {offsets = [0, 0], sizes = [16, 256], strides = [1, 1]} : vector<16x512xf32> to vector<16x256xf32>
      %dot_general3A_3934 = arith.constant dense<0.000000e+00> : vector<16x256xf32>
      %dot_general3A_3935 = tpu.matmul %tanh3A_3914, %get3A_11, %dot_general3A_3934 {dimension_numbers = #tpu.dot_dimension_numbers<[1], [0], [0], [1], [0, 0, 1, 1], [], []>, transpose_lhs_hint = false} : vector<16x256xf32>, vector<256x256xf32>, vector<16x256xf32> -> vector<16x256xf32>
      %add3A_3936 = arith.addf %slice3A_3933, %dot_general3A_3935 : vector<16x256xf32>
      %dot_general3A_3937 = arith.constant dense<0.000000e+00> : vector<16x256xf32>
      %dot_general3A_3938 = tpu.matmul %tanh3A_3915, %get3A_14, %dot_general3A_3937 {dimension_numbers = #tpu.dot_dimension_numbers<[1], [0], [0], [1], [0, 0, 1, 1], [], []>, transpose_lhs_hint = false} : vector<16x256xf32>, vector<256x256xf32>, vector<16x256xf32> -> vector<16x256xf32>
      %add3A_3939 = arith.addf %add3A_3936, %dot_general3A_3938 : vector<16x256xf32>
      %slice3A_3940 = vector.extract_strided_slice %get3A_3932 {offsets = [0, 256], sizes = [16, 256], strides = [1, 1]} : vector<16x512xf32> to vector<16x256xf32>
      %dot_general3A_3941 = arith.constant dense<0.000000e+00> : vector<16x256xf32>
      %dot_general3A_3942 = tpu.matmul %tanh3A_3914, %get3A_17, %dot_general3A_3941 {dimension_numbers = #tpu.dot_dimension_numbers<[1], [0], [0], [1], [0, 0, 1, 1], [], []>, transpose_lhs_hint = false} : vector<16x256xf32>, vector<256x256xf32>, vector<16x256xf32> -> vector<16x256xf32>
      %add3A_3943 = arith.addf %slice3A_3940, %dot_general3A_3942 : vector<16x256xf32>
      %dot_general3A_3944 = arith.constant dense<0.000000e+00> : vector<16x256xf32>
      %dot_general3A_3945 = tpu.matmul %tanh3A_3915, %get3A_20, %dot_general3A_3944 {dimension_numbers = #tpu.dot_dimension_numbers<[1], [0], [0], [1], [0, 0, 1, 1], [], []>, transpose_lhs_hint = false} : vector<16x256xf32>, vector<256x256xf32>, vector<16x256xf32> -> vector<16x256xf32>
      %add3A_3946 = arith.addf %add3A_3943, %dot_general3A_3945 : vector<16x256xf32>
      %tanh3A_3947 = math.tanh %add3A_3939 : vector<16x256xf32>
      %tanh3A_3948 = math.tanh %add3A_3946 : vector<16x256xf32>
      %swap3A_3949 = arith.constant 0 : index
      %swap3A_3950 = arith.constant 118 : index
      %swap3A_3951 = arith.constant 0 : index
      %swap3A_3952 = vector.load %arg7[%swap3A_3949, %swap3A_3950, %swap3A_3951] : memref<16x128x512xf32, #tpu.memory_space<vmem>>, vector<16x1x256xf32>
      %swap3A_3953 = vector.shape_cast %swap3A_3952 : vector<16x1x256xf32> to vector<16x256xf32>
      %swap3A_3954 = vector.shape_cast %tanh3A_3947 : vector<16x256xf32> to vector<16x1x256xf32>
      tpu.vector_store %arg7[%swap3A_3949, %swap3A_3950, %swap3A_3951], %swap3A_3954 {strides = array<i32>} : memref<16x128x512xf32, #tpu.memory_space<vmem>>, vector<16x1x256xf32>,
      %swap3A_3955 = arith.constant 0 : index
      %swap3A_3956 = arith.constant 118 : index
      %swap3A_3957 = arith.constant 256 : index
      %swap3A_3958 = vector.load %arg7[%swap3A_3955, %swap3A_3956, %swap3A_3957] : memref<16x128x512xf32, #tpu.memory_space<vmem>>, vector<16x1x256xf32>
      %swap3A_3959 = vector.shape_cast %swap3A_3958 : vector<16x1x256xf32> to vector<16x256xf32>
      %swap3A_3960 = vector.shape_cast %tanh3A_3948 : vector<16x256xf32> to vector<16x1x256xf32>
      tpu.vector_store %arg7[%swap3A_3955, %swap3A_3956, %swap3A_3957], %swap3A_3960 {strides = array<i32>} : memref<16x128x512xf32, #tpu.memory_space<vmem>>, vector<16x1x256xf32>,
      %get3A_3961 = arith.index_cast %select_n3A_31 : i32 to index
      %get3A_3962 = arith.constant 1904 : index
      %get3A_3963 = arith.constant 0 : index
      %get3A_3964 = vector.load %arg9[%get3A_3961, %get3A_3962, %get3A_3963] : memref<2x2048x512xf32, #tpu.memory_space<vmem>>, vector<1x16x512xf32>
      %get3A_3965 = vector.shape_cast %get3A_3964 : vector<1x16x512xf32> to vector<16x512xf32>
      %slice3A_3966 = vector.extract_strided_slice %get3A_3965 {offsets = [0, 0], sizes = [16, 256], strides = [1, 1]} : vector<16x512xf32> to vector<16x256xf32>
      %dot_general3A_3967 = arith.constant dense<0.000000e+00> : vector<16x256xf32>
      %dot_general3A_3968 = tpu.matmul %tanh3A_3947, %get3A_11, %dot_general3A_3967 {dimension_numbers = #tpu.dot_dimension_numbers<[1], [0], [0], [1], [0, 0, 1, 1], [], []>, transpose_lhs_hint = false} : vector<16x256xf32>, vector<256x256xf32>, vector<16x256xf32> -> vector<16x256xf32>
      %add3A_3969 = arith.addf %slice3A_3966, %dot_general3A_3968 : vector<16x256xf32>
      %dot_general3A_3970 = arith.constant dense<0.000000e+00> : vector<16x256xf32>
      %dot_general3A_3971 = tpu.matmul %tanh3A_3948, %get3A_14, %dot_general3A_3970 {dimension_numbers = #tpu.dot_dimension_numbers<[1], [0], [0], [1], [0, 0, 1, 1], [], []>, transpose_lhs_hint = false} : vector<16x256xf32>, vector<256x256xf32>, vector<16x256xf32> -> vector<16x256xf32>
      %add3A_3972 = arith.addf %add3A_3969, %dot_general3A_3971 : vector<16x256xf32>
      %slice3A_3973 = vector.extract_strided_slice %get3A_3965 {offsets = [0, 256], sizes = [16, 256], strides = [1, 1]} : vector<16x512xf32> to vector<16x256xf32>
      %dot_general3A_3974 = arith.constant dense<0.000000e+00> : vector<16x256xf32>
      %dot_general3A_3975 = tpu.matmul %tanh3A_3947, %get3A_17, %dot_general3A_3974 {dimension_numbers = #tpu.dot_dimension_numbers<[1], [0], [0], [1], [0, 0, 1, 1], [], []>, transpose_lhs_hint = false} : vector<16x256xf32>, vector<256x256xf32>, vector<16x256xf32> -> vector<16x256xf32>
      %add3A_3976 = arith.addf %slice3A_3973, %dot_general3A_3975 : vector<16x256xf32>
      %dot_general3A_3977 = arith.constant dense<0.000000e+00> : vector<16x256xf32>
      %dot_general3A_3978 = tpu.matmul %tanh3A_3948, %get3A_20, %dot_general3A_3977 {dimension_numbers = #tpu.dot_dimension_numbers<[1], [0], [0], [1], [0, 0, 1, 1], [], []>, transpose_lhs_hint = false} : vector<16x256xf32>, vector<256x256xf32>, vector<16x256xf32> -> vector<16x256xf32>
      %add3A_3979 = arith.addf %add3A_3976, %dot_general3A_3978 : vector<16x256xf32>
      %tanh3A_3980 = math.tanh %add3A_3972 : vector<16x256xf32>
      %tanh3A_3981 = math.tanh %add3A_3979 : vector<16x256xf32>
      %swap3A_3982 = arith.constant 0 : index
      %swap3A_3983 = arith.constant 119 : index
      %swap3A_3984 = arith.constant 0 : index
      %swap3A_3985 = vector.load %arg7[%swap3A_3982, %swap3A_3983, %swap3A_3984] : memref<16x128x512xf32, #tpu.memory_space<vmem>>, vector<16x1x256xf32>
      %swap3A_3986 = vector.shape_cast %swap3A_3985 : vector<16x1x256xf32> to vector<16x256xf32>
      %swap3A_3987 = vector.shape_cast %tanh3A_3980 : vector<16x256xf32> to vector<16x1x256xf32>
      tpu.vector_store %arg7[%swap3A_3982, %swap3A_3983, %swap3A_3984], %swap3A_3987 {strides = array<i32>} : memref<16x128x512xf32, #tpu.memory_space<vmem>>, vector<16x1x256xf32>,
      %swap3A_3988 = arith.constant 0 : index
      %swap3A_3989 = arith.constant 119 : index
      %swap3A_3990 = arith.constant 256 : index
      %swap3A_3991 = vector.load %arg7[%swap3A_3988, %swap3A_3989, %swap3A_3990] : memref<16x128x512xf32, #tpu.memory_space<vmem>>, vector<16x1x256xf32>
      %swap3A_3992 = vector.shape_cast %swap3A_3991 : vector<16x1x256xf32> to vector<16x256xf32>
      %swap3A_3993 = vector.shape_cast %tanh3A_3981 : vector<16x256xf32> to vector<16x1x256xf32>
      tpu.vector_store %arg7[%swap3A_3988, %swap3A_3989, %swap3A_3990], %swap3A_3993 {strides = array<i32>} : memref<16x128x512xf32, #tpu.memory_space<vmem>>, vector<16x1x256xf32>,
      %get3A_3994 = arith.index_cast %select_n3A_31 : i32 to index
      %get3A_3995 = arith.constant 1920 : index
      %get3A_3996 = arith.constant 0 : index
      %get3A_3997 = vector.load %arg9[%get3A_3994, %get3A_3995, %get3A_3996] : memref<2x2048x512xf32, #tpu.memory_space<vmem>>, vector<1x16x512xf32>
      %get3A_3998 = vector.shape_cast %get3A_3997 : vector<1x16x512xf32> to vector<16x512xf32>
      %slice3A_3999 = vector.extract_strided_slice %get3A_3998 {offsets = [0, 0], sizes = [16, 256], strides = [1, 1]} : vector<16x512xf32> to vector<16x256xf32>
      %dot_general3A_4000 = arith.constant dense<0.000000e+00> : vector<16x256xf32>
      %dot_general3A_4001 = tpu.matmul %tanh3A_3980, %get3A_11, %dot_general3A_4000 {dimension_numbers = #tpu.dot_dimension_numbers<[1], [0], [0], [1], [0, 0, 1, 1], [], []>, transpose_lhs_hint = false} : vector<16x256xf32>, vector<256x256xf32>, vector<16x256xf32> -> vector<16x256xf32>
      %add3A_4002 = arith.addf %slice3A_3999, %dot_general3A_4001 : vector<16x256xf32>
      %dot_general3A_4003 = arith.constant dense<0.000000e+00> : vector<16x256xf32>
      %dot_general3A_4004 = tpu.matmul %tanh3A_3981, %get3A_14, %dot_general3A_4003 {dimension_numbers = #tpu.dot_dimension_numbers<[1], [0], [0], [1], [0, 0, 1, 1], [], []>, transpose_lhs_hint = false} : vector<16x256xf32>, vector<256x256xf32>, vector<16x256xf32> -> vector<16x256xf32>
      %add3A_4005 = arith.addf %add3A_4002, %dot_general3A_4004 : vector<16x256xf32>
      %slice3A_4006 = vector.extract_strided_slice %get3A_3998 {offsets = [0, 256], sizes = [16, 256], strides = [1, 1]} : vector<16x512xf32> to vector<16x256xf32>
      %dot_general3A_4007 = arith.constant dense<0.000000e+00> : vector<16x256xf32>
      %dot_general3A_4008 = tpu.matmul %tanh3A_3980, %get3A_17, %dot_general3A_4007 {dimension_numbers = #tpu.dot_dimension_numbers<[1], [0], [0], [1], [0, 0, 1, 1], [], []>, transpose_lhs_hint = false} : vector<16x256xf32>, vector<256x256xf32>, vector<16x256xf32> -> vector<16x256xf32>
      %add3A_4009 = arith.addf %slice3A_4006, %dot_general3A_4008 : vector<16x256xf32>
      %dot_general3A_4010 = arith.constant dense<0.000000e+00> : vector<16x256xf32>
      %dot_general3A_4011 = tpu.matmul %tanh3A_3981, %get3A_20, %dot_general3A_4010 {dimension_numbers = #tpu.dot_dimension_numbers<[1], [0], [0], [1], [0, 0, 1, 1], [], []>, transpose_lhs_hint = false} : vector<16x256xf32>, vector<256x256xf32>, vector<16x256xf32> -> vector<16x256xf32>
      %add3A_4012 = arith.addf %add3A_4009, %dot_general3A_4011 : vector<16x256xf32>
      %tanh3A_4013 = math.tanh %add3A_4005 : vector<16x256xf32>
      %tanh3A_4014 = math.tanh %add3A_4012 : vector<16x256xf32>
      %swap3A_4015 = arith.constant 0 : index
      %swap3A_4016 = arith.constant 120 : index
      %swap3A_4017 = arith.constant 0 : index
      %swap3A_4018 = vector.load %arg7[%swap3A_4015, %swap3A_4016, %swap3A_4017] : memref<16x128x512xf32, #tpu.memory_space<vmem>>, vector<16x1x256xf32>
      %swap3A_4019 = vector.shape_cast %swap3A_4018 : vector<16x1x256xf32> to vector<16x256xf32>
      %swap3A_4020 = vector.shape_cast %tanh3A_4013 : vector<16x256xf32> to vector<16x1x256xf32>
      tpu.vector_store %arg7[%swap3A_4015, %swap3A_4016, %swap3A_4017], %swap3A_4020 {strides = array<i32>} : memref<16x128x512xf32, #tpu.memory_space<vmem>>, vector<16x1x256xf32>,
      %swap3A_4021 = arith.constant 0 : index
      %swap3A_4022 = arith.constant 120 : index
      %swap3A_4023 = arith.constant 256 : index
      %swap3A_4024 = vector.load %arg7[%swap3A_4021, %swap3A_4022, %swap3A_4023] : memref<16x128x512xf32, #tpu.memory_space<vmem>>, vector<16x1x256xf32>
      %swap3A_4025 = vector.shape_cast %swap3A_4024 : vector<16x1x256xf32> to vector<16x256xf32>
      %swap3A_4026 = vector.shape_cast %tanh3A_4014 : vector<16x256xf32> to vector<16x1x256xf32>
      tpu.vector_store %arg7[%swap3A_4021, %swap3A_4022, %swap3A_4023], %swap3A_4026 {strides = array<i32>} : memref<16x128x512xf32, #tpu.memory_space<vmem>>, vector<16x1x256xf32>,
      %get3A_4027 = arith.index_cast %select_n3A_31 : i32 to index
      %get3A_4028 = arith.constant 1936 : index
      %get3A_4029 = arith.constant 0 : index
      %get3A_4030 = vector.load %arg9[%get3A_4027, %get3A_4028, %get3A_4029] : memref<2x2048x512xf32, #tpu.memory_space<vmem>>, vector<1x16x512xf32>
      %get3A_4031 = vector.shape_cast %get3A_4030 : vector<1x16x512xf32> to vector<16x512xf32>
      %slice3A_4032 = vector.extract_strided_slice %get3A_4031 {offsets = [0, 0], sizes = [16, 256], strides = [1, 1]} : vector<16x512xf32> to vector<16x256xf32>
      %dot_general3A_4033 = arith.constant dense<0.000000e+00> : vector<16x256xf32>
      %dot_general3A_4034 = tpu.matmul %tanh3A_4013, %get3A_11, %dot_general3A_4033 {dimension_numbers = #tpu.dot_dimension_numbers<[1], [0], [0], [1], [0, 0, 1, 1], [], []>, transpose_lhs_hint = false} : vector<16x256xf32>, vector<256x256xf32>, vector<16x256xf32> -> vector<16x256xf32>
      %add3A_4035 = arith.addf %slice3A_4032, %dot_general3A_4034 : vector<16x256xf32>
      %dot_general3A_4036 = arith.constant dense<0.000000e+00> : vector<16x256xf32>
      %dot_general3A_4037 = tpu.matmul %tanh3A_4014, %get3A_14, %dot_general3A_4036 {dimension_numbers = #tpu.dot_dimension_numbers<[1], [0], [0], [1], [0, 0, 1, 1], [], []>, transpose_lhs_hint = false} : vector<16x256xf32>, vector<256x256xf32>, vector<16x256xf32> -> vector<16x256xf32>
      %add3A_4038 = arith.addf %add3A_4035, %dot_general3A_4037 : vector<16x256xf32>
      %slice3A_4039 = vector.extract_strided_slice %get3A_4031 {offsets = [0, 256], sizes = [16, 256], strides = [1, 1]} : vector<16x512xf32> to vector<16x256xf32>
      %dot_general3A_4040 = arith.constant dense<0.000000e+00> : vector<16x256xf32>
      %dot_general3A_4041 = tpu.matmul %tanh3A_4013, %get3A_17, %dot_general3A_4040 {dimension_numbers = #tpu.dot_dimension_numbers<[1], [0], [0], [1], [0, 0, 1, 1], [], []>, transpose_lhs_hint = false} : vector<16x256xf32>, vector<256x256xf32>, vector<16x256xf32> -> vector<16x256xf32>
      %add3A_4042 = arith.addf %slice3A_4039, %dot_general3A_4041 : vector<16x256xf32>
      %dot_general3A_4043 = arith.constant dense<0.000000e+00> : vector<16x256xf32>
      %dot_general3A_4044 = tpu.matmul %tanh3A_4014, %get3A_20, %dot_general3A_4043 {dimension_numbers = #tpu.dot_dimension_numbers<[1], [0], [0], [1], [0, 0, 1, 1], [], []>, transpose_lhs_hint = false} : vector<16x256xf32>, vector<256x256xf32>, vector<16x256xf32> -> vector<16x256xf32>
      %add3A_4045 = arith.addf %add3A_4042, %dot_general3A_4044 : vector<16x256xf32>
      %tanh3A_4046 = math.tanh %add3A_4038 : vector<16x256xf32>
      %tanh3A_4047 = math.tanh %add3A_4045 : vector<16x256xf32>
      %swap3A_4048 = arith.constant 0 : index
      %swap3A_4049 = arith.constant 121 : index
      %swap3A_4050 = arith.constant 0 : index
      %swap3A_4051 = vector.load %arg7[%swap3A_4048, %swap3A_4049, %swap3A_4050] : memref<16x128x512xf32, #tpu.memory_space<vmem>>, vector<16x1x256xf32>
      %swap3A_4052 = vector.shape_cast %swap3A_4051 : vector<16x1x256xf32> to vector<16x256xf32>
      %swap3A_4053 = vector.shape_cast %tanh3A_4046 : vector<16x256xf32> to vector<16x1x256xf32>
      tpu.vector_store %arg7[%swap3A_4048, %swap3A_4049, %swap3A_4050], %swap3A_4053 {strides = array<i32>} : memref<16x128x512xf32, #tpu.memory_space<vmem>>, vector<16x1x256xf32>,
      %swap3A_4054 = arith.constant 0 : index
      %swap3A_4055 = arith.constant 121 : index
      %swap3A_4056 = arith.constant 256 : index
      %swap3A_4057 = vector.load %arg7[%swap3A_4054, %swap3A_4055, %swap3A_4056] : memref<16x128x512xf32, #tpu.memory_space<vmem>>, vector<16x1x256xf32>
      %swap3A_4058 = vector.shape_cast %swap3A_4057 : vector<16x1x256xf32> to vector<16x256xf32>
      %swap3A_4059 = vector.shape_cast %tanh3A_4047 : vector<16x256xf32> to vector<16x1x256xf32>
      tpu.vector_store %arg7[%swap3A_4054, %swap3A_4055, %swap3A_4056], %swap3A_4059 {strides = array<i32>} : memref<16x128x512xf32, #tpu.memory_space<vmem>>, vector<16x1x256xf32>,
      %get3A_4060 = arith.index_cast %select_n3A_31 : i32 to index
      %get3A_4061 = arith.constant 1952 : index
      %get3A_4062 = arith.constant 0 : index
      %get3A_4063 = vector.load %arg9[%get3A_4060, %get3A_4061, %get3A_4062] : memref<2x2048x512xf32, #tpu.memory_space<vmem>>, vector<1x16x512xf32>
      %get3A_4064 = vector.shape_cast %get3A_4063 : vector<1x16x512xf32> to vector<16x512xf32>
      %slice3A_4065 = vector.extract_strided_slice %get3A_4064 {offsets = [0, 0], sizes = [16, 256], strides = [1, 1]} : vector<16x512xf32> to vector<16x256xf32>
      %dot_general3A_4066 = arith.constant dense<0.000000e+00> : vector<16x256xf32>
      %dot_general3A_4067 = tpu.matmul %tanh3A_4046, %get3A_11, %dot_general3A_4066 {dimension_numbers = #tpu.dot_dimension_numbers<[1], [0], [0], [1], [0, 0, 1, 1], [], []>, transpose_lhs_hint = false} : vector<16x256xf32>, vector<256x256xf32>, vector<16x256xf32> -> vector<16x256xf32>
      %add3A_4068 = arith.addf %slice3A_4065, %dot_general3A_4067 : vector<16x256xf32>
      %dot_general3A_4069 = arith.constant dense<0.000000e+00> : vector<16x256xf32>
      %dot_general3A_4070 = tpu.matmul %tanh3A_4047, %get3A_14, %dot_general3A_4069 {dimension_numbers = #tpu.dot_dimension_numbers<[1], [0], [0], [1], [0, 0, 1, 1], [], []>, transpose_lhs_hint = false} : vector<16x256xf32>, vector<256x256xf32>, vector<16x256xf32> -> vector<16x256xf32>
      %add3A_4071 = arith.addf %add3A_4068, %dot_general3A_4070 : vector<16x256xf32>
      %slice3A_4072 = vector.extract_strided_slice %get3A_4064 {offsets = [0, 256], sizes = [16, 256], strides = [1, 1]} : vector<16x512xf32> to vector<16x256xf32>
      %dot_general3A_4073 = arith.constant dense<0.000000e+00> : vector<16x256xf32>
      %dot_general3A_4074 = tpu.matmul %tanh3A_4046, %get3A_17, %dot_general3A_4073 {dimension_numbers = #tpu.dot_dimension_numbers<[1], [0], [0], [1], [0, 0, 1, 1], [], []>, transpose_lhs_hint = false} : vector<16x256xf32>, vector<256x256xf32>, vector<16x256xf32> -> vector<16x256xf32>
      %add3A_4075 = arith.addf %slice3A_4072, %dot_general3A_4074 : vector<16x256xf32>
      %dot_general3A_4076 = arith.constant dense<0.000000e+00> : vector<16x256xf32>
      %dot_general3A_4077 = tpu.matmul %tanh3A_4047, %get3A_20, %dot_general3A_4076 {dimension_numbers = #tpu.dot_dimension_numbers<[1], [0], [0], [1], [0, 0, 1, 1], [], []>, transpose_lhs_hint = false} : vector<16x256xf32>, vector<256x256xf32>, vector<16x256xf32> -> vector<16x256xf32>
      %add3A_4078 = arith.addf %add3A_4075, %dot_general3A_4077 : vector<16x256xf32>
      %tanh3A_4079 = math.tanh %add3A_4071 : vector<16x256xf32>
      %tanh3A_4080 = math.tanh %add3A_4078 : vector<16x256xf32>
      %swap3A_4081 = arith.constant 0 : index
      %swap3A_4082 = arith.constant 122 : index
      %swap3A_4083 = arith.constant 0 : index
      %swap3A_4084 = vector.load %arg7[%swap3A_4081, %swap3A_4082, %swap3A_4083] : memref<16x128x512xf32, #tpu.memory_space<vmem>>, vector<16x1x256xf32>
      %swap3A_4085 = vector.shape_cast %swap3A_4084 : vector<16x1x256xf32> to vector<16x256xf32>
      %swap3A_4086 = vector.shape_cast %tanh3A_4079 : vector<16x256xf32> to vector<16x1x256xf32>
      tpu.vector_store %arg7[%swap3A_4081, %swap3A_4082, %swap3A_4083], %swap3A_4086 {strides = array<i32>} : memref<16x128x512xf32, #tpu.memory_space<vmem>>, vector<16x1x256xf32>,
      %swap3A_4087 = arith.constant 0 : index
      %swap3A_4088 = arith.constant 122 : index
      %swap3A_4089 = arith.constant 256 : index
      %swap3A_4090 = vector.load %arg7[%swap3A_4087, %swap3A_4088, %swap3A_4089] : memref<16x128x512xf32, #tpu.memory_space<vmem>>, vector<16x1x256xf32>
      %swap3A_4091 = vector.shape_cast %swap3A_4090 : vector<16x1x256xf32> to vector<16x256xf32>
      %swap3A_4092 = vector.shape_cast %tanh3A_4080 : vector<16x256xf32> to vector<16x1x256xf32>
      tpu.vector_store %arg7[%swap3A_4087, %swap3A_4088, %swap3A_4089], %swap3A_4092 {strides = array<i32>} : memref<16x128x512xf32, #tpu.memory_space<vmem>>, vector<16x1x256xf32>,
      %get3A_4093 = arith.index_cast %select_n3A_31 : i32 to index
      %get3A_4094 = arith.constant 1968 : index
      %get3A_4095 = arith.constant 0 : index
      %get3A_4096 = vector.load %arg9[%get3A_4093, %get3A_4094, %get3A_4095] : memref<2x2048x512xf32, #tpu.memory_space<vmem>>, vector<1x16x512xf32>
      %get3A_4097 = vector.shape_cast %get3A_4096 : vector<1x16x512xf32> to vector<16x512xf32>
      %slice3A_4098 = vector.extract_strided_slice %get3A_4097 {offsets = [0, 0], sizes = [16, 256], strides = [1, 1]} : vector<16x512xf32> to vector<16x256xf32>
      %dot_general3A_4099 = arith.constant dense<0.000000e+00> : vector<16x256xf32>
      %dot_general3A_4100 = tpu.matmul %tanh3A_4079, %get3A_11, %dot_general3A_4099 {dimension_numbers = #tpu.dot_dimension_numbers<[1], [0], [0], [1], [0, 0, 1, 1], [], []>, transpose_lhs_hint = false} : vector<16x256xf32>, vector<256x256xf32>, vector<16x256xf32> -> vector<16x256xf32>
      %add3A_4101 = arith.addf %slice3A_4098, %dot_general3A_4100 : vector<16x256xf32>
      %dot_general3A_4102 = arith.constant dense<0.000000e+00> : vector<16x256xf32>
      %dot_general3A_4103 = tpu.matmul %tanh3A_4080, %get3A_14, %dot_general3A_4102 {dimension_numbers = #tpu.dot_dimension_numbers<[1], [0], [0], [1], [0, 0, 1, 1], [], []>, transpose_lhs_hint = false} : vector<16x256xf32>, vector<256x256xf32>, vector<16x256xf32> -> vector<16x256xf32>
      %add3A_4104 = arith.addf %add3A_4101, %dot_general3A_4103 : vector<16x256xf32>
      %slice3A_4105 = vector.extract_strided_slice %get3A_4097 {offsets = [0, 256], sizes = [16, 256], strides = [1, 1]} : vector<16x512xf32> to vector<16x256xf32>
      %dot_general3A_4106 = arith.constant dense<0.000000e+00> : vector<16x256xf32>
      %dot_general3A_4107 = tpu.matmul %tanh3A_4079, %get3A_17, %dot_general3A_4106 {dimension_numbers = #tpu.dot_dimension_numbers<[1], [0], [0], [1], [0, 0, 1, 1], [], []>, transpose_lhs_hint = false} : vector<16x256xf32>, vector<256x256xf32>, vector<16x256xf32> -> vector<16x256xf32>
      %add3A_4108 = arith.addf %slice3A_4105, %dot_general3A_4107 : vector<16x256xf32>
      %dot_general3A_4109 = arith.constant dense<0.000000e+00> : vector<16x256xf32>
      %dot_general3A_4110 = tpu.matmul %tanh3A_4080, %get3A_20, %dot_general3A_4109 {dimension_numbers = #tpu.dot_dimension_numbers<[1], [0], [0], [1], [0, 0, 1, 1], [], []>, transpose_lhs_hint = false} : vector<16x256xf32>, vector<256x256xf32>, vector<16x256xf32> -> vector<16x256xf32>
      %add3A_4111 = arith.addf %add3A_4108, %dot_general3A_4110 : vector<16x256xf32>
      %tanh3A_4112 = math.tanh %add3A_4104 : vector<16x256xf32>
      %tanh3A_4113 = math.tanh %add3A_4111 : vector<16x256xf32>
      %swap3A_4114 = arith.constant 0 : index
      %swap3A_4115 = arith.constant 123 : index
      %swap3A_4116 = arith.constant 0 : index
      %swap3A_4117 = vector.load %arg7[%swap3A_4114, %swap3A_4115, %swap3A_4116] : memref<16x128x512xf32, #tpu.memory_space<vmem>>, vector<16x1x256xf32>
      %swap3A_4118 = vector.shape_cast %swap3A_4117 : vector<16x1x256xf32> to vector<16x256xf32>
      %swap3A_4119 = vector.shape_cast %tanh3A_4112 : vector<16x256xf32> to vector<16x1x256xf32>
      tpu.vector_store %arg7[%swap3A_4114, %swap3A_4115, %swap3A_4116], %swap3A_4119 {strides = array<i32>} : memref<16x128x512xf32, #tpu.memory_space<vmem>>, vector<16x1x256xf32>,
      %swap3A_4120 = arith.constant 0 : index
      %swap3A_4121 = arith.constant 123 : index
      %swap3A_4122 = arith.constant 256 : index
      %swap3A_4123 = vector.load %arg7[%swap3A_4120, %swap3A_4121, %swap3A_4122] : memref<16x128x512xf32, #tpu.memory_space<vmem>>, vector<16x1x256xf32>
      %swap3A_4124 = vector.shape_cast %swap3A_4123 : vector<16x1x256xf32> to vector<16x256xf32>
      %swap3A_4125 = vector.shape_cast %tanh3A_4113 : vector<16x256xf32> to vector<16x1x256xf32>
      tpu.vector_store %arg7[%swap3A_4120, %swap3A_4121, %swap3A_4122], %swap3A_4125 {strides = array<i32>} : memref<16x128x512xf32, #tpu.memory_space<vmem>>, vector<16x1x256xf32>,
      %get3A_4126 = arith.index_cast %select_n3A_31 : i32 to index
      %get3A_4127 = arith.constant 1984 : index
      %get3A_4128 = arith.constant 0 : index
      %get3A_4129 = vector.load %arg9[%get3A_4126, %get3A_4127, %get3A_4128] : memref<2x2048x512xf32, #tpu.memory_space<vmem>>, vector<1x16x512xf32>
      %get3A_4130 = vector.shape_cast %get3A_4129 : vector<1x16x512xf32> to vector<16x512xf32>
      %slice3A_4131 = vector.extract_strided_slice %get3A_4130 {offsets = [0, 0], sizes = [16, 256], strides = [1, 1]} : vector<16x512xf32> to vector<16x256xf32>
      %dot_general3A_4132 = arith.constant dense<0.000000e+00> : vector<16x256xf32>
      %dot_general3A_4133 = tpu.matmul %tanh3A_4112, %get3A_11, %dot_general3A_4132 {dimension_numbers = #tpu.dot_dimension_numbers<[1], [0], [0], [1], [0, 0, 1, 1], [], []>, transpose_lhs_hint = false} : vector<16x256xf32>, vector<256x256xf32>, vector<16x256xf32> -> vector<16x256xf32>
      %add3A_4134 = arith.addf %slice3A_4131, %dot_general3A_4133 : vector<16x256xf32>
      %dot_general3A_4135 = arith.constant dense<0.000000e+00> : vector<16x256xf32>
      %dot_general3A_4136 = tpu.matmul %tanh3A_4113, %get3A_14, %dot_general3A_4135 {dimension_numbers = #tpu.dot_dimension_numbers<[1], [0], [0], [1], [0, 0, 1, 1], [], []>, transpose_lhs_hint = false} : vector<16x256xf32>, vector<256x256xf32>, vector<16x256xf32> -> vector<16x256xf32>
      %add3A_4137 = arith.addf %add3A_4134, %dot_general3A_4136 : vector<16x256xf32>
      %slice3A_4138 = vector.extract_strided_slice %get3A_4130 {offsets = [0, 256], sizes = [16, 256], strides = [1, 1]} : vector<16x512xf32> to vector<16x256xf32>
      %dot_general3A_4139 = arith.constant dense<0.000000e+00> : vector<16x256xf32>
      %dot_general3A_4140 = tpu.matmul %tanh3A_4112, %get3A_17, %dot_general3A_4139 {dimension_numbers = #tpu.dot_dimension_numbers<[1], [0], [0], [1], [0, 0, 1, 1], [], []>, transpose_lhs_hint = false} : vector<16x256xf32>, vector<256x256xf32>, vector<16x256xf32> -> vector<16x256xf32>
      %add3A_4141 = arith.addf %slice3A_4138, %dot_general3A_4140 : vector<16x256xf32>
      %dot_general3A_4142 = arith.constant dense<0.000000e+00> : vector<16x256xf32>
      %dot_general3A_4143 = tpu.matmul %tanh3A_4113, %get3A_20, %dot_general3A_4142 {dimension_numbers = #tpu.dot_dimension_numbers<[1], [0], [0], [1], [0, 0, 1, 1], [], []>, transpose_lhs_hint = false} : vector<16x256xf32>, vector<256x256xf32>, vector<16x256xf32> -> vector<16x256xf32>
      %add3A_4144 = arith.addf %add3A_4141, %dot_general3A_4143 : vector<16x256xf32>
      %tanh3A_4145 = math.tanh %add3A_4137 : vector<16x256xf32>
      %tanh3A_4146 = math.tanh %add3A_4144 : vector<16x256xf32>
      %swap3A_4147 = arith.constant 0 : index
      %swap3A_4148 = arith.constant 124 : index
      %swap3A_4149 = arith.constant 0 : index
      %swap3A_4150 = vector.load %arg7[%swap3A_4147, %swap3A_4148, %swap3A_4149] : memref<16x128x512xf32, #tpu.memory_space<vmem>>, vector<16x1x256xf32>
      %swap3A_4151 = vector.shape_cast %swap3A_4150 : vector<16x1x256xf32> to vector<16x256xf32>
      %swap3A_4152 = vector.shape_cast %tanh3A_4145 : vector<16x256xf32> to vector<16x1x256xf32>
      tpu.vector_store %arg7[%swap3A_4147, %swap3A_4148, %swap3A_4149], %swap3A_4152 {strides = array<i32>} : memref<16x128x512xf32, #tpu.memory_space<vmem>>, vector<16x1x256xf32>,
      %swap3A_4153 = arith.constant 0 : index
      %swap3A_4154 = arith.constant 124 : index
      %swap3A_4155 = arith.constant 256 : index
      %swap3A_4156 = vector.load %arg7[%swap3A_4153, %swap3A_4154, %swap3A_4155] : memref<16x128x512xf32, #tpu.memory_space<vmem>>, vector<16x1x256xf32>
      %swap3A_4157 = vector.shape_cast %swap3A_4156 : vector<16x1x256xf32> to vector<16x256xf32>
      %swap3A_4158 = vector.shape_cast %tanh3A_4146 : vector<16x256xf32> to vector<16x1x256xf32>
      tpu.vector_store %arg7[%swap3A_4153, %swap3A_4154, %swap3A_4155], %swap3A_4158 {strides = array<i32>} : memref<16x128x512xf32, #tpu.memory_space<vmem>>, vector<16x1x256xf32>,
      %get3A_4159 = arith.index_cast %select_n3A_31 : i32 to index
      %get3A_4160 = arith.constant 2000 : index
      %get3A_4161 = arith.constant 0 : index
      %get3A_4162 = vector.load %arg9[%get3A_4159, %get3A_4160, %get3A_4161] : memref<2x2048x512xf32, #tpu.memory_space<vmem>>, vector<1x16x512xf32>
      %get3A_4163 = vector.shape_cast %get3A_4162 : vector<1x16x512xf32> to vector<16x512xf32>
      %slice3A_4164 = vector.extract_strided_slice %get3A_4163 {offsets = [0, 0], sizes = [16, 256], strides = [1, 1]} : vector<16x512xf32> to vector<16x256xf32>
      %dot_general3A_4165 = arith.constant dense<0.000000e+00> : vector<16x256xf32>
      %dot_general3A_4166 = tpu.matmul %tanh3A_4145, %get3A_11, %dot_general3A_4165 {dimension_numbers = #tpu.dot_dimension_numbers<[1], [0], [0], [1], [0, 0, 1, 1], [], []>, transpose_lhs_hint = false} : vector<16x256xf32>, vector<256x256xf32>, vector<16x256xf32> -> vector<16x256xf32>
      %add3A_4167 = arith.addf %slice3A_4164, %dot_general3A_4166 : vector<16x256xf32>
      %dot_general3A_4168 = arith.constant dense<0.000000e+00> : vector<16x256xf32>
      %dot_general3A_4169 = tpu.matmul %tanh3A_4146, %get3A_14, %dot_general3A_4168 {dimension_numbers = #tpu.dot_dimension_numbers<[1], [0], [0], [1], [0, 0, 1, 1], [], []>, transpose_lhs_hint = false} : vector<16x256xf32>, vector<256x256xf32>, vector<16x256xf32> -> vector<16x256xf32>
      %add3A_4170 = arith.addf %add3A_4167, %dot_general3A_4169 : vector<16x256xf32>
      %slice3A_4171 = vector.extract_strided_slice %get3A_4163 {offsets = [0, 256], sizes = [16, 256], strides = [1, 1]} : vector<16x512xf32> to vector<16x256xf32>
      %dot_general3A_4172 = arith.constant dense<0.000000e+00> : vector<16x256xf32>
      %dot_general3A_4173 = tpu.matmul %tanh3A_4145, %get3A_17, %dot_general3A_4172 {dimension_numbers = #tpu.dot_dimension_numbers<[1], [0], [0], [1], [0, 0, 1, 1], [], []>, transpose_lhs_hint = false} : vector<16x256xf32>, vector<256x256xf32>, vector<16x256xf32> -> vector<16x256xf32>
      %add3A_4174 = arith.addf %slice3A_4171, %dot_general3A_4173 : vector<16x256xf32>
      %dot_general3A_4175 = arith.constant dense<0.000000e+00> : vector<16x256xf32>
      %dot_general3A_4176 = tpu.matmul %tanh3A_4146, %get3A_20, %dot_general3A_4175 {dimension_numbers = #tpu.dot_dimension_numbers<[1], [0], [0], [1], [0, 0, 1, 1], [], []>, transpose_lhs_hint = false} : vector<16x256xf32>, vector<256x256xf32>, vector<16x256xf32> -> vector<16x256xf32>
      %add3A_4177 = arith.addf %add3A_4174, %dot_general3A_4176 : vector<16x256xf32>
      %tanh3A_4178 = math.tanh %add3A_4170 : vector<16x256xf32>
      %tanh3A_4179 = math.tanh %add3A_4177 : vector<16x256xf32>
      %swap3A_4180 = arith.constant 0 : index
      %swap3A_4181 = arith.constant 125 : index
      %swap3A_4182 = arith.constant 0 : index
      %swap3A_4183 = vector.load %arg7[%swap3A_4180, %swap3A_4181, %swap3A_4182] : memref<16x128x512xf32, #tpu.memory_space<vmem>>, vector<16x1x256xf32>
      %swap3A_4184 = vector.shape_cast %swap3A_4183 : vector<16x1x256xf32> to vector<16x256xf32>
      %swap3A_4185 = vector.shape_cast %tanh3A_4178 : vector<16x256xf32> to vector<16x1x256xf32>
      tpu.vector_store %arg7[%swap3A_4180, %swap3A_4181, %swap3A_4182], %swap3A_4185 {strides = array<i32>} : memref<16x128x512xf32, #tpu.memory_space<vmem>>, vector<16x1x256xf32>,
      %swap3A_4186 = arith.constant 0 : index
      %swap3A_4187 = arith.constant 125 : index
      %swap3A_4188 = arith.constant 256 : index
      %swap3A_4189 = vector.load %arg7[%swap3A_4186, %swap3A_4187, %swap3A_4188] : memref<16x128x512xf32, #tpu.memory_space<vmem>>, vector<16x1x256xf32>
      %swap3A_4190 = vector.shape_cast %swap3A_4189 : vector<16x1x256xf32> to vector<16x256xf32>
      %swap3A_4191 = vector.shape_cast %tanh3A_4179 : vector<16x256xf32> to vector<16x1x256xf32>
      tpu.vector_store %arg7[%swap3A_4186, %swap3A_4187, %swap3A_4188], %swap3A_4191 {strides = array<i32>} : memref<16x128x512xf32, #tpu.memory_space<vmem>>, vector<16x1x256xf32>,
      %get3A_4192 = arith.index_cast %select_n3A_31 : i32 to index
      %get3A_4193 = arith.constant 2016 : index
      %get3A_4194 = arith.constant 0 : index
      %get3A_4195 = vector.load %arg9[%get3A_4192, %get3A_4193, %get3A_4194] : memref<2x2048x512xf32, #tpu.memory_space<vmem>>, vector<1x16x512xf32>
      %get3A_4196 = vector.shape_cast %get3A_4195 : vector<1x16x512xf32> to vector<16x512xf32>
      %slice3A_4197 = vector.extract_strided_slice %get3A_4196 {offsets = [0, 0], sizes = [16, 256], strides = [1, 1]} : vector<16x512xf32> to vector<16x256xf32>
      %dot_general3A_4198 = arith.constant dense<0.000000e+00> : vector<16x256xf32>
      %dot_general3A_4199 = tpu.matmul %tanh3A_4178, %get3A_11, %dot_general3A_4198 {dimension_numbers = #tpu.dot_dimension_numbers<[1], [0], [0], [1], [0, 0, 1, 1], [], []>, transpose_lhs_hint = false} : vector<16x256xf32>, vector<256x256xf32>, vector<16x256xf32> -> vector<16x256xf32>
      %add3A_4200 = arith.addf %slice3A_4197, %dot_general3A_4199 : vector<16x256xf32>
      %dot_general3A_4201 = arith.constant dense<0.000000e+00> : vector<16x256xf32>
      %dot_general3A_4202 = tpu.matmul %tanh3A_4179, %get3A_14, %dot_general3A_4201 {dimension_numbers = #tpu.dot_dimension_numbers<[1], [0], [0], [1], [0, 0, 1, 1], [], []>, transpose_lhs_hint = false} : vector<16x256xf32>, vector<256x256xf32>, vector<16x256xf32> -> vector<16x256xf32>
      %add3A_4203 = arith.addf %add3A_4200, %dot_general3A_4202 : vector<16x256xf32>
      %slice3A_4204 = vector.extract_strided_slice %get3A_4196 {offsets = [0, 256], sizes = [16, 256], strides = [1, 1]} : vector<16x512xf32> to vector<16x256xf32>
      %dot_general3A_4205 = arith.constant dense<0.000000e+00> : vector<16x256xf32>
      %dot_general3A_4206 = tpu.matmul %tanh3A_4178, %get3A_17, %dot_general3A_4205 {dimension_numbers = #tpu.dot_dimension_numbers<[1], [0], [0], [1], [0, 0, 1, 1], [], []>, transpose_lhs_hint = false} : vector<16x256xf32>, vector<256x256xf32>, vector<16x256xf32> -> vector<16x256xf32>
      %add3A_4207 = arith.addf %slice3A_4204, %dot_general3A_4206 : vector<16x256xf32>
      %dot_general3A_4208 = arith.constant dense<0.000000e+00> : vector<16x256xf32>
      %dot_general3A_4209 = tpu.matmul %tanh3A_4179, %get3A_20, %dot_general3A_4208 {dimension_numbers = #tpu.dot_dimension_numbers<[1], [0], [0], [1], [0, 0, 1, 1], [], []>, transpose_lhs_hint = false} : vector<16x256xf32>, vector<256x256xf32>, vector<16x256xf32> -> vector<16x256xf32>
      %add3A_4210 = arith.addf %add3A_4207, %dot_general3A_4209 : vector<16x256xf32>
      %tanh3A_4211 = math.tanh %add3A_4203 : vector<16x256xf32>
      %tanh3A_4212 = math.tanh %add3A_4210 : vector<16x256xf32>
      %swap3A_4213 = arith.constant 0 : index
      %swap3A_4214 = arith.constant 126 : index
      %swap3A_4215 = arith.constant 0 : index
      %swap3A_4216 = vector.load %arg7[%swap3A_4213, %swap3A_4214, %swap3A_4215] : memref<16x128x512xf32, #tpu.memory_space<vmem>>, vector<16x1x256xf32>
      %swap3A_4217 = vector.shape_cast %swap3A_4216 : vector<16x1x256xf32> to vector<16x256xf32>
      %swap3A_4218 = vector.shape_cast %tanh3A_4211 : vector<16x256xf32> to vector<16x1x256xf32>
      tpu.vector_store %arg7[%swap3A_4213, %swap3A_4214, %swap3A_4215], %swap3A_4218 {strides = array<i32>} : memref<16x128x512xf32, #tpu.memory_space<vmem>>, vector<16x1x256xf32>,
      %swap3A_4219 = arith.constant 0 : index
      %swap3A_4220 = arith.constant 126 : index
      %swap3A_4221 = arith.constant 256 : index
      %swap3A_4222 = vector.load %arg7[%swap3A_4219, %swap3A_4220, %swap3A_4221] : memref<16x128x512xf32, #tpu.memory_space<vmem>>, vector<16x1x256xf32>
      %swap3A_4223 = vector.shape_cast %swap3A_4222 : vector<16x1x256xf32> to vector<16x256xf32>
      %swap3A_4224 = vector.shape_cast %tanh3A_4212 : vector<16x256xf32> to vector<16x1x256xf32>
      tpu.vector_store %arg7[%swap3A_4219, %swap3A_4220, %swap3A_4221], %swap3A_4224 {strides = array<i32>} : memref<16x128x512xf32, #tpu.memory_space<vmem>>, vector<16x1x256xf32>,
      %get3A_4225 = arith.index_cast %select_n3A_31 : i32 to index
      %get3A_4226 = arith.constant 2032 : index
      %get3A_4227 = arith.constant 0 : index
      %get3A_4228 = vector.load %arg9[%get3A_4225, %get3A_4226, %get3A_4227] : memref<2x2048x512xf32, #tpu.memory_space<vmem>>, vector<1x16x512xf32>
      %get3A_4229 = vector.shape_cast %get3A_4228 : vector<1x16x512xf32> to vector<16x512xf32>
      %slice3A_4230 = vector.extract_strided_slice %get3A_4229 {offsets = [0, 0], sizes = [16, 256], strides = [1, 1]} : vector<16x512xf32> to vector<16x256xf32>
      %dot_general3A_4231 = arith.constant dense<0.000000e+00> : vector<16x256xf32>
      %dot_general3A_4232 = tpu.matmul %tanh3A_4211, %get3A_11, %dot_general3A_4231 {dimension_numbers = #tpu.dot_dimension_numbers<[1], [0], [0], [1], [0, 0, 1, 1], [], []>, transpose_lhs_hint = false} : vector<16x256xf32>, vector<256x256xf32>, vector<16x256xf32> -> vector<16x256xf32>
      %add3A_4233 = arith.addf %slice3A_4230, %dot_general3A_4232 : vector<16x256xf32>
      %dot_general3A_4234 = arith.constant dense<0.000000e+00> : vector<16x256xf32>
      %dot_general3A_4235 = tpu.matmul %tanh3A_4212, %get3A_14, %dot_general3A_4234 {dimension_numbers = #tpu.dot_dimension_numbers<[1], [0], [0], [1], [0, 0, 1, 1], [], []>, transpose_lhs_hint = false} : vector<16x256xf32>, vector<256x256xf32>, vector<16x256xf32> -> vector<16x256xf32>
      %add3A_4236 = arith.addf %add3A_4233, %dot_general3A_4235 : vector<16x256xf32>
      %slice3A_4237 = vector.extract_strided_slice %get3A_4229 {offsets = [0, 256], sizes = [16, 256], strides = [1, 1]} : vector<16x512xf32> to vector<16x256xf32>
      %dot_general3A_4238 = arith.constant dense<0.000000e+00> : vector<16x256xf32>
      %dot_general3A_4239 = tpu.matmul %tanh3A_4211, %get3A_17, %dot_general3A_4238 {dimension_numbers = #tpu.dot_dimension_numbers<[1], [0], [0], [1], [0, 0, 1, 1], [], []>, transpose_lhs_hint = false} : vector<16x256xf32>, vector<256x256xf32>, vector<16x256xf32> -> vector<16x256xf32>
      %add3A_4240 = arith.addf %slice3A_4237, %dot_general3A_4239 : vector<16x256xf32>
      %dot_general3A_4241 = arith.constant dense<0.000000e+00> : vector<16x256xf32>
      %dot_general3A_4242 = tpu.matmul %tanh3A_4212, %get3A_20, %dot_general3A_4241 {dimension_numbers = #tpu.dot_dimension_numbers<[1], [0], [0], [1], [0, 0, 1, 1], [], []>, transpose_lhs_hint = false} : vector<16x256xf32>, vector<256x256xf32>, vector<16x256xf32> -> vector<16x256xf32>
      %add3A_4243 = arith.addf %add3A_4240, %dot_general3A_4242 : vector<16x256xf32>
      %tanh3A_4244 = math.tanh %add3A_4236 : vector<16x256xf32>
      %tanh3A_4245 = math.tanh %add3A_4243 : vector<16x256xf32>
      %swap3A_4246 = arith.constant 0 : index
      %swap3A_4247 = arith.constant 127 : index
      %swap3A_4248 = arith.constant 0 : index
      %swap3A_4249 = vector.load %arg7[%swap3A_4246, %swap3A_4247, %swap3A_4248] : memref<16x128x512xf32, #tpu.memory_space<vmem>>, vector<16x1x256xf32>
      %swap3A_4250 = vector.shape_cast %swap3A_4249 : vector<16x1x256xf32> to vector<16x256xf32>
      %swap3A_4251 = vector.shape_cast %tanh3A_4244 : vector<16x256xf32> to vector<16x1x256xf32>
      tpu.vector_store %arg7[%swap3A_4246, %swap3A_4247, %swap3A_4248], %swap3A_4251 {strides = array<i32>} : memref<16x128x512xf32, #tpu.memory_space<vmem>>, vector<16x1x256xf32>,
      %swap3A_4252 = arith.constant 0 : index
      %swap3A_4253 = arith.constant 127 : index
      %swap3A_4254 = arith.constant 256 : index
      %swap3A_4255 = vector.load %arg7[%swap3A_4252, %swap3A_4253, %swap3A_4254] : memref<16x128x512xf32, #tpu.memory_space<vmem>>, vector<16x1x256xf32>
      %swap3A_4256 = vector.shape_cast %swap3A_4255 : vector<16x1x256xf32> to vector<16x256xf32>
      %swap3A_4257 = vector.shape_cast %tanh3A_4245 : vector<16x256xf32> to vector<16x1x256xf32>
      tpu.vector_store %arg7[%swap3A_4252, %swap3A_4253, %swap3A_4254], %swap3A_4257 {strides = array<i32>} : memref<16x128x512xf32, #tpu.memory_space<vmem>>, vector<16x1x256xf32>,
      %swap3A_4258 = arith.constant 0 : index
      %swap3A_4259 = arith.constant 0 : index
      %swap3A_4260 = vector.load %arg8[%swap3A_4258, %swap3A_4259] : memref<16x512xf32, #tpu.memory_space<vmem>>, vector<16x256xf32>
      tpu.vector_store %arg8[%swap3A_4258, %swap3A_4259], %tanh3A_4244 {strides = array<i32>} : memref<16x512xf32, #tpu.memory_space<vmem>>, vector<16x256xf32>,
      %swap3A_4261 = arith.constant 0 : index
      %swap3A_4262 = arith.constant 256 : index
      %swap3A_4263 = vector.load %arg8[%swap3A_4261, %swap3A_4262] : memref<16x512xf32, #tpu.memory_space<vmem>>, vector<16x256xf32>
      tpu.vector_store %arg8[%swap3A_4261, %swap3A_4262], %tanh3A_4245 {strides = array<i32>} : memref<16x512xf32, #tpu.memory_space<vmem>>, vector<16x256xf32>,
    } else {
    }
    return
  }
  func.func @transform_0(%arg0: i32) -> (i32, i32) {
    %min3A = arith.constant 3 : i32
    %min3A_0 = arith.minsi %arg0, %min3A : i32
    %c0_i32 = arith.constant 0 : i32
    %c0_i32_1 = arith.constant 0 : i32
    return %min3A_0, %c0_i32 : i32, i32
  }
  func.func @transform_1(%arg0: i32) -> (i32, i32) {
    %min3A = arith.constant 3 : i32
    %min3A_0 = arith.minsi %arg0, %min3A : i32
    %c0_i32 = arith.constant 0 : i32
    %c0_i32_1 = arith.constant 0 : i32
    return %min3A_0, %c0_i32 : i32, i32
  }
  func.func @transform_2(%arg0: i32) -> (i32, i32) {
    %c0_i32 = arith.constant 0 : i32
    %c0_i32_0 = arith.constant 0 : i32
    %c0_i32_1 = arith.constant 0 : i32
    return %c0_i32, %c0_i32_0 : i32, i32
  }
  func.func @transform_3(%arg0: i32) -> (i32, i32) {
    %c0_i32 = arith.constant 0 : i32
    %c0_i32_0 = arith.constant 0 : i32
    %c0_i32_1 = arith.constant 0 : i32
    return %c0_i32, %c0_i32_0 : i32, i32
  }
  func.func @transform_4(%arg0: i32) -> (i32, i32) {
    %c0_i32 = arith.constant 0 : i32
    %c0_i32_0 = arith.constant 0 : i32
    %c0_i32_1 = arith.constant 0 : i32
    return %c0_i32, %c0_i32_0 : i32, i32
  }
  func.func @transform_5(%arg0: i32) -> (i32, i32) {
    %c0_i32 = arith.constant 0 : i32
    %c0_i32_0 = arith.constant 0 : i32
    %c0_i32_1 = arith.constant 0 : i32
    return %c0_i32, %c0_i32_0 : i32, i32
  }
  func.func @transform_6(%arg0: i32) -> (i32, i32, i32) {
    %sub3A = arith.constant 1 : i32
    %sub3A_0 = arith.subi %arg0, %sub3A : i32
    %max3A = arith.constant 0 : i32
    %max3A_1 = arith.maxsi %sub3A_0, %max3A : i32
    %c0_i32 = arith.constant 0 : i32
    %c0_i32_2 = arith.constant 0 : i32
    %c0_i32_3 = arith.constant 0 : i32
    return %c0_i32, %max3A_1, %c0_i32_2 : i32, i32, i32
  }
}

</mosaic_0001>

<sc_bundles>
// kernel: kernel.4.cloned.1.call-start
scs
__scs_entry_jumppad:
0x0: {  	(pc) =	sbr.rel $0x88, $3  }
0x1: {  	(tag) =	ssettag $0x0;
	lr =	simm.s32 $0x1  }
0x2: {  	[smem:$0x3F9A] =	sst lr;
	_ =	strace $0xD0000000  }
0x3: {  	_ = 	snop  }
0x4: {  	_ = 	snop  }
0x5: {  	_ = 	snop  }
0x6: {  	_ = 	snop  }
0x7: {  	_ = 	snop  }
__scs_overlays_trampoline_lowered:
0x8: {  	[smem:$0x3FA9] =	sst s0  }
0x9: {  	[smem:$0x3FAA] =	sst s1  }
0xa: {  	[smem:$0x3FAB] =	sst s2  }
0xb: {  	[smem:$0x3FAC] =	sst s3  }
0xc: {  	[smem:$0x3FAD] =	sst s4  }
0xd: {  	[smem:$0x3FAE] =	sst s5  }
0xe: {  	[smem:$0x3FAF] =	sst s6  }
0xf: {  	[smem:$0x3FB0] =	sst s7  }
0x10: {  	[smem:$0x3FB1] =	sst s8  }
0x11: {  	[smem:$0x3FB2] =	sst s9;
	s0 =	simm.s32 @!p0 $0x0  }
0x12: {  	s1 =	sld [smem:$0x3F98];
	s0 =	simm.s32 @p0 $0x1  }
0x13: {  	[smem:$0x3FB3] =	sst s0;
	s0 =	simm.s32 @!p1 $0x0  }
0x14: {  	s2 =	sld [smem:$0x3F97];
	s0 =	simm.s32 @p1 $0x1  }
0x15: {  	[smem:$0x3FB4] =	sst s0;
	s0 =	simm.s32 @!p2 $0x0  }
0x16: {  	s3 =	sld [smem:$0x3FDB];
	s0 =	simm.s32 @p2 $0x1  }
0x17: {  	s4 =	simm.s32 $0x1BF5;
	[smem:$0x3FB6] =	sst s0  }
0x18: {  	s0 =	sld [smem:$0x3F99];
	_ =	swait.ge [sflag:s4], $0x0  }
0x19: {  	s7 =	sld [smem:$0x3F9A]  }
0x1a: {  	s8 =	sadd.s32 $0xFFFFE003, lr  }
0x1b: {  	s9 =	sadd.s32 $0xFFFFFEF7, lr;
	s5 =	simm.s32 $0xFFFFFFFF;
	p2 =	slt.u32 s8, $0xFFFFF086  }
0x1c: {  	p1 =	slt.u32 s9, $0xF7A;
	s5 =	simm.s32 @!p2 $0x0  }
0x1d: {  	s5 =	simm.s32 @p1 $0x1;
	p0 =	seq.s32 s7, s2  }
0x1e: {  	s7 =	smul.u32 @!p0 $0xF7A, s2;
	p2 =	seq.s32 @!p0 s5, $0x0  }
0x1f: {  	s9 =	smul.u32 $0xF7A, s1;
	s8 =	simm.s32 @!p0 $0x1BF5;
	p2 =	por !p2, p0  }
0x20: {  	[sflag:s8] =	ssyncset.s32 @!p0 $0xFFFFF086;
	s6 =	sadd.s32 @!p0 s3, s7;
	s7 =	simm.s32 @!p0 $0x108  }
0x21: {  	s3 =	sadd.s32 s3, s9;
	s6 =	sadd.s32 @!p0 $0x88, s6;
	s7 =	simm.s32 @p2 $0x1082  }
0x22: {  	[simem:s7], [sflag:s8] =	dma.local @!p0 [hbm:s6], $0xF7A  }
0x23: {  	s9 =	sor.u32 $0xD0000000, s2;
	s6 =	simm.s32 $0x108;
	_ =	swait.ge @!p0 [sflag:s8], $0x0  }
0x24: {  	s3 =	sadd.s32 $0x88, s3;
	s6 =	simm.s32 @!p1 $0x1082;
	[sflag:s4] =	ssyncset.s32 $0xFFFFF086  }
0x25: {  	[simem:s6], [sflag:s4] =	dma.local [hbm:s3], $0xF7A  }
0x26: {  	[smem:$0x3F9A] =	sst s1;
	(tag) =	ssettag s2;
	_ =	strace s9  }
0x27: {  	s1 =	sld [smem:$0x3FAA]  }
0x28: {  	s2 =	sld [smem:$0x3FAB]  }
0x29: {  	s4 =	sld [smem:$0x3FAD]  }
0x2a: {  	p0 =	seq.s32 s5, $0x0;
	s5 =	sld [smem:$0x3FAE]  }
0x2b: {  	s6 =	sld [smem:$0x3FAF]  }
0x2c: {  	s7 =	sld [smem:$0x3FB0]  }
0x2d: {  	s3 =	simm.s32 $0x108;
	s8 =	sld [smem:$0x3FB1]  }
0x2e: {  	s3 =	simm.s32 @!p0 $0x1082;
	s9 =	sld [smem:$0x3FB2]  }
0x2f: {  	lr =	sadd.s32 s0, s3;
	s0 =	sld [smem:$0x3FA9]  }
0x30: {  	s3 =	sld [smem:$0x3FAC]  }
0x31: {  	[smem:$0x3FB5] =	sst s10  }
0x32: {  	s10 =	sld [smem:$0x3FB3];
	_ =	sdelay $0x3  }
0x33: {  	p0 =	seq.s32 s10, $0x1;
	s10 =	sld [smem:$0x3FB5];
	_ =	sdelay $0x3  }
0x34: {  	[smem:$0x3FB5] =	sst s10  }
0x35: {  	s10 =	sld [smem:$0x3FB4];
	_ =	sdelay $0x3  }
0x36: {  	p1 =	seq.s32 s10, $0x1;
	s10 =	sld [smem:$0x3FB5];
	_ =	sdelay $0x3  }
0x37: {  	[smem:$0x3FB5] =	sst s10  }
0x38: {  	s10 =	sld [smem:$0x3FB6]  }
0x39: {  	_ = 	snop;
	(pc) =	sbr.ind lr, $3  }
0x3a: {  	_ = 	snop  }
0x3b: {  	_ = 	snop  }
0x3c: {  	p2 =	seq.s32 s10, $0x1;
	s10 =	sld [smem:$0x3FB5]  }
0x3d: {  	_ =	shalt  }
0x3e: {  	_ =	shalt  }
0x3f: {  	_ =	shalt  }
0x40: {  	_ =	shalt  }
0x41: {  	_ =	shalt  }
0x42: {  	_ =	shalt  }
0x43: {  	_ =	shalt  }
0x44: {  	_ =	shalt  }
0x45: {  	_ =	shalt  }
0x46: {  	_ =	shalt  }
0x47: {  	_ =	shalt  }
0x48: {  	_ =	shalt  }
0x49: {  	_ =	shalt  }
0x4a: {  	_ =	shalt  }
0x4b: {  	_ =	shalt  }
0x4c: {  	_ =	shalt  }
0x4d: {  	_ =	shalt  }
0x4e: {  	_ =	shalt  }
0x4f: {  	_ =	shalt  }
0x50: {  	_ =	shalt  }
0x51: {  	_ =	shalt  }
0x52: {  	_ =	shalt  }
0x53: {  	_ =	shalt  }
0x54: {  	_ =	shalt  }
0x55: {  	_ =	shalt  }
0x56: {  	_ =	shalt  }
0x57: {  	_ =	shalt  }
0x58: {  	_ =	shalt  }
0x59: {  	_ =	shalt  }
0x5a: {  	_ =	shalt  }
0x5b: {  	_ =	shalt  }
0x5c: {  	_ =	shalt  }
0x5d: {  	_ =	shalt  }
0x5e: {  	_ =	shalt  }
0x5f: {  	_ =	shalt  }
0x60: {  	_ =	shalt  }
0x61: {  	_ =	shalt  }
0x62: {  	_ =	shalt  }
0x63: {  	_ =	shalt  }
0x64: {  	_ =	shalt  }
0x65: {  	_ =	shalt  }
0x66: {  	_ =	shalt  }
0x67: {  	_ =	shalt  }
0x68: {  	_ =	shalt  }
0x69: {  	_ =	shalt  }
0x6a: {  	_ =	shalt  }
0x6b: {  	_ =	shalt  }
0x6c: {  	_ =	shalt  }
0x6d: {  	_ =	shalt  }
0x6e: {  	_ =	shalt  }
0x6f: {  	_ =	shalt  }
0x70: {  	_ =	shalt  }
0x71: {  	_ =	shalt  }
0x72: {  	_ =	shalt  }
0x73: {  	_ =	shalt  }
0x74: {  	_ =	shalt  }
0x75: {  	_ =	shalt  }
0x76: {  	_ =	shalt  }
0x77: {  	_ =	shalt  }
0x78: {  	_ =	shalt  }
0x79: {  	_ =	shalt  }
0x7a: {  	_ =	shalt  }
0x7b: {  	_ =	shalt  }
0x7c: {  	_ =	shalt  }
0x7d: {  	_ =	shalt  }
0x7e: {  	_ =	shalt  }
0x7f: {  	_ =	shalt  }
0x80: {  	_ =	shalt  }
0x81: {  	_ =	shalt  }
0x82: {  	_ =	shalt  }
0x83: {  	_ =	shalt  }
0x84: {  	_ =	shalt  }
0x85: {  	_ =	shalt  }
0x86: {  	_ =	shalt  }
0x87: {  	_ =	shalt  }
.Lfunc_end0:
.L_simem_size_0:
called_computation_lowered:
.L_overlay_start_0:
0x88: {  	s2 =	sld [smem:$0x3FD9]  }
0x89: {  	s3 =	sld [smem:$0x3FFE];
	_ =	sdelay $0x1  }
0x8a: {  	s1 =	srdreg.scid  }
0x8b: {  	s0 =	sand.u32 $0x1, s1  }
0x8c: {  	s17 =	sshll.u32 s0, $0xA;
	s2 =	sadd.s32 s3, s2  }
0x8d: {  	s2 =	sadd.s32 s2, s17  }
0x8e: {  	[smem:$0x3FC1] =	sst s2  }
0x8f: {  	_ = 	snop  }
0x90: {  	s2 =	sld [smem:$0x3FC7]  }
0x91: {  	s18 =	sld [smem:$0x3FD0];
	(tm) =	ssettm $0x1  }
0x92: {  	s4 =	sld [smem:$0x3FFB];
	_ =	sdelay $0x3  }
0x93: {  	_ =	strace s4  }
0x94: {  	s4 =	sld [smem:$0x3FFC];
	_ =	sdelay $0x3  }
0x95: {  	_ =	strace s4  }
0x96: {  	s4 =	sld [smem:$0x3FFD];
	_ =	sdelay $0x3  }
0x97: {  	_ =	strace s4  }
0x98: {  	_ =	strace $0x8FFFFFFF  }
0x99: {  	s19 =	sld [smem:$0x3FDB];
	_ =	sdelay $0x1  }
0x9a: {  	s5 =	simm.s32 $_scs_section_size  }
0x9b: {  	s6 =	simm.s32 $_size__tile_overlayer_lowered;
	s7 =	simm.s32 $_tile_overlayer_lowered  }
0x9c: {  	s22 =	simm.s32 $0x1BFF;
	s21 =	sshll.u32 s7, $0x1;
	s4 =	sadd.s32 s5, s19  }
0x9d: {  	s8 =	simm.s32 $0x0;
	s20 =	sshll.u32 s6, $0x1;
	s6 =	sadd.s32 s21, s4  }
0x9e: {  	[timem:s8], [sflag:s22] =	dma.local [hbm:s6], s20  }
0x9f: {  	_ =	swait.ge [sflag:s22], s20  }
0xa0: {  	s5 =	ssub.s32 $0x0, s20;
	[sflag:s22] =	ssyncset.done $0x0  }
0xa1: {  	[sflag:s22] =	ssyncadd.s32 s5;
	_ =	sdelay $0x1  }
0xa2: {  	s23 =	simm.s32 $0x1B8B  }
0xa3: {  	_ =	swait.ge [sflag:s23], $0x1  }
0xa4: {  	[sflag:s23] =	ssyncset.done $0x0  }
0xa5: {  	s25 =	simm.s32 $0x1B8E;
	s24 =	sld [smem:$0x3FFE];
	[sflag:s23] =	ssyncadd.s32 $0xFFFFFFFF  }
0xa6: {  	s26 =	simm.s32 $execute0_lowered;
	[smem:$0x3FD2] =	sst s25  }
0xa7: {  	s6 =	sshll.u32 s26, $0x1;
	_ =	strace $0x80000046;
	[dreg:$0x1] =	wrdreg $0xFFFFFFFF  }
0xa8: {  	s28 =	simm.s32 $_size_execute0_lowered;
	s4 =	sadd.s32 s4, s6;
	[dreg:$0x0] =	wrdreg $0x0  }
0xa9: {  	s6 =	sshll.u32 s28, $0x1;
	[dreg:$0x2] =	wrdreg s4  }
0xaa: {  	[dreg:$0x3] =	wrdreg s6  }
0xab: {  	[dreg:$0x4] =	wrdreg $0xC0  }
0xac: {  	_ =	task [dreg:s8], $0x5FFFF  }
0xad: {  	[dreg:$0x1] =	wrdreg $0xFFFFFFFF  }
0xae: {  	[dreg:$0x0] =	wrdreg $0x60  }
0xaf: {  	[dreg:$0x2] =	wrdreg s2  }
0xb0: {  	[dreg:$0x3] =	wrdreg s24  }
0xb1: {  	[dreg:$0x4] =	wrdreg s18  }
0xb2: {  	[dreg:$0x5] =	wrdreg $0x9  }
0xb3: {  	_ =	task.clear_ibuf [dreg:s8], $0x6FFFF;
	_ =	strace $0x90000046  }
0xb4: {  	s29 =	simm.s32 $0x9;
	_ =	strace $0x80000048  }
0xb5: {  	_ =	swait.ge [sflag:s29], $0x1  }
0xb6: {  	[sflag:s29] =	ssyncadd.s32 $0xFFFFFFFF  }
0xb7: {  	_ =	strace $0x90000048  }
0xb8: {  	_ =	sfence  }
0xb9: {  	s30 =	sld [smem:$0x0];
	_ =	sdelay $0x2  }
0xba: {  	s31 =	sshll.u32 s1, $0xD;
	s1 =	sshrl.u32 s1, $0x2  }
0xbb: {  	s3 =	sand.u32 $0x4000, s31;
	s1 =	sadd.s32 s1, s30  }
0xbc: {  	s0 =	sor.u32 s3, s0;
	s1 =	sshll.u32 s1, $0x11  }
0xbd: {  	s0 =	sor.u32 s1, s0  }
0xbe: {  	s0 =	sadd.s32 $0x8F2B, s0  }
0xbf: {  	[sflag:s0] =	ssyncadd.remote.s32 $0x1  }
0xc0: {  	_ =	sfence.sel $0xFFFF  }
0xc1: {  	[dreg:$0x0] =	wrdreg $0xFFFFFFFF;
	(pc) =	sbr.abs _section_cstart, $3  }
0xc2: {  	[dreg:$0x1] =	wrdreg $0xFFFFFFFF  }
0xc3: {  	_ =	task.clear_ibuf [dreg:s8], $0x2FFFF;
	_ =	strace $0x9FFFFFFF  }
0xc4: {  	(tm) =	ssettm $0x7FFFFFFF  }
0xc5: {  	_ =	shalt  }
tec
execute0_lowered:
.L_overlay_start_1:
0x0: {  	(tag) =	ssettag $0x1  }
0x1: {  	s2 =	srdreg.scid  }
0x2: {  	s1 =	rddreg [dreg:$0x0];
	s0 =	stileid.u32;
	s6 =	sand.u32 $0x1, s2  }
0x3: {  	s4 =	rddreg [dreg:$0x1];
	s30 =	sshll.u32 s0, $0x9;
	s3 =	sshll.u32 s6, $0x8  }
0x4: {  	s8 =	rddreg [dreg:$0x2];
	s9 =	sor.u32 s3, s30  }
0x5: {  	s2 =	rddreg [dreg:$0x3];
	s3 =	simm.s32 $0x0;
	s5 =	sshrl.u32 s9, $0x3  }
0x6: {  	s10 =	ssub.s32 $0x2, s6;
	[smem:$0x7FF] =	sst s3;
	s4 =	sadd.s32 s5, s4  }
0x7: {  	_ =	strace $0x80000047;
	s5 =	sadd.s32 $0x1000, s4;
	s4 =	simm.s32 $0x2  }
0x8: {  	[tilespmem:s3], [sflag:$0x2] =	stream.linear.gather [hbm4b:s5+s3], $0x100, $0x38;
	[tilespmem:$0x8100] =	vst v63  }
0x9: {  	s11 =	sshrl.u32 s10, $0x1;
	_ =	swait.ge [sflag:s4], $0x100  }
0xa: {  	s7 =	simm.s32 $0x1;
	s10 =	ssub.s32 s10, s11;
	[sflag:s4] =	ssyncset.done $0x0  }
0xb: {  	s6 =	simm.s32 $0x100;
	s31 =	smax.u32 s10, $0x1;
	[sflag:s4] =	ssyncadd.s32 $0xFFFFFF00  }
0xc: {  	[tilespmem:s6], [sflag:$0x1] =	stream.indirect.gather [hbm4b:s1+s6], $0x80, s3, s6, $0xb8;
	[tilespmem:$0x8100] =	vst v63  }
0xd: {  	p0 =	sne.s32 s31, $0x1;
	_ =	swait.ge [sflag:s7], $0x8000  }
.Ltmp0:
0xe: {  	s9 =	sshll.u32 s9, $0x4;
	[sflag:s7] =	ssyncset.done $0x0;
	(pc) =	sbr.rel @!p0 .LBB2_2-.Ltmp0, $4  }
0xf: {  	s8 =	sadd.s32 s8, s9;
	[sflag:s7] =	ssyncadd.s32 $0xFFFF8000  }
0x10: {  	[hbm4b:s8+s3] =	stream.linear.scatter [tilespmem:s6], [sflag:$0x2], $0x8000, $0x38;
	[tilespmem:$0x8100] =	vst v63  }
0x11: {  	_ =	swait.ge [sflag:s4], $0x8000  }
0x12: {  	s9 =	sadd.s32 $0xFFFFFFFF, s31;
	[sflag:s4] =	ssyncset.done $0x0  }
.LBB2_1:
0x13: {  	p0 =	sne.s32 s9, $0x1;
	s9 =	sadd.s32 $0xFFFFFFFF, s9;
	[sflag:s4] =	ssyncadd.s32 $0xFFFF8000  }
0x14: {  	[tilespmem:s3], [sflag:$0x2] =	stream.linear.gather [hbm4b:s5+s3], $0x100, $0x38;
	[tilespmem:$0x8100] =	vst v63  }
0x15: {  	_ =	swait.ge [sflag:s4], $0x100  }
0x16: {  	[sflag:s4] =	ssyncset.done $0x0  }
0x17: {  	[sflag:s4] =	ssyncadd.s32 $0xFFFFFF00  }
0x18: {  	[tilespmem:s6], [sflag:$0x1] =	stream.indirect.gather [hbm4b:s1+s6], $0x80, s3, s6, $0xb8;
	[tilespmem:$0x8100] =	vst v63  }
0x19: {  	_ =	swait.ge [sflag:s7], $0x8000  }
.Ltmp1:
0x1a: {  	[sflag:s7] =	ssyncset.done $0x0;
	(pc) =	sbr.rel @p0 .LBB2_1-.Ltmp1, $4  }
0x1b: {  	[sflag:s7] =	ssyncadd.s32 $0xFFFF8000  }
0x1c: {  	[hbm4b:s8+s3] =	stream.linear.scatter [tilespmem:s6], [sflag:$0x2], $0x8000, $0x38;
	[tilespmem:$0x8100] =	vst v63  }
0x1d: {  	_ =	swait.ge [sflag:s4], $0x8000  }
0x1e: {  	[sflag:s4] =	ssyncset.done $0x0  }
.LBB2_2:
0x1f: {  	[sflag:s4] =	ssyncadd.s32 $0xFFFF8000  }
0x20: {  	_ =	sfence.sel $0x180000  }
0x21: {  	[bflag:$0x0] =	sbarrier.arrive $0xFFFF  }
0x22: {  	p0 =	sne.s32 s0, $0x0;
	_ =	strace $0x90000047  }
0x23: {  	s0 =	sadd.s32 @!p0 $0x100000, s2;
	[bflag:$0x2] =	sbarrier.arrive $0xFFFF  }
0x24: {  	[sflag:s0] =	ssyncadd.tile.s32 @!p0 $0x1;
	_ =	shalt  }
.Lfunc_end2:
_tile_overlayer_lowered:
.L_overlay_start_2:
0x25: {  	(tag) =	ssettag $0x2  }
0x26: {  	s0 =	rddreg [dreg:$0x0];
	s2 =	stileid.u32  }
0x27: {  	s1 =	rddreg [dreg:$0x1];
	p0 =	sne.s32 s2, $0x0  }
0x28: {  	s3 =	rddreg [dreg:$0x2];
	[bflag:$0x3] =	sbarrier.arrive $0xFFFF;
	s2 =	simm.s32 @!p0 $0x1C02  }
0x29: {  	[timem:s3], [sflag:s2] =	dma.local @!p0 [hbm:s0], s1  }
0x2a: {  	s0 =	simm.s32 @!p0 $0x2  }
0x2b: {  	_ =	swait.ge @!p0 [sflag:s0], s1  }
0x2c: {  	s1 =	ssub.s32 @!p0 $0x0, s1;
	[sflag:s0] =	ssyncset.done @!p0 $0x0  }
0x2d: {  	[sflag:s0] =	ssyncadd.s32 @!p0 s1  }
0x2e: {  	[bflag:$0x3] =	sbarrier.arrive $0xFFFF  }
0x2f: {  	_ =	shalt  }

</sc_bundles>
